<compile_context>
chip_gen: v7x
topology: tpu7x:2x2x1
jax: 0.10.2.dev20260603
libtpu: 0.0.44.dev20260713+nightly
codegen_flags: <defaults>
</compile_context>

<pallas_src>
import jax
import jax.numpy as jnp
from jax import lax
from jax.experimental import pallas as pl
from jax.experimental.pallas import tpu as pltpu
from jax.experimental.pallas import tpu_sc as plsc

N_AUX = 500000
N_TOT = 1000000
NW = 32
CH_A = 15632
CH_A_TAIL = N_AUX - (NW - 1) * CH_A

NB = 8
HALF = 524288
HI_SZ = N_TOT - HALF
DUMP = HALF
WSH = HALF + 2048
CAP = 2560
BLK = 16 * CAP
SC_SEG = NB * BLK
SC_SEGD = SC_SEG + 2048
SEGSZ = 2 * SC_SEG
GSZ = 4 * CAP
SUB0 = 7808
SUB1 = CH_A - SUB0
BOUNCE = SC_SEG // 16 // 2
FILL = 16384
BIG = 2 ** 30


def _vmin(v):
    iota = lax.iota(jnp.int32, 16)
    for s in (8, 4, 2, 1):
        v = jnp.minimum(v, v.at[iota ^ s].get(mode="promise_in_bounds"))
    return v


def _mesh():
    return plsc.VectorSubcoreMesh(core_axis_name="c", subcore_axis_name="s",
                                  num_cores=2, num_subcores=16)


def _stage1(index_hbm, tidx_hbm, t16_hbm, iseg_hbm, vseg_hbm,
            pdiff_hbm, ppos_hbm, *scr):
    (xch, tch, tv, rdv, rpv, dmpb, ic0, ic1, mc0, mc1, sb0, sb1,
     ist, vst, sem_f, sem_s) = scr
    cid = lax.axis_index("c")
    sid = lax.axis_index("s")
    wid = cid * 16 + sid
    pltpu.sync_copy(t16_hbm, tv)
    t = tv[...]
    iota = lax.iota(jnp.int32, 16)

    shift_idx = [jnp.maximum(iota - s, 0) for s in (1, 2, 4, 8)]
    shift_msk = [iota >= s for s in (1, 2, 4, 8)]
    c15 = jnp.full((16,), 15, jnp.int32)
    zero = jnp.zeros((16,), jnp.int32)

    def prefix(v):
        for gi, gm in zip(shift_idx, shift_msk):
            g = v.at[gi].get(mode="promise_in_bounds")
            v = v + jnp.where(gm, g, zero)
        return v

    tot_sh = (iota & 3) << 3
    lo_lane = iota < 4

    def work(n):
        base = wid * CH_A
        pltpu.sync_copy(index_hbm.at[pl.ds(base, n)], xch.at[pl.ds(0, n)])
        pltpu.sync_copy(tidx_hbm.at[pl.ds(base, n)], tch.at[pl.ds(0, n)])

        def db(i, z):
            dmpb[pl.ds(i * 16, 16)] = DUMP + ((i * 16 + iota) & 2047)
            return z

        lax.fori_loop(0, CAP // 16, db, 0)
        fills = [pltpu.async_copy(
            dmpb, ist.at[pl.ds(p * BLK + sid * CAP, CAP)], sem_f)
            for p in range(NB)]

        def body(j0, ic, mc, sb):
            def f(j, carry):
                bestd, bestp, hv = carry
                x = xch[pl.ds((j0 + j) * 16, 16)]
                m = 1.0 / (1.0 + jnp.exp((x - t) * 10.0))
                d = jnp.abs(x - t)
                pos = base + (j0 + j) * 16 + iota
                take = d < bestd
                bestd = jnp.where(take, d, bestd)
                bestp = jnp.where(take, pos, bestp)
                idx = tch[pl.ds((j0 + j) * 16, 16)]
                bkt = lax.shift_right_logical(idx, 17)
                hi = bkt >= 4
                idxl = idx - jnp.where(hi, jnp.int32(HALF), 0)
                sh = (bkt & 3) << 3
                onep = jnp.left_shift(jnp.int32(1), sh)
                one_a = jnp.where(hi, zero, onep)
                one_b = jnp.where(hi, onep, zero)
                inc_a = prefix(one_a)
                inc_b = prefix(one_b)
                ex = jnp.where(hi, inc_b - one_b, inc_a - one_a)
                rank = lax.shift_right_logical(ex, sh) & 255
                tot_a = inc_a.at[c15].get(mode="promise_in_bounds")
                tot_b = inc_b.at[c15].get(mode="promise_in_bounds")
                tv_ = jnp.where(lo_lane, tot_a, tot_b)
                tv_ = lax.shift_right_logical(tv_, tot_sh) & 255
                slot = hv.at[bkt].get(mode="promise_in_bounds") + rank
                ic[pl.ds(j * 16, 16)] = idxl
                mc[pl.ds(j * 16, 16)] = m
                sb[pl.ds(j * 16, 16)] = slot
                return (bestd, bestp, hv + tv_)

            return f

        init = (jnp.full((16,), jnp.inf, jnp.float32),
                jnp.zeros((16,), jnp.int32),
                iota * BLK + sid * CAP)
        n0 = SUB0 // 16
        carry = lax.fori_loop(0, n0, body(0, ic0, mc0, sb0), init)
        for d in fills:
            d.wait()
        s0a = pltpu.async_copy(ic0, ist.at[sb0], sem_s)
        s0b = pltpu.async_copy(mc0, vst.at[sb0], sem_s)
        n1 = (n - SUB0) // 16
        bestd, bestp, hv = lax.fori_loop(0, n1, body(n0, ic1, mc1, sb1), carry)
        if n < CH_A:
            for i in range(n1, SUB1 // 16):
                sb1[pl.ds(i * 16, 16)] = SC_SEG + ((i * 16 + iota) & 2047)
        s1a = pltpu.async_copy(ic1, ist.at[sb1], sem_s)
        s1b = pltpu.async_copy(mc1, vst.at[sb1], sem_s)

        dmin = _vmin(bestd)
        pmin = _vmin(jnp.where(bestd == dmin, bestp, jnp.int32(BIG)))
        rdv[...] = dmin
        rpv[...] = pmin
        pltpu.sync_copy(rdv, pdiff_hbm.at[wid])
        pltpu.sync_copy(rpv, ppos_hbm.at[wid])
        s0a.wait()
        s0b.wait()
        s1a.wait()
        s1b.wait()

        plsc.subcore_barrier()
        loff = sid * (SC_SEG // 16)
        for h in range(2):
            o = loff + h * BOUNCE
            pltpu.sync_copy(ist.at[pl.ds(o, BOUNCE)], tch.at[pl.ds(0, BOUNCE)])
            pltpu.sync_copy(tch.at[pl.ds(0, BOUNCE)],
                            iseg_hbm.at[pl.ds(cid * SC_SEG + o, BOUNCE)])
            pltpu.sync_copy(vst.at[pl.ds(o, BOUNCE)], xch.at[pl.ds(0, BOUNCE)])
            pltpu.sync_copy(xch.at[pl.ds(0, BOUNCE)],
                            vseg_hbm.at[pl.ds(cid * SC_SEG + o, BOUNCE)])

    @pl.when(wid < NW - 1)
    def _():
        work(CH_A)

    @pl.when(wid == NW - 1)
    def _():
        work(CH_A_TAIL)


def _stage2(iseg_hbm, vseg_hbm, pdiff_hbm, ppos_hbm, un_hbm,
            w_hbm, k_hbm, *scr):
    wsh, fillv, ib0, ib1, vb0, vb1, pdv, ppv, posv, kv = scr[:10]
    sem_g, sem_s, sem_k = scr[10:13]
    cid = lax.axis_index("c")
    sid = lax.axis_index("s")
    wid = cid * 16 + sid

    def fb(i, z):
        fillv[pl.ds(i * 16, 16)] = jnp.full((16,), 1.0, jnp.float32)
        return z

    lax.fori_loop(0, FILL // 16, fb, 0)
    fbase = sid * (WSH // 16)
    pltpu.sync_copy(fillv, wsh.at[pl.ds(fbase, FILL)])
    pltpu.sync_copy(fillv, wsh.at[pl.ds(fbase + FILL, FILL)])
    pltpu.sync_copy(fillv.at[pl.ds(0, WSH // 16 - 2 * FILL)],
                    wsh.at[pl.ds(fbase + 2 * FILL, WSH // 16 - 2 * FILL)])
    plsc.subcore_barrier()

    @pl.when(sid % 4 == 0)
    def _():
        p = cid * 4 + sid // 4
        ibs = (ib0, ib1)
        vbs = (vb0, vb1)

        NG = 2 * BLK // GSZ

        def start_gather(g, b):
            off = (g // 4) * SC_SEG + p * BLK + (g % 4) * GSZ
            d1 = pltpu.async_copy(iseg_hbm.at[pl.ds(off, GSZ)], ibs[b], sem_g)
            d2 = pltpu.async_copy(vseg_hbm.at[pl.ds(off, GSZ)], vbs[b], sem_g)
            return (d1, d2)

        pending = start_gather(0, 0)
        for g in range(NG):
            b = g % 2
            pending[0].wait()
            pending[1].wait()
            if g + 1 < NG:
                pending = start_gather(g + 1, 1 - b)
            pltpu.async_copy(vbs[b], wsh.at[ibs[b]], sem_s).wait()

    plsc.subcore_barrier()

    def bounce(loff, hoff, n):
        pltpu.sync_copy(wsh.at[pl.ds(loff, n)], fillv.at[pl.ds(0, n)])
        pltpu.sync_copy(fillv.at[pl.ds(0, n)], w_hbm.at[pl.ds(hoff, n)])

    @pl.when(cid == 0)
    def _():
        base = sid * (HALF // 16)
        bounce(base, base, FILL)
        bounce(base + FILL, base + FILL, FILL)

    @pl.when(cid == 1)
    def _():
        tsz = 29728

        @pl.when(sid < 15)
        def _():
            base = sid * tsz
            bounce(base, HALF + base, FILL)
            bounce(base + FILL, HALF + base + FILL, tsz - FILL)

        @pl.when(sid == 15)
        def _():
            base = 15 * tsz
            rem = HI_SZ - base
            bounce(base, HALF + base, FILL)
            bounce(base + FILL, HALF + base + FILL, rem - FILL)

    @pl.when(wid == 0)
    def _():
        pltpu.sync_copy(pdiff_hbm, pdv)
        pltpu.sync_copy(ppos_hbm, ppv)

        def rb(r, carry):
            bd, bp = carry
            d = pdv[r][0]
            pp = ppv[r][0]
            take = (d < bd) | ((d == bd) & (pp < bp))
            return (jnp.where(take, d, bd), jnp.where(take, pp, bp))

        bd, bp = lax.fori_loop(0, NW, rb,
                               (jnp.float32(jnp.inf), jnp.int32(BIG)))
        posv[...] = jnp.full((16,), bp, jnp.int32)
        pltpu.async_copy(un_hbm.at[posv], kv, sem_k).wait()
        pltpu.sync_copy(kv, k_hbm)


def kernel(y, eval_gene_idx, train_highly_gene_idx, index, unnorm_index, thresh):
    t16 = jnp.broadcast_to(jnp.asarray(thresh, jnp.float32), (16,))

    k1 = pl.kernel(
        _stage1,
        out_type=(
            jax.ShapeDtypeStruct((SEGSZ,), jnp.int32),
            jax.ShapeDtypeStruct((SEGSZ,), jnp.float32),
            jax.ShapeDtypeStruct((NW, 16), jnp.float32),
            jax.ShapeDtypeStruct((NW, 16), jnp.int32),
        ),
        mesh=_mesh(),
        scratch_types=(
            pltpu.VMEM((CH_A,), jnp.float32),
            pltpu.VMEM((CH_A,), jnp.int32),
            pltpu.VMEM((16,), jnp.float32),
            pltpu.VMEM((16,), jnp.float32),
            pltpu.VMEM((16,), jnp.int32),
            pltpu.VMEM((CAP,), jnp.int32),
            pltpu.VMEM((SUB0,), jnp.int32),
            pltpu.VMEM((SUB1,), jnp.int32),
            pltpu.VMEM((SUB0,), jnp.float32),
            pltpu.VMEM((SUB1,), jnp.float32),
            pltpu.VMEM((SUB0,), jnp.int32),
            pltpu.VMEM((SUB1,), jnp.int32),
            pltpu.VMEM_SHARED((SC_SEGD,), jnp.int32),
            pltpu.VMEM_SHARED((SC_SEGD,), jnp.float32),
            pltpu.SemaphoreType.DMA,
            pltpu.SemaphoreType.DMA,
        ),
    )
    iseg, vseg, pdiff, ppos = k1(index, train_highly_gene_idx, t16)

    k2 = pl.kernel(
        _stage2,
        out_type=(
            jax.ShapeDtypeStruct((N_TOT,), jnp.float32),
            jax.ShapeDtypeStruct((16,), jnp.int32),
        ),
        mesh=_mesh(),
        scratch_types=(
            pltpu.VMEM_SHARED((WSH,), jnp.float32),
            pltpu.VMEM((FILL,), jnp.float32),
            pltpu.VMEM((GSZ,), jnp.int32),
            pltpu.VMEM((GSZ,), jnp.int32),
            pltpu.VMEM((GSZ,), jnp.float32),
            pltpu.VMEM((GSZ,), jnp.float32),
            pltpu.VMEM((NW, 16), jnp.float32),
            pltpu.VMEM((NW, 16), jnp.int32),
            pltpu.VMEM((16,), jnp.int32),
            pltpu.VMEM((16,), jnp.int32),
            pltpu.SemaphoreType.DMA,
            pltpu.SemaphoreType.DMA,
            pltpu.SemaphoreType.DMA,
        ),
    )
    w, k16 = k2(iseg, vseg, pdiff, ppos, unnorm_index)
    return (w, w, thresh, k16[0])

# --- scband reference (transcript-rebuilt; emitter-appended) ---
"""Pipeline reference for scband-cut-off-estimater-80453327389372 (READ-ONLY COPY).

The authoritative reference and input builder live on the scoring server;
editing this copy changes nothing except your own understanding.
"""

import jax, jax.numpy as jnp
import numpy as np

TAU = 0.1
N_TOTAL = 1000000
N_AUX = 500000
N_EVAL = 500000


def setup_inputs(seed: int = 0):
    key = jax.random.key(seed)
    ks = jax.random.split(key, 4)
    y = jax.random.normal(ks[0], (4096, 128), dtype=jnp.float32)
    eval_gene_idx = jax.random.randint(ks[1], (N_EVAL,), 0, N_TOTAL, dtype=jnp.int32)
    train_highly_gene_idx = jax.random.randint(ks[2], (N_AUX,), 0, N_TOTAL, dtype=jnp.int32)
    # __init__ logic: hvg scores for the aux genes -> descending sort -> rank index
    hvg_score = jax.random.uniform(ks[3], (N_AUX,), dtype=jnp.float32)
    sorted_hvg_idx = jnp.argsort(-hvg_score)
    rank = jnp.zeros((N_AUX,), dtype=jnp.int32).at[sorted_hvg_idx].set(jnp.arange(N_AUX, dtype=jnp.int32))
    unnorm_index = rank
    index = (rank - rank.min()).astype(jnp.float32) / (rank.max() - rank.min()).astype(jnp.float32)
    thresh = jnp.mean(index)  # nn.Parameter initialized to mean of normalized rank
    return {
        "y": y,
        "eval_gene_idx": eval_gene_idx,
        "train_highly_gene_idx": train_highly_gene_idx,
        "index": index,
        "unnorm_index": unnorm_index,
        "thresh": thresh,
    }


def reference(y, eval_gene_idx, train_highly_gene_idx, index, unnorm_index, thresh):
    n_train = train_highly_gene_idx.shape[0]
    thresh_list = jnp.broadcast_to(thresh, (n_train,))
    mask = jnp.concatenate([thresh_list[:, None], index[:, None]], axis=1)
    mask = jax.nn.softmax(mask / TAU, axis=1)
    mask = mask[:, 0]
    n_total = eval_gene_idx.shape[0] + n_train
    ones_tensor = jnp.ones((n_total,), dtype=y.dtype)
    w = ones_tensor.at[train_highly_gene_idx].set(mask)
    diff = jnp.abs(index - thresh)
    k = unnorm_index[jnp.argmin(diff)]
    return (w, w, thresh, k)

if __name__ == "__main__":
    import jax
    _d = setup_inputs()
    print(jax.jit(kernel)(*tuple(_d.values())))

</pallas_src>

<mosaic_0001>
#map = affine_map<(d0, d1) -> (0)>
#map1 = affine_map<(d0, d1) -> (0, 0)>
module attributes {stable_mosaic.version = 14 : i64} {
  func.func @_stage1(%arg0: i32, %arg1: i32, %arg2: memref<500000xf32, #tpu.memory_space<hbm>>, %arg3: memref<500000xi32, #tpu.memory_space<hbm>>, %arg4: memref<16xf32, #tpu.memory_space<hbm>>, %arg5: memref<655360xi32, #tpu.memory_space<hbm>>, %arg6: memref<655360xf32, #tpu.memory_space<hbm>>, %arg7: memref<32x16xf32, #tpu.memory_space<hbm>>, %arg8: memref<32x16xi32, #tpu.memory_space<hbm>>, %arg9: memref<15632xf32, #tpu.memory_space<vmem>>, %arg10: memref<15632xi32, #tpu.memory_space<vmem>>, %arg11: memref<16xf32, #tpu.memory_space<vmem>>, %arg12: memref<16xf32, #tpu.memory_space<vmem>>, %arg13: memref<16xi32, #tpu.memory_space<vmem>>, %arg14: memref<2560xi32, #tpu.memory_space<vmem>>, %arg15: memref<7808xi32, #tpu.memory_space<vmem>>, %arg16: memref<7824xi32, #tpu.memory_space<vmem>>, %arg17: memref<7808xf32, #tpu.memory_space<vmem>>, %arg18: memref<7824xf32, #tpu.memory_space<vmem>>, %arg19: memref<7808xi32, #tpu.memory_space<vmem>>, %arg20: memref<7824xi32, #tpu.memory_space<vmem>>, %arg21: memref<329728xi32, #tpu.memory_space<vmem_shared>>, %arg22: memref<329728xf32, #tpu.memory_space<vmem_shared>>, %arg23: memref<!tpu.dma_semaphore, #tpu.memory_space<semaphore_mem>>, %arg24: memref<!tpu.dma_semaphore, #tpu.memory_space<semaphore_mem>>) attributes {dimension_semantics = [#tpu.dimension_semantics<core_parallel>, #tpu.dimension_semantics<subcore_parallel>], iteration_bounds = array<i64: 2, 16>, scalar_prefetch = 0 : i64, scratch_operands = 16 : i64, tpu.core_type = #tpu.core_type<sc_vector_subcore>, window_params = [{transform_indices = #map}, {transform_indices = #map}, {transform_indices = #map}, {transform_indices = #map}, {transform_indices = #map}, {transform_indices = #map1}, {transform_indices = #map1}]} {
    %mul3A = arith.constant 16 : i32
    %mul3A_0 = arith.muli %arg0, %mul3A : i32
    %add3A = arith.addi %mul3A_0, %arg1 : i32
    "tpu.region"() ({
      %run_scoped3A = tpu.sem_alloc : memref<!tpu.dma_semaphore, #tpu.memory_space<semaphore_mem>>
      tpu.enqueue_dma source(%arg4 : memref<16xf32, #tpu.memory_space<hbm>>) target(%arg11 : memref<16xf32, #tpu.memory_space<vmem>>) target_semaphore(%run_scoped3A : memref<!tpu.dma_semaphore, #tpu.memory_space<semaphore_mem>>)
      tpu.wait_dma2 semaphore(%run_scoped3A : memref<!tpu.dma_semaphore, #tpu.memory_space<semaphore_mem>>) src(%arg4 : memref<16xf32, #tpu.memory_space<hbm>>) dst(%arg11 : memref<16xf32, #tpu.memory_space<vmem>>)
      tpu.yield
    }) : () -> ()
    %get3A = arith.constant 0 : index
    %get3A_1 = tpu.vector_load %arg11[%get3A] {strides = array<i32>} : memref<16xf32, #tpu.memory_space<vmem>>, vector<16xf32>,
    %get3A_2 = vector.shape_cast %get3A_1 : vector<16xf32> to vector<16xf32>
    %iota3A = tpu.iota {dimensions = array<i32: 0>} : vector<16xi32>
    %sub3A = arith.constant 1 : i32
    %sub3A_3 = vector.broadcast %sub3A : i32 to vector<16xi32>
    %sub3A_4 = arith.subi %iota3A, %sub3A_3 : vector<16xi32>
    %max3A = arith.constant 0 : i32
    %max3A_5 = vector.broadcast %max3A : i32 to vector<16xi32>
    %max3A_6 = arith.maxsi %sub3A_4, %max3A_5 : vector<16xi32>
    %sub3A_7 = arith.constant 2 : i32
    %sub3A_8 = vector.broadcast %sub3A_7 : i32 to vector<16xi32>
    %sub3A_9 = arith.subi %iota3A, %sub3A_8 : vector<16xi32>
    %max3A_10 = arith.constant 0 : i32
    %max3A_11 = vector.broadcast %max3A_10 : i32 to vector<16xi32>
    %max3A_12 = arith.maxsi %sub3A_9, %max3A_11 : vector<16xi32>
    %sub3A_13 = arith.constant 4 : i32
    %sub3A_14 = vector.broadcast %sub3A_13 : i32 to vector<16xi32>
    %sub3A_15 = arith.subi %iota3A, %sub3A_14 : vector<16xi32>
    %max3A_16 = arith.constant 0 : i32
    %max3A_17 = vector.broadcast %max3A_16 : i32 to vector<16xi32>
    %max3A_18 = arith.maxsi %sub3A_15, %max3A_17 : vector<16xi32>
    %sub3A_19 = arith.constant 8 : i32
    %sub3A_20 = vector.broadcast %sub3A_19 : i32 to vector<16xi32>
    %sub3A_21 = arith.subi %iota3A, %sub3A_20 : vector<16xi32>
    %max3A_22 = arith.constant 0 : i32
    %max3A_23 = vector.broadcast %max3A_22 : i32 to vector<16xi32>
    %max3A_24 = arith.maxsi %sub3A_21, %max3A_23 : vector<16xi32>
    %ge3A = arith.constant 1 : i32
    %ge3A_25 = vector.broadcast %ge3A : i32 to vector<16xi32>
    %ge3A_26 = arith.cmpi sge, %iota3A, %ge3A_25 : vector<16xi32>
    %ge3A_27 = arith.constant 2 : i32
    %ge3A_28 = vector.broadcast %ge3A_27 : i32 to vector<16xi32>
    %ge3A_29 = arith.cmpi sge, %iota3A, %ge3A_28 : vector<16xi32>
    %ge3A_30 = arith.constant 4 : i32
    %ge3A_31 = vector.broadcast %ge3A_30 : i32 to vector<16xi32>
    %ge3A_32 = arith.cmpi sge, %iota3A, %ge3A_31 : vector<16xi32>
    %ge3A_33 = arith.constant 8 : i32
    %ge3A_34 = vector.broadcast %ge3A_33 : i32 to vector<16xi32>
    %ge3A_35 = arith.cmpi sge, %iota3A, %ge3A_34 : vector<16xi32>
    %broadcast_in_dim3A = arith.constant 15 : i32
    %broadcast_in_dim3A_36 = vector.broadcast %broadcast_in_dim3A : i32 to vector<16xi32>
    %broadcast_in_dim3A_37 = arith.constant 0 : i32
    %broadcast_in_dim3A_38 = vector.broadcast %broadcast_in_dim3A_37 : i32 to vector<16xi32>
    %and3A = arith.constant 3 : i32
    %and3A_39 = vector.broadcast %and3A : i32 to vector<16xi32>
    %and3A_40 = arith.andi %iota3A, %and3A_39 : vector<16xi32>
    %shift_left3A = arith.constant 3 : i32
    %shift_left3A_41 = vector.broadcast %shift_left3A : i32 to vector<16xi32>
    %shift_left3A_42 = arith.shli %and3A_40, %shift_left3A_41 : vector<16xi32>
    %lt3A = arith.constant 4 : i32
    %lt3A_43 = vector.broadcast %lt3A : i32 to vector<16xi32>
    %lt3A_44 = arith.cmpi slt, %iota3A, %lt3A_43 : vector<16xi32>
    %lt3A_45 = arith.constant 31 : i32
    %lt3A_46 = arith.cmpi slt, %add3A, %lt3A_45 : i32
    %convert_element_type3A = arith.extui %lt3A_46 : i1 to i32
    %cond3A = arith.constant 0 : i32
    %cond3A_47 = arith.cmpi ne, %convert_element_type3A, %cond3A : i32
    scf.if %cond3A_47 {
      %mul3A_52 = arith.constant 15632 : i32
      %mul3A_53 = arith.muli %add3A, %mul3A_52 : i32
      "tpu.region"() ({
        %run_scoped3A = tpu.sem_alloc : memref<!tpu.dma_semaphore, #tpu.memory_space<semaphore_mem>>
        %dma_start3A_298 = arith.constant 0 : i32
        %dma_start3A_299 = tpu.memref_slice %arg9[%dma_start3A_298] : memref<15632xf32, #tpu.memory_space<vmem>> -> memref<15632xf32, #tpu.memory_space<vmem>>
        %dma_start3A_300 = tpu.memref_slice %arg2[%mul3A_53] : memref<500000xf32, #tpu.memory_space<hbm>> -> memref<15632xf32, #tpu.memory_space<hbm>>
        %dma_start3A_301 = arith.constant 0 : i32
        %dma_start3A_302 = tpu.memref_slice %arg9[%dma_start3A_301] : memref<15632xf32, #tpu.memory_space<vmem>> -> memref<15632xf32, #tpu.memory_space<vmem>>
        %dma_start3A_303 = tpu.memref_slice %arg2[%mul3A_53] : memref<500000xf32, #tpu.memory_space<hbm>> -> memref<15632xf32, #tpu.memory_space<hbm>>
        tpu.enqueue_dma source(%dma_start3A_303 : memref<15632xf32, #tpu.memory_space<hbm>>) target(%dma_start3A_302 : memref<15632xf32, #tpu.memory_space<vmem>>) target_semaphore(%run_scoped3A : memref<!tpu.dma_semaphore, #tpu.memory_space<semaphore_mem>>)
        %dma_wait3A_304 = arith.constant 0 : i32
        %dma_wait3A_305 = tpu.memref_slice %arg9[%dma_wait3A_304] : memref<15632xf32, #tpu.memory_space<vmem>> -> memref<15632xf32, #tpu.memory_space<vmem>>
        %dma_wait3A_306 = tpu.memref_slice %arg2[%mul3A_53] : memref<500000xf32, #tpu.memory_space<hbm>> -> memref<15632xf32, #tpu.memory_space<hbm>>
        %dma_wait3A_307 = arith.constant 0 : i32
        %dma_wait3A_308 = tpu.memref_slice %arg9[%dma_wait3A_307] : memref<15632xf32, #tpu.memory_space<vmem>> -> memref<15632xf32, #tpu.memory_space<vmem>>
        %dma_wait3A_309 = tpu.memref_slice %arg2[%mul3A_53] : memref<500000xf32, #tpu.memory_space<hbm>> -> memref<15632xf32, #tpu.memory_space<hbm>>
        tpu.wait_dma2 semaphore(%run_scoped3A : memref<!tpu.dma_semaphore, #tpu.memory_space<semaphore_mem>>) src(%dma_wait3A_309 : memref<15632xf32, #tpu.memory_space<hbm>>) dst(%dma_wait3A_308 : memref<15632xf32, #tpu.memory_space<vmem>>)
        tpu.yield
      }) : () -> ()
      "tpu.region"() ({
        %run_scoped3A = tpu.sem_alloc : memref<!tpu.dma_semaphore, #tpu.memory_space<semaphore_mem>>
        %dma_start3A_298 = arith.constant 0 : i32
        %dma_start3A_299 = tpu.memref_slice %arg10[%dma_start3A_298] : memref<15632xi32, #tpu.memory_space<vmem>> -> memref<15632xi32, #tpu.memory_space<vmem>>
        %dma_start3A_300 = tpu.memref_slice %arg3[%mul3A_53] : memref<500000xi32, #tpu.memory_space<hbm>> -> memref<15632xi32, #tpu.memory_space<hbm>>
        %dma_start3A_301 = arith.constant 0 : i32
        %dma_start3A_302 = tpu.memref_slice %arg10[%dma_start3A_301] : memref<15632xi32, #tpu.memory_space<vmem>> -> memref<15632xi32, #tpu.memory_space<vmem>>
        %dma_start3A_303 = tpu.memref_slice %arg3[%mul3A_53] : memref<500000xi32, #tpu.memory_space<hbm>> -> memref<15632xi32, #tpu.memory_space<hbm>>
        tpu.enqueue_dma source(%dma_start3A_303 : memref<15632xi32, #tpu.memory_space<hbm>>) target(%dma_start3A_302 : memref<15632xi32, #tpu.memory_space<vmem>>) target_semaphore(%run_scoped3A : memref<!tpu.dma_semaphore, #tpu.memory_space<semaphore_mem>>)
        %dma_wait3A_304 = arith.constant 0 : i32
        %dma_wait3A_305 = tpu.memref_slice %arg10[%dma_wait3A_304] : memref<15632xi32, #tpu.memory_space<vmem>> -> memref<15632xi32, #tpu.memory_space<vmem>>
        %dma_wait3A_306 = tpu.memref_slice %arg3[%mul3A_53] : memref<500000xi32, #tpu.memory_space<hbm>> -> memref<15632xi32, #tpu.memory_space<hbm>>
        %dma_wait3A_307 = arith.constant 0 : i32
        %dma_wait3A_308 = tpu.memref_slice %arg10[%dma_wait3A_307] : memref<15632xi32, #tpu.memory_space<vmem>> -> memref<15632xi32, #tpu.memory_space<vmem>>
        %dma_wait3A_309 = tpu.memref_slice %arg3[%mul3A_53] : memref<500000xi32, #tpu.memory_space<hbm>> -> memref<15632xi32, #tpu.memory_space<hbm>>
        tpu.wait_dma2 semaphore(%run_scoped3A : memref<!tpu.dma_semaphore, #tpu.memory_space<semaphore_mem>>) src(%dma_wait3A_309 : memref<15632xi32, #tpu.memory_space<hbm>>) dst(%dma_wait3A_308 : memref<15632xi32, #tpu.memory_space<vmem>>)
        tpu.yield
      }) : () -> ()
      %scan3A = arith.constant 0 : i32
      %scan3A_54 = arith.constant 0 : i32
      %scan3A_55 = arith.constant 160 : i32
      %scan3A_56 = arith.addi %scan3A_54, %scan3A_55 : i32
      %scan3A_57 = arith.constant 1 : i32
      scf.for %scan3A_298 = %scan3A_54 to %scan3A_56 step %scan3A_57  : i32 {
        %mul3A_299 = arith.constant 16 : i32
        %mul3A_300 = arith.muli %scan3A_298, %mul3A_299 : i32
        %add3A_301 = vector.broadcast %mul3A_300 : i32 to vector<16xi32>
        %add3A_302 = arith.addi %add3A_301, %iota3A : vector<16xi32>
        %and3A_303 = arith.constant 2047 : i32
        %and3A_304 = vector.broadcast %and3A_303 : i32 to vector<16xi32>
        %and3A_305 = arith.andi %add3A_302, %and3A_304 : vector<16xi32>
        %add3A_306 = arith.constant 524288 : i32
        %add3A_307 = vector.broadcast %add3A_306 : i32 to vector<16xi32>
        %add3A_308 = arith.addi %add3A_307, %and3A_305 : vector<16xi32>
        %mul3A_309 = arith.constant 16 : i32
        %mul3A_310 = arith.muli %scan3A_298, %mul3A_309 : i32
        %swap3A_311 = arith.index_cast %mul3A_310 : i32 to index
        %swap3A_312 = tpu.vector_load %arg14[%swap3A_311] {strides = array<i32>} : memref<2560xi32, #tpu.memory_space<vmem>>, vector<16xi32>,
        %swap3A_313 = vector.shape_cast %swap3A_312 : vector<16xi32> to vector<16xi32>
        %swap3A_314 = vector.shape_cast %add3A_308 : vector<16xi32> to vector<16xi32>
        tpu.vector_store %arg14[%swap3A_311], %swap3A_314 {strides = array<i32>} : memref<2560xi32, #tpu.memory_space<vmem>>, vector<16xi32>,
      }
      %scan3A_58 = arith.constant 160 : i32
      %mul3A_59 = arith.constant 2560 : i32
      %mul3A_60 = arith.muli %arg1, %mul3A_59 : i32
      %add3A_61 = arith.constant 0 : i32
      %add3A_62 = arith.addi %add3A_61, %mul3A_60 : i32
      %dma_start3A = tpu.memref_slice %arg21[%add3A_62] : memref<329728xi32, #tpu.memory_space<vmem_shared>> -> memref<2560xi32, #tpu.memory_space<vmem_shared>>
      %dma_start3A_63 = tpu.memref_slice %arg21[%add3A_62] : memref<329728xi32, #tpu.memory_space<vmem_shared>> -> memref<2560xi32, #tpu.memory_space<vmem_shared>>
      tpu.enqueue_dma source(%arg14 : memref<2560xi32, #tpu.memory_space<vmem>>) target(%dma_start3A_63 : memref<2560xi32, #tpu.memory_space<vmem_shared>>) target_semaphore(%arg23 : memref<!tpu.dma_semaphore, #tpu.memory_space<semaphore_mem>>)
      %mul3A_64 = arith.constant 2560 : i32
      %mul3A_65 = arith.muli %arg1, %mul3A_64 : i32
      %add3A_66 = arith.constant 40960 : i32
      %add3A_67 = arith.addi %add3A_66, %mul3A_65 : i32
      %dma_start3A_68 = tpu.memref_slice %arg21[%add3A_67] : memref<329728xi32, #tpu.memory_space<vmem_shared>> -> memref<2560xi32, #tpu.memory_space<vmem_shared>>
      %dma_start3A_69 = tpu.memref_slice %arg21[%add3A_67] : memref<329728xi32, #tpu.memory_space<vmem_shared>> -> memref<2560xi32, #tpu.memory_space<vmem_shared>>
      tpu.enqueue_dma source(%arg14 : memref<2560xi32, #tpu.memory_space<vmem>>) target(%dma_start3A_69 : memref<2560xi32, #tpu.memory_space<vmem_shared>>) target_semaphore(%arg23 : memref<!tpu.dma_semaphore, #tpu.memory_space<semaphore_mem>>)
      %mul3A_70 = arith.constant 2560 : i32
      %mul3A_71 = arith.muli %arg1, %mul3A_70 : i32
      %add3A_72 = arith.constant 81920 : i32
      %add3A_73 = arith.addi %add3A_72, %mul3A_71 : i32
      %dma_start3A_74 = tpu.memref_slice %arg21[%add3A_73] : memref<329728xi32, #tpu.memory_space<vmem_shared>> -> memref<2560xi32, #tpu.memory_space<vmem_shared>>
      %dma_start3A_75 = tpu.memref_slice %arg21[%add3A_73] : memref<329728xi32, #tpu.memory_space<vmem_shared>> -> memref<2560xi32, #tpu.memory_space<vmem_shared>>
      tpu.enqueue_dma source(%arg14 : memref<2560xi32, #tpu.memory_space<vmem>>) target(%dma_start3A_75 : memref<2560xi32, #tpu.memory_space<vmem_shared>>) target_semaphore(%arg23 : memref<!tpu.dma_semaphore, #tpu.memory_space<semaphore_mem>>)
      %mul3A_76 = arith.constant 2560 : i32
      %mul3A_77 = arith.muli %arg1, %mul3A_76 : i32
      %add3A_78 = arith.constant 122880 : i32
      %add3A_79 = arith.addi %add3A_78, %mul3A_77 : i32
      %dma_start3A_80 = tpu.memref_slice %arg21[%add3A_79] : memref<329728xi32, #tpu.memory_space<vmem_shared>> -> memref<2560xi32, #tpu.memory_space<vmem_shared>>
      %dma_start3A_81 = tpu.memref_slice %arg21[%add3A_79] : memref<329728xi32, #tpu.memory_space<vmem_shared>> -> memref<2560xi32, #tpu.memory_space<vmem_shared>>
      tpu.enqueue_dma source(%arg14 : memref<2560xi32, #tpu.memory_space<vmem>>) target(%dma_start3A_81 : memref<2560xi32, #tpu.memory_space<vmem_shared>>) target_semaphore(%arg23 : memref<!tpu.dma_semaphore, #tpu.memory_space<semaphore_mem>>)
      %mul3A_82 = arith.constant 2560 : i32
      %mul3A_83 = arith.muli %arg1, %mul3A_82 : i32
      %add3A_84 = arith.constant 163840 : i32
      %add3A_85 = arith.addi %add3A_84, %mul3A_83 : i32
      %dma_start3A_86 = tpu.memref_slice %arg21[%add3A_85] : memref<329728xi32, #tpu.memory_space<vmem_shared>> -> memref<2560xi32, #tpu.memory_space<vmem_shared>>
      %dma_start3A_87 = tpu.memref_slice %arg21[%add3A_85] : memref<329728xi32, #tpu.memory_space<vmem_shared>> -> memref<2560xi32, #tpu.memory_space<vmem_shared>>
      tpu.enqueue_dma source(%arg14 : memref<2560xi32, #tpu.memory_space<vmem>>) target(%dma_start3A_87 : memref<2560xi32, #tpu.memory_space<vmem_shared>>) target_semaphore(%arg23 : memref<!tpu.dma_semaphore, #tpu.memory_space<semaphore_mem>>)
      %mul3A_88 = arith.constant 2560 : i32
      %mul3A_89 = arith.muli %arg1, %mul3A_88 : i32
      %add3A_90 = arith.constant 204800 : i32
      %add3A_91 = arith.addi %add3A_90, %mul3A_89 : i32
      %dma_start3A_92 = tpu.memref_slice %arg21[%add3A_91] : memref<329728xi32, #tpu.memory_space<vmem_shared>> -> memref<2560xi32, #tpu.memory_space<vmem_shared>>
      %dma_start3A_93 = tpu.memref_slice %arg21[%add3A_91] : memref<329728xi32, #tpu.memory_space<vmem_shared>> -> memref<2560xi32, #tpu.memory_space<vmem_shared>>
      tpu.enqueue_dma source(%arg14 : memref<2560xi32, #tpu.memory_space<vmem>>) target(%dma_start3A_93 : memref<2560xi32, #tpu.memory_space<vmem_shared>>) target_semaphore(%arg23 : memref<!tpu.dma_semaphore, #tpu.memory_space<semaphore_mem>>)
      %mul3A_94 = arith.constant 2560 : i32
      %mul3A_95 = arith.muli %arg1, %mul3A_94 : i32
      %add3A_96 = arith.constant 245760 : i32
      %add3A_97 = arith.addi %add3A_96, %mul3A_95 : i32
      %dma_start3A_98 = tpu.memref_slice %arg21[%add3A_97] : memref<329728xi32, #tpu.memory_space<vmem_shared>> -> memref<2560xi32, #tpu.memory_space<vmem_shared>>
      %dma_start3A_99 = tpu.memref_slice %arg21[%add3A_97] : memref<329728xi32, #tpu.memory_space<vmem_shared>> -> memref<2560xi32, #tpu.memory_space<vmem_shared>>
      tpu.enqueue_dma source(%arg14 : memref<2560xi32, #tpu.memory_space<vmem>>) target(%dma_start3A_99 : memref<2560xi32, #tpu.memory_space<vmem_shared>>) target_semaphore(%arg23 : memref<!tpu.dma_semaphore, #tpu.memory_space<semaphore_mem>>)
      %mul3A_100 = arith.constant 2560 : i32
      %mul3A_101 = arith.muli %arg1, %mul3A_100 : i32
      %add3A_102 = arith.constant 286720 : i32
      %add3A_103 = arith.addi %add3A_102, %mul3A_101 : i32
      %dma_start3A_104 = tpu.memref_slice %arg21[%add3A_103] : memref<329728xi32, #tpu.memory_space<vmem_shared>> -> memref<2560xi32, #tpu.memory_space<vmem_shared>>
      %dma_start3A_105 = tpu.memref_slice %arg21[%add3A_103] : memref<329728xi32, #tpu.memory_space<vmem_shared>> -> memref<2560xi32, #tpu.memory_space<vmem_shared>>
      tpu.enqueue_dma source(%arg14 : memref<2560xi32, #tpu.memory_space<vmem>>) target(%dma_start3A_105 : memref<2560xi32, #tpu.memory_space<vmem_shared>>) target_semaphore(%arg23 : memref<!tpu.dma_semaphore, #tpu.memory_space<semaphore_mem>>)
      %broadcast_in_dim3A_106 = arith.constant 0x7F800000 : f32
      %broadcast_in_dim3A_107 = vector.broadcast %broadcast_in_dim3A_106 : f32 to vector<16xf32>
      %broadcast_in_dim3A_108 = arith.constant 0 : i32
      %broadcast_in_dim3A_109 = vector.broadcast %broadcast_in_dim3A_108 : i32 to vector<16xi32>
      %mul3A_110 = arith.constant 40960 : i32
      %mul3A_111 = vector.broadcast %mul3A_110 : i32 to vector<16xi32>
      %mul3A_112 = arith.muli %iota3A, %mul3A_111 : vector<16xi32>
      %mul3A_113 = arith.constant 2560 : i32
      %mul3A_114 = arith.muli %arg1, %mul3A_113 : i32
      %add3A_115 = vector.broadcast %mul3A_114 : i32 to vector<16xi32>
      %add3A_116 = arith.addi %mul3A_112, %add3A_115 : vector<16xi32>
      %scan3A_117 = arith.constant 0 : i32
      %scan3A_118 = arith.constant 488 : i32
      %scan3A_119 = arith.addi %scan3A_117, %scan3A_118 : i32
      %scan3A_120 = arith.constant 1 : i32
      %scan3A_121:3 = scf.for %scan3A_298 = %scan3A_117 to %scan3A_119 step %scan3A_120 iter_args(%scan3A_299 = %broadcast_in_dim3A_107, %scan3A_300 = %broadcast_in_dim3A_109, %scan3A_301 = %add3A_116) -> (vector<16xf32>, vector<16xi32>, vector<16xi32>)  : i32 {
        %add3A_302 = arith.constant 0 : i32
        %add3A_303 = arith.addi %add3A_302, %scan3A_298 : i32
        %mul3A_304 = arith.constant 16 : i32
        %mul3A_305 = arith.muli %add3A_303, %mul3A_304 : i32
        %get3A_306 = arith.index_cast %mul3A_305 : i32 to index
        %get3A_307 = tpu.vector_load %arg9[%get3A_306] {strides = array<i32>} : memref<15632xf32, #tpu.memory_space<vmem>>, vector<16xf32>,
        %get3A_308 = vector.shape_cast %get3A_307 : vector<16xf32> to vector<16xf32>
        %sub3A_309 = arith.subf %get3A_308, %get3A_2 : vector<16xf32>
        %mul3A_310 = arith.constant 1.000000e+01 : f32
        %mul3A_311 = vector.broadcast %mul3A_310 : f32 to vector<16xf32>
        %mul3A_312 = arith.mulf %sub3A_309, %mul3A_311 : vector<16xf32>
        %exp3A = math.exp %mul3A_312 : vector<16xf32>
        %add3A_313 = arith.constant 1.000000e+00 : f32
        %add3A_314 = vector.broadcast %add3A_313 : f32 to vector<16xf32>
        %add3A_315 = arith.addf %add3A_314, %exp3A : vector<16xf32>
        %div3A = arith.constant 1.000000e+00 : f32
        %div3A_316 = vector.broadcast %div3A : f32 to vector<16xf32>
        %div3A_317 = arith.divf %div3A_316, %add3A_315 : vector<16xf32>
        %sub3A_318 = arith.subf %get3A_308, %get3A_2 : vector<16xf32>
        %abs3A = math.absf %sub3A_318 : vector<16xf32>
        %add3A_319 = arith.constant 0 : i32
        %add3A_320 = arith.addi %add3A_319, %scan3A_298 : i32
        %mul3A_321 = arith.constant 16 : i32
        %mul3A_322 = arith.muli %add3A_320, %mul3A_321 : i32
        %add3A_323 = arith.addi %mul3A_53, %mul3A_322 : i32
        %add3A_324 = vector.broadcast %add3A_323 : i32 to vector<16xi32>
        %add3A_325 = arith.addi %add3A_324, %iota3A : vector<16xi32>
        %lt3A_326 = arith.cmpf olt, %abs3A, %scan3A_299 : vector<16xf32>
        %select_n3A_327 = arith.select %lt3A_326, %abs3A, %scan3A_299 : vector<16xi1>, vector<16xf32>
        %select_n3A_328 = arith.select %lt3A_326, %add3A_325, %scan3A_300 : vector<16xi1>, vector<16xi32>
        %add3A_329 = arith.constant 0 : i32
        %add3A_330 = arith.addi %add3A_329, %scan3A_298 : i32
        %mul3A_331 = arith.constant 16 : i32
        %mul3A_332 = arith.muli %add3A_330, %mul3A_331 : i32
        %get3A_333 = arith.index_cast %mul3A_332 : i32 to index
        %get3A_334 = tpu.vector_load %arg10[%get3A_333] {strides = array<i32>} : memref<15632xi32, #tpu.memory_space<vmem>>, vector<16xi32>,
        %get3A_335 = vector.shape_cast %get3A_334 : vector<16xi32> to vector<16xi32>
        %shift_right_logical3A = arith.constant 17 : i32
        %shift_right_logical3A_336 = vector.broadcast %shift_right_logical3A : i32 to vector<16xi32>
        %shift_right_logical3A_337 = arith.shrui %get3A_335, %shift_right_logical3A_336 : vector<16xi32>
        %ge3A_338 = arith.constant 4 : i32
        %ge3A_339 = vector.broadcast %ge3A_338 : i32 to vector<16xi32>
        %ge3A_340 = arith.cmpi sge, %shift_right_logical3A_337, %ge3A_339 : vector<16xi32>
        %jit3A_341 = arith.constant 524288 : i32
        %jit3A_342 = arith.constant 0 : i32
        %broadcast_in_dim3A_343 = vector.broadcast %jit3A_341 : i32 to vector<16xi32>
        %broadcast_in_dim3A_344 = vector.broadcast %jit3A_342 : i32 to vector<16xi32>
        %select_n3A_345 = arith.select %ge3A_340, %broadcast_in_dim3A_343, %broadcast_in_dim3A_344 : vector<16xi1>, vector<16xi32>
        %sub3A_346 = arith.subi %get3A_335, %select_n3A_345 : vector<16xi32>
        %and3A_347 = arith.constant 3 : i32
        %and3A_348 = vector.broadcast %and3A_347 : i32 to vector<16xi32>
        %and3A_349 = arith.andi %shift_right_logical3A_337, %and3A_348 : vector<16xi32>
        %shift_left3A_350 = arith.constant 3 : i32
        %shift_left3A_351 = vector.broadcast %shift_left3A_350 : i32 to vector<16xi32>
        %shift_left3A_352 = arith.shli %and3A_349, %shift_left3A_351 : vector<16xi32>
        %shift_left3A_353 = arith.constant 1 : i32
        %shift_left3A_354 = vector.broadcast %shift_left3A_353 : i32 to vector<16xi32>
        %shift_left3A_355 = arith.shli %shift_left3A_354, %shift_left3A_352 : vector<16xi32>
        %select_n3A_356 = arith.select %ge3A_340, %broadcast_in_dim3A_38, %shift_left3A_355 : vector<16xi1>, vector<16xi32>
        %select_n3A_357 = arith.select %ge3A_340, %shift_left3A_355, %broadcast_in_dim3A_38 : vector<16xi1>, vector<16xi32>
        %lt3A_358 = arith.constant 0 : i32
        %lt3A_359 = vector.broadcast %lt3A_358 : i32 to vector<16xi32>
        %lt3A_360 = arith.cmpi slt, %max3A_6, %lt3A_359 : vector<16xi32>
        %add3A_361 = arith.constant 16 : i32
        %add3A_362 = vector.broadcast %add3A_361 : i32 to vector<16xi32>
        %add3A_363 = arith.addi %max3A_6, %add3A_362 : vector<16xi32>
        %select_n3A_364 = arith.select %lt3A_360, %add3A_363, %max3A_6 : vector<16xi1>, vector<16xi32>
        %broadcast_in_dim3A_365 = vector.shape_cast %select_n3A_364 : vector<16xi32> to vector<16x1xi32>
        %gather3A_366 = vector.shape_cast %broadcast_in_dim3A_365 : vector<16x1xi32> to vector<16xi32>
        %gather3A_367 = tpu.dynamic_gather %select_n3A_356[%gather3A_366] in [0] : vector<16xi32>, vector<16xi32> -> vector<16xi32>
        %select_n3A_368 = arith.select %ge3A_26, %gather3A_367, %broadcast_in_dim3A_38 : vector<16xi1>, vector<16xi32>
        %add3A_369 = arith.addi %select_n3A_356, %select_n3A_368 : vector<16xi32>
        %lt3A_370 = arith.constant 0 : i32
        %lt3A_371 = vector.broadcast %lt3A_370 : i32 to vector<16xi32>
        %lt3A_372 = arith.cmpi slt, %max3A_12, %lt3A_371 : vector<16xi32>
        %add3A_373 = arith.constant 16 : i32
        %add3A_374 = vector.broadcast %add3A_373 : i32 to vector<16xi32>
        %add3A_375 = arith.addi %max3A_12, %add3A_374 : vector<16xi32>
        %select_n3A_376 = arith.select %lt3A_372, %add3A_375, %max3A_12 : vector<16xi1>, vector<16xi32>
        %broadcast_in_dim3A_377 = vector.shape_cast %select_n3A_376 : vector<16xi32> to vector<16x1xi32>
        %gather3A_378 = vector.shape_cast %broadcast_in_dim3A_377 : vector<16x1xi32> to vector<16xi32>
        %gather3A_379 = tpu.dynamic_gather %add3A_369[%gather3A_378] in [0] : vector<16xi32>, vector<16xi32> -> vector<16xi32>
        %select_n3A_380 = arith.select %ge3A_29, %gather3A_379, %broadcast_in_dim3A_38 : vector<16xi1>, vector<16xi32>
        %add3A_381 = arith.addi %add3A_369, %select_n3A_380 : vector<16xi32>
        %lt3A_382 = arith.constant 0 : i32
        %lt3A_383 = vector.broadcast %lt3A_382 : i32 to vector<16xi32>
        %lt3A_384 = arith.cmpi slt, %max3A_18, %lt3A_383 : vector<16xi32>
        %add3A_385 = arith.constant 16 : i32
        %add3A_386 = vector.broadcast %add3A_385 : i32 to vector<16xi32>
        %add3A_387 = arith.addi %max3A_18, %add3A_386 : vector<16xi32>
        %select_n3A_388 = arith.select %lt3A_384, %add3A_387, %max3A_18 : vector<16xi1>, vector<16xi32>
        %broadcast_in_dim3A_389 = vector.shape_cast %select_n3A_388 : vector<16xi32> to vector<16x1xi32>
        %gather3A_390 = vector.shape_cast %broadcast_in_dim3A_389 : vector<16x1xi32> to vector<16xi32>
        %gather3A_391 = tpu.dynamic_gather %add3A_381[%gather3A_390] in [0] : vector<16xi32>, vector<16xi32> -> vector<16xi32>
        %select_n3A_392 = arith.select %ge3A_32, %gather3A_391, %broadcast_in_dim3A_38 : vector<16xi1>, vector<16xi32>
        %add3A_393 = arith.addi %add3A_381, %select_n3A_392 : vector<16xi32>
        %lt3A_394 = arith.constant 0 : i32
        %lt3A_395 = vector.broadcast %lt3A_394 : i32 to vector<16xi32>
        %lt3A_396 = arith.cmpi slt, %max3A_24, %lt3A_395 : vector<16xi32>
        %add3A_397 = arith.constant 16 : i32
        %add3A_398 = vector.broadcast %add3A_397 : i32 to vector<16xi32>
        %add3A_399 = arith.addi %max3A_24, %add3A_398 : vector<16xi32>
        %select_n3A_400 = arith.select %lt3A_396, %add3A_399, %max3A_24 : vector<16xi1>, vector<16xi32>
        %broadcast_in_dim3A_401 = vector.shape_cast %select_n3A_400 : vector<16xi32> to vector<16x1xi32>
        %gather3A_402 = vector.shape_cast %broadcast_in_dim3A_401 : vector<16x1xi32> to vector<16xi32>
        %gather3A_403 = tpu.dynamic_gather %add3A_393[%gather3A_402] in [0] : vector<16xi32>, vector<16xi32> -> vector<16xi32>
        %select_n3A_404 = arith.select %ge3A_35, %gather3A_403, %broadcast_in_dim3A_38 : vector<16xi1>, vector<16xi32>
        %add3A_405 = arith.addi %add3A_393, %select_n3A_404 : vector<16xi32>
        %lt3A_406 = arith.constant 0 : i32
        %lt3A_407 = vector.broadcast %lt3A_406 : i32 to vector<16xi32>
        %lt3A_408 = arith.cmpi slt, %max3A_6, %lt3A_407 : vector<16xi32>
        %add3A_409 = arith.constant 16 : i32
        %add3A_410 = vector.broadcast %add3A_409 : i32 to vector<16xi32>
        %add3A_411 = arith.addi %max3A_6, %add3A_410 : vector<16xi32>
        %select_n3A_412 = arith.select %lt3A_408, %add3A_411, %max3A_6 : vector<16xi1>, vector<16xi32>
        %broadcast_in_dim3A_413 = vector.shape_cast %select_n3A_412 : vector<16xi32> to vector<16x1xi32>
        %gather3A_414 = vector.shape_cast %broadcast_in_dim3A_413 : vector<16x1xi32> to vector<16xi32>
        %gather3A_415 = tpu.dynamic_gather %select_n3A_357[%gather3A_414] in [0] : vector<16xi32>, vector<16xi32> -> vector<16xi32>
        %select_n3A_416 = arith.select %ge3A_26, %gather3A_415, %broadcast_in_dim3A_38 : vector<16xi1>, vector<16xi32>
        %add3A_417 = arith.addi %select_n3A_357, %select_n3A_416 : vector<16xi32>
        %lt3A_418 = arith.constant 0 : i32
        %lt3A_419 = vector.broadcast %lt3A_418 : i32 to vector<16xi32>
        %lt3A_420 = arith.cmpi slt, %max3A_12, %lt3A_419 : vector<16xi32>
        %add3A_421 = arith.constant 16 : i32
        %add3A_422 = vector.broadcast %add3A_421 : i32 to vector<16xi32>
        %add3A_423 = arith.addi %max3A_12, %add3A_422 : vector<16xi32>
        %select_n3A_424 = arith.select %lt3A_420, %add3A_423, %max3A_12 : vector<16xi1>, vector<16xi32>
        %broadcast_in_dim3A_425 = vector.shape_cast %select_n3A_424 : vector<16xi32> to vector<16x1xi32>
        %gather3A_426 = vector.shape_cast %broadcast_in_dim3A_425 : vector<16x1xi32> to vector<16xi32>
        %gather3A_427 = tpu.dynamic_gather %add3A_417[%gather3A_426] in [0] : vector<16xi32>, vector<16xi32> -> vector<16xi32>
        %select_n3A_428 = arith.select %ge3A_29, %gather3A_427, %broadcast_in_dim3A_38 : vector<16xi1>, vector<16xi32>
        %add3A_429 = arith.addi %add3A_417, %select_n3A_428 : vector<16xi32>
        %lt3A_430 = arith.constant 0 : i32
        %lt3A_431 = vector.broadcast %lt3A_430 : i32 to vector<16xi32>
        %lt3A_432 = arith.cmpi slt, %max3A_18, %lt3A_431 : vector<16xi32>
        %add3A_433 = arith.constant 16 : i32
        %add3A_434 = vector.broadcast %add3A_433 : i32 to vector<16xi32>
        %add3A_435 = arith.addi %max3A_18, %add3A_434 : vector<16xi32>
        %select_n3A_436 = arith.select %lt3A_432, %add3A_435, %max3A_18 : vector<16xi1>, vector<16xi32>
        %broadcast_in_dim3A_437 = vector.shape_cast %select_n3A_436 : vector<16xi32> to vector<16x1xi32>
        %gather3A_438 = vector.shape_cast %broadcast_in_dim3A_437 : vector<16x1xi32> to vector<16xi32>
        %gather3A_439 = tpu.dynamic_gather %add3A_429[%gather3A_438] in [0] : vector<16xi32>, vector<16xi32> -> vector<16xi32>
        %select_n3A_440 = arith.select %ge3A_32, %gather3A_439, %broadcast_in_dim3A_38 : vector<16xi1>, vector<16xi32>
        %add3A_441 = arith.addi %add3A_429, %select_n3A_440 : vector<16xi32>
        %lt3A_442 = arith.constant 0 : i32
        %lt3A_443 = vector.broadcast %lt3A_442 : i32 to vector<16xi32>
        %lt3A_444 = arith.cmpi slt, %max3A_24, %lt3A_443 : vector<16xi32>
        %add3A_445 = arith.constant 16 : i32
        %add3A_446 = vector.broadcast %add3A_445 : i32 to vector<16xi32>
        %add3A_447 = arith.addi %max3A_24, %add3A_446 : vector<16xi32>
        %select_n3A_448 = arith.select %lt3A_444, %add3A_447, %max3A_24 : vector<16xi1>, vector<16xi32>
        %broadcast_in_dim3A_449 = vector.shape_cast %select_n3A_448 : vector<16xi32> to vector<16x1xi32>
        %gather3A_450 = vector.shape_cast %broadcast_in_dim3A_449 : vector<16x1xi32> to vector<16xi32>
        %gather3A_451 = tpu.dynamic_gather %add3A_441[%gather3A_450] in [0] : vector<16xi32>, vector<16xi32> -> vector<16xi32>
        %select_n3A_452 = arith.select %ge3A_35, %gather3A_451, %broadcast_in_dim3A_38 : vector<16xi1>, vector<16xi32>
        %add3A_453 = arith.addi %add3A_441, %select_n3A_452 : vector<16xi32>
        %sub3A_454 = arith.subi %add3A_453, %select_n3A_357 : vector<16xi32>
        %sub3A_455 = arith.subi %add3A_405, %select_n3A_356 : vector<16xi32>
        %select_n3A_456 = arith.select %ge3A_340, %sub3A_454, %sub3A_455 : vector<16xi1>, vector<16xi32>
        %shift_right_logical3A_457 = arith.shrui %select_n3A_456, %shift_left3A_352 : vector<16xi32>
        %and3A_458 = arith.constant 255 : i32
        %and3A_459 = vector.broadcast %and3A_458 : i32 to vector<16xi32>
        %and3A_460 = arith.andi %shift_right_logical3A_457, %and3A_459 : vector<16xi32>
        %lt3A_461 = arith.constant 0 : i32
        %lt3A_462 = vector.broadcast %lt3A_461 : i32 to vector<16xi32>
        %lt3A_463 = arith.cmpi slt, %broadcast_in_dim3A_36, %lt3A_462 : vector<16xi32>
        %add3A_464 = arith.constant 16 : i32
        %add3A_465 = vector.broadcast %add3A_464 : i32 to vector<16xi32>
        %add3A_466 = arith.addi %broadcast_in_dim3A_36, %add3A_465 : vector<16xi32>
        %select_n3A_467 = arith.select %lt3A_463, %add3A_466, %broadcast_in_dim3A_36 : vector<16xi1>, vector<16xi32>
        %broadcast_in_dim3A_468 = vector.shape_cast %select_n3A_467 : vector<16xi32> to vector<16x1xi32>
        %gather3A_469 = vector.shape_cast %broadcast_in_dim3A_468 : vector<16x1xi32> to vector<16xi32>
        %gather3A_470 = tpu.dynamic_gather %add3A_405[%gather3A_469] in [0] : vector<16xi32>, vector<16xi32> -> vector<16xi32>
        %lt3A_471 = arith.constant 0 : i32
        %lt3A_472 = vector.broadcast %lt3A_471 : i32 to vector<16xi32>
        %lt3A_473 = arith.cmpi slt, %broadcast_in_dim3A_36, %lt3A_472 : vector<16xi32>
        %add3A_474 = arith.constant 16 : i32
        %add3A_475 = vector.broadcast %add3A_474 : i32 to vector<16xi32>
        %add3A_476 = arith.addi %broadcast_in_dim3A_36, %add3A_475 : vector<16xi32>
        %select_n3A_477 = arith.select %lt3A_473, %add3A_476, %broadcast_in_dim3A_36 : vector<16xi1>, vector<16xi32>
        %broadcast_in_dim3A_478 = vector.shape_cast %select_n3A_477 : vector<16xi32> to vector<16x1xi32>
        %gather3A_479 = vector.shape_cast %broadcast_in_dim3A_478 : vector<16x1xi32> to vector<16xi32>
        %gather3A_480 = tpu.dynamic_gather %add3A_453[%gather3A_479] in [0] : vector<16xi32>, vector<16xi32> -> vector<16xi32>
        %select_n3A_481 = arith.select %lt3A_44, %gather3A_470, %gather3A_480 : vector<16xi1>, vector<16xi32>
        %shift_right_logical3A_482 = arith.shrui %select_n3A_481, %shift_left3A_42 : vector<16xi32>
        %and3A_483 = arith.constant 255 : i32
        %and3A_484 = vector.broadcast %and3A_483 : i32 to vector<16xi32>
        %and3A_485 = arith.andi %shift_right_logical3A_482, %and3A_484 : vector<16xi32>
        %lt3A_486 = arith.constant 0 : i32
        %lt3A_487 = vector.broadcast %lt3A_486 : i32 to vector<16xi32>
        %lt3A_488 = arith.cmpi slt, %shift_right_logical3A_337, %lt3A_487 : vector<16xi32>
        %add3A_489 = arith.constant 16 : i32
        %add3A_490 = vector.broadcast %add3A_489 : i32 to vector<16xi32>
        %add3A_491 = arith.addi %shift_right_logical3A_337, %add3A_490 : vector<16xi32>
        %select_n3A_492 = arith.select %lt3A_488, %add3A_491, %shift_right_logical3A_337 : vector<16xi1>, vector<16xi32>
        %broadcast_in_dim3A_493 = vector.shape_cast %select_n3A_492 : vector<16xi32> to vector<16x1xi32>
        %gather3A_494 = vector.shape_cast %broadcast_in_dim3A_493 : vector<16x1xi32> to vector<16xi32>
        %gather3A_495 = tpu.dynamic_gather %scan3A_301[%gather3A_494] in [0] : vector<16xi32>, vector<16xi32> -> vector<16xi32>
        %add3A_496 = arith.addi %gather3A_495, %and3A_460 : vector<16xi32>
        %mul3A_497 = arith.constant 16 : i32
        %mul3A_498 = arith.muli %scan3A_298, %mul3A_497 : i32
        %swap3A_499 = arith.index_cast %mul3A_498 : i32 to index
        %swap3A_500 = tpu.vector_load %arg15[%swap3A_499] {strides = array<i32>} : memref<7808xi32, #tpu.memory_space<vmem>>, vector<16xi32>,
        %swap3A_501 = vector.shape_cast %swap3A_500 : vector<16xi32> to vector<16xi32>
        %swap3A_502 = vector.shape_cast %sub3A_346 : vector<16xi32> to vector<16xi32>
        tpu.vector_store %arg15[%swap3A_499], %swap3A_502 {strides = array<i32>} : memref<7808xi32, #tpu.memory_space<vmem>>, vector<16xi32>,
        %mul3A_503 = arith.constant 16 : i32
        %mul3A_504 = arith.muli %scan3A_298, %mul3A_503 : i32
        %swap3A_505 = arith.index_cast %mul3A_504 : i32 to index
        %swap3A_506 = tpu.vector_load %arg17[%swap3A_505] {strides = array<i32>} : memref<7808xf32, #tpu.memory_space<vmem>>, vector<16xf32>,
        %swap3A_507 = vector.shape_cast %swap3A_506 : vector<16xf32> to vector<16xf32>
        %swap3A_508 = vector.shape_cast %div3A_317 : vector<16xf32> to vector<16xf32>
        tpu.vector_store %arg17[%swap3A_505], %swap3A_508 {strides = array<i32>} : memref<7808xf32, #tpu.memory_space<vmem>>, vector<16xf32>,
        %mul3A_509 = arith.constant 16 : i32
        %mul3A_510 = arith.muli %scan3A_298, %mul3A_509 : i32
        %swap3A_511 = arith.index_cast %mul3A_510 : i32 to index
        %swap3A_512 = tpu.vector_load %arg19[%swap3A_511] {strides = array<i32>} : memref<7808xi32, #tpu.memory_space<vmem>>, vector<16xi32>,
        %swap3A_513 = vector.shape_cast %swap3A_512 : vector<16xi32> to vector<16xi32>
        %swap3A_514 = vector.shape_cast %add3A_496 : vector<16xi32> to vector<16xi32>
        tpu.vector_store %arg19[%swap3A_511], %swap3A_514 {strides = array<i32>} : memref<7808xi32, #tpu.memory_space<vmem>>, vector<16xi32>,
        %add3A_515 = arith.addi %scan3A_301, %and3A_485 : vector<16xi32>
        scf.yield %select_n3A_327, %select_n3A_328, %add3A_515 : vector<16xf32>, vector<16xi32>, vector<16xi32>
      }
      %scan3A_122 = arith.constant 488 : i32
      %dma_wait3A = tpu.memref_slice %arg21[%add3A_62] : memref<329728xi32, #tpu.memory_space<vmem_shared>> -> memref<2560xi32, #tpu.memory_space<vmem_shared>>
      %dma_wait3A_123 = tpu.memref_slice %arg21[%add3A_62] : memref<329728xi32, #tpu.memory_space<vmem_shared>> -> memref<2560xi32, #tpu.memory_space<vmem_shared>>
      tpu.wait_dma2 semaphore(%arg23 : memref<!tpu.dma_semaphore, #tpu.memory_space<semaphore_mem>>) src(%arg14 : memref<2560xi32, #tpu.memory_space<vmem>>) dst(%dma_wait3A_123 : memref<2560xi32, #tpu.memory_space<vmem_shared>>)
      %dma_wait3A_124 = tpu.memref_slice %arg21[%add3A_67] : memref<329728xi32, #tpu.memory_space<vmem_shared>> -> memref<2560xi32, #tpu.memory_space<vmem_shared>>
      %dma_wait3A_125 = tpu.memref_slice %arg21[%add3A_67] : memref<329728xi32, #tpu.memory_space<vmem_shared>> -> memref<2560xi32, #tpu.memory_space<vmem_shared>>
      tpu.wait_dma2 semaphore(%arg23 : memref<!tpu.dma_semaphore, #tpu.memory_space<semaphore_mem>>) src(%arg14 : memref<2560xi32, #tpu.memory_space<vmem>>) dst(%dma_wait3A_125 : memref<2560xi32, #tpu.memory_space<vmem_shared>>)
      %dma_wait3A_126 = tpu.memref_slice %arg21[%add3A_73] : memref<329728xi32, #tpu.memory_space<vmem_shared>> -> memref<2560xi32, #tpu.memory_space<vmem_shared>>
      %dma_wait3A_127 = tpu.memref_slice %arg21[%add3A_73] : memref<329728xi32, #tpu.memory_space<vmem_shared>> -> memref<2560xi32, #tpu.memory_space<vmem_shared>>
      tpu.wait_dma2 semaphore(%arg23 : memref<!tpu.dma_semaphore, #tpu.memory_space<semaphore_mem>>) src(%arg14 : memref<2560xi32, #tpu.memory_space<vmem>>) dst(%dma_wait3A_127 : memref<2560xi32, #tpu.memory_space<vmem_shared>>)
      %dma_wait3A_128 = tpu.memref_slice %arg21[%add3A_79] : memref<329728xi32, #tpu.memory_space<vmem_shared>> -> memref<2560xi32, #tpu.memory_space<vmem_shared>>
      %dma_wait3A_129 = tpu.memref_slice %arg21[%add3A_79] : memref<329728xi32, #tpu.memory_space<vmem_shared>> -> memref<2560xi32, #tpu.memory_space<vmem_shared>>
      tpu.wait_dma2 semaphore(%arg23 : memref<!tpu.dma_semaphore, #tpu.memory_space<semaphore_mem>>) src(%arg14 : memref<2560xi32, #tpu.memory_space<vmem>>) dst(%dma_wait3A_129 : memref<2560xi32, #tpu.memory_space<vmem_shared>>)
      %dma_wait3A_130 = tpu.memref_slice %arg21[%add3A_85] : memref<329728xi32, #tpu.memory_space<vmem_shared>> -> memref<2560xi32, #tpu.memory_space<vmem_shared>>
      %dma_wait3A_131 = tpu.memref_slice %arg21[%add3A_85] : memref<329728xi32, #tpu.memory_space<vmem_shared>> -> memref<2560xi32, #tpu.memory_space<vmem_shared>>
      tpu.wait_dma2 semaphore(%arg23 : memref<!tpu.dma_semaphore, #tpu.memory_space<semaphore_mem>>) src(%arg14 : memref<2560xi32, #tpu.memory_space<vmem>>) dst(%dma_wait3A_131 : memref<2560xi32, #tpu.memory_space<vmem_shared>>)
      %dma_wait3A_132 = tpu.memref_slice %arg21[%add3A_91] : memref<329728xi32, #tpu.memory_space<vmem_shared>> -> memref<2560xi32, #tpu.memory_space<vmem_shared>>
      %dma_wait3A_133 = tpu.memref_slice %arg21[%add3A_91] : memref<329728xi32, #tpu.memory_space<vmem_shared>> -> memref<2560xi32, #tpu.memory_space<vmem_shared>>
      tpu.wait_dma2 semaphore(%arg23 : memref<!tpu.dma_semaphore, #tpu.memory_space<semaphore_mem>>) src(%arg14 : memref<2560xi32, #tpu.memory_space<vmem>>) dst(%dma_wait3A_133 : memref<2560xi32, #tpu.memory_space<vmem_shared>>)
      %dma_wait3A_134 = tpu.memref_slice %arg21[%add3A_97] : memref<329728xi32, #tpu.memory_space<vmem_shared>> -> memref<2560xi32, #tpu.memory_space<vmem_shared>>
      %dma_wait3A_135 = tpu.memref_slice %arg21[%add3A_97] : memref<329728xi32, #tpu.memory_space<vmem_shared>> -> memref<2560xi32, #tpu.memory_space<vmem_shared>>
      tpu.wait_dma2 semaphore(%arg23 : memref<!tpu.dma_semaphore, #tpu.memory_space<semaphore_mem>>) src(%arg14 : memref<2560xi32, #tpu.memory_space<vmem>>) dst(%dma_wait3A_135 : memref<2560xi32, #tpu.memory_space<vmem_shared>>)
      %dma_wait3A_136 = tpu.memref_slice %arg21[%add3A_103] : memref<329728xi32, #tpu.memory_space<vmem_shared>> -> memref<2560xi32, #tpu.memory_space<vmem_shared>>
      %dma_wait3A_137 = tpu.memref_slice %arg21[%add3A_103] : memref<329728xi32, #tpu.memory_space<vmem_shared>> -> memref<2560xi32, #tpu.memory_space<vmem_shared>>
      tpu.wait_dma2 semaphore(%arg23 : memref<!tpu.dma_semaphore, #tpu.memory_space<semaphore_mem>>) src(%arg14 : memref<2560xi32, #tpu.memory_space<vmem>>) dst(%dma_wait3A_137 : memref<2560xi32, #tpu.memory_space<vmem_shared>>)
      %dma_start3A_138 = arith.constant 0 : i32
      %dma_start3A_139 = tpu.memref_slice %arg21[%dma_start3A_138] : memref<329728xi32, #tpu.memory_space<vmem_shared>> -> memref<329728xi32, #tpu.memory_space<vmem_shared>>
      tpu.enqueue_indirect_dma source(%arg15 : memref<7808xi32, #tpu.memory_space<vmem>>) target(%dma_start3A_139 : memref<329728xi32, #tpu.memory_space<vmem_shared>>) offsets(%arg19 : memref<7808xi32, #tpu.memory_space<vmem>>) semaphore(%arg24 : memref<!tpu.dma_semaphore, #tpu.memory_space<semaphore_mem>>)
      %dma_start3A_140 = arith.constant 0 : i32
      %dma_start3A_141 = tpu.memref_slice %arg22[%dma_start3A_140] : memref<329728xf32, #tpu.memory_space<vmem_shared>> -> memref<329728xf32, #tpu.memory_space<vmem_shared>>
      tpu.enqueue_indirect_dma source(%arg17 : memref<7808xf32, #tpu.memory_space<vmem>>) target(%dma_start3A_141 : memref<329728xf32, #tpu.memory_space<vmem_shared>>) offsets(%arg19 : memref<7808xi32, #tpu.memory_space<vmem>>) semaphore(%arg24 : memref<!tpu.dma_semaphore, #tpu.memory_space<semaphore_mem>>)
      %scan3A_142 = arith.constant 0 : i32
      %scan3A_143 = arith.constant 489 : i32
      %scan3A_144 = arith.addi %scan3A_142, %scan3A_143 : i32
      %scan3A_145 = arith.constant 1 : i32
      %scan3A_146:3 = scf.for %scan3A_298 = %scan3A_142 to %scan3A_144 step %scan3A_145 iter_args(%scan3A_299 = %scan3A_121#0, %scan3A_300 = %scan3A_121#1, %scan3A_301 = %scan3A_121#2) -> (vector<16xf32>, vector<16xi32>, vector<16xi32>)  : i32 {
        %add3A_302 = arith.constant 488 : i32
        %add3A_303 = arith.addi %add3A_302, %scan3A_298 : i32
        %mul3A_304 = arith.constant 16 : i32
        %mul3A_305 = arith.muli %add3A_303, %mul3A_304 : i32
        %get3A_306 = arith.index_cast %mul3A_305 : i32 to index
        %get3A_307 = tpu.vector_load %arg9[%get3A_306] {strides = array<i32>} : memref<15632xf32, #tpu.memory_space<vmem>>, vector<16xf32>,
        %get3A_308 = vector.shape_cast %get3A_307 : vector<16xf32> to vector<16xf32>
        %sub3A_309 = arith.subf %get3A_308, %get3A_2 : vector<16xf32>
        %mul3A_310 = arith.constant 1.000000e+01 : f32
        %mul3A_311 = vector.broadcast %mul3A_310 : f32 to vector<16xf32>
        %mul3A_312 = arith.mulf %sub3A_309, %mul3A_311 : vector<16xf32>
        %exp3A = math.exp %mul3A_312 : vector<16xf32>
        %add3A_313 = arith.constant 1.000000e+00 : f32
        %add3A_314 = vector.broadcast %add3A_313 : f32 to vector<16xf32>
        %add3A_315 = arith.addf %add3A_314, %exp3A : vector<16xf32>
        %div3A = arith.constant 1.000000e+00 : f32
        %div3A_316 = vector.broadcast %div3A : f32 to vector<16xf32>
        %div3A_317 = arith.divf %div3A_316, %add3A_315 : vector<16xf32>
        %sub3A_318 = arith.subf %get3A_308, %get3A_2 : vector<16xf32>
        %abs3A = math.absf %sub3A_318 : vector<16xf32>
        %add3A_319 = arith.constant 488 : i32
        %add3A_320 = arith.addi %add3A_319, %scan3A_298 : i32
        %mul3A_321 = arith.constant 16 : i32
        %mul3A_322 = arith.muli %add3A_320, %mul3A_321 : i32
        %add3A_323 = arith.addi %mul3A_53, %mul3A_322 : i32
        %add3A_324 = vector.broadcast %add3A_323 : i32 to vector<16xi32>
        %add3A_325 = arith.addi %add3A_324, %iota3A : vector<16xi32>
        %lt3A_326 = arith.cmpf olt, %abs3A, %scan3A_299 : vector<16xf32>
        %select_n3A_327 = arith.select %lt3A_326, %abs3A, %scan3A_299 : vector<16xi1>, vector<16xf32>
        %select_n3A_328 = arith.select %lt3A_326, %add3A_325, %scan3A_300 : vector<16xi1>, vector<16xi32>
        %add3A_329 = arith.constant 488 : i32
        %add3A_330 = arith.addi %add3A_329, %scan3A_298 : i32
        %mul3A_331 = arith.constant 16 : i32
        %mul3A_332 = arith.muli %add3A_330, %mul3A_331 : i32
        %get3A_333 = arith.index_cast %mul3A_332 : i32 to index
        %get3A_334 = tpu.vector_load %arg10[%get3A_333] {strides = array<i32>} : memref<15632xi32, #tpu.memory_space<vmem>>, vector<16xi32>,
        %get3A_335 = vector.shape_cast %get3A_334 : vector<16xi32> to vector<16xi32>
        %shift_right_logical3A = arith.constant 17 : i32
        %shift_right_logical3A_336 = vector.broadcast %shift_right_logical3A : i32 to vector<16xi32>
        %shift_right_logical3A_337 = arith.shrui %get3A_335, %shift_right_logical3A_336 : vector<16xi32>
        %ge3A_338 = arith.constant 4 : i32
        %ge3A_339 = vector.broadcast %ge3A_338 : i32 to vector<16xi32>
        %ge3A_340 = arith.cmpi sge, %shift_right_logical3A_337, %ge3A_339 : vector<16xi32>
        %jit3A_341 = arith.constant 524288 : i32
        %jit3A_342 = arith.constant 0 : i32
        %broadcast_in_dim3A_343 = vector.broadcast %jit3A_341 : i32 to vector<16xi32>
        %broadcast_in_dim3A_344 = vector.broadcast %jit3A_342 : i32 to vector<16xi32>
        %select_n3A_345 = arith.select %ge3A_340, %broadcast_in_dim3A_343, %broadcast_in_dim3A_344 : vector<16xi1>, vector<16xi32>
        %sub3A_346 = arith.subi %get3A_335, %select_n3A_345 : vector<16xi32>
        %and3A_347 = arith.constant 3 : i32
        %and3A_348 = vector.broadcast %and3A_347 : i32 to vector<16xi32>
        %and3A_349 = arith.andi %shift_right_logical3A_337, %and3A_348 : vector<16xi32>
        %shift_left3A_350 = arith.constant 3 : i32
        %shift_left3A_351 = vector.broadcast %shift_left3A_350 : i32 to vector<16xi32>
        %shift_left3A_352 = arith.shli %and3A_349, %shift_left3A_351 : vector<16xi32>
        %shift_left3A_353 = arith.constant 1 : i32
        %shift_left3A_354 = vector.broadcast %shift_left3A_353 : i32 to vector<16xi32>
        %shift_left3A_355 = arith.shli %shift_left3A_354, %shift_left3A_352 : vector<16xi32>
        %select_n3A_356 = arith.select %ge3A_340, %broadcast_in_dim3A_38, %shift_left3A_355 : vector<16xi1>, vector<16xi32>
        %select_n3A_357 = arith.select %ge3A_340, %shift_left3A_355, %broadcast_in_dim3A_38 : vector<16xi1>, vector<16xi32>
        %lt3A_358 = arith.constant 0 : i32
        %lt3A_359 = vector.broadcast %lt3A_358 : i32 to vector<16xi32>
        %lt3A_360 = arith.cmpi slt, %max3A_6, %lt3A_359 : vector<16xi32>
        %add3A_361 = arith.constant 16 : i32
        %add3A_362 = vector.broadcast %add3A_361 : i32 to vector<16xi32>
        %add3A_363 = arith.addi %max3A_6, %add3A_362 : vector<16xi32>
        %select_n3A_364 = arith.select %lt3A_360, %add3A_363, %max3A_6 : vector<16xi1>, vector<16xi32>
        %broadcast_in_dim3A_365 = vector.shape_cast %select_n3A_364 : vector<16xi32> to vector<16x1xi32>
        %gather3A_366 = vector.shape_cast %broadcast_in_dim3A_365 : vector<16x1xi32> to vector<16xi32>
        %gather3A_367 = tpu.dynamic_gather %select_n3A_356[%gather3A_366] in [0] : vector<16xi32>, vector<16xi32> -> vector<16xi32>
        %select_n3A_368 = arith.select %ge3A_26, %gather3A_367, %broadcast_in_dim3A_38 : vector<16xi1>, vector<16xi32>
        %add3A_369 = arith.addi %select_n3A_356, %select_n3A_368 : vector<16xi32>
        %lt3A_370 = arith.constant 0 : i32
        %lt3A_371 = vector.broadcast %lt3A_370 : i32 to vector<16xi32>
        %lt3A_372 = arith.cmpi slt, %max3A_12, %lt3A_371 : vector<16xi32>
        %add3A_373 = arith.constant 16 : i32
        %add3A_374 = vector.broadcast %add3A_373 : i32 to vector<16xi32>
        %add3A_375 = arith.addi %max3A_12, %add3A_374 : vector<16xi32>
        %select_n3A_376 = arith.select %lt3A_372, %add3A_375, %max3A_12 : vector<16xi1>, vector<16xi32>
        %broadcast_in_dim3A_377 = vector.shape_cast %select_n3A_376 : vector<16xi32> to vector<16x1xi32>
        %gather3A_378 = vector.shape_cast %broadcast_in_dim3A_377 : vector<16x1xi32> to vector<16xi32>
        %gather3A_379 = tpu.dynamic_gather %add3A_369[%gather3A_378] in [0] : vector<16xi32>, vector<16xi32> -> vector<16xi32>
        %select_n3A_380 = arith.select %ge3A_29, %gather3A_379, %broadcast_in_dim3A_38 : vector<16xi1>, vector<16xi32>
        %add3A_381 = arith.addi %add3A_369, %select_n3A_380 : vector<16xi32>
        %lt3A_382 = arith.constant 0 : i32
        %lt3A_383 = vector.broadcast %lt3A_382 : i32 to vector<16xi32>
        %lt3A_384 = arith.cmpi slt, %max3A_18, %lt3A_383 : vector<16xi32>
        %add3A_385 = arith.constant 16 : i32
        %add3A_386 = vector.broadcast %add3A_385 : i32 to vector<16xi32>
        %add3A_387 = arith.addi %max3A_18, %add3A_386 : vector<16xi32>
        %select_n3A_388 = arith.select %lt3A_384, %add3A_387, %max3A_18 : vector<16xi1>, vector<16xi32>
        %broadcast_in_dim3A_389 = vector.shape_cast %select_n3A_388 : vector<16xi32> to vector<16x1xi32>
        %gather3A_390 = vector.shape_cast %broadcast_in_dim3A_389 : vector<16x1xi32> to vector<16xi32>
        %gather3A_391 = tpu.dynamic_gather %add3A_381[%gather3A_390] in [0] : vector<16xi32>, vector<16xi32> -> vector<16xi32>
        %select_n3A_392 = arith.select %ge3A_32, %gather3A_391, %broadcast_in_dim3A_38 : vector<16xi1>, vector<16xi32>
        %add3A_393 = arith.addi %add3A_381, %select_n3A_392 : vector<16xi32>
        %lt3A_394 = arith.constant 0 : i32
        %lt3A_395 = vector.broadcast %lt3A_394 : i32 to vector<16xi32>
        %lt3A_396 = arith.cmpi slt, %max3A_24, %lt3A_395 : vector<16xi32>
        %add3A_397 = arith.constant 16 : i32
        %add3A_398 = vector.broadcast %add3A_397 : i32 to vector<16xi32>
        %add3A_399 = arith.addi %max3A_24, %add3A_398 : vector<16xi32>
        %select_n3A_400 = arith.select %lt3A_396, %add3A_399, %max3A_24 : vector<16xi1>, vector<16xi32>
        %broadcast_in_dim3A_401 = vector.shape_cast %select_n3A_400 : vector<16xi32> to vector<16x1xi32>
        %gather3A_402 = vector.shape_cast %broadcast_in_dim3A_401 : vector<16x1xi32> to vector<16xi32>
        %gather3A_403 = tpu.dynamic_gather %add3A_393[%gather3A_402] in [0] : vector<16xi32>, vector<16xi32> -> vector<16xi32>
        %select_n3A_404 = arith.select %ge3A_35, %gather3A_403, %broadcast_in_dim3A_38 : vector<16xi1>, vector<16xi32>
        %add3A_405 = arith.addi %add3A_393, %select_n3A_404 : vector<16xi32>
        %lt3A_406 = arith.constant 0 : i32
        %lt3A_407 = vector.broadcast %lt3A_406 : i32 to vector<16xi32>
        %lt3A_408 = arith.cmpi slt, %max3A_6, %lt3A_407 : vector<16xi32>
        %add3A_409 = arith.constant 16 : i32
        %add3A_410 = vector.broadcast %add3A_409 : i32 to vector<16xi32>
        %add3A_411 = arith.addi %max3A_6, %add3A_410 : vector<16xi32>
        %select_n3A_412 = arith.select %lt3A_408, %add3A_411, %max3A_6 : vector<16xi1>, vector<16xi32>
        %broadcast_in_dim3A_413 = vector.shape_cast %select_n3A_412 : vector<16xi32> to vector<16x1xi32>
        %gather3A_414 = vector.shape_cast %broadcast_in_dim3A_413 : vector<16x1xi32> to vector<16xi32>
        %gather3A_415 = tpu.dynamic_gather %select_n3A_357[%gather3A_414] in [0] : vector<16xi32>, vector<16xi32> -> vector<16xi32>
        %select_n3A_416 = arith.select %ge3A_26, %gather3A_415, %broadcast_in_dim3A_38 : vector<16xi1>, vector<16xi32>
        %add3A_417 = arith.addi %select_n3A_357, %select_n3A_416 : vector<16xi32>
        %lt3A_418 = arith.constant 0 : i32
        %lt3A_419 = vector.broadcast %lt3A_418 : i32 to vector<16xi32>
        %lt3A_420 = arith.cmpi slt, %max3A_12, %lt3A_419 : vector<16xi32>
        %add3A_421 = arith.constant 16 : i32
        %add3A_422 = vector.broadcast %add3A_421 : i32 to vector<16xi32>
        %add3A_423 = arith.addi %max3A_12, %add3A_422 : vector<16xi32>
        %select_n3A_424 = arith.select %lt3A_420, %add3A_423, %max3A_12 : vector<16xi1>, vector<16xi32>
        %broadcast_in_dim3A_425 = vector.shape_cast %select_n3A_424 : vector<16xi32> to vector<16x1xi32>
        %gather3A_426 = vector.shape_cast %broadcast_in_dim3A_425 : vector<16x1xi32> to vector<16xi32>
        %gather3A_427 = tpu.dynamic_gather %add3A_417[%gather3A_426] in [0] : vector<16xi32>, vector<16xi32> -> vector<16xi32>
        %select_n3A_428 = arith.select %ge3A_29, %gather3A_427, %broadcast_in_dim3A_38 : vector<16xi1>, vector<16xi32>
        %add3A_429 = arith.addi %add3A_417, %select_n3A_428 : vector<16xi32>
        %lt3A_430 = arith.constant 0 : i32
        %lt3A_431 = vector.broadcast %lt3A_430 : i32 to vector<16xi32>
        %lt3A_432 = arith.cmpi slt, %max3A_18, %lt3A_431 : vector<16xi32>
        %add3A_433 = arith.constant 16 : i32
        %add3A_434 = vector.broadcast %add3A_433 : i32 to vector<16xi32>
        %add3A_435 = arith.addi %max3A_18, %add3A_434 : vector<16xi32>
        %select_n3A_436 = arith.select %lt3A_432, %add3A_435, %max3A_18 : vector<16xi1>, vector<16xi32>
        %broadcast_in_dim3A_437 = vector.shape_cast %select_n3A_436 : vector<16xi32> to vector<16x1xi32>
        %gather3A_438 = vector.shape_cast %broadcast_in_dim3A_437 : vector<16x1xi32> to vector<16xi32>
        %gather3A_439 = tpu.dynamic_gather %add3A_429[%gather3A_438] in [0] : vector<16xi32>, vector<16xi32> -> vector<16xi32>
        %select_n3A_440 = arith.select %ge3A_32, %gather3A_439, %broadcast_in_dim3A_38 : vector<16xi1>, vector<16xi32>
        %add3A_441 = arith.addi %add3A_429, %select_n3A_440 : vector<16xi32>
        %lt3A_442 = arith.constant 0 : i32
        %lt3A_443 = vector.broadcast %lt3A_442 : i32 to vector<16xi32>
        %lt3A_444 = arith.cmpi slt, %max3A_24, %lt3A_443 : vector<16xi32>
        %add3A_445 = arith.constant 16 : i32
        %add3A_446 = vector.broadcast %add3A_445 : i32 to vector<16xi32>
        %add3A_447 = arith.addi %max3A_24, %add3A_446 : vector<16xi32>
        %select_n3A_448 = arith.select %lt3A_444, %add3A_447, %max3A_24 : vector<16xi1>, vector<16xi32>
        %broadcast_in_dim3A_449 = vector.shape_cast %select_n3A_448 : vector<16xi32> to vector<16x1xi32>
        %gather3A_450 = vector.shape_cast %broadcast_in_dim3A_449 : vector<16x1xi32> to vector<16xi32>
        %gather3A_451 = tpu.dynamic_gather %add3A_441[%gather3A_450] in [0] : vector<16xi32>, vector<16xi32> -> vector<16xi32>
        %select_n3A_452 = arith.select %ge3A_35, %gather3A_451, %broadcast_in_dim3A_38 : vector<16xi1>, vector<16xi32>
        %add3A_453 = arith.addi %add3A_441, %select_n3A_452 : vector<16xi32>
        %sub3A_454 = arith.subi %add3A_453, %select_n3A_357 : vector<16xi32>
        %sub3A_455 = arith.subi %add3A_405, %select_n3A_356 : vector<16xi32>
        %select_n3A_456 = arith.select %ge3A_340, %sub3A_454, %sub3A_455 : vector<16xi1>, vector<16xi32>
        %shift_right_logical3A_457 = arith.shrui %select_n3A_456, %shift_left3A_352 : vector<16xi32>
        %and3A_458 = arith.constant 255 : i32
        %and3A_459 = vector.broadcast %and3A_458 : i32 to vector<16xi32>
        %and3A_460 = arith.andi %shift_right_logical3A_457, %and3A_459 : vector<16xi32>
        %lt3A_461 = arith.constant 0 : i32
        %lt3A_462 = vector.broadcast %lt3A_461 : i32 to vector<16xi32>
        %lt3A_463 = arith.cmpi slt, %broadcast_in_dim3A_36, %lt3A_462 : vector<16xi32>
        %add3A_464 = arith.constant 16 : i32
        %add3A_465 = vector.broadcast %add3A_464 : i32 to vector<16xi32>
        %add3A_466 = arith.addi %broadcast_in_dim3A_36, %add3A_465 : vector<16xi32>
        %select_n3A_467 = arith.select %lt3A_463, %add3A_466, %broadcast_in_dim3A_36 : vector<16xi1>, vector<16xi32>
        %broadcast_in_dim3A_468 = vector.shape_cast %select_n3A_467 : vector<16xi32> to vector<16x1xi32>
        %gather3A_469 = vector.shape_cast %broadcast_in_dim3A_468 : vector<16x1xi32> to vector<16xi32>
        %gather3A_470 = tpu.dynamic_gather %add3A_405[%gather3A_469] in [0] : vector<16xi32>, vector<16xi32> -> vector<16xi32>
        %lt3A_471 = arith.constant 0 : i32
        %lt3A_472 = vector.broadcast %lt3A_471 : i32 to vector<16xi32>
        %lt3A_473 = arith.cmpi slt, %broadcast_in_dim3A_36, %lt3A_472 : vector<16xi32>
        %add3A_474 = arith.constant 16 : i32
        %add3A_475 = vector.broadcast %add3A_474 : i32 to vector<16xi32>
        %add3A_476 = arith.addi %broadcast_in_dim3A_36, %add3A_475 : vector<16xi32>
        %select_n3A_477 = arith.select %lt3A_473, %add3A_476, %broadcast_in_dim3A_36 : vector<16xi1>, vector<16xi32>
        %broadcast_in_dim3A_478 = vector.shape_cast %select_n3A_477 : vector<16xi32> to vector<16x1xi32>
        %gather3A_479 = vector.shape_cast %broadcast_in_dim3A_478 : vector<16x1xi32> to vector<16xi32>
        %gather3A_480 = tpu.dynamic_gather %add3A_453[%gather3A_479] in [0] : vector<16xi32>, vector<16xi32> -> vector<16xi32>
        %select_n3A_481 = arith.select %lt3A_44, %gather3A_470, %gather3A_480 : vector<16xi1>, vector<16xi32>
        %shift_right_logical3A_482 = arith.shrui %select_n3A_481, %shift_left3A_42 : vector<16xi32>
        %and3A_483 = arith.constant 255 : i32
        %and3A_484 = vector.broadcast %and3A_483 : i32 to vector<16xi32>
        %and3A_485 = arith.andi %shift_right_logical3A_482, %and3A_484 : vector<16xi32>
        %lt3A_486 = arith.constant 0 : i32
        %lt3A_487 = vector.broadcast %lt3A_486 : i32 to vector<16xi32>
        %lt3A_488 = arith.cmpi slt, %shift_right_logical3A_337, %lt3A_487 : vector<16xi32>
        %add3A_489 = arith.constant 16 : i32
        %add3A_490 = vector.broadcast %add3A_489 : i32 to vector<16xi32>
        %add3A_491 = arith.addi %shift_right_logical3A_337, %add3A_490 : vector<16xi32>
        %select_n3A_492 = arith.select %lt3A_488, %add3A_491, %shift_right_logical3A_337 : vector<16xi1>, vector<16xi32>
        %broadcast_in_dim3A_493 = vector.shape_cast %select_n3A_492 : vector<16xi32> to vector<16x1xi32>
        %gather3A_494 = vector.shape_cast %broadcast_in_dim3A_493 : vector<16x1xi32> to vector<16xi32>
        %gather3A_495 = tpu.dynamic_gather %scan3A_301[%gather3A_494] in [0] : vector<16xi32>, vector<16xi32> -> vector<16xi32>
        %add3A_496 = arith.addi %gather3A_495, %and3A_460 : vector<16xi32>
        %mul3A_497 = arith.constant 16 : i32
        %mul3A_498 = arith.muli %scan3A_298, %mul3A_497 : i32
        %swap3A_499 = arith.index_cast %mul3A_498 : i32 to index
        %swap3A_500 = tpu.vector_load %arg16[%swap3A_499] {strides = array<i32>} : memref<7824xi32, #tpu.memory_space<vmem>>, vector<16xi32>,
        %swap3A_501 = vector.shape_cast %swap3A_500 : vector<16xi32> to vector<16xi32>
        %swap3A_502 = vector.shape_cast %sub3A_346 : vector<16xi32> to vector<16xi32>
        tpu.vector_store %arg16[%swap3A_499], %swap3A_502 {strides = array<i32>} : memref<7824xi32, #tpu.memory_space<vmem>>, vector<16xi32>,
        %mul3A_503 = arith.constant 16 : i32
        %mul3A_504 = arith.muli %scan3A_298, %mul3A_503 : i32
        %swap3A_505 = arith.index_cast %mul3A_504 : i32 to index
        %swap3A_506 = tpu.vector_load %arg18[%swap3A_505] {strides = array<i32>} : memref<7824xf32, #tpu.memory_space<vmem>>, vector<16xf32>,
        %swap3A_507 = vector.shape_cast %swap3A_506 : vector<16xf32> to vector<16xf32>
        %swap3A_508 = vector.shape_cast %div3A_317 : vector<16xf32> to vector<16xf32>
        tpu.vector_store %arg18[%swap3A_505], %swap3A_508 {strides = array<i32>} : memref<7824xf32, #tpu.memory_space<vmem>>, vector<16xf32>,
        %mul3A_509 = arith.constant 16 : i32
        %mul3A_510 = arith.muli %scan3A_298, %mul3A_509 : i32
        %swap3A_511 = arith.index_cast %mul3A_510 : i32 to index
        %swap3A_512 = tpu.vector_load %arg20[%swap3A_511] {strides = array<i32>} : memref<7824xi32, #tpu.memory_space<vmem>>, vector<16xi32>,
        %swap3A_513 = vector.shape_cast %swap3A_512 : vector<16xi32> to vector<16xi32>
        %swap3A_514 = vector.shape_cast %add3A_496 : vector<16xi32> to vector<16xi32>
        tpu.vector_store %arg20[%swap3A_511], %swap3A_514 {strides = array<i32>} : memref<7824xi32, #tpu.memory_space<vmem>>, vector<16xi32>,
        %add3A_515 = arith.addi %scan3A_301, %and3A_485 : vector<16xi32>
        scf.yield %select_n3A_327, %select_n3A_328, %add3A_515 : vector<16xf32>, vector<16xi32>, vector<16xi32>
      }
      %scan3A_147 = arith.constant 489 : i32
      %dma_start3A_148 = arith.constant 0 : i32
      %dma_start3A_149 = tpu.memref_slice %arg21[%dma_start3A_148] : memref<329728xi32, #tpu.memory_space<vmem_shared>> -> memref<329728xi32, #tpu.memory_space<vmem_shared>>
      tpu.enqueue_indirect_dma source(%arg16 : memref<7824xi32, #tpu.memory_space<vmem>>) target(%dma_start3A_149 : memref<329728xi32, #tpu.memory_space<vmem_shared>>) offsets(%arg20 : memref<7824xi32, #tpu.memory_space<vmem>>) semaphore(%arg24 : memref<!tpu.dma_semaphore, #tpu.memory_space<semaphore_mem>>)
      %dma_start3A_150 = arith.constant 0 : i32
      %dma_start3A_151 = tpu.memref_slice %arg22[%dma_start3A_150] : memref<329728xf32, #tpu.memory_space<vmem_shared>> -> memref<329728xf32, #tpu.memory_space<vmem_shared>>
      tpu.enqueue_indirect_dma source(%arg18 : memref<7824xf32, #tpu.memory_space<vmem>>) target(%dma_start3A_151 : memref<329728xf32, #tpu.memory_space<vmem_shared>>) offsets(%arg20 : memref<7824xi32, #tpu.memory_space<vmem>>) semaphore(%arg24 : memref<!tpu.dma_semaphore, #tpu.memory_space<semaphore_mem>>)
      %iota3A_152 = tpu.iota {dimensions = array<i32: 0>} : vector<16xi32>
      %xor3A = arith.constant 8 : i32
      %xor3A_153 = vector.broadcast %xor3A : i32 to vector<16xi32>
      %xor3A_154 = arith.xori %iota3A_152, %xor3A_153 : vector<16xi32>
      %lt3A_155 = arith.constant 0 : i32
      %lt3A_156 = vector.broadcast %lt3A_155 : i32 to vector<16xi32>
      %lt3A_157 = arith.cmpi slt, %xor3A_154, %lt3A_156 : vector<16xi32>
      %add3A_158 = arith.constant 16 : i32
      %add3A_159 = vector.broadcast %add3A_158 : i32 to vector<16xi32>
      %add3A_160 = arith.addi %xor3A_154, %add3A_159 : vector<16xi32>
      %select_n3A = arith.select %lt3A_157, %add3A_160, %xor3A_154 : vector<16xi1>, vector<16xi32>
      %broadcast_in_dim3A_161 = vector.shape_cast %select_n3A : vector<16xi32> to vector<16x1xi32>
      %gather3A = vector.shape_cast %broadcast_in_dim3A_161 : vector<16x1xi32> to vector<16xi32>
      %gather3A_162 = tpu.dynamic_gather %scan3A_146#0[%gather3A] in [0] : vector<16xf32>, vector<16xi32> -> vector<16xf32>
      %min3A = arith.minimumf %scan3A_146#0, %gather3A_162 : vector<16xf32>
      %xor3A_163 = arith.constant 4 : i32
      %xor3A_164 = vector.broadcast %xor3A_163 : i32 to vector<16xi32>
      %xor3A_165 = arith.xori %iota3A_152, %xor3A_164 : vector<16xi32>
      %lt3A_166 = arith.constant 0 : i32
      %lt3A_167 = vector.broadcast %lt3A_166 : i32 to vector<16xi32>
      %lt3A_168 = arith.cmpi slt, %xor3A_165, %lt3A_167 : vector<16xi32>
      %add3A_169 = arith.constant 16 : i32
      %add3A_170 = vector.broadcast %add3A_169 : i32 to vector<16xi32>
      %add3A_171 = arith.addi %xor3A_165, %add3A_170 : vector<16xi32>
      %select_n3A_172 = arith.select %lt3A_168, %add3A_171, %xor3A_165 : vector<16xi1>, vector<16xi32>
      %broadcast_in_dim3A_173 = vector.shape_cast %select_n3A_172 : vector<16xi32> to vector<16x1xi32>
      %gather3A_174 = vector.shape_cast %broadcast_in_dim3A_173 : vector<16x1xi32> to vector<16xi32>
      %gather3A_175 = tpu.dynamic_gather %min3A[%gather3A_174] in [0] : vector<16xf32>, vector<16xi32> -> vector<16xf32>
      %min3A_176 = arith.minimumf %min3A, %gather3A_175 : vector<16xf32>
      %xor3A_177 = arith.constant 2 : i32
      %xor3A_178 = vector.broadcast %xor3A_177 : i32 to vector<16xi32>
      %xor3A_179 = arith.xori %iota3A_152, %xor3A_178 : vector<16xi32>
      %lt3A_180 = arith.constant 0 : i32
      %lt3A_181 = vector.broadcast %lt3A_180 : i32 to vector<16xi32>
      %lt3A_182 = arith.cmpi slt, %xor3A_179, %lt3A_181 : vector<16xi32>
      %add3A_183 = arith.constant 16 : i32
      %add3A_184 = vector.broadcast %add3A_183 : i32 to vector<16xi32>
      %add3A_185 = arith.addi %xor3A_179, %add3A_184 : vector<16xi32>
      %select_n3A_186 = arith.select %lt3A_182, %add3A_185, %xor3A_179 : vector<16xi1>, vector<16xi32>
      %broadcast_in_dim3A_187 = vector.shape_cast %select_n3A_186 : vector<16xi32> to vector<16x1xi32>
      %gather3A_188 = vector.shape_cast %broadcast_in_dim3A_187 : vector<16x1xi32> to vector<16xi32>
      %gather3A_189 = tpu.dynamic_gather %min3A_176[%gather3A_188] in [0] : vector<16xf32>, vector<16xi32> -> vector<16xf32>
      %min3A_190 = arith.minimumf %min3A_176, %gather3A_189 : vector<16xf32>
      %xor3A_191 = arith.constant 1 : i32
      %xor3A_192 = vector.broadcast %xor3A_191 : i32 to vector<16xi32>
      %xor3A_193 = arith.xori %iota3A_152, %xor3A_192 : vector<16xi32>
      %lt3A_194 = arith.constant 0 : i32
      %lt3A_195 = vector.broadcast %lt3A_194 : i32 to vector<16xi32>
      %lt3A_196 = arith.cmpi slt, %xor3A_193, %lt3A_195 : vector<16xi32>
      %add3A_197 = arith.constant 16 : i32
      %add3A_198 = vector.broadcast %add3A_197 : i32 to vector<16xi32>
      %add3A_199 = arith.addi %xor3A_193, %add3A_198 : vector<16xi32>
      %select_n3A_200 = arith.select %lt3A_196, %add3A_199, %xor3A_193 : vector<16xi1>, vector<16xi32>
      %broadcast_in_dim3A_201 = vector.shape_cast %select_n3A_200 : vector<16xi32> to vector<16x1xi32>
      %gather3A_202 = vector.shape_cast %broadcast_in_dim3A_201 : vector<16x1xi32> to vector<16xi32>
      %gather3A_203 = tpu.dynamic_gather %min3A_190[%gather3A_202] in [0] : vector<16xf32>, vector<16xi32> -> vector<16xf32>
      %min3A_204 = arith.minimumf %min3A_190, %gather3A_203 : vector<16xf32>
      %eq3A_205 = arith.cmpf oeq, %scan3A_146#0, %min3A_204 : vector<16xf32>
      %jit3A = arith.constant 1073741824 : i32
      %broadcast_in_dim3A_206 = vector.broadcast %jit3A : i32 to vector<16xi32>
      %select_n3A_207 = arith.select %eq3A_205, %scan3A_146#1, %broadcast_in_dim3A_206 : vector<16xi1>, vector<16xi32>
      %iota3A_208 = tpu.iota {dimensions = array<i32: 0>} : vector<16xi32>
      %xor3A_209 = arith.constant 8 : i32
      %xor3A_210 = vector.broadcast %xor3A_209 : i32 to vector<16xi32>
      %xor3A_211 = arith.xori %iota3A_208, %xor3A_210 : vector<16xi32>
      %lt3A_212 = arith.constant 0 : i32
      %lt3A_213 = vector.broadcast %lt3A_212 : i32 to vector<16xi32>
      %lt3A_214 = arith.cmpi slt, %xor3A_211, %lt3A_213 : vector<16xi32>
      %add3A_215 = arith.constant 16 : i32
      %add3A_216 = vector.broadcast %add3A_215 : i32 to vector<16xi32>
      %add3A_217 = arith.addi %xor3A_211, %add3A_216 : vector<16xi32>
      %select_n3A_218 = arith.select %lt3A_214, %add3A_217, %xor3A_211 : vector<16xi1>, vector<16xi32>
      %broadcast_in_dim3A_219 = vector.shape_cast %select_n3A_218 : vector<16xi32> to vector<16x1xi32>
      %gather3A_220 = vector.shape_cast %broadcast_in_dim3A_219 : vector<16x1xi32> to vector<16xi32>
      %gather3A_221 = tpu.dynamic_gather %select_n3A_207[%gather3A_220] in [0] : vector<16xi32>, vector<16xi32> -> vector<16xi32>
      %min3A_222 = arith.minsi %select_n3A_207, %gather3A_221 : vector<16xi32>
      %xor3A_223 = arith.constant 4 : i32
      %xor3A_224 = vector.broadcast %xor3A_223 : i32 to vector<16xi32>
      %xor3A_225 = arith.xori %iota3A_208, %xor3A_224 : vector<16xi32>
      %lt3A_226 = arith.constant 0 : i32
      %lt3A_227 = vector.broadcast %lt3A_226 : i32 to vector<16xi32>
      %lt3A_228 = arith.cmpi slt, %xor3A_225, %lt3A_227 : vector<16xi32>
      %add3A_229 = arith.constant 16 : i32
      %add3A_230 = vector.broadcast %add3A_229 : i32 to vector<16xi32>
      %add3A_231 = arith.addi %xor3A_225, %add3A_230 : vector<16xi32>
      %select_n3A_232 = arith.select %lt3A_228, %add3A_231, %xor3A_225 : vector<16xi1>, vector<16xi32>
      %broadcast_in_dim3A_233 = vector.shape_cast %select_n3A_232 : vector<16xi32> to vector<16x1xi32>
      %gather3A_234 = vector.shape_cast %broadcast_in_dim3A_233 : vector<16x1xi32> to vector<16xi32>
      %gather3A_235 = tpu.dynamic_gather %min3A_222[%gather3A_234] in [0] : vector<16xi32>, vector<16xi32> -> vector<16xi32>
      %min3A_236 = arith.minsi %min3A_222, %gather3A_235 : vector<16xi32>
      %xor3A_237 = arith.constant 2 : i32
      %xor3A_238 = vector.broadcast %xor3A_237 : i32 to vector<16xi32>
      %xor3A_239 = arith.xori %iota3A_208, %xor3A_238 : vector<16xi32>
      %lt3A_240 = arith.constant 0 : i32
      %lt3A_241 = vector.broadcast %lt3A_240 : i32 to vector<16xi32>
      %lt3A_242 = arith.cmpi slt, %xor3A_239, %lt3A_241 : vector<16xi32>
      %add3A_243 = arith.constant 16 : i32
      %add3A_244 = vector.broadcast %add3A_243 : i32 to vector<16xi32>
      %add3A_245 = arith.addi %xor3A_239, %add3A_244 : vector<16xi32>
      %select_n3A_246 = arith.select %lt3A_242, %add3A_245, %xor3A_239 : vector<16xi1>, vector<16xi32>
      %broadcast_in_dim3A_247 = vector.shape_cast %select_n3A_246 : vector<16xi32> to vector<16x1xi32>
      %gather3A_248 = vector.shape_cast %broadcast_in_dim3A_247 : vector<16x1xi32> to vector<16xi32>
      %gather3A_249 = tpu.dynamic_gather %min3A_236[%gather3A_248] in [0] : vector<16xi32>, vector<16xi32> -> vector<16xi32>
      %min3A_250 = arith.minsi %min3A_236, %gather3A_249 : vector<16xi32>
      %xor3A_251 = arith.constant 1 : i32
      %xor3A_252 = vector.broadcast %xor3A_251 : i32 to vector<16xi32>
      %xor3A_253 = arith.xori %iota3A_208, %xor3A_252 : vector<16xi32>
      %lt3A_254 = arith.constant 0 : i32
      %lt3A_255 = vector.broadcast %lt3A_254 : i32 to vector<16xi32>
      %lt3A_256 = arith.cmpi slt, %xor3A_253, %lt3A_255 : vector<16xi32>
      %add3A_257 = arith.constant 16 : i32
      %add3A_258 = vector.broadcast %add3A_257 : i32 to vector<16xi32>
      %add3A_259 = arith.addi %xor3A_253, %add3A_258 : vector<16xi32>
      %select_n3A_260 = arith.select %lt3A_256, %add3A_259, %xor3A_253 : vector<16xi1>, vector<16xi32>
      %broadcast_in_dim3A_261 = vector.shape_cast %select_n3A_260 : vector<16xi32> to vector<16x1xi32>
      %gather3A_262 = vector.shape_cast %broadcast_in_dim3A_261 : vector<16x1xi32> to vector<16xi32>
      %gather3A_263 = tpu.dynamic_gather %min3A_250[%gather3A_262] in [0] : vector<16xi32>, vector<16xi32> -> vector<16xi32>
      %min3A_264 = arith.minsi %min3A_250, %gather3A_263 : vector<16xi32>
      %swap3A = arith.constant 0 : index
      %swap3A_265 = tpu.vector_load %arg12[%swap3A] {strides = array<i32>} : memref<16xf32, #tpu.memory_space<vmem>>, vector<16xf32>,
      %swap3A_266 = vector.shape_cast %swap3A_265 : vector<16xf32> to vector<16xf32>
      %swap3A_267 = vector.shape_cast %min3A_204 : vector<16xf32> to vector<16xf32>
      tpu.vector_store %arg12[%swap3A], %swap3A_267 {strides = array<i32>} : memref<16xf32, #tpu.memory_space<vmem>>, vector<16xf32>,
      %swap3A_268 = arith.constant 0 : index
      %swap3A_269 = tpu.vector_load %arg13[%swap3A_268] {strides = array<i32>} : memref<16xi32, #tpu.memory_space<vmem>>, vector<16xi32>,
      %swap3A_270 = vector.shape_cast %swap3A_269 : vector<16xi32> to vector<16xi32>
      %swap3A_271 = vector.shape_cast %min3A_264 : vector<16xi32> to vector<16xi32>
      tpu.vector_store %arg13[%swap3A_268], %swap3A_271 {strides = array<i32>} : memref<16xi32, #tpu.memory_space<vmem>>, vector<16xi32>,
      "tpu.region"() ({
        %run_scoped3A = tpu.sem_alloc : memref<!tpu.dma_semaphore, #tpu.memory_space<semaphore_mem>>
        %dma_start3A_298 = arith.constant 0 : i32
        %dma_start3A_299 = tpu.memref_slice %arg7[%add3A, %dma_start3A_298] : memref<32x16xf32, #tpu.memory_space<hbm>> -> memref<1x16xf32, #tpu.memory_space<hbm>>
        %dma_start3A_300 = tpu.memref_squeeze %dma_start3A_299 : memref<1x16xf32, #tpu.memory_space<hbm>> -> memref<16xf32, #tpu.memory_space<hbm>>
        %dma_start3A_301 = arith.constant 0 : i32
        %dma_start3A_302 = tpu.memref_slice %arg7[%add3A, %dma_start3A_301] : memref<32x16xf32, #tpu.memory_space<hbm>> -> memref<1x16xf32, #tpu.memory_space<hbm>>
        %dma_start3A_303 = tpu.memref_squeeze %dma_start3A_302 : memref<1x16xf32, #tpu.memory_space<hbm>> -> memref<16xf32, #tpu.memory_space<hbm>>
        tpu.enqueue_dma source(%arg12 : memref<16xf32, #tpu.memory_space<vmem>>) target(%dma_start3A_303 : memref<16xf32, #tpu.memory_space<hbm>>) target_semaphore(%run_scoped3A : memref<!tpu.dma_semaphore, #tpu.memory_space<semaphore_mem>>)
        %dma_wait3A_304 = arith.constant 0 : i32
        %dma_wait3A_305 = tpu.memref_slice %arg7[%add3A, %dma_wait3A_304] : memref<32x16xf32, #tpu.memory_space<hbm>> -> memref<1x16xf32, #tpu.memory_space<hbm>>
        %dma_wait3A_306 = tpu.memref_squeeze %dma_wait3A_305 : memref<1x16xf32, #tpu.memory_space<hbm>> -> memref<16xf32, #tpu.memory_space<hbm>>
        %dma_wait3A_307 = arith.constant 0 : i32
        %dma_wait3A_308 = tpu.memref_slice %arg7[%add3A, %dma_wait3A_307] : memref<32x16xf32, #tpu.memory_space<hbm>> -> memref<1x16xf32, #tpu.memory_space<hbm>>
        %dma_wait3A_309 = tpu.memref_squeeze %dma_wait3A_308 : memref<1x16xf32, #tpu.memory_space<hbm>> -> memref<16xf32, #tpu.memory_space<hbm>>
        tpu.wait_dma2 semaphore(%run_scoped3A : memref<!tpu.dma_semaphore, #tpu.memory_space<semaphore_mem>>) src(%arg12 : memref<16xf32, #tpu.memory_space<vmem>>) dst(%dma_wait3A_309 : memref<16xf32, #tpu.memory_space<hbm>>)
        tpu.yield
      }) : () -> ()
      "tpu.region"() ({
        %run_scoped3A = tpu.sem_alloc : memref<!tpu.dma_semaphore, #tpu.memory_space<semaphore_mem>>
        %dma_start3A_298 = arith.constant 0 : i32
        %dma_start3A_299 = tpu.memref_slice %arg8[%add3A, %dma_start3A_298] : memref<32x16xi32, #tpu.memory_space<hbm>> -> memref<1x16xi32, #tpu.memory_space<hbm>>
        %dma_start3A_300 = tpu.memref_squeeze %dma_start3A_299 : memref<1x16xi32, #tpu.memory_space<hbm>> -> memref<16xi32, #tpu.memory_space<hbm>>
        %dma_start3A_301 = arith.constant 0 : i32
        %dma_start3A_302 = tpu.memref_slice %arg8[%add3A, %dma_start3A_301] : memref<32x16xi32, #tpu.memory_space<hbm>> -> memref<1x16xi32, #tpu.memory_space<hbm>>
        %dma_start3A_303 = tpu.memref_squeeze %dma_start3A_302 : memref<1x16xi32, #tpu.memory_space<hbm>> -> memref<16xi32, #tpu.memory_space<hbm>>
        tpu.enqueue_dma source(%arg13 : memref<16xi32, #tpu.memory_space<vmem>>) target(%dma_start3A_303 : memref<16xi32, #tpu.memory_space<hbm>>) target_semaphore(%run_scoped3A : memref<!tpu.dma_semaphore, #tpu.memory_space<semaphore_mem>>)
        %dma_wait3A_304 = arith.constant 0 : i32
        %dma_wait3A_305 = tpu.memref_slice %arg8[%add3A, %dma_wait3A_304] : memref<32x16xi32, #tpu.memory_space<hbm>> -> memref<1x16xi32, #tpu.memory_space<hbm>>
        %dma_wait3A_306 = tpu.memref_squeeze %dma_wait3A_305 : memref<1x16xi32, #tpu.memory_space<hbm>> -> memref<16xi32, #tpu.memory_space<hbm>>
        %dma_wait3A_307 = arith.constant 0 : i32
        %dma_wait3A_308 = tpu.memref_slice %arg8[%add3A, %dma_wait3A_307] : memref<32x16xi32, #tpu.memory_space<hbm>> -> memref<1x16xi32, #tpu.memory_space<hbm>>
        %dma_wait3A_309 = tpu.memref_squeeze %dma_wait3A_308 : memref<1x16xi32, #tpu.memory_space<hbm>> -> memref<16xi32, #tpu.memory_space<hbm>>
        tpu.wait_dma2 semaphore(%run_scoped3A : memref<!tpu.dma_semaphore, #tpu.memory_space<semaphore_mem>>) src(%arg13 : memref<16xi32, #tpu.memory_space<vmem>>) dst(%dma_wait3A_309 : memref<16xi32, #tpu.memory_space<hbm>>)
        tpu.yield
      }) : () -> ()
      %dma_wait3A_272 = arith.constant 0 : i32
      %dma_wait3A_273 = tpu.memref_slice %arg21[%dma_wait3A_272] : memref<329728xi32, #tpu.memory_space<vmem_shared>> -> memref<329728xi32, #tpu.memory_space<vmem_shared>>
      tpu.wait_indirect_dma semaphore(%arg24 : memref<!tpu.dma_semaphore, #tpu.memory_space<semaphore_mem>>) src(%arg15 : memref<7808xi32, #tpu.memory_space<vmem>>) dst(%dma_wait3A_273 : memref<329728xi32, #tpu.memory_space<vmem_shared>>)
      %dma_wait3A_274 = arith.constant 0 : i32
      %dma_wait3A_275 = tpu.memref_slice %arg22[%dma_wait3A_274] : memref<329728xf32, #tpu.memory_space<vmem_shared>> -> memref<329728xf32, #tpu.memory_space<vmem_shared>>
      tpu.wait_indirect_dma semaphore(%arg24 : memref<!tpu.dma_semaphore, #tpu.memory_space<semaphore_mem>>) src(%arg17 : memref<7808xf32, #tpu.memory_space<vmem>>) dst(%dma_wait3A_275 : memref<329728xf32, #tpu.memory_space<vmem_shared>>)
      %dma_wait3A_276 = arith.constant 0 : i32
      %dma_wait3A_277 = tpu.memref_slice %arg21[%dma_wait3A_276] : memref<329728xi32, #tpu.memory_space<vmem_shared>> -> memref<329728xi32, #tpu.memory_space<vmem_shared>>
      tpu.wait_indirect_dma semaphore(%arg24 : memref<!tpu.dma_semaphore, #tpu.memory_space<semaphore_mem>>) src(%arg16 : memref<7824xi32, #tpu.memory_space<vmem>>) dst(%dma_wait3A_277 : memref<329728xi32, #tpu.memory_space<vmem_shared>>)
      %dma_wait3A_278 = arith.constant 0 : i32
      %dma_wait3A_279 = tpu.memref_slice %arg22[%dma_wait3A_278] : memref<329728xf32, #tpu.memory_space<vmem_shared>> -> memref<329728xf32, #tpu.memory_space<vmem_shared>>
      tpu.wait_indirect_dma semaphore(%arg24 : memref<!tpu.dma_semaphore, #tpu.memory_space<semaphore_mem>>) src(%arg18 : memref<7824xf32, #tpu.memory_space<vmem>>) dst(%dma_wait3A_279 : memref<329728xf32, #tpu.memory_space<vmem_shared>>)
      %barrier3A = arith.constant 0 : index
      tpu.barrier barrier_id(%barrier3A)
      %mul3A_280 = arith.constant 20480 : i32
      %mul3A_281 = arith.muli %arg1, %mul3A_280 : i32
      %add3A_282 = arith.constant 0 : i32
      %add3A_283 = arith.addi %mul3A_281, %add3A_282 : i32
      "tpu.region"() ({
        %run_scoped3A = tpu.sem_alloc : memref<!tpu.dma_semaphore, #tpu.memory_space<semaphore_mem>>
        %dma_start3A_298 = arith.constant 0 : i32
        %dma_start3A_299 = tpu.memref_slice %arg10[%dma_start3A_298] : memref<15632xi32, #tpu.memory_space<vmem>> -> memref<10240xi32, #tpu.memory_space<vmem>>
        %dma_start3A_300 = tpu.memref_slice %arg21[%add3A_283] : memref<329728xi32, #tpu.memory_space<vmem_shared>> -> memref<10240xi32, #tpu.memory_space<vmem_shared>>
        %dma_start3A_301 = arith.constant 0 : i32
        %dma_start3A_302 = tpu.memref_slice %arg10[%dma_start3A_301] : memref<15632xi32, #tpu.memory_space<vmem>> -> memref<10240xi32, #tpu.memory_space<vmem>>
        %dma_start3A_303 = tpu.memref_slice %arg21[%add3A_283] : memref<329728xi32, #tpu.memory_space<vmem_shared>> -> memref<10240xi32, #tpu.memory_space<vmem_shared>>
        tpu.enqueue_dma source(%dma_start3A_303 : memref<10240xi32, #tpu.memory_space<vmem_shared>>) target(%dma_start3A_302 : memref<10240xi32, #tpu.memory_space<vmem>>) target_semaphore(%run_scoped3A : memref<!tpu.dma_semaphore, #tpu.memory_space<semaphore_mem>>)
        %dma_wait3A_304 = arith.constant 0 : i32
        %dma_wait3A_305 = tpu.memref_slice %arg10[%dma_wait3A_304] : memref<15632xi32, #tpu.memory_space<vmem>> -> memref<10240xi32, #tpu.memory_space<vmem>>
        %dma_wait3A_306 = tpu.memref_slice %arg21[%add3A_283] : memref<329728xi32, #tpu.memory_space<vmem_shared>> -> memref<10240xi32, #tpu.memory_space<vmem_shared>>
        %dma_wait3A_307 = arith.constant 0 : i32
        %dma_wait3A_308 = tpu.memref_slice %arg10[%dma_wait3A_307] : memref<15632xi32, #tpu.memory_space<vmem>> -> memref<10240xi32, #tpu.memory_space<vmem>>
        %dma_wait3A_309 = tpu.memref_slice %arg21[%add3A_283] : memref<329728xi32, #tpu.memory_space<vmem_shared>> -> memref<10240xi32, #tpu.memory_space<vmem_shared>>
        tpu.wait_dma2 semaphore(%run_scoped3A : memref<!tpu.dma_semaphore, #tpu.memory_space<semaphore_mem>>) src(%dma_wait3A_309 : memref<10240xi32, #tpu.memory_space<vmem_shared>>) dst(%dma_wait3A_308 : memref<10240xi32, #tpu.memory_space<vmem>>)
        tpu.yield
      }) : () -> ()
      %mul3A_284 = arith.constant 327680 : i32
      %mul3A_285 = arith.muli %arg0, %mul3A_284 : i32
      %add3A_286 = arith.addi %mul3A_285, %add3A_283 : i32
      "tpu.region"() ({
        %run_scoped3A = tpu.sem_alloc : memref<!tpu.dma_semaphore, #tpu.memory_space<semaphore_mem>>
        %dma_start3A_298 = arith.constant 0 : i32
        %dma_start3A_299 = tpu.memref_slice %arg10[%dma_start3A_298] : memref<15632xi32, #tpu.memory_space<vmem>> -> memref<10240xi32, #tpu.memory_space<vmem>>
        %dma_start3A_300 = tpu.memref_slice %arg5[%add3A_286] : memref<655360xi32, #tpu.memory_space<hbm>> -> memref<10240xi32, #tpu.memory_space<hbm>>
        %dma_start3A_301 = tpu.memref_slice %arg5[%add3A_286] : memref<655360xi32, #tpu.memory_space<hbm>> -> memref<10240xi32, #tpu.memory_space<hbm>>
        %dma_start3A_302 = arith.constant 0 : i32
        %dma_start3A_303 = tpu.memref_slice %arg10[%dma_start3A_302] : memref<15632xi32, #tpu.memory_space<vmem>> -> memref<10240xi32, #tpu.memory_space<vmem>>
        tpu.enqueue_dma source(%dma_start3A_303 : memref<10240xi32, #tpu.memory_space<vmem>>) target(%dma_start3A_301 : memref<10240xi32, #tpu.memory_space<hbm>>) target_semaphore(%run_scoped3A : memref<!tpu.dma_semaphore, #tpu.memory_space<semaphore_mem>>)
        %dma_wait3A_304 = arith.constant 0 : i32
        %dma_wait3A_305 = tpu.memref_slice %arg10[%dma_wait3A_304] : memref<15632xi32, #tpu.memory_space<vmem>> -> memref<10240xi32, #tpu.memory_space<vmem>>
        %dma_wait3A_306 = tpu.memref_slice %arg5[%add3A_286] : memref<655360xi32, #tpu.memory_space<hbm>> -> memref<10240xi32, #tpu.memory_space<hbm>>
        %dma_wait3A_307 = tpu.memref_slice %arg5[%add3A_286] : memref<655360xi32, #tpu.memory_space<hbm>> -> memref<10240xi32, #tpu.memory_space<hbm>>
        %dma_wait3A_308 = arith.constant 0 : i32
        %dma_wait3A_309 = tpu.memref_slice %arg10[%dma_wait3A_308] : memref<15632xi32, #tpu.memory_space<vmem>> -> memref<10240xi32, #tpu.memory_space<vmem>>
        tpu.wait_dma2 semaphore(%run_scoped3A : memref<!tpu.dma_semaphore, #tpu.memory_space<semaphore_mem>>) src(%dma_wait3A_309 : memref<10240xi32, #tpu.memory_space<vmem>>) dst(%dma_wait3A_307 : memref<10240xi32, #tpu.memory_space<hbm>>)
        tpu.yield
      }) : () -> ()
      "tpu.region"() ({
        %run_scoped3A = tpu.sem_alloc : memref<!tpu.dma_semaphore, #tpu.memory_space<semaphore_mem>>
        %dma_start3A_298 = arith.constant 0 : i32
        %dma_start3A_299 = tpu.memref_slice %arg9[%dma_start3A_298] : memref<15632xf32, #tpu.memory_space<vmem>> -> memref<10240xf32, #tpu.memory_space<vmem>>
        %dma_start3A_300 = tpu.memref_slice %arg22[%add3A_283] : memref<329728xf32, #tpu.memory_space<vmem_shared>> -> memref<10240xf32, #tpu.memory_space<vmem_shared>>
        %dma_start3A_301 = arith.constant 0 : i32
        %dma_start3A_302 = tpu.memref_slice %arg9[%dma_start3A_301] : memref<15632xf32, #tpu.memory_space<vmem>> -> memref<10240xf32, #tpu.memory_space<vmem>>
        %dma_start3A_303 = tpu.memref_slice %arg22[%add3A_283] : memref<329728xf32, #tpu.memory_space<vmem_shared>> -> memref<10240xf32, #tpu.memory_space<vmem_shared>>
        tpu.enqueue_dma source(%dma_start3A_303 : memref<10240xf32, #tpu.memory_space<vmem_shared>>) target(%dma_start3A_302 : memref<10240xf32, #tpu.memory_space<vmem>>) target_semaphore(%run_scoped3A : memref<!tpu.dma_semaphore, #tpu.memory_space<semaphore_mem>>)
        %dma_wait3A_304 = arith.constant 0 : i32
        %dma_wait3A_305 = tpu.memref_slice %arg9[%dma_wait3A_304] : memref<15632xf32, #tpu.memory_space<vmem>> -> memref<10240xf32, #tpu.memory_space<vmem>>
        %dma_wait3A_306 = tpu.memref_slice %arg22[%add3A_283] : memref<329728xf32, #tpu.memory_space<vmem_shared>> -> memref<10240xf32, #tpu.memory_space<vmem_shared>>
        %dma_wait3A_307 = arith.constant 0 : i32
        %dma_wait3A_308 = tpu.memref_slice %arg9[%dma_wait3A_307] : memref<15632xf32, #tpu.memory_space<vmem>> -> memref<10240xf32, #tpu.memory_space<vmem>>
        %dma_wait3A_309 = tpu.memref_slice %arg22[%add3A_283] : memref<329728xf32, #tpu.memory_space<vmem_shared>> -> memref<10240xf32, #tpu.memory_space<vmem_shared>>
        tpu.wait_dma2 semaphore(%run_scoped3A : memref<!tpu.dma_semaphore, #tpu.memory_space<semaphore_mem>>) src(%dma_wait3A_309 : memref<10240xf32, #tpu.memory_space<vmem_shared>>) dst(%dma_wait3A_308 : memref<10240xf32, #tpu.memory_space<vmem>>)
        tpu.yield
      }) : () -> ()
      %mul3A_287 = arith.constant 327680 : i32
      %mul3A_288 = arith.muli %arg0, %mul3A_287 : i32
      %add3A_289 = arith.addi %mul3A_288, %add3A_283 : i32
      "tpu.region"() ({
        %run_scoped3A = tpu.sem_alloc : memref<!tpu.dma_semaphore, #tpu.memory_space<semaphore_mem>>
        %dma_start3A_298 = arith.constant 0 : i32
        %dma_start3A_299 = tpu.memref_slice %arg9[%dma_start3A_298] : memref<15632xf32, #tpu.memory_space<vmem>> -> memref<10240xf32, #tpu.memory_space<vmem>>
        %dma_start3A_300 = tpu.memref_slice %arg6[%add3A_289] : memref<655360xf32, #tpu.memory_space<hbm>> -> memref<10240xf32, #tpu.memory_space<hbm>>
        %dma_start3A_301 = tpu.memref_slice %arg6[%add3A_289] : memref<655360xf32, #tpu.memory_space<hbm>> -> memref<10240xf32, #tpu.memory_space<hbm>>
        %dma_start3A_302 = arith.constant 0 : i32
        %dma_start3A_303 = tpu.memref_slice %arg9[%dma_start3A_302] : memref<15632xf32, #tpu.memory_space<vmem>> -> memref<10240xf32, #tpu.memory_space<vmem>>
        tpu.enqueue_dma source(%dma_start3A_303 : memref<10240xf32, #tpu.memory_space<vmem>>) target(%dma_start3A_301 : memref<10240xf32, #tpu.memory_space<hbm>>) target_semaphore(%run_scoped3A : memref<!tpu.dma_semaphore, #tpu.memory_space<semaphore_mem>>)
        %dma_wait3A_304 = arith.constant 0 : i32
        %dma_wait3A_305 = tpu.memref_slice %arg9[%dma_wait3A_304] : memref<15632xf32, #tpu.memory_space<vmem>> -> memref<10240xf32, #tpu.memory_space<vmem>>
        %dma_wait3A_306 = tpu.memref_slice %arg6[%add3A_289] : memref<655360xf32, #tpu.memory_space<hbm>> -> memref<10240xf32, #tpu.memory_space<hbm>>
        %dma_wait3A_307 = tpu.memref_slice %arg6[%add3A_289] : memref<655360xf32, #tpu.memory_space<hbm>> -> memref<10240xf32, #tpu.memory_space<hbm>>
        %dma_wait3A_308 = arith.constant 0 : i32
        %dma_wait3A_309 = tpu.memref_slice %arg9[%dma_wait3A_308] : memref<15632xf32, #tpu.memory_space<vmem>> -> memref<10240xf32, #tpu.memory_space<vmem>>
        tpu.wait_dma2 semaphore(%run_scoped3A : memref<!tpu.dma_semaphore, #tpu.memory_space<semaphore_mem>>) src(%dma_wait3A_309 : memref<10240xf32, #tpu.memory_space<vmem>>) dst(%dma_wait3A_307 : memref<10240xf32, #tpu.memory_space<hbm>>)
        tpu.yield
      }) : () -> ()
      %add3A_290 = arith.constant 10240 : i32
      %add3A_291 = arith.addi %mul3A_281, %add3A_290 : i32
      "tpu.region"() ({
        %run_scoped3A = tpu.sem_alloc : memref<!tpu.dma_semaphore, #tpu.memory_space<semaphore_mem>>
        %dma_start3A_298 = arith.constant 0 : i32
        %dma_start3A_299 = tpu.memref_slice %arg10[%dma_start3A_298] : memref<15632xi32, #tpu.memory_space<vmem>> -> memref<10240xi32, #tpu.memory_space<vmem>>
        %dma_start3A_300 = tpu.memref_slice %arg21[%add3A_291] : memref<329728xi32, #tpu.memory_space<vmem_shared>> -> memref<10240xi32, #tpu.memory_space<vmem_shared>>
        %dma_start3A_301 = arith.constant 0 : i32
        %dma_start3A_302 = tpu.memref_slice %arg10[%dma_start3A_301] : memref<15632xi32, #tpu.memory_space<vmem>> -> memref<10240xi32, #tpu.memory_space<vmem>>
        %dma_start3A_303 = tpu.memref_slice %arg21[%add3A_291] : memref<329728xi32, #tpu.memory_space<vmem_shared>> -> memref<10240xi32, #tpu.memory_space<vmem_shared>>
        tpu.enqueue_dma source(%dma_start3A_303 : memref<10240xi32, #tpu.memory_space<vmem_shared>>) target(%dma_start3A_302 : memref<10240xi32, #tpu.memory_space<vmem>>) target_semaphore(%run_scoped3A : memref<!tpu.dma_semaphore, #tpu.memory_space<semaphore_mem>>)
        %dma_wait3A_304 = arith.constant 0 : i32
        %dma_wait3A_305 = tpu.memref_slice %arg10[%dma_wait3A_304] : memref<15632xi32, #tpu.memory_space<vmem>> -> memref<10240xi32, #tpu.memory_space<vmem>>
        %dma_wait3A_306 = tpu.memref_slice %arg21[%add3A_291] : memref<329728xi32, #tpu.memory_space<vmem_shared>> -> memref<10240xi32, #tpu.memory_space<vmem_shared>>
        %dma_wait3A_307 = arith.constant 0 : i32
        %dma_wait3A_308 = tpu.memref_slice %arg10[%dma_wait3A_307] : memref<15632xi32, #tpu.memory_space<vmem>> -> memref<10240xi32, #tpu.memory_space<vmem>>
        %dma_wait3A_309 = tpu.memref_slice %arg21[%add3A_291] : memref<329728xi32, #tpu.memory_space<vmem_shared>> -> memref<10240xi32, #tpu.memory_space<vmem_shared>>
        tpu.wait_dma2 semaphore(%run_scoped3A : memref<!tpu.dma_semaphore, #tpu.memory_space<semaphore_mem>>) src(%dma_wait3A_309 : memref<10240xi32, #tpu.memory_space<vmem_shared>>) dst(%dma_wait3A_308 : memref<10240xi32, #tpu.memory_space<vmem>>)
        tpu.yield
      }) : () -> ()
      %mul3A_292 = arith.constant 327680 : i32
      %mul3A_293 = arith.muli %arg0, %mul3A_292 : i32
      %add3A_294 = arith.addi %mul3A_293, %add3A_291 : i32
      "tpu.region"() ({
        %run_scoped3A = tpu.sem_alloc : memref<!tpu.dma_semaphore, #tpu.memory_space<semaphore_mem>>
        %dma_start3A_298 = arith.constant 0 : i32
        %dma_start3A_299 = tpu.memref_slice %arg10[%dma_start3A_298] : memref<15632xi32, #tpu.memory_space<vmem>> -> memref<10240xi32, #tpu.memory_space<vmem>>
        %dma_start3A_300 = tpu.memref_slice %arg5[%add3A_294] : memref<655360xi32, #tpu.memory_space<hbm>> -> memref<10240xi32, #tpu.memory_space<hbm>>
        %dma_start3A_301 = tpu.memref_slice %arg5[%add3A_294] : memref<655360xi32, #tpu.memory_space<hbm>> -> memref<10240xi32, #tpu.memory_space<hbm>>
        %dma_start3A_302 = arith.constant 0 : i32
        %dma_start3A_303 = tpu.memref_slice %arg10[%dma_start3A_302] : memref<15632xi32, #tpu.memory_space<vmem>> -> memref<10240xi32, #tpu.memory_space<vmem>>
        tpu.enqueue_dma source(%dma_start3A_303 : memref<10240xi32, #tpu.memory_space<vmem>>) target(%dma_start3A_301 : memref<10240xi32, #tpu.memory_space<hbm>>) target_semaphore(%run_scoped3A : memref<!tpu.dma_semaphore, #tpu.memory_space<semaphore_mem>>)
        %dma_wait3A_304 = arith.constant 0 : i32
        %dma_wait3A_305 = tpu.memref_slice %arg10[%dma_wait3A_304] : memref<15632xi32, #tpu.memory_space<vmem>> -> memref<10240xi32, #tpu.memory_space<vmem>>
        %dma_wait3A_306 = tpu.memref_slice %arg5[%add3A_294] : memref<655360xi32, #tpu.memory_space<hbm>> -> memref<10240xi32, #tpu.memory_space<hbm>>
        %dma_wait3A_307 = tpu.memref_slice %arg5[%add3A_294] : memref<655360xi32, #tpu.memory_space<hbm>> -> memref<10240xi32, #tpu.memory_space<hbm>>
        %dma_wait3A_308 = arith.constant 0 : i32
        %dma_wait3A_309 = tpu.memref_slice %arg10[%dma_wait3A_308] : memref<15632xi32, #tpu.memory_space<vmem>> -> memref<10240xi32, #tpu.memory_space<vmem>>
        tpu.wait_dma2 semaphore(%run_scoped3A : memref<!tpu.dma_semaphore, #tpu.memory_space<semaphore_mem>>) src(%dma_wait3A_309 : memref<10240xi32, #tpu.memory_space<vmem>>) dst(%dma_wait3A_307 : memref<10240xi32, #tpu.memory_space<hbm>>)
        tpu.yield
      }) : () -> ()
      "tpu.region"() ({
        %run_scoped3A = tpu.sem_alloc : memref<!tpu.dma_semaphore, #tpu.memory_space<semaphore_mem>>
        %dma_start3A_298 = arith.constant 0 : i32
        %dma_start3A_299 = tpu.memref_slice %arg9[%dma_start3A_298] : memref<15632xf32, #tpu.memory_space<vmem>> -> memref<10240xf32, #tpu.memory_space<vmem>>
        %dma_start3A_300 = tpu.memref_slice %arg22[%add3A_291] : memref<329728xf32, #tpu.memory_space<vmem_shared>> -> memref<10240xf32, #tpu.memory_space<vmem_shared>>
        %dma_start3A_301 = arith.constant 0 : i32
        %dma_start3A_302 = tpu.memref_slice %arg9[%dma_start3A_301] : memref<15632xf32, #tpu.memory_space<vmem>> -> memref<10240xf32, #tpu.memory_space<vmem>>
        %dma_start3A_303 = tpu.memref_slice %arg22[%add3A_291] : memref<329728xf32, #tpu.memory_space<vmem_shared>> -> memref<10240xf32, #tpu.memory_space<vmem_shared>>
        tpu.enqueue_dma source(%dma_start3A_303 : memref<10240xf32, #tpu.memory_space<vmem_shared>>) target(%dma_start3A_302 : memref<10240xf32, #tpu.memory_space<vmem>>) target_semaphore(%run_scoped3A : memref<!tpu.dma_semaphore, #tpu.memory_space<semaphore_mem>>)
        %dma_wait3A_304 = arith.constant 0 : i32
        %dma_wait3A_305 = tpu.memref_slice %arg9[%dma_wait3A_304] : memref<15632xf32, #tpu.memory_space<vmem>> -> memref<10240xf32, #tpu.memory_space<vmem>>
        %dma_wait3A_306 = tpu.memref_slice %arg22[%add3A_291] : memref<329728xf32, #tpu.memory_space<vmem_shared>> -> memref<10240xf32, #tpu.memory_space<vmem_shared>>
        %dma_wait3A_307 = arith.constant 0 : i32
        %dma_wait3A_308 = tpu.memref_slice %arg9[%dma_wait3A_307] : memref<15632xf32, #tpu.memory_space<vmem>> -> memref<10240xf32, #tpu.memory_space<vmem>>
        %dma_wait3A_309 = tpu.memref_slice %arg22[%add3A_291] : memref<329728xf32, #tpu.memory_space<vmem_shared>> -> memref<10240xf32, #tpu.memory_space<vmem_shared>>
        tpu.wait_dma2 semaphore(%run_scoped3A : memref<!tpu.dma_semaphore, #tpu.memory_space<semaphore_mem>>) src(%dma_wait3A_309 : memref<10240xf32, #tpu.memory_space<vmem_shared>>) dst(%dma_wait3A_308 : memref<10240xf32, #tpu.memory_space<vmem>>)
        tpu.yield
      }) : () -> ()
      %mul3A_295 = arith.constant 327680 : i32
      %mul3A_296 = arith.muli %arg0, %mul3A_295 : i32
      %add3A_297 = arith.addi %mul3A_296, %add3A_291 : i32
      "tpu.region"() ({
        %run_scoped3A = tpu.sem_alloc : memref<!tpu.dma_semaphore, #tpu.memory_space<semaphore_mem>>
        %dma_start3A_298 = arith.constant 0 : i32
        %dma_start3A_299 = tpu.memref_slice %arg9[%dma_start3A_298] : memref<15632xf32, #tpu.memory_space<vmem>> -> memref<10240xf32, #tpu.memory_space<vmem>>
        %dma_start3A_300 = tpu.memref_slice %arg6[%add3A_297] : memref<655360xf32, #tpu.memory_space<hbm>> -> memref<10240xf32, #tpu.memory_space<hbm>>
        %dma_start3A_301 = tpu.memref_slice %arg6[%add3A_297] : memref<655360xf32, #tpu.memory_space<hbm>> -> memref<10240xf32, #tpu.memory_space<hbm>>
        %dma_start3A_302 = arith.constant 0 : i32
        %dma_start3A_303 = tpu.memref_slice %arg9[%dma_start3A_302] : memref<15632xf32, #tpu.memory_space<vmem>> -> memref<10240xf32, #tpu.memory_space<vmem>>
        tpu.enqueue_dma source(%dma_start3A_303 : memref<10240xf32, #tpu.memory_space<vmem>>) target(%dma_start3A_301 : memref<10240xf32, #tpu.memory_space<hbm>>) target_semaphore(%run_scoped3A : memref<!tpu.dma_semaphore, #tpu.memory_space<semaphore_mem>>)
        %dma_wait3A_304 = arith.constant 0 : i32
        %dma_wait3A_305 = tpu.memref_slice %arg9[%dma_wait3A_304] : memref<15632xf32, #tpu.memory_space<vmem>> -> memref<10240xf32, #tpu.memory_space<vmem>>
        %dma_wait3A_306 = tpu.memref_slice %arg6[%add3A_297] : memref<655360xf32, #tpu.memory_space<hbm>> -> memref<10240xf32, #tpu.memory_space<hbm>>
        %dma_wait3A_307 = tpu.memref_slice %arg6[%add3A_297] : memref<655360xf32, #tpu.memory_space<hbm>> -> memref<10240xf32, #tpu.memory_space<hbm>>
        %dma_wait3A_308 = arith.constant 0 : i32
        %dma_wait3A_309 = tpu.memref_slice %arg9[%dma_wait3A_308] : memref<15632xf32, #tpu.memory_space<vmem>> -> memref<10240xf32, #tpu.memory_space<vmem>>
        tpu.wait_dma2 semaphore(%run_scoped3A : memref<!tpu.dma_semaphore, #tpu.memory_space<semaphore_mem>>) src(%dma_wait3A_309 : memref<10240xf32, #tpu.memory_space<vmem>>) dst(%dma_wait3A_307 : memref<10240xf32, #tpu.memory_space<hbm>>)
        tpu.yield
      }) : () -> ()
    } else {
    }
    %eq3A = arith.constant 31 : i32
    %eq3A_48 = arith.cmpi eq, %add3A, %eq3A : i32
    %convert_element_type3A_49 = arith.extui %eq3A_48 : i1 to i32
    %cond3A_50 = arith.constant 0 : i32
    %cond3A_51 = arith.cmpi ne, %convert_element_type3A_49, %cond3A_50 : i32
    scf.if %cond3A_51 {
      %mul3A_52 = arith.constant 15632 : i32
      %mul3A_53 = arith.muli %add3A, %mul3A_52 : i32
      "tpu.region"() ({
        %run_scoped3A = tpu.sem_alloc : memref<!tpu.dma_semaphore, #tpu.memory_space<semaphore_mem>>
        %dma_start3A_480 = arith.constant 0 : i32
        %dma_start3A_481 = tpu.memref_slice %arg9[%dma_start3A_480] : memref<15632xf32, #tpu.memory_space<vmem>> -> memref<15408xf32, #tpu.memory_space<vmem>>
        %dma_start3A_482 = tpu.memref_slice %arg2[%mul3A_53] : memref<500000xf32, #tpu.memory_space<hbm>> -> memref<15408xf32, #tpu.memory_space<hbm>>
        %dma_start3A_483 = arith.constant 0 : i32
        %dma_start3A_484 = tpu.memref_slice %arg9[%dma_start3A_483] : memref<15632xf32, #tpu.memory_space<vmem>> -> memref<15408xf32, #tpu.memory_space<vmem>>
        %dma_start3A_485 = tpu.memref_slice %arg2[%mul3A_53] : memref<500000xf32, #tpu.memory_space<hbm>> -> memref<15408xf32, #tpu.memory_space<hbm>>
        tpu.enqueue_dma source(%dma_start3A_485 : memref<15408xf32, #tpu.memory_space<hbm>>) target(%dma_start3A_484 : memref<15408xf32, #tpu.memory_space<vmem>>) target_semaphore(%run_scoped3A : memref<!tpu.dma_semaphore, #tpu.memory_space<semaphore_mem>>)
        %dma_wait3A_486 = arith.constant 0 : i32
        %dma_wait3A_487 = tpu.memref_slice %arg9[%dma_wait3A_486] : memref<15632xf32, #tpu.memory_space<vmem>> -> memref<15408xf32, #tpu.memory_space<vmem>>
        %dma_wait3A_488 = tpu.memref_slice %arg2[%mul3A_53] : memref<500000xf32, #tpu.memory_space<hbm>> -> memref<15408xf32, #tpu.memory_space<hbm>>
        %dma_wait3A_489 = arith.constant 0 : i32
        %dma_wait3A_490 = tpu.memref_slice %arg9[%dma_wait3A_489] : memref<15632xf32, #tpu.memory_space<vmem>> -> memref<15408xf32, #tpu.memory_space<vmem>>
        %dma_wait3A_491 = tpu.memref_slice %arg2[%mul3A_53] : memref<500000xf32, #tpu.memory_space<hbm>> -> memref<15408xf32, #tpu.memory_space<hbm>>
        tpu.wait_dma2 semaphore(%run_scoped3A : memref<!tpu.dma_semaphore, #tpu.memory_space<semaphore_mem>>) src(%dma_wait3A_491 : memref<15408xf32, #tpu.memory_space<hbm>>) dst(%dma_wait3A_490 : memref<15408xf32, #tpu.memory_space<vmem>>)
        tpu.yield
      }) : () -> ()
      "tpu.region"() ({
        %run_scoped3A = tpu.sem_alloc : memref<!tpu.dma_semaphore, #tpu.memory_space<semaphore_mem>>
        %dma_start3A_480 = arith.constant 0 : i32
        %dma_start3A_481 = tpu.memref_slice %arg10[%dma_start3A_480] : memref<15632xi32, #tpu.memory_space<vmem>> -> memref<15408xi32, #tpu.memory_space<vmem>>
        %dma_start3A_482 = tpu.memref_slice %arg3[%mul3A_53] : memref<500000xi32, #tpu.memory_space<hbm>> -> memref<15408xi32, #tpu.memory_space<hbm>>
        %dma_start3A_483 = arith.constant 0 : i32
        %dma_start3A_484 = tpu.memref_slice %arg10[%dma_start3A_483] : memref<15632xi32, #tpu.memory_space<vmem>> -> memref<15408xi32, #tpu.memory_space<vmem>>
        %dma_start3A_485 = tpu.memref_slice %arg3[%mul3A_53] : memref<500000xi32, #tpu.memory_space<hbm>> -> memref<15408xi32, #tpu.memory_space<hbm>>
        tpu.enqueue_dma source(%dma_start3A_485 : memref<15408xi32, #tpu.memory_space<hbm>>) target(%dma_start3A_484 : memref<15408xi32, #tpu.memory_space<vmem>>) target_semaphore(%run_scoped3A : memref<!tpu.dma_semaphore, #tpu.memory_space<semaphore_mem>>)
        %dma_wait3A_486 = arith.constant 0 : i32
        %dma_wait3A_487 = tpu.memref_slice %arg10[%dma_wait3A_486] : memref<15632xi32, #tpu.memory_space<vmem>> -> memref<15408xi32, #tpu.memory_space<vmem>>
        %dma_wait3A_488 = tpu.memref_slice %arg3[%mul3A_53] : memref<500000xi32, #tpu.memory_space<hbm>> -> memref<15408xi32, #tpu.memory_space<hbm>>
        %dma_wait3A_489 = arith.constant 0 : i32
        %dma_wait3A_490 = tpu.memref_slice %arg10[%dma_wait3A_489] : memref<15632xi32, #tpu.memory_space<vmem>> -> memref<15408xi32, #tpu.memory_space<vmem>>
        %dma_wait3A_491 = tpu.memref_slice %arg3[%mul3A_53] : memref<500000xi32, #tpu.memory_space<hbm>> -> memref<15408xi32, #tpu.memory_space<hbm>>
        tpu.wait_dma2 semaphore(%run_scoped3A : memref<!tpu.dma_semaphore, #tpu.memory_space<semaphore_mem>>) src(%dma_wait3A_491 : memref<15408xi32, #tpu.memory_space<hbm>>) dst(%dma_wait3A_490 : memref<15408xi32, #tpu.memory_space<vmem>>)
        tpu.yield
      }) : () -> ()
      %scan3A = arith.constant 0 : i32
      %scan3A_54 = arith.constant 0 : i32
      %scan3A_55 = arith.constant 160 : i32
      %scan3A_56 = arith.addi %scan3A_54, %scan3A_55 : i32
      %scan3A_57 = arith.constant 1 : i32
      scf.for %scan3A_480 = %scan3A_54 to %scan3A_56 step %scan3A_57  : i32 {
        %mul3A_481 = arith.constant 16 : i32
        %mul3A_482 = arith.muli %scan3A_480, %mul3A_481 : i32
        %add3A_483 = vector.broadcast %mul3A_482 : i32 to vector<16xi32>
        %add3A_484 = arith.addi %add3A_483, %iota3A : vector<16xi32>
        %and3A_485 = arith.constant 2047 : i32
        %and3A_486 = vector.broadcast %and3A_485 : i32 to vector<16xi32>
        %and3A_487 = arith.andi %add3A_484, %and3A_486 : vector<16xi32>
        %add3A_488 = arith.constant 524288 : i32
        %add3A_489 = vector.broadcast %add3A_488 : i32 to vector<16xi32>
        %add3A_490 = arith.addi %add3A_489, %and3A_487 : vector<16xi32>
        %mul3A_491 = arith.constant 16 : i32
        %mul3A_492 = arith.muli %scan3A_480, %mul3A_491 : i32
        %swap3A_493 = arith.index_cast %mul3A_492 : i32 to index
        %swap3A_494 = tpu.vector_load %arg14[%swap3A_493] {strides = array<i32>} : memref<2560xi32, #tpu.memory_space<vmem>>, vector<16xi32>,
        %swap3A_495 = vector.shape_cast %swap3A_494 : vector<16xi32> to vector<16xi32>
        %swap3A_496 = vector.shape_cast %add3A_490 : vector<16xi32> to vector<16xi32>
        tpu.vector_store %arg14[%swap3A_493], %swap3A_496 {strides = array<i32>} : memref<2560xi32, #tpu.memory_space<vmem>>, vector<16xi32>,
      }
      %scan3A_58 = arith.constant 160 : i32
      %mul3A_59 = arith.constant 2560 : i32
      %mul3A_60 = arith.muli %arg1, %mul3A_59 : i32
      %add3A_61 = arith.constant 0 : i32
      %add3A_62 = arith.addi %add3A_61, %mul3A_60 : i32
      %dma_start3A = tpu.memref_slice %arg21[%add3A_62] : memref<329728xi32, #tpu.memory_space<vmem_shared>> -> memref<2560xi32, #tpu.memory_space<vmem_shared>>
      %dma_start3A_63 = tpu.memref_slice %arg21[%add3A_62] : memref<329728xi32, #tpu.memory_space<vmem_shared>> -> memref<2560xi32, #tpu.memory_space<vmem_shared>>
      tpu.enqueue_dma source(%arg14 : memref<2560xi32, #tpu.memory_space<vmem>>) target(%dma_start3A_63 : memref<2560xi32, #tpu.memory_space<vmem_shared>>) target_semaphore(%arg23 : memref<!tpu.dma_semaphore, #tpu.memory_space<semaphore_mem>>)
      %mul3A_64 = arith.constant 2560 : i32
      %mul3A_65 = arith.muli %arg1, %mul3A_64 : i32
      %add3A_66 = arith.constant 40960 : i32
      %add3A_67 = arith.addi %add3A_66, %mul3A_65 : i32
      %dma_start3A_68 = tpu.memref_slice %arg21[%add3A_67] : memref<329728xi32, #tpu.memory_space<vmem_shared>> -> memref<2560xi32, #tpu.memory_space<vmem_shared>>
      %dma_start3A_69 = tpu.memref_slice %arg21[%add3A_67] : memref<329728xi32, #tpu.memory_space<vmem_shared>> -> memref<2560xi32, #tpu.memory_space<vmem_shared>>
      tpu.enqueue_dma source(%arg14 : memref<2560xi32, #tpu.memory_space<vmem>>) target(%dma_start3A_69 : memref<2560xi32, #tpu.memory_space<vmem_shared>>) target_semaphore(%arg23 : memref<!tpu.dma_semaphore, #tpu.memory_space<semaphore_mem>>)
      %mul3A_70 = arith.constant 2560 : i32
      %mul3A_71 = arith.muli %arg1, %mul3A_70 : i32
      %add3A_72 = arith.constant 81920 : i32
      %add3A_73 = arith.addi %add3A_72, %mul3A_71 : i32
      %dma_start3A_74 = tpu.memref_slice %arg21[%add3A_73] : memref<329728xi32, #tpu.memory_space<vmem_shared>> -> memref<2560xi32, #tpu.memory_space<vmem_shared>>
      %dma_start3A_75 = tpu.memref_slice %arg21[%add3A_73] : memref<329728xi32, #tpu.memory_space<vmem_shared>> -> memref<2560xi32, #tpu.memory_space<vmem_shared>>
      tpu.enqueue_dma source(%arg14 : memref<2560xi32, #tpu.memory_space<vmem>>) target(%dma_start3A_75 : memref<2560xi32, #tpu.memory_space<vmem_shared>>) target_semaphore(%arg23 : memref<!tpu.dma_semaphore, #tpu.memory_space<semaphore_mem>>)
      %mul3A_76 = arith.constant 2560 : i32
      %mul3A_77 = arith.muli %arg1, %mul3A_76 : i32
      %add3A_78 = arith.constant 122880 : i32
      %add3A_79 = arith.addi %add3A_78, %mul3A_77 : i32
      %dma_start3A_80 = tpu.memref_slice %arg21[%add3A_79] : memref<329728xi32, #tpu.memory_space<vmem_shared>> -> memref<2560xi32, #tpu.memory_space<vmem_shared>>
      %dma_start3A_81 = tpu.memref_slice %arg21[%add3A_79] : memref<329728xi32, #tpu.memory_space<vmem_shared>> -> memref<2560xi32, #tpu.memory_space<vmem_shared>>
      tpu.enqueue_dma source(%arg14 : memref<2560xi32, #tpu.memory_space<vmem>>) target(%dma_start3A_81 : memref<2560xi32, #tpu.memory_space<vmem_shared>>) target_semaphore(%arg23 : memref<!tpu.dma_semaphore, #tpu.memory_space<semaphore_mem>>)
      %mul3A_82 = arith.constant 2560 : i32
      %mul3A_83 = arith.muli %arg1, %mul3A_82 : i32
      %add3A_84 = arith.constant 163840 : i32
      %add3A_85 = arith.addi %add3A_84, %mul3A_83 : i32
      %dma_start3A_86 = tpu.memref_slice %arg21[%add3A_85] : memref<329728xi32, #tpu.memory_space<vmem_shared>> -> memref<2560xi32, #tpu.memory_space<vmem_shared>>
      %dma_start3A_87 = tpu.memref_slice %arg21[%add3A_85] : memref<329728xi32, #tpu.memory_space<vmem_shared>> -> memref<2560xi32, #tpu.memory_space<vmem_shared>>
      tpu.enqueue_dma source(%arg14 : memref<2560xi32, #tpu.memory_space<vmem>>) target(%dma_start3A_87 : memref<2560xi32, #tpu.memory_space<vmem_shared>>) target_semaphore(%arg23 : memref<!tpu.dma_semaphore, #tpu.memory_space<semaphore_mem>>)
      %mul3A_88 = arith.constant 2560 : i32
      %mul3A_89 = arith.muli %arg1, %mul3A_88 : i32
      %add3A_90 = arith.constant 204800 : i32
      %add3A_91 = arith.addi %add3A_90, %mul3A_89 : i32
      %dma_start3A_92 = tpu.memref_slice %arg21[%add3A_91] : memref<329728xi32, #tpu.memory_space<vmem_shared>> -> memref<2560xi32, #tpu.memory_space<vmem_shared>>
      %dma_start3A_93 = tpu.memref_slice %arg21[%add3A_91] : memref<329728xi32, #tpu.memory_space<vmem_shared>> -> memref<2560xi32, #tpu.memory_space<vmem_shared>>
      tpu.enqueue_dma source(%arg14 : memref<2560xi32, #tpu.memory_space<vmem>>) target(%dma_start3A_93 : memref<2560xi32, #tpu.memory_space<vmem_shared>>) target_semaphore(%arg23 : memref<!tpu.dma_semaphore, #tpu.memory_space<semaphore_mem>>)
      %mul3A_94 = arith.constant 2560 : i32
      %mul3A_95 = arith.muli %arg1, %mul3A_94 : i32
      %add3A_96 = arith.constant 245760 : i32
      %add3A_97 = arith.addi %add3A_96, %mul3A_95 : i32
      %dma_start3A_98 = tpu.memref_slice %arg21[%add3A_97] : memref<329728xi32, #tpu.memory_space<vmem_shared>> -> memref<2560xi32, #tpu.memory_space<vmem_shared>>
      %dma_start3A_99 = tpu.memref_slice %arg21[%add3A_97] : memref<329728xi32, #tpu.memory_space<vmem_shared>> -> memref<2560xi32, #tpu.memory_space<vmem_shared>>
      tpu.enqueue_dma source(%arg14 : memref<2560xi32, #tpu.memory_space<vmem>>) target(%dma_start3A_99 : memref<2560xi32, #tpu.memory_space<vmem_shared>>) target_semaphore(%arg23 : memref<!tpu.dma_semaphore, #tpu.memory_space<semaphore_mem>>)
      %mul3A_100 = arith.constant 2560 : i32
      %mul3A_101 = arith.muli %arg1, %mul3A_100 : i32
      %add3A_102 = arith.constant 286720 : i32
      %add3A_103 = arith.addi %add3A_102, %mul3A_101 : i32
      %dma_start3A_104 = tpu.memref_slice %arg21[%add3A_103] : memref<329728xi32, #tpu.memory_space<vmem_shared>> -> memref<2560xi32, #tpu.memory_space<vmem_shared>>
      %dma_start3A_105 = tpu.memref_slice %arg21[%add3A_103] : memref<329728xi32, #tpu.memory_space<vmem_shared>> -> memref<2560xi32, #tpu.memory_space<vmem_shared>>
      tpu.enqueue_dma source(%arg14 : memref<2560xi32, #tpu.memory_space<vmem>>) target(%dma_start3A_105 : memref<2560xi32, #tpu.memory_space<vmem_shared>>) target_semaphore(%arg23 : memref<!tpu.dma_semaphore, #tpu.memory_space<semaphore_mem>>)
      %broadcast_in_dim3A_106 = arith.constant 0x7F800000 : f32
      %broadcast_in_dim3A_107 = vector.broadcast %broadcast_in_dim3A_106 : f32 to vector<16xf32>
      %broadcast_in_dim3A_108 = arith.constant 0 : i32
      %broadcast_in_dim3A_109 = vector.broadcast %broadcast_in_dim3A_108 : i32 to vector<16xi32>
      %mul3A_110 = arith.constant 40960 : i32
      %mul3A_111 = vector.broadcast %mul3A_110 : i32 to vector<16xi32>
      %mul3A_112 = arith.muli %iota3A, %mul3A_111 : vector<16xi32>
      %mul3A_113 = arith.constant 2560 : i32
      %mul3A_114 = arith.muli %arg1, %mul3A_113 : i32
      %add3A_115 = vector.broadcast %mul3A_114 : i32 to vector<16xi32>
      %add3A_116 = arith.addi %mul3A_112, %add3A_115 : vector<16xi32>
      %scan3A_117 = arith.constant 0 : i32
      %scan3A_118 = arith.constant 488 : i32
      %scan3A_119 = arith.addi %scan3A_117, %scan3A_118 : i32
      %scan3A_120 = arith.constant 1 : i32
      %scan3A_121:3 = scf.for %scan3A_480 = %scan3A_117 to %scan3A_119 step %scan3A_120 iter_args(%scan3A_481 = %broadcast_in_dim3A_107, %scan3A_482 = %broadcast_in_dim3A_109, %scan3A_483 = %add3A_116) -> (vector<16xf32>, vector<16xi32>, vector<16xi32>)  : i32 {
        %add3A_484 = arith.constant 0 : i32
        %add3A_485 = arith.addi %add3A_484, %scan3A_480 : i32
        %mul3A_486 = arith.constant 16 : i32
        %mul3A_487 = arith.muli %add3A_485, %mul3A_486 : i32
        %get3A_488 = arith.index_cast %mul3A_487 : i32 to index
        %get3A_489 = tpu.vector_load %arg9[%get3A_488] {strides = array<i32>} : memref<15632xf32, #tpu.memory_space<vmem>>, vector<16xf32>,
        %get3A_490 = vector.shape_cast %get3A_489 : vector<16xf32> to vector<16xf32>
        %sub3A_491 = arith.subf %get3A_490, %get3A_2 : vector<16xf32>
        %mul3A_492 = arith.constant 1.000000e+01 : f32
        %mul3A_493 = vector.broadcast %mul3A_492 : f32 to vector<16xf32>
        %mul3A_494 = arith.mulf %sub3A_491, %mul3A_493 : vector<16xf32>
        %exp3A = math.exp %mul3A_494 : vector<16xf32>
        %add3A_495 = arith.constant 1.000000e+00 : f32
        %add3A_496 = vector.broadcast %add3A_495 : f32 to vector<16xf32>
        %add3A_497 = arith.addf %add3A_496, %exp3A : vector<16xf32>
        %div3A = arith.constant 1.000000e+00 : f32
        %div3A_498 = vector.broadcast %div3A : f32 to vector<16xf32>
        %div3A_499 = arith.divf %div3A_498, %add3A_497 : vector<16xf32>
        %sub3A_500 = arith.subf %get3A_490, %get3A_2 : vector<16xf32>
        %abs3A = math.absf %sub3A_500 : vector<16xf32>
        %add3A_501 = arith.constant 0 : i32
        %add3A_502 = arith.addi %add3A_501, %scan3A_480 : i32
        %mul3A_503 = arith.constant 16 : i32
        %mul3A_504 = arith.muli %add3A_502, %mul3A_503 : i32
        %add3A_505 = arith.addi %mul3A_53, %mul3A_504 : i32
        %add3A_506 = vector.broadcast %add3A_505 : i32 to vector<16xi32>
        %add3A_507 = arith.addi %add3A_506, %iota3A : vector<16xi32>
        %lt3A_508 = arith.cmpf olt, %abs3A, %scan3A_481 : vector<16xf32>
        %select_n3A_509 = arith.select %lt3A_508, %abs3A, %scan3A_481 : vector<16xi1>, vector<16xf32>
        %select_n3A_510 = arith.select %lt3A_508, %add3A_507, %scan3A_482 : vector<16xi1>, vector<16xi32>
        %add3A_511 = arith.constant 0 : i32
        %add3A_512 = arith.addi %add3A_511, %scan3A_480 : i32
        %mul3A_513 = arith.constant 16 : i32
        %mul3A_514 = arith.muli %add3A_512, %mul3A_513 : i32
        %get3A_515 = arith.index_cast %mul3A_514 : i32 to index
        %get3A_516 = tpu.vector_load %arg10[%get3A_515] {strides = array<i32>} : memref<15632xi32, #tpu.memory_space<vmem>>, vector<16xi32>,
        %get3A_517 = vector.shape_cast %get3A_516 : vector<16xi32> to vector<16xi32>
        %shift_right_logical3A = arith.constant 17 : i32
        %shift_right_logical3A_518 = vector.broadcast %shift_right_logical3A : i32 to vector<16xi32>
        %shift_right_logical3A_519 = arith.shrui %get3A_517, %shift_right_logical3A_518 : vector<16xi32>
        %ge3A_520 = arith.constant 4 : i32
        %ge3A_521 = vector.broadcast %ge3A_520 : i32 to vector<16xi32>
        %ge3A_522 = arith.cmpi sge, %shift_right_logical3A_519, %ge3A_521 : vector<16xi32>
        %jit3A_523 = arith.constant 524288 : i32
        %jit3A_524 = arith.constant 0 : i32
        %broadcast_in_dim3A_525 = vector.broadcast %jit3A_523 : i32 to vector<16xi32>
        %broadcast_in_dim3A_526 = vector.broadcast %jit3A_524 : i32 to vector<16xi32>
        %select_n3A_527 = arith.select %ge3A_522, %broadcast_in_dim3A_525, %broadcast_in_dim3A_526 : vector<16xi1>, vector<16xi32>
        %sub3A_528 = arith.subi %get3A_517, %select_n3A_527 : vector<16xi32>
        %and3A_529 = arith.constant 3 : i32
        %and3A_530 = vector.broadcast %and3A_529 : i32 to vector<16xi32>
        %and3A_531 = arith.andi %shift_right_logical3A_519, %and3A_530 : vector<16xi32>
        %shift_left3A_532 = arith.constant 3 : i32
        %shift_left3A_533 = vector.broadcast %shift_left3A_532 : i32 to vector<16xi32>
        %shift_left3A_534 = arith.shli %and3A_531, %shift_left3A_533 : vector<16xi32>
        %shift_left3A_535 = arith.constant 1 : i32
        %shift_left3A_536 = vector.broadcast %shift_left3A_535 : i32 to vector<16xi32>
        %shift_left3A_537 = arith.shli %shift_left3A_536, %shift_left3A_534 : vector<16xi32>
        %select_n3A_538 = arith.select %ge3A_522, %broadcast_in_dim3A_38, %shift_left3A_537 : vector<16xi1>, vector<16xi32>
        %select_n3A_539 = arith.select %ge3A_522, %shift_left3A_537, %broadcast_in_dim3A_38 : vector<16xi1>, vector<16xi32>
        %lt3A_540 = arith.constant 0 : i32
        %lt3A_541 = vector.broadcast %lt3A_540 : i32 to vector<16xi32>
        %lt3A_542 = arith.cmpi slt, %max3A_6, %lt3A_541 : vector<16xi32>
        %add3A_543 = arith.constant 16 : i32
        %add3A_544 = vector.broadcast %add3A_543 : i32 to vector<16xi32>
        %add3A_545 = arith.addi %max3A_6, %add3A_544 : vector<16xi32>
        %select_n3A_546 = arith.select %lt3A_542, %add3A_545, %max3A_6 : vector<16xi1>, vector<16xi32>
        %broadcast_in_dim3A_547 = vector.shape_cast %select_n3A_546 : vector<16xi32> to vector<16x1xi32>
        %gather3A_548 = vector.shape_cast %broadcast_in_dim3A_547 : vector<16x1xi32> to vector<16xi32>
        %gather3A_549 = tpu.dynamic_gather %select_n3A_538[%gather3A_548] in [0] : vector<16xi32>, vector<16xi32> -> vector<16xi32>
        %select_n3A_550 = arith.select %ge3A_26, %gather3A_549, %broadcast_in_dim3A_38 : vector<16xi1>, vector<16xi32>
        %add3A_551 = arith.addi %select_n3A_538, %select_n3A_550 : vector<16xi32>
        %lt3A_552 = arith.constant 0 : i32
        %lt3A_553 = vector.broadcast %lt3A_552 : i32 to vector<16xi32>
        %lt3A_554 = arith.cmpi slt, %max3A_12, %lt3A_553 : vector<16xi32>
        %add3A_555 = arith.constant 16 : i32
        %add3A_556 = vector.broadcast %add3A_555 : i32 to vector<16xi32>
        %add3A_557 = arith.addi %max3A_12, %add3A_556 : vector<16xi32>
        %select_n3A_558 = arith.select %lt3A_554, %add3A_557, %max3A_12 : vector<16xi1>, vector<16xi32>
        %broadcast_in_dim3A_559 = vector.shape_cast %select_n3A_558 : vector<16xi32> to vector<16x1xi32>
        %gather3A_560 = vector.shape_cast %broadcast_in_dim3A_559 : vector<16x1xi32> to vector<16xi32>
        %gather3A_561 = tpu.dynamic_gather %add3A_551[%gather3A_560] in [0] : vector<16xi32>, vector<16xi32> -> vector<16xi32>
        %select_n3A_562 = arith.select %ge3A_29, %gather3A_561, %broadcast_in_dim3A_38 : vector<16xi1>, vector<16xi32>
        %add3A_563 = arith.addi %add3A_551, %select_n3A_562 : vector<16xi32>
        %lt3A_564 = arith.constant 0 : i32
        %lt3A_565 = vector.broadcast %lt3A_564 : i32 to vector<16xi32>
        %lt3A_566 = arith.cmpi slt, %max3A_18, %lt3A_565 : vector<16xi32>
        %add3A_567 = arith.constant 16 : i32
        %add3A_568 = vector.broadcast %add3A_567 : i32 to vector<16xi32>
        %add3A_569 = arith.addi %max3A_18, %add3A_568 : vector<16xi32>
        %select_n3A_570 = arith.select %lt3A_566, %add3A_569, %max3A_18 : vector<16xi1>, vector<16xi32>
        %broadcast_in_dim3A_571 = vector.shape_cast %select_n3A_570 : vector<16xi32> to vector<16x1xi32>
        %gather3A_572 = vector.shape_cast %broadcast_in_dim3A_571 : vector<16x1xi32> to vector<16xi32>
        %gather3A_573 = tpu.dynamic_gather %add3A_563[%gather3A_572] in [0] : vector<16xi32>, vector<16xi32> -> vector<16xi32>
        %select_n3A_574 = arith.select %ge3A_32, %gather3A_573, %broadcast_in_dim3A_38 : vector<16xi1>, vector<16xi32>
        %add3A_575 = arith.addi %add3A_563, %select_n3A_574 : vector<16xi32>
        %lt3A_576 = arith.constant 0 : i32
        %lt3A_577 = vector.broadcast %lt3A_576 : i32 to vector<16xi32>
        %lt3A_578 = arith.cmpi slt, %max3A_24, %lt3A_577 : vector<16xi32>
        %add3A_579 = arith.constant 16 : i32
        %add3A_580 = vector.broadcast %add3A_579 : i32 to vector<16xi32>
        %add3A_581 = arith.addi %max3A_24, %add3A_580 : vector<16xi32>
        %select_n3A_582 = arith.select %lt3A_578, %add3A_581, %max3A_24 : vector<16xi1>, vector<16xi32>
        %broadcast_in_dim3A_583 = vector.shape_cast %select_n3A_582 : vector<16xi32> to vector<16x1xi32>
        %gather3A_584 = vector.shape_cast %broadcast_in_dim3A_583 : vector<16x1xi32> to vector<16xi32>
        %gather3A_585 = tpu.dynamic_gather %add3A_575[%gather3A_584] in [0] : vector<16xi32>, vector<16xi32> -> vector<16xi32>
        %select_n3A_586 = arith.select %ge3A_35, %gather3A_585, %broadcast_in_dim3A_38 : vector<16xi1>, vector<16xi32>
        %add3A_587 = arith.addi %add3A_575, %select_n3A_586 : vector<16xi32>
        %lt3A_588 = arith.constant 0 : i32
        %lt3A_589 = vector.broadcast %lt3A_588 : i32 to vector<16xi32>
        %lt3A_590 = arith.cmpi slt, %max3A_6, %lt3A_589 : vector<16xi32>
        %add3A_591 = arith.constant 16 : i32
        %add3A_592 = vector.broadcast %add3A_591 : i32 to vector<16xi32>
        %add3A_593 = arith.addi %max3A_6, %add3A_592 : vector<16xi32>
        %select_n3A_594 = arith.select %lt3A_590, %add3A_593, %max3A_6 : vector<16xi1>, vector<16xi32>
        %broadcast_in_dim3A_595 = vector.shape_cast %select_n3A_594 : vector<16xi32> to vector<16x1xi32>
        %gather3A_596 = vector.shape_cast %broadcast_in_dim3A_595 : vector<16x1xi32> to vector<16xi32>
        %gather3A_597 = tpu.dynamic_gather %select_n3A_539[%gather3A_596] in [0] : vector<16xi32>, vector<16xi32> -> vector<16xi32>
        %select_n3A_598 = arith.select %ge3A_26, %gather3A_597, %broadcast_in_dim3A_38 : vector<16xi1>, vector<16xi32>
        %add3A_599 = arith.addi %select_n3A_539, %select_n3A_598 : vector<16xi32>
        %lt3A_600 = arith.constant 0 : i32
        %lt3A_601 = vector.broadcast %lt3A_600 : i32 to vector<16xi32>
        %lt3A_602 = arith.cmpi slt, %max3A_12, %lt3A_601 : vector<16xi32>
        %add3A_603 = arith.constant 16 : i32
        %add3A_604 = vector.broadcast %add3A_603 : i32 to vector<16xi32>
        %add3A_605 = arith.addi %max3A_12, %add3A_604 : vector<16xi32>
        %select_n3A_606 = arith.select %lt3A_602, %add3A_605, %max3A_12 : vector<16xi1>, vector<16xi32>
        %broadcast_in_dim3A_607 = vector.shape_cast %select_n3A_606 : vector<16xi32> to vector<16x1xi32>
        %gather3A_608 = vector.shape_cast %broadcast_in_dim3A_607 : vector<16x1xi32> to vector<16xi32>
        %gather3A_609 = tpu.dynamic_gather %add3A_599[%gather3A_608] in [0] : vector<16xi32>, vector<16xi32> -> vector<16xi32>
        %select_n3A_610 = arith.select %ge3A_29, %gather3A_609, %broadcast_in_dim3A_38 : vector<16xi1>, vector<16xi32>
        %add3A_611 = arith.addi %add3A_599, %select_n3A_610 : vector<16xi32>
        %lt3A_612 = arith.constant 0 : i32
        %lt3A_613 = vector.broadcast %lt3A_612 : i32 to vector<16xi32>
        %lt3A_614 = arith.cmpi slt, %max3A_18, %lt3A_613 : vector<16xi32>
        %add3A_615 = arith.constant 16 : i32
        %add3A_616 = vector.broadcast %add3A_615 : i32 to vector<16xi32>
        %add3A_617 = arith.addi %max3A_18, %add3A_616 : vector<16xi32>
        %select_n3A_618 = arith.select %lt3A_614, %add3A_617, %max3A_18 : vector<16xi1>, vector<16xi32>
        %broadcast_in_dim3A_619 = vector.shape_cast %select_n3A_618 : vector<16xi32> to vector<16x1xi32>
        %gather3A_620 = vector.shape_cast %broadcast_in_dim3A_619 : vector<16x1xi32> to vector<16xi32>
        %gather3A_621 = tpu.dynamic_gather %add3A_611[%gather3A_620] in [0] : vector<16xi32>, vector<16xi32> -> vector<16xi32>
        %select_n3A_622 = arith.select %ge3A_32, %gather3A_621, %broadcast_in_dim3A_38 : vector<16xi1>, vector<16xi32>
        %add3A_623 = arith.addi %add3A_611, %select_n3A_622 : vector<16xi32>
        %lt3A_624 = arith.constant 0 : i32
        %lt3A_625 = vector.broadcast %lt3A_624 : i32 to vector<16xi32>
        %lt3A_626 = arith.cmpi slt, %max3A_24, %lt3A_625 : vector<16xi32>
        %add3A_627 = arith.constant 16 : i32
        %add3A_628 = vector.broadcast %add3A_627 : i32 to vector<16xi32>
        %add3A_629 = arith.addi %max3A_24, %add3A_628 : vector<16xi32>
        %select_n3A_630 = arith.select %lt3A_626, %add3A_629, %max3A_24 : vector<16xi1>, vector<16xi32>
        %broadcast_in_dim3A_631 = vector.shape_cast %select_n3A_630 : vector<16xi32> to vector<16x1xi32>
        %gather3A_632 = vector.shape_cast %broadcast_in_dim3A_631 : vector<16x1xi32> to vector<16xi32>
        %gather3A_633 = tpu.dynamic_gather %add3A_623[%gather3A_632] in [0] : vector<16xi32>, vector<16xi32> -> vector<16xi32>
        %select_n3A_634 = arith.select %ge3A_35, %gather3A_633, %broadcast_in_dim3A_38 : vector<16xi1>, vector<16xi32>
        %add3A_635 = arith.addi %add3A_623, %select_n3A_634 : vector<16xi32>
        %sub3A_636 = arith.subi %add3A_635, %select_n3A_539 : vector<16xi32>
        %sub3A_637 = arith.subi %add3A_587, %select_n3A_538 : vector<16xi32>
        %select_n3A_638 = arith.select %ge3A_522, %sub3A_636, %sub3A_637 : vector<16xi1>, vector<16xi32>
        %shift_right_logical3A_639 = arith.shrui %select_n3A_638, %shift_left3A_534 : vector<16xi32>
        %and3A_640 = arith.constant 255 : i32
        %and3A_641 = vector.broadcast %and3A_640 : i32 to vector<16xi32>
        %and3A_642 = arith.andi %shift_right_logical3A_639, %and3A_641 : vector<16xi32>
        %lt3A_643 = arith.constant 0 : i32
        %lt3A_644 = vector.broadcast %lt3A_643 : i32 to vector<16xi32>
        %lt3A_645 = arith.cmpi slt, %broadcast_in_dim3A_36, %lt3A_644 : vector<16xi32>
        %add3A_646 = arith.constant 16 : i32
        %add3A_647 = vector.broadcast %add3A_646 : i32 to vector<16xi32>
        %add3A_648 = arith.addi %broadcast_in_dim3A_36, %add3A_647 : vector<16xi32>
        %select_n3A_649 = arith.select %lt3A_645, %add3A_648, %broadcast_in_dim3A_36 : vector<16xi1>, vector<16xi32>
        %broadcast_in_dim3A_650 = vector.shape_cast %select_n3A_649 : vector<16xi32> to vector<16x1xi32>
        %gather3A_651 = vector.shape_cast %broadcast_in_dim3A_650 : vector<16x1xi32> to vector<16xi32>
        %gather3A_652 = tpu.dynamic_gather %add3A_587[%gather3A_651] in [0] : vector<16xi32>, vector<16xi32> -> vector<16xi32>
        %lt3A_653 = arith.constant 0 : i32
        %lt3A_654 = vector.broadcast %lt3A_653 : i32 to vector<16xi32>
        %lt3A_655 = arith.cmpi slt, %broadcast_in_dim3A_36, %lt3A_654 : vector<16xi32>
        %add3A_656 = arith.constant 16 : i32
        %add3A_657 = vector.broadcast %add3A_656 : i32 to vector<16xi32>
        %add3A_658 = arith.addi %broadcast_in_dim3A_36, %add3A_657 : vector<16xi32>
        %select_n3A_659 = arith.select %lt3A_655, %add3A_658, %broadcast_in_dim3A_36 : vector<16xi1>, vector<16xi32>
        %broadcast_in_dim3A_660 = vector.shape_cast %select_n3A_659 : vector<16xi32> to vector<16x1xi32>
        %gather3A_661 = vector.shape_cast %broadcast_in_dim3A_660 : vector<16x1xi32> to vector<16xi32>
        %gather3A_662 = tpu.dynamic_gather %add3A_635[%gather3A_661] in [0] : vector<16xi32>, vector<16xi32> -> vector<16xi32>
        %select_n3A_663 = arith.select %lt3A_44, %gather3A_652, %gather3A_662 : vector<16xi1>, vector<16xi32>
        %shift_right_logical3A_664 = arith.shrui %select_n3A_663, %shift_left3A_42 : vector<16xi32>
        %and3A_665 = arith.constant 255 : i32
        %and3A_666 = vector.broadcast %and3A_665 : i32 to vector<16xi32>
        %and3A_667 = arith.andi %shift_right_logical3A_664, %and3A_666 : vector<16xi32>
        %lt3A_668 = arith.constant 0 : i32
        %lt3A_669 = vector.broadcast %lt3A_668 : i32 to vector<16xi32>
        %lt3A_670 = arith.cmpi slt, %shift_right_logical3A_519, %lt3A_669 : vector<16xi32>
        %add3A_671 = arith.constant 16 : i32
        %add3A_672 = vector.broadcast %add3A_671 : i32 to vector<16xi32>
        %add3A_673 = arith.addi %shift_right_logical3A_519, %add3A_672 : vector<16xi32>
        %select_n3A_674 = arith.select %lt3A_670, %add3A_673, %shift_right_logical3A_519 : vector<16xi1>, vector<16xi32>
        %broadcast_in_dim3A_675 = vector.shape_cast %select_n3A_674 : vector<16xi32> to vector<16x1xi32>
        %gather3A_676 = vector.shape_cast %broadcast_in_dim3A_675 : vector<16x1xi32> to vector<16xi32>
        %gather3A_677 = tpu.dynamic_gather %scan3A_483[%gather3A_676] in [0] : vector<16xi32>, vector<16xi32> -> vector<16xi32>
        %add3A_678 = arith.addi %gather3A_677, %and3A_642 : vector<16xi32>
        %mul3A_679 = arith.constant 16 : i32
        %mul3A_680 = arith.muli %scan3A_480, %mul3A_679 : i32
        %swap3A_681 = arith.index_cast %mul3A_680 : i32 to index
        %swap3A_682 = tpu.vector_load %arg15[%swap3A_681] {strides = array<i32>} : memref<7808xi32, #tpu.memory_space<vmem>>, vector<16xi32>,
        %swap3A_683 = vector.shape_cast %swap3A_682 : vector<16xi32> to vector<16xi32>
        %swap3A_684 = vector.shape_cast %sub3A_528 : vector<16xi32> to vector<16xi32>
        tpu.vector_store %arg15[%swap3A_681], %swap3A_684 {strides = array<i32>} : memref<7808xi32, #tpu.memory_space<vmem>>, vector<16xi32>,
        %mul3A_685 = arith.constant 16 : i32
        %mul3A_686 = arith.muli %scan3A_480, %mul3A_685 : i32
        %swap3A_687 = arith.index_cast %mul3A_686 : i32 to index
        %swap3A_688 = tpu.vector_load %arg17[%swap3A_687] {strides = array<i32>} : memref<7808xf32, #tpu.memory_space<vmem>>, vector<16xf32>,
        %swap3A_689 = vector.shape_cast %swap3A_688 : vector<16xf32> to vector<16xf32>
        %swap3A_690 = vector.shape_cast %div3A_499 : vector<16xf32> to vector<16xf32>
        tpu.vector_store %arg17[%swap3A_687], %swap3A_690 {strides = array<i32>} : memref<7808xf32, #tpu.memory_space<vmem>>, vector<16xf32>,
        %mul3A_691 = arith.constant 16 : i32
        %mul3A_692 = arith.muli %scan3A_480, %mul3A_691 : i32
        %swap3A_693 = arith.index_cast %mul3A_692 : i32 to index
        %swap3A_694 = tpu.vector_load %arg19[%swap3A_693] {strides = array<i32>} : memref<7808xi32, #tpu.memory_space<vmem>>, vector<16xi32>,
        %swap3A_695 = vector.shape_cast %swap3A_694 : vector<16xi32> to vector<16xi32>
        %swap3A_696 = vector.shape_cast %add3A_678 : vector<16xi32> to vector<16xi32>
        tpu.vector_store %arg19[%swap3A_693], %swap3A_696 {strides = array<i32>} : memref<7808xi32, #tpu.memory_space<vmem>>, vector<16xi32>,
        %add3A_697 = arith.addi %scan3A_483, %and3A_667 : vector<16xi32>
        scf.yield %select_n3A_509, %select_n3A_510, %add3A_697 : vector<16xf32>, vector<16xi32>, vector<16xi32>
      }
      %scan3A_122 = arith.constant 488 : i32
      %dma_wait3A = tpu.memref_slice %arg21[%add3A_62] : memref<329728xi32, #tpu.memory_space<vmem_shared>> -> memref<2560xi32, #tpu.memory_space<vmem_shared>>
      %dma_wait3A_123 = tpu.memref_slice %arg21[%add3A_62] : memref<329728xi32, #tpu.memory_space<vmem_shared>> -> memref<2560xi32, #tpu.memory_space<vmem_shared>>
      tpu.wait_dma2 semaphore(%arg23 : memref<!tpu.dma_semaphore, #tpu.memory_space<semaphore_mem>>) src(%arg14 : memref<2560xi32, #tpu.memory_space<vmem>>) dst(%dma_wait3A_123 : memref<2560xi32, #tpu.memory_space<vmem_shared>>)
      %dma_wait3A_124 = tpu.memref_slice %arg21[%add3A_67] : memref<329728xi32, #tpu.memory_space<vmem_shared>> -> memref<2560xi32, #tpu.memory_space<vmem_shared>>
      %dma_wait3A_125 = tpu.memref_slice %arg21[%add3A_67] : memref<329728xi32, #tpu.memory_space<vmem_shared>> -> memref<2560xi32, #tpu.memory_space<vmem_shared>>
      tpu.wait_dma2 semaphore(%arg23 : memref<!tpu.dma_semaphore, #tpu.memory_space<semaphore_mem>>) src(%arg14 : memref<2560xi32, #tpu.memory_space<vmem>>) dst(%dma_wait3A_125 : memref<2560xi32, #tpu.memory_space<vmem_shared>>)
      %dma_wait3A_126 = tpu.memref_slice %arg21[%add3A_73] : memref<329728xi32, #tpu.memory_space<vmem_shared>> -> memref<2560xi32, #tpu.memory_space<vmem_shared>>
      %dma_wait3A_127 = tpu.memref_slice %arg21[%add3A_73] : memref<329728xi32, #tpu.memory_space<vmem_shared>> -> memref<2560xi32, #tpu.memory_space<vmem_shared>>
      tpu.wait_dma2 semaphore(%arg23 : memref<!tpu.dma_semaphore, #tpu.memory_space<semaphore_mem>>) src(%arg14 : memref<2560xi32, #tpu.memory_space<vmem>>) dst(%dma_wait3A_127 : memref<2560xi32, #tpu.memory_space<vmem_shared>>)
      %dma_wait3A_128 = tpu.memref_slice %arg21[%add3A_79] : memref<329728xi32, #tpu.memory_space<vmem_shared>> -> memref<2560xi32, #tpu.memory_space<vmem_shared>>
      %dma_wait3A_129 = tpu.memref_slice %arg21[%add3A_79] : memref<329728xi32, #tpu.memory_space<vmem_shared>> -> memref<2560xi32, #tpu.memory_space<vmem_shared>>
      tpu.wait_dma2 semaphore(%arg23 : memref<!tpu.dma_semaphore, #tpu.memory_space<semaphore_mem>>) src(%arg14 : memref<2560xi32, #tpu.memory_space<vmem>>) dst(%dma_wait3A_129 : memref<2560xi32, #tpu.memory_space<vmem_shared>>)
      %dma_wait3A_130 = tpu.memref_slice %arg21[%add3A_85] : memref<329728xi32, #tpu.memory_space<vmem_shared>> -> memref<2560xi32, #tpu.memory_space<vmem_shared>>
      %dma_wait3A_131 = tpu.memref_slice %arg21[%add3A_85] : memref<329728xi32, #tpu.memory_space<vmem_shared>> -> memref<2560xi32, #tpu.memory_space<vmem_shared>>
      tpu.wait_dma2 semaphore(%arg23 : memref<!tpu.dma_semaphore, #tpu.memory_space<semaphore_mem>>) src(%arg14 : memref<2560xi32, #tpu.memory_space<vmem>>) dst(%dma_wait3A_131 : memref<2560xi32, #tpu.memory_space<vmem_shared>>)
      %dma_wait3A_132 = tpu.memref_slice %arg21[%add3A_91] : memref<329728xi32, #tpu.memory_space<vmem_shared>> -> memref<2560xi32, #tpu.memory_space<vmem_shared>>
      %dma_wait3A_133 = tpu.memref_slice %arg21[%add3A_91] : memref<329728xi32, #tpu.memory_space<vmem_shared>> -> memref<2560xi32, #tpu.memory_space<vmem_shared>>
      tpu.wait_dma2 semaphore(%arg23 : memref<!tpu.dma_semaphore, #tpu.memory_space<semaphore_mem>>) src(%arg14 : memref<2560xi32, #tpu.memory_space<vmem>>) dst(%dma_wait3A_133 : memref<2560xi32, #tpu.memory_space<vmem_shared>>)
      %dma_wait3A_134 = tpu.memref_slice %arg21[%add3A_97] : memref<329728xi32, #tpu.memory_space<vmem_shared>> -> memref<2560xi32, #tpu.memory_space<vmem_shared>>
      %dma_wait3A_135 = tpu.memref_slice %arg21[%add3A_97] : memref<329728xi32, #tpu.memory_space<vmem_shared>> -> memref<2560xi32, #tpu.memory_space<vmem_shared>>
      tpu.wait_dma2 semaphore(%arg23 : memref<!tpu.dma_semaphore, #tpu.memory_space<semaphore_mem>>) src(%arg14 : memref<2560xi32, #tpu.memory_space<vmem>>) dst(%dma_wait3A_135 : memref<2560xi32, #tpu.memory_space<vmem_shared>>)
      %dma_wait3A_136 = tpu.memref_slice %arg21[%add3A_103] : memref<329728xi32, #tpu.memory_space<vmem_shared>> -> memref<2560xi32, #tpu.memory_space<vmem_shared>>
      %dma_wait3A_137 = tpu.memref_slice %arg21[%add3A_103] : memref<329728xi32, #tpu.memory_space<vmem_shared>> -> memref<2560xi32, #tpu.memory_space<vmem_shared>>
      tpu.wait_dma2 semaphore(%arg23 : memref<!tpu.dma_semaphore, #tpu.memory_space<semaphore_mem>>) src(%arg14 : memref<2560xi32, #tpu.memory_space<vmem>>) dst(%dma_wait3A_137 : memref<2560xi32, #tpu.memory_space<vmem_shared>>)
      %dma_start3A_138 = arith.constant 0 : i32
      %dma_start3A_139 = tpu.memref_slice %arg21[%dma_start3A_138] : memref<329728xi32, #tpu.memory_space<vmem_shared>> -> memref<329728xi32, #tpu.memory_space<vmem_shared>>
      tpu.enqueue_indirect_dma source(%arg15 : memref<7808xi32, #tpu.memory_space<vmem>>) target(%dma_start3A_139 : memref<329728xi32, #tpu.memory_space<vmem_shared>>) offsets(%arg19 : memref<7808xi32, #tpu.memory_space<vmem>>) semaphore(%arg24 : memref<!tpu.dma_semaphore, #tpu.memory_space<semaphore_mem>>)
      %dma_start3A_140 = arith.constant 0 : i32
      %dma_start3A_141 = tpu.memref_slice %arg22[%dma_start3A_140] : memref<329728xf32, #tpu.memory_space<vmem_shared>> -> memref<329728xf32, #tpu.memory_space<vmem_shared>>
      tpu.enqueue_indirect_dma source(%arg17 : memref<7808xf32, #tpu.memory_space<vmem>>) target(%dma_start3A_141 : memref<329728xf32, #tpu.memory_space<vmem_shared>>) offsets(%arg19 : memref<7808xi32, #tpu.memory_space<vmem>>) semaphore(%arg24 : memref<!tpu.dma_semaphore, #tpu.memory_space<semaphore_mem>>)
      %scan3A_142 = arith.constant 0 : i32
      %scan3A_143 = arith.constant 475 : i32
      %scan3A_144 = arith.addi %scan3A_142, %scan3A_143 : i32
      %scan3A_145 = arith.constant 1 : i32
      %scan3A_146:3 = scf.for %scan3A_480 = %scan3A_142 to %scan3A_144 step %scan3A_145 iter_args(%scan3A_481 = %scan3A_121#0, %scan3A_482 = %scan3A_121#1, %scan3A_483 = %scan3A_121#2) -> (vector<16xf32>, vector<16xi32>, vector<16xi32>)  : i32 {
        %add3A_484 = arith.constant 488 : i32
        %add3A_485 = arith.addi %add3A_484, %scan3A_480 : i32
        %mul3A_486 = arith.constant 16 : i32
        %mul3A_487 = arith.muli %add3A_485, %mul3A_486 : i32
        %get3A_488 = arith.index_cast %mul3A_487 : i32 to index
        %get3A_489 = tpu.vector_load %arg9[%get3A_488] {strides = array<i32>} : memref<15632xf32, #tpu.memory_space<vmem>>, vector<16xf32>,
        %get3A_490 = vector.shape_cast %get3A_489 : vector<16xf32> to vector<16xf32>
        %sub3A_491 = arith.subf %get3A_490, %get3A_2 : vector<16xf32>
        %mul3A_492 = arith.constant 1.000000e+01 : f32
        %mul3A_493 = vector.broadcast %mul3A_492 : f32 to vector<16xf32>
        %mul3A_494 = arith.mulf %sub3A_491, %mul3A_493 : vector<16xf32>
        %exp3A = math.exp %mul3A_494 : vector<16xf32>
        %add3A_495 = arith.constant 1.000000e+00 : f32
        %add3A_496 = vector.broadcast %add3A_495 : f32 to vector<16xf32>
        %add3A_497 = arith.addf %add3A_496, %exp3A : vector<16xf32>
        %div3A = arith.constant 1.000000e+00 : f32
        %div3A_498 = vector.broadcast %div3A : f32 to vector<16xf32>
        %div3A_499 = arith.divf %div3A_498, %add3A_497 : vector<16xf32>
        %sub3A_500 = arith.subf %get3A_490, %get3A_2 : vector<16xf32>
        %abs3A = math.absf %sub3A_500 : vector<16xf32>
        %add3A_501 = arith.constant 488 : i32
        %add3A_502 = arith.addi %add3A_501, %scan3A_480 : i32
        %mul3A_503 = arith.constant 16 : i32
        %mul3A_504 = arith.muli %add3A_502, %mul3A_503 : i32
        %add3A_505 = arith.addi %mul3A_53, %mul3A_504 : i32
        %add3A_506 = vector.broadcast %add3A_505 : i32 to vector<16xi32>
        %add3A_507 = arith.addi %add3A_506, %iota3A : vector<16xi32>
        %lt3A_508 = arith.cmpf olt, %abs3A, %scan3A_481 : vector<16xf32>
        %select_n3A_509 = arith.select %lt3A_508, %abs3A, %scan3A_481 : vector<16xi1>, vector<16xf32>
        %select_n3A_510 = arith.select %lt3A_508, %add3A_507, %scan3A_482 : vector<16xi1>, vector<16xi32>
        %add3A_511 = arith.constant 488 : i32
        %add3A_512 = arith.addi %add3A_511, %scan3A_480 : i32
        %mul3A_513 = arith.constant 16 : i32
        %mul3A_514 = arith.muli %add3A_512, %mul3A_513 : i32
        %get3A_515 = arith.index_cast %mul3A_514 : i32 to index
        %get3A_516 = tpu.vector_load %arg10[%get3A_515] {strides = array<i32>} : memref<15632xi32, #tpu.memory_space<vmem>>, vector<16xi32>,
        %get3A_517 = vector.shape_cast %get3A_516 : vector<16xi32> to vector<16xi32>
        %shift_right_logical3A = arith.constant 17 : i32
        %shift_right_logical3A_518 = vector.broadcast %shift_right_logical3A : i32 to vector<16xi32>
        %shift_right_logical3A_519 = arith.shrui %get3A_517, %shift_right_logical3A_518 : vector<16xi32>
        %ge3A_520 = arith.constant 4 : i32
        %ge3A_521 = vector.broadcast %ge3A_520 : i32 to vector<16xi32>
        %ge3A_522 = arith.cmpi sge, %shift_right_logical3A_519, %ge3A_521 : vector<16xi32>
        %jit3A_523 = arith.constant 524288 : i32
        %jit3A_524 = arith.constant 0 : i32
        %broadcast_in_dim3A_525 = vector.broadcast %jit3A_523 : i32 to vector<16xi32>
        %broadcast_in_dim3A_526 = vector.broadcast %jit3A_524 : i32 to vector<16xi32>
        %select_n3A_527 = arith.select %ge3A_522, %broadcast_in_dim3A_525, %broadcast_in_dim3A_526 : vector<16xi1>, vector<16xi32>
        %sub3A_528 = arith.subi %get3A_517, %select_n3A_527 : vector<16xi32>
        %and3A_529 = arith.constant 3 : i32
        %and3A_530 = vector.broadcast %and3A_529 : i32 to vector<16xi32>
        %and3A_531 = arith.andi %shift_right_logical3A_519, %and3A_530 : vector<16xi32>
        %shift_left3A_532 = arith.constant 3 : i32
        %shift_left3A_533 = vector.broadcast %shift_left3A_532 : i32 to vector<16xi32>
        %shift_left3A_534 = arith.shli %and3A_531, %shift_left3A_533 : vector<16xi32>
        %shift_left3A_535 = arith.constant 1 : i32
        %shift_left3A_536 = vector.broadcast %shift_left3A_535 : i32 to vector<16xi32>
        %shift_left3A_537 = arith.shli %shift_left3A_536, %shift_left3A_534 : vector<16xi32>
        %select_n3A_538 = arith.select %ge3A_522, %broadcast_in_dim3A_38, %shift_left3A_537 : vector<16xi1>, vector<16xi32>
        %select_n3A_539 = arith.select %ge3A_522, %shift_left3A_537, %broadcast_in_dim3A_38 : vector<16xi1>, vector<16xi32>
        %lt3A_540 = arith.constant 0 : i32
        %lt3A_541 = vector.broadcast %lt3A_540 : i32 to vector<16xi32>
        %lt3A_542 = arith.cmpi slt, %max3A_6, %lt3A_541 : vector<16xi32>
        %add3A_543 = arith.constant 16 : i32
        %add3A_544 = vector.broadcast %add3A_543 : i32 to vector<16xi32>
        %add3A_545 = arith.addi %max3A_6, %add3A_544 : vector<16xi32>
        %select_n3A_546 = arith.select %lt3A_542, %add3A_545, %max3A_6 : vector<16xi1>, vector<16xi32>
        %broadcast_in_dim3A_547 = vector.shape_cast %select_n3A_546 : vector<16xi32> to vector<16x1xi32>
        %gather3A_548 = vector.shape_cast %broadcast_in_dim3A_547 : vector<16x1xi32> to vector<16xi32>
        %gather3A_549 = tpu.dynamic_gather %select_n3A_538[%gather3A_548] in [0] : vector<16xi32>, vector<16xi32> -> vector<16xi32>
        %select_n3A_550 = arith.select %ge3A_26, %gather3A_549, %broadcast_in_dim3A_38 : vector<16xi1>, vector<16xi32>
        %add3A_551 = arith.addi %select_n3A_538, %select_n3A_550 : vector<16xi32>
        %lt3A_552 = arith.constant 0 : i32
        %lt3A_553 = vector.broadcast %lt3A_552 : i32 to vector<16xi32>
        %lt3A_554 = arith.cmpi slt, %max3A_12, %lt3A_553 : vector<16xi32>
        %add3A_555 = arith.constant 16 : i32
        %add3A_556 = vector.broadcast %add3A_555 : i32 to vector<16xi32>
        %add3A_557 = arith.addi %max3A_12, %add3A_556 : vector<16xi32>
        %select_n3A_558 = arith.select %lt3A_554, %add3A_557, %max3A_12 : vector<16xi1>, vector<16xi32>
        %broadcast_in_dim3A_559 = vector.shape_cast %select_n3A_558 : vector<16xi32> to vector<16x1xi32>
        %gather3A_560 = vector.shape_cast %broadcast_in_dim3A_559 : vector<16x1xi32> to vector<16xi32>
        %gather3A_561 = tpu.dynamic_gather %add3A_551[%gather3A_560] in [0] : vector<16xi32>, vector<16xi32> -> vector<16xi32>
        %select_n3A_562 = arith.select %ge3A_29, %gather3A_561, %broadcast_in_dim3A_38 : vector<16xi1>, vector<16xi32>
        %add3A_563 = arith.addi %add3A_551, %select_n3A_562 : vector<16xi32>
        %lt3A_564 = arith.constant 0 : i32
        %lt3A_565 = vector.broadcast %lt3A_564 : i32 to vector<16xi32>
        %lt3A_566 = arith.cmpi slt, %max3A_18, %lt3A_565 : vector<16xi32>
        %add3A_567 = arith.constant 16 : i32
        %add3A_568 = vector.broadcast %add3A_567 : i32 to vector<16xi32>
        %add3A_569 = arith.addi %max3A_18, %add3A_568 : vector<16xi32>
        %select_n3A_570 = arith.select %lt3A_566, %add3A_569, %max3A_18 : vector<16xi1>, vector<16xi32>
        %broadcast_in_dim3A_571 = vector.shape_cast %select_n3A_570 : vector<16xi32> to vector<16x1xi32>
        %gather3A_572 = vector.shape_cast %broadcast_in_dim3A_571 : vector<16x1xi32> to vector<16xi32>
        %gather3A_573 = tpu.dynamic_gather %add3A_563[%gather3A_572] in [0] : vector<16xi32>, vector<16xi32> -> vector<16xi32>
        %select_n3A_574 = arith.select %ge3A_32, %gather3A_573, %broadcast_in_dim3A_38 : vector<16xi1>, vector<16xi32>
        %add3A_575 = arith.addi %add3A_563, %select_n3A_574 : vector<16xi32>
        %lt3A_576 = arith.constant 0 : i32
        %lt3A_577 = vector.broadcast %lt3A_576 : i32 to vector<16xi32>
        %lt3A_578 = arith.cmpi slt, %max3A_24, %lt3A_577 : vector<16xi32>
        %add3A_579 = arith.constant 16 : i32
        %add3A_580 = vector.broadcast %add3A_579 : i32 to vector<16xi32>
        %add3A_581 = arith.addi %max3A_24, %add3A_580 : vector<16xi32>
        %select_n3A_582 = arith.select %lt3A_578, %add3A_581, %max3A_24 : vector<16xi1>, vector<16xi32>
        %broadcast_in_dim3A_583 = vector.shape_cast %select_n3A_582 : vector<16xi32> to vector<16x1xi32>
        %gather3A_584 = vector.shape_cast %broadcast_in_dim3A_583 : vector<16x1xi32> to vector<16xi32>
        %gather3A_585 = tpu.dynamic_gather %add3A_575[%gather3A_584] in [0] : vector<16xi32>, vector<16xi32> -> vector<16xi32>
        %select_n3A_586 = arith.select %ge3A_35, %gather3A_585, %broadcast_in_dim3A_38 : vector<16xi1>, vector<16xi32>
        %add3A_587 = arith.addi %add3A_575, %select_n3A_586 : vector<16xi32>
        %lt3A_588 = arith.constant 0 : i32
        %lt3A_589 = vector.broadcast %lt3A_588 : i32 to vector<16xi32>
        %lt3A_590 = arith.cmpi slt, %max3A_6, %lt3A_589 : vector<16xi32>
        %add3A_591 = arith.constant 16 : i32
        %add3A_592 = vector.broadcast %add3A_591 : i32 to vector<16xi32>
        %add3A_593 = arith.addi %max3A_6, %add3A_592 : vector<16xi32>
        %select_n3A_594 = arith.select %lt3A_590, %add3A_593, %max3A_6 : vector<16xi1>, vector<16xi32>
        %broadcast_in_dim3A_595 = vector.shape_cast %select_n3A_594 : vector<16xi32> to vector<16x1xi32>
        %gather3A_596 = vector.shape_cast %broadcast_in_dim3A_595 : vector<16x1xi32> to vector<16xi32>
        %gather3A_597 = tpu.dynamic_gather %select_n3A_539[%gather3A_596] in [0] : vector<16xi32>, vector<16xi32> -> vector<16xi32>
        %select_n3A_598 = arith.select %ge3A_26, %gather3A_597, %broadcast_in_dim3A_38 : vector<16xi1>, vector<16xi32>
        %add3A_599 = arith.addi %select_n3A_539, %select_n3A_598 : vector<16xi32>
        %lt3A_600 = arith.constant 0 : i32
        %lt3A_601 = vector.broadcast %lt3A_600 : i32 to vector<16xi32>
        %lt3A_602 = arith.cmpi slt, %max3A_12, %lt3A_601 : vector<16xi32>
        %add3A_603 = arith.constant 16 : i32
        %add3A_604 = vector.broadcast %add3A_603 : i32 to vector<16xi32>
        %add3A_605 = arith.addi %max3A_12, %add3A_604 : vector<16xi32>
        %select_n3A_606 = arith.select %lt3A_602, %add3A_605, %max3A_12 : vector<16xi1>, vector<16xi32>
        %broadcast_in_dim3A_607 = vector.shape_cast %select_n3A_606 : vector<16xi32> to vector<16x1xi32>
        %gather3A_608 = vector.shape_cast %broadcast_in_dim3A_607 : vector<16x1xi32> to vector<16xi32>
        %gather3A_609 = tpu.dynamic_gather %add3A_599[%gather3A_608] in [0] : vector<16xi32>, vector<16xi32> -> vector<16xi32>
        %select_n3A_610 = arith.select %ge3A_29, %gather3A_609, %broadcast_in_dim3A_38 : vector<16xi1>, vector<16xi32>
        %add3A_611 = arith.addi %add3A_599, %select_n3A_610 : vector<16xi32>
        %lt3A_612 = arith.constant 0 : i32
        %lt3A_613 = vector.broadcast %lt3A_612 : i32 to vector<16xi32>
        %lt3A_614 = arith.cmpi slt, %max3A_18, %lt3A_613 : vector<16xi32>
        %add3A_615 = arith.constant 16 : i32
        %add3A_616 = vector.broadcast %add3A_615 : i32 to vector<16xi32>
        %add3A_617 = arith.addi %max3A_18, %add3A_616 : vector<16xi32>
        %select_n3A_618 = arith.select %lt3A_614, %add3A_617, %max3A_18 : vector<16xi1>, vector<16xi32>
        %broadcast_in_dim3A_619 = vector.shape_cast %select_n3A_618 : vector<16xi32> to vector<16x1xi32>
        %gather3A_620 = vector.shape_cast %broadcast_in_dim3A_619 : vector<16x1xi32> to vector<16xi32>
        %gather3A_621 = tpu.dynamic_gather %add3A_611[%gather3A_620] in [0] : vector<16xi32>, vector<16xi32> -> vector<16xi32>
        %select_n3A_622 = arith.select %ge3A_32, %gather3A_621, %broadcast_in_dim3A_38 : vector<16xi1>, vector<16xi32>
        %add3A_623 = arith.addi %add3A_611, %select_n3A_622 : vector<16xi32>
        %lt3A_624 = arith.constant 0 : i32
        %lt3A_625 = vector.broadcast %lt3A_624 : i32 to vector<16xi32>
        %lt3A_626 = arith.cmpi slt, %max3A_24, %lt3A_625 : vector<16xi32>
        %add3A_627 = arith.constant 16 : i32
        %add3A_628 = vector.broadcast %add3A_627 : i32 to vector<16xi32>
        %add3A_629 = arith.addi %max3A_24, %add3A_628 : vector<16xi32>
        %select_n3A_630 = arith.select %lt3A_626, %add3A_629, %max3A_24 : vector<16xi1>, vector<16xi32>
        %broadcast_in_dim3A_631 = vector.shape_cast %select_n3A_630 : vector<16xi32> to vector<16x1xi32>
        %gather3A_632 = vector.shape_cast %broadcast_in_dim3A_631 : vector<16x1xi32> to vector<16xi32>
        %gather3A_633 = tpu.dynamic_gather %add3A_623[%gather3A_632] in [0] : vector<16xi32>, vector<16xi32> -> vector<16xi32>
        %select_n3A_634 = arith.select %ge3A_35, %gather3A_633, %broadcast_in_dim3A_38 : vector<16xi1>, vector<16xi32>
        %add3A_635 = arith.addi %add3A_623, %select_n3A_634 : vector<16xi32>
        %sub3A_636 = arith.subi %add3A_635, %select_n3A_539 : vector<16xi32>
        %sub3A_637 = arith.subi %add3A_587, %select_n3A_538 : vector<16xi32>
        %select_n3A_638 = arith.select %ge3A_522, %sub3A_636, %sub3A_637 : vector<16xi1>, vector<16xi32>
        %shift_right_logical3A_639 = arith.shrui %select_n3A_638, %shift_left3A_534 : vector<16xi32>
        %and3A_640 = arith.constant 255 : i32
        %and3A_641 = vector.broadcast %and3A_640 : i32 to vector<16xi32>
        %and3A_642 = arith.andi %shift_right_logical3A_639, %and3A_641 : vector<16xi32>
        %lt3A_643 = arith.constant 0 : i32
        %lt3A_644 = vector.broadcast %lt3A_643 : i32 to vector<16xi32>
        %lt3A_645 = arith.cmpi slt, %broadcast_in_dim3A_36, %lt3A_644 : vector<16xi32>
        %add3A_646 = arith.constant 16 : i32
        %add3A_647 = vector.broadcast %add3A_646 : i32 to vector<16xi32>
        %add3A_648 = arith.addi %broadcast_in_dim3A_36, %add3A_647 : vector<16xi32>
        %select_n3A_649 = arith.select %lt3A_645, %add3A_648, %broadcast_in_dim3A_36 : vector<16xi1>, vector<16xi32>
        %broadcast_in_dim3A_650 = vector.shape_cast %select_n3A_649 : vector<16xi32> to vector<16x1xi32>
        %gather3A_651 = vector.shape_cast %broadcast_in_dim3A_650 : vector<16x1xi32> to vector<16xi32>
        %gather3A_652 = tpu.dynamic_gather %add3A_587[%gather3A_651] in [0] : vector<16xi32>, vector<16xi32> -> vector<16xi32>
        %lt3A_653 = arith.constant 0 : i32
        %lt3A_654 = vector.broadcast %lt3A_653 : i32 to vector<16xi32>
        %lt3A_655 = arith.cmpi slt, %broadcast_in_dim3A_36, %lt3A_654 : vector<16xi32>
        %add3A_656 = arith.constant 16 : i32
        %add3A_657 = vector.broadcast %add3A_656 : i32 to vector<16xi32>
        %add3A_658 = arith.addi %broadcast_in_dim3A_36, %add3A_657 : vector<16xi32>
        %select_n3A_659 = arith.select %lt3A_655, %add3A_658, %broadcast_in_dim3A_36 : vector<16xi1>, vector<16xi32>
        %broadcast_in_dim3A_660 = vector.shape_cast %select_n3A_659 : vector<16xi32> to vector<16x1xi32>
        %gather3A_661 = vector.shape_cast %broadcast_in_dim3A_660 : vector<16x1xi32> to vector<16xi32>
        %gather3A_662 = tpu.dynamic_gather %add3A_635[%gather3A_661] in [0] : vector<16xi32>, vector<16xi32> -> vector<16xi32>
        %select_n3A_663 = arith.select %lt3A_44, %gather3A_652, %gather3A_662 : vector<16xi1>, vector<16xi32>
        %shift_right_logical3A_664 = arith.shrui %select_n3A_663, %shift_left3A_42 : vector<16xi32>
        %and3A_665 = arith.constant 255 : i32
        %and3A_666 = vector.broadcast %and3A_665 : i32 to vector<16xi32>
        %and3A_667 = arith.andi %shift_right_logical3A_664, %and3A_666 : vector<16xi32>
        %lt3A_668 = arith.constant 0 : i32
        %lt3A_669 = vector.broadcast %lt3A_668 : i32 to vector<16xi32>
        %lt3A_670 = arith.cmpi slt, %shift_right_logical3A_519, %lt3A_669 : vector<16xi32>
        %add3A_671 = arith.constant 16 : i32
        %add3A_672 = vector.broadcast %add3A_671 : i32 to vector<16xi32>
        %add3A_673 = arith.addi %shift_right_logical3A_519, %add3A_672 : vector<16xi32>
        %select_n3A_674 = arith.select %lt3A_670, %add3A_673, %shift_right_logical3A_519 : vector<16xi1>, vector<16xi32>
        %broadcast_in_dim3A_675 = vector.shape_cast %select_n3A_674 : vector<16xi32> to vector<16x1xi32>
        %gather3A_676 = vector.shape_cast %broadcast_in_dim3A_675 : vector<16x1xi32> to vector<16xi32>
        %gather3A_677 = tpu.dynamic_gather %scan3A_483[%gather3A_676] in [0] : vector<16xi32>, vector<16xi32> -> vector<16xi32>
        %add3A_678 = arith.addi %gather3A_677, %and3A_642 : vector<16xi32>
        %mul3A_679 = arith.constant 16 : i32
        %mul3A_680 = arith.muli %scan3A_480, %mul3A_679 : i32
        %swap3A_681 = arith.index_cast %mul3A_680 : i32 to index
        %swap3A_682 = tpu.vector_load %arg16[%swap3A_681] {strides = array<i32>} : memref<7824xi32, #tpu.memory_space<vmem>>, vector<16xi32>,
        %swap3A_683 = vector.shape_cast %swap3A_682 : vector<16xi32> to vector<16xi32>
        %swap3A_684 = vector.shape_cast %sub3A_528 : vector<16xi32> to vector<16xi32>
        tpu.vector_store %arg16[%swap3A_681], %swap3A_684 {strides = array<i32>} : memref<7824xi32, #tpu.memory_space<vmem>>, vector<16xi32>,
        %mul3A_685 = arith.constant 16 : i32
        %mul3A_686 = arith.muli %scan3A_480, %mul3A_685 : i32
        %swap3A_687 = arith.index_cast %mul3A_686 : i32 to index
        %swap3A_688 = tpu.vector_load %arg18[%swap3A_687] {strides = array<i32>} : memref<7824xf32, #tpu.memory_space<vmem>>, vector<16xf32>,
        %swap3A_689 = vector.shape_cast %swap3A_688 : vector<16xf32> to vector<16xf32>
        %swap3A_690 = vector.shape_cast %div3A_499 : vector<16xf32> to vector<16xf32>
        tpu.vector_store %arg18[%swap3A_687], %swap3A_690 {strides = array<i32>} : memref<7824xf32, #tpu.memory_space<vmem>>, vector<16xf32>,
        %mul3A_691 = arith.constant 16 : i32
        %mul3A_692 = arith.muli %scan3A_480, %mul3A_691 : i32
        %swap3A_693 = arith.index_cast %mul3A_692 : i32 to index
        %swap3A_694 = tpu.vector_load %arg20[%swap3A_693] {strides = array<i32>} : memref<7824xi32, #tpu.memory_space<vmem>>, vector<16xi32>,
        %swap3A_695 = vector.shape_cast %swap3A_694 : vector<16xi32> to vector<16xi32>
        %swap3A_696 = vector.shape_cast %add3A_678 : vector<16xi32> to vector<16xi32>
        tpu.vector_store %arg20[%swap3A_693], %swap3A_696 {strides = array<i32>} : memref<7824xi32, #tpu.memory_space<vmem>>, vector<16xi32>,
        %add3A_697 = arith.addi %scan3A_483, %and3A_667 : vector<16xi32>
        scf.yield %select_n3A_509, %select_n3A_510, %add3A_697 : vector<16xf32>, vector<16xi32>, vector<16xi32>
      }
      %scan3A_147 = arith.constant 475 : i32
      %add3A_148 = arith.constant 7600 : i32
      %add3A_149 = vector.broadcast %add3A_148 : i32 to vector<16xi32>
      %add3A_150 = arith.addi %add3A_149, %iota3A : vector<16xi32>
      %and3A_151 = arith.constant 2047 : i32
      %and3A_152 = vector.broadcast %and3A_151 : i32 to vector<16xi32>
      %and3A_153 = arith.andi %add3A_150, %and3A_152 : vector<16xi32>
      %add3A_154 = arith.constant 327680 : i32
      %add3A_155 = vector.broadcast %add3A_154 : i32 to vector<16xi32>
      %add3A_156 = arith.addi %add3A_155, %and3A_153 : vector<16xi32>
      %swap3A = arith.constant 7600 : index
      %swap3A_157 = tpu.vector_load %arg20[%swap3A] {strides = array<i32>} : memref<7824xi32, #tpu.memory_space<vmem>>, vector<16xi32>,
      %swap3A_158 = vector.shape_cast %swap3A_157 : vector<16xi32> to vector<16xi32>
      %swap3A_159 = vector.shape_cast %add3A_156 : vector<16xi32> to vector<16xi32>
      tpu.vector_store %arg20[%swap3A], %swap3A_159 {strides = array<i32>} : memref<7824xi32, #tpu.memory_space<vmem>>, vector<16xi32>,
      %add3A_160 = arith.constant 7616 : i32
      %add3A_161 = vector.broadcast %add3A_160 : i32 to vector<16xi32>
      %add3A_162 = arith.addi %add3A_161, %iota3A : vector<16xi32>
      %and3A_163 = arith.constant 2047 : i32
      %and3A_164 = vector.broadcast %and3A_163 : i32 to vector<16xi32>
      %and3A_165 = arith.andi %add3A_162, %and3A_164 : vector<16xi32>
      %add3A_166 = arith.constant 327680 : i32
      %add3A_167 = vector.broadcast %add3A_166 : i32 to vector<16xi32>
      %add3A_168 = arith.addi %add3A_167, %and3A_165 : vector<16xi32>
      %swap3A_169 = arith.constant 7616 : index
      %swap3A_170 = tpu.vector_load %arg20[%swap3A_169] {strides = array<i32>} : memref<7824xi32, #tpu.memory_space<vmem>>, vector<16xi32>,
      %swap3A_171 = vector.shape_cast %swap3A_170 : vector<16xi32> to vector<16xi32>
      %swap3A_172 = vector.shape_cast %add3A_168 : vector<16xi32> to vector<16xi32>
      tpu.vector_store %arg20[%swap3A_169], %swap3A_172 {strides = array<i32>} : memref<7824xi32, #tpu.memory_space<vmem>>, vector<16xi32>,
      %add3A_173 = arith.constant 7632 : i32
      %add3A_174 = vector.broadcast %add3A_173 : i32 to vector<16xi32>
      %add3A_175 = arith.addi %add3A_174, %iota3A : vector<16xi32>
      %and3A_176 = arith.constant 2047 : i32
      %and3A_177 = vector.broadcast %and3A_176 : i32 to vector<16xi32>
      %and3A_178 = arith.andi %add3A_175, %and3A_177 : vector<16xi32>
      %add3A_179 = arith.constant 327680 : i32
      %add3A_180 = vector.broadcast %add3A_179 : i32 to vector<16xi32>
      %add3A_181 = arith.addi %add3A_180, %and3A_178 : vector<16xi32>
      %swap3A_182 = arith.constant 7632 : index
      %swap3A_183 = tpu.vector_load %arg20[%swap3A_182] {strides = array<i32>} : memref<7824xi32, #tpu.memory_space<vmem>>, vector<16xi32>,
      %swap3A_184 = vector.shape_cast %swap3A_183 : vector<16xi32> to vector<16xi32>
      %swap3A_185 = vector.shape_cast %add3A_181 : vector<16xi32> to vector<16xi32>
      tpu.vector_store %arg20[%swap3A_182], %swap3A_185 {strides = array<i32>} : memref<7824xi32, #tpu.memory_space<vmem>>, vector<16xi32>,
      %add3A_186 = arith.constant 7648 : i32
      %add3A_187 = vector.broadcast %add3A_186 : i32 to vector<16xi32>
      %add3A_188 = arith.addi %add3A_187, %iota3A : vector<16xi32>
      %and3A_189 = arith.constant 2047 : i32
      %and3A_190 = vector.broadcast %and3A_189 : i32 to vector<16xi32>
      %and3A_191 = arith.andi %add3A_188, %and3A_190 : vector<16xi32>
      %add3A_192 = arith.constant 327680 : i32
      %add3A_193 = vector.broadcast %add3A_192 : i32 to vector<16xi32>
      %add3A_194 = arith.addi %add3A_193, %and3A_191 : vector<16xi32>
      %swap3A_195 = arith.constant 7648 : index
      %swap3A_196 = tpu.vector_load %arg20[%swap3A_195] {strides = array<i32>} : memref<7824xi32, #tpu.memory_space<vmem>>, vector<16xi32>,
      %swap3A_197 = vector.shape_cast %swap3A_196 : vector<16xi32> to vector<16xi32>
      %swap3A_198 = vector.shape_cast %add3A_194 : vector<16xi32> to vector<16xi32>
      tpu.vector_store %arg20[%swap3A_195], %swap3A_198 {strides = array<i32>} : memref<7824xi32, #tpu.memory_space<vmem>>, vector<16xi32>,
      %add3A_199 = arith.constant 7664 : i32
      %add3A_200 = vector.broadcast %add3A_199 : i32 to vector<16xi32>
      %add3A_201 = arith.addi %add3A_200, %iota3A : vector<16xi32>
      %and3A_202 = arith.constant 2047 : i32
      %and3A_203 = vector.broadcast %and3A_202 : i32 to vector<16xi32>
      %and3A_204 = arith.andi %add3A_201, %and3A_203 : vector<16xi32>
      %add3A_205 = arith.constant 327680 : i32
      %add3A_206 = vector.broadcast %add3A_205 : i32 to vector<16xi32>
      %add3A_207 = arith.addi %add3A_206, %and3A_204 : vector<16xi32>
      %swap3A_208 = arith.constant 7664 : index
      %swap3A_209 = tpu.vector_load %arg20[%swap3A_208] {strides = array<i32>} : memref<7824xi32, #tpu.memory_space<vmem>>, vector<16xi32>,
      %swap3A_210 = vector.shape_cast %swap3A_209 : vector<16xi32> to vector<16xi32>
      %swap3A_211 = vector.shape_cast %add3A_207 : vector<16xi32> to vector<16xi32>
      tpu.vector_store %arg20[%swap3A_208], %swap3A_211 {strides = array<i32>} : memref<7824xi32, #tpu.memory_space<vmem>>, vector<16xi32>,
      %add3A_212 = arith.constant 7680 : i32
      %add3A_213 = vector.broadcast %add3A_212 : i32 to vector<16xi32>
      %add3A_214 = arith.addi %add3A_213, %iota3A : vector<16xi32>
      %and3A_215 = arith.constant 2047 : i32
      %and3A_216 = vector.broadcast %and3A_215 : i32 to vector<16xi32>
      %and3A_217 = arith.andi %add3A_214, %and3A_216 : vector<16xi32>
      %add3A_218 = arith.constant 327680 : i32
      %add3A_219 = vector.broadcast %add3A_218 : i32 to vector<16xi32>
      %add3A_220 = arith.addi %add3A_219, %and3A_217 : vector<16xi32>
      %swap3A_221 = arith.constant 7680 : index
      %swap3A_222 = tpu.vector_load %arg20[%swap3A_221] {strides = array<i32>} : memref<7824xi32, #tpu.memory_space<vmem>>, vector<16xi32>,
      %swap3A_223 = vector.shape_cast %swap3A_222 : vector<16xi32> to vector<16xi32>
      %swap3A_224 = vector.shape_cast %add3A_220 : vector<16xi32> to vector<16xi32>
      tpu.vector_store %arg20[%swap3A_221], %swap3A_224 {strides = array<i32>} : memref<7824xi32, #tpu.memory_space<vmem>>, vector<16xi32>,
      %add3A_225 = arith.constant 7696 : i32
      %add3A_226 = vector.broadcast %add3A_225 : i32 to vector<16xi32>
      %add3A_227 = arith.addi %add3A_226, %iota3A : vector<16xi32>
      %and3A_228 = arith.constant 2047 : i32
      %and3A_229 = vector.broadcast %and3A_228 : i32 to vector<16xi32>
      %and3A_230 = arith.andi %add3A_227, %and3A_229 : vector<16xi32>
      %add3A_231 = arith.constant 327680 : i32
      %add3A_232 = vector.broadcast %add3A_231 : i32 to vector<16xi32>
      %add3A_233 = arith.addi %add3A_232, %and3A_230 : vector<16xi32>
      %swap3A_234 = arith.constant 7696 : index
      %swap3A_235 = tpu.vector_load %arg20[%swap3A_234] {strides = array<i32>} : memref<7824xi32, #tpu.memory_space<vmem>>, vector<16xi32>,
      %swap3A_236 = vector.shape_cast %swap3A_235 : vector<16xi32> to vector<16xi32>
      %swap3A_237 = vector.shape_cast %add3A_233 : vector<16xi32> to vector<16xi32>
      tpu.vector_store %arg20[%swap3A_234], %swap3A_237 {strides = array<i32>} : memref<7824xi32, #tpu.memory_space<vmem>>, vector<16xi32>,
      %add3A_238 = arith.constant 7712 : i32
      %add3A_239 = vector.broadcast %add3A_238 : i32 to vector<16xi32>
      %add3A_240 = arith.addi %add3A_239, %iota3A : vector<16xi32>
      %and3A_241 = arith.constant 2047 : i32
      %and3A_242 = vector.broadcast %and3A_241 : i32 to vector<16xi32>
      %and3A_243 = arith.andi %add3A_240, %and3A_242 : vector<16xi32>
      %add3A_244 = arith.constant 327680 : i32
      %add3A_245 = vector.broadcast %add3A_244 : i32 to vector<16xi32>
      %add3A_246 = arith.addi %add3A_245, %and3A_243 : vector<16xi32>
      %swap3A_247 = arith.constant 7712 : index
      %swap3A_248 = tpu.vector_load %arg20[%swap3A_247] {strides = array<i32>} : memref<7824xi32, #tpu.memory_space<vmem>>, vector<16xi32>,
      %swap3A_249 = vector.shape_cast %swap3A_248 : vector<16xi32> to vector<16xi32>
      %swap3A_250 = vector.shape_cast %add3A_246 : vector<16xi32> to vector<16xi32>
      tpu.vector_store %arg20[%swap3A_247], %swap3A_250 {strides = array<i32>} : memref<7824xi32, #tpu.memory_space<vmem>>, vector<16xi32>,
      %add3A_251 = arith.constant 7728 : i32
      %add3A_252 = vector.broadcast %add3A_251 : i32 to vector<16xi32>
      %add3A_253 = arith.addi %add3A_252, %iota3A : vector<16xi32>
      %and3A_254 = arith.constant 2047 : i32
      %and3A_255 = vector.broadcast %and3A_254 : i32 to vector<16xi32>
      %and3A_256 = arith.andi %add3A_253, %and3A_255 : vector<16xi32>
      %add3A_257 = arith.constant 327680 : i32
      %add3A_258 = vector.broadcast %add3A_257 : i32 to vector<16xi32>
      %add3A_259 = arith.addi %add3A_258, %and3A_256 : vector<16xi32>
      %swap3A_260 = arith.constant 7728 : index
      %swap3A_261 = tpu.vector_load %arg20[%swap3A_260] {strides = array<i32>} : memref<7824xi32, #tpu.memory_space<vmem>>, vector<16xi32>,
      %swap3A_262 = vector.shape_cast %swap3A_261 : vector<16xi32> to vector<16xi32>
      %swap3A_263 = vector.shape_cast %add3A_259 : vector<16xi32> to vector<16xi32>
      tpu.vector_store %arg20[%swap3A_260], %swap3A_263 {strides = array<i32>} : memref<7824xi32, #tpu.memory_space<vmem>>, vector<16xi32>,
      %add3A_264 = arith.constant 7744 : i32
      %add3A_265 = vector.broadcast %add3A_264 : i32 to vector<16xi32>
      %add3A_266 = arith.addi %add3A_265, %iota3A : vector<16xi32>
      %and3A_267 = arith.constant 2047 : i32
      %and3A_268 = vector.broadcast %and3A_267 : i32 to vector<16xi32>
      %and3A_269 = arith.andi %add3A_266, %and3A_268 : vector<16xi32>
      %add3A_270 = arith.constant 327680 : i32
      %add3A_271 = vector.broadcast %add3A_270 : i32 to vector<16xi32>
      %add3A_272 = arith.addi %add3A_271, %and3A_269 : vector<16xi32>
      %swap3A_273 = arith.constant 7744 : index
      %swap3A_274 = tpu.vector_load %arg20[%swap3A_273] {strides = array<i32>} : memref<7824xi32, #tpu.memory_space<vmem>>, vector<16xi32>,
      %swap3A_275 = vector.shape_cast %swap3A_274 : vector<16xi32> to vector<16xi32>
      %swap3A_276 = vector.shape_cast %add3A_272 : vector<16xi32> to vector<16xi32>
      tpu.vector_store %arg20[%swap3A_273], %swap3A_276 {strides = array<i32>} : memref<7824xi32, #tpu.memory_space<vmem>>, vector<16xi32>,
      %add3A_277 = arith.constant 7760 : i32
      %add3A_278 = vector.broadcast %add3A_277 : i32 to vector<16xi32>
      %add3A_279 = arith.addi %add3A_278, %iota3A : vector<16xi32>
      %and3A_280 = arith.constant 2047 : i32
      %and3A_281 = vector.broadcast %and3A_280 : i32 to vector<16xi32>
      %and3A_282 = arith.andi %add3A_279, %and3A_281 : vector<16xi32>
      %add3A_283 = arith.constant 327680 : i32
      %add3A_284 = vector.broadcast %add3A_283 : i32 to vector<16xi32>
      %add3A_285 = arith.addi %add3A_284, %and3A_282 : vector<16xi32>
      %swap3A_286 = arith.constant 7760 : index
      %swap3A_287 = tpu.vector_load %arg20[%swap3A_286] {strides = array<i32>} : memref<7824xi32, #tpu.memory_space<vmem>>, vector<16xi32>,
      %swap3A_288 = vector.shape_cast %swap3A_287 : vector<16xi32> to vector<16xi32>
      %swap3A_289 = vector.shape_cast %add3A_285 : vector<16xi32> to vector<16xi32>
      tpu.vector_store %arg20[%swap3A_286], %swap3A_289 {strides = array<i32>} : memref<7824xi32, #tpu.memory_space<vmem>>, vector<16xi32>,
      %add3A_290 = arith.constant 7776 : i32
      %add3A_291 = vector.broadcast %add3A_290 : i32 to vector<16xi32>
      %add3A_292 = arith.addi %add3A_291, %iota3A : vector<16xi32>
      %and3A_293 = arith.constant 2047 : i32
      %and3A_294 = vector.broadcast %and3A_293 : i32 to vector<16xi32>
      %and3A_295 = arith.andi %add3A_292, %and3A_294 : vector<16xi32>
      %add3A_296 = arith.constant 327680 : i32
      %add3A_297 = vector.broadcast %add3A_296 : i32 to vector<16xi32>
      %add3A_298 = arith.addi %add3A_297, %and3A_295 : vector<16xi32>
      %swap3A_299 = arith.constant 7776 : index
      %swap3A_300 = tpu.vector_load %arg20[%swap3A_299] {strides = array<i32>} : memref<7824xi32, #tpu.memory_space<vmem>>, vector<16xi32>,
      %swap3A_301 = vector.shape_cast %swap3A_300 : vector<16xi32> to vector<16xi32>
      %swap3A_302 = vector.shape_cast %add3A_298 : vector<16xi32> to vector<16xi32>
      tpu.vector_store %arg20[%swap3A_299], %swap3A_302 {strides = array<i32>} : memref<7824xi32, #tpu.memory_space<vmem>>, vector<16xi32>,
      %add3A_303 = arith.constant 7792 : i32
      %add3A_304 = vector.broadcast %add3A_303 : i32 to vector<16xi32>
      %add3A_305 = arith.addi %add3A_304, %iota3A : vector<16xi32>
      %and3A_306 = arith.constant 2047 : i32
      %and3A_307 = vector.broadcast %and3A_306 : i32 to vector<16xi32>
      %and3A_308 = arith.andi %add3A_305, %and3A_307 : vector<16xi32>
      %add3A_309 = arith.constant 327680 : i32
      %add3A_310 = vector.broadcast %add3A_309 : i32 to vector<16xi32>
      %add3A_311 = arith.addi %add3A_310, %and3A_308 : vector<16xi32>
      %swap3A_312 = arith.constant 7792 : index
      %swap3A_313 = tpu.vector_load %arg20[%swap3A_312] {strides = array<i32>} : memref<7824xi32, #tpu.memory_space<vmem>>, vector<16xi32>,
      %swap3A_314 = vector.shape_cast %swap3A_313 : vector<16xi32> to vector<16xi32>
      %swap3A_315 = vector.shape_cast %add3A_311 : vector<16xi32> to vector<16xi32>
      tpu.vector_store %arg20[%swap3A_312], %swap3A_315 {strides = array<i32>} : memref<7824xi32, #tpu.memory_space<vmem>>, vector<16xi32>,
      %add3A_316 = arith.constant 7808 : i32
      %add3A_317 = vector.broadcast %add3A_316 : i32 to vector<16xi32>
      %add3A_318 = arith.addi %add3A_317, %iota3A : vector<16xi32>
      %and3A_319 = arith.constant 2047 : i32
      %and3A_320 = vector.broadcast %and3A_319 : i32 to vector<16xi32>
      %and3A_321 = arith.andi %add3A_318, %and3A_320 : vector<16xi32>
      %add3A_322 = arith.constant 327680 : i32
      %add3A_323 = vector.broadcast %add3A_322 : i32 to vector<16xi32>
      %add3A_324 = arith.addi %add3A_323, %and3A_321 : vector<16xi32>
      %swap3A_325 = arith.constant 7808 : index
      %swap3A_326 = tpu.vector_load %arg20[%swap3A_325] {strides = array<i32>} : memref<7824xi32, #tpu.memory_space<vmem>>, vector<16xi32>,
      %swap3A_327 = vector.shape_cast %swap3A_326 : vector<16xi32> to vector<16xi32>
      %swap3A_328 = vector.shape_cast %add3A_324 : vector<16xi32> to vector<16xi32>
      tpu.vector_store %arg20[%swap3A_325], %swap3A_328 {strides = array<i32>} : memref<7824xi32, #tpu.memory_space<vmem>>, vector<16xi32>,
      %dma_start3A_329 = arith.constant 0 : i32
      %dma_start3A_330 = tpu.memref_slice %arg21[%dma_start3A_329] : memref<329728xi32, #tpu.memory_space<vmem_shared>> -> memref<329728xi32, #tpu.memory_space<vmem_shared>>
      tpu.enqueue_indirect_dma source(%arg16 : memref<7824xi32, #tpu.memory_space<vmem>>) target(%dma_start3A_330 : memref<329728xi32, #tpu.memory_space<vmem_shared>>) offsets(%arg20 : memref<7824xi32, #tpu.memory_space<vmem>>) semaphore(%arg24 : memref<!tpu.dma_semaphore, #tpu.memory_space<semaphore_mem>>)
      %dma_start3A_331 = arith.constant 0 : i32
      %dma_start3A_332 = tpu.memref_slice %arg22[%dma_start3A_331] : memref<329728xf32, #tpu.memory_space<vmem_shared>> -> memref<329728xf32, #tpu.memory_space<vmem_shared>>
      tpu.enqueue_indirect_dma source(%arg18 : memref<7824xf32, #tpu.memory_space<vmem>>) target(%dma_start3A_332 : memref<329728xf32, #tpu.memory_space<vmem_shared>>) offsets(%arg20 : memref<7824xi32, #tpu.memory_space<vmem>>) semaphore(%arg24 : memref<!tpu.dma_semaphore, #tpu.memory_space<semaphore_mem>>)
      %iota3A_333 = tpu.iota {dimensions = array<i32: 0>} : vector<16xi32>
      %xor3A = arith.constant 8 : i32
      %xor3A_334 = vector.broadcast %xor3A : i32 to vector<16xi32>
      %xor3A_335 = arith.xori %iota3A_333, %xor3A_334 : vector<16xi32>
      %lt3A_336 = arith.constant 0 : i32
      %lt3A_337 = vector.broadcast %lt3A_336 : i32 to vector<16xi32>
      %lt3A_338 = arith.cmpi slt, %xor3A_335, %lt3A_337 : vector<16xi32>
      %add3A_339 = arith.constant 16 : i32
      %add3A_340 = vector.broadcast %add3A_339 : i32 to vector<16xi32>
      %add3A_341 = arith.addi %xor3A_335, %add3A_340 : vector<16xi32>
      %select_n3A = arith.select %lt3A_338, %add3A_341, %xor3A_335 : vector<16xi1>, vector<16xi32>
      %broadcast_in_dim3A_342 = vector.shape_cast %select_n3A : vector<16xi32> to vector<16x1xi32>
      %gather3A = vector.shape_cast %broadcast_in_dim3A_342 : vector<16x1xi32> to vector<16xi32>
      %gather3A_343 = tpu.dynamic_gather %scan3A_146#0[%gather3A] in [0] : vector<16xf32>, vector<16xi32> -> vector<16xf32>
      %min3A = arith.minimumf %scan3A_146#0, %gather3A_343 : vector<16xf32>
      %xor3A_344 = arith.constant 4 : i32
      %xor3A_345 = vector.broadcast %xor3A_344 : i32 to vector<16xi32>
      %xor3A_346 = arith.xori %iota3A_333, %xor3A_345 : vector<16xi32>
      %lt3A_347 = arith.constant 0 : i32
      %lt3A_348 = vector.broadcast %lt3A_347 : i32 to vector<16xi32>
      %lt3A_349 = arith.cmpi slt, %xor3A_346, %lt3A_348 : vector<16xi32>
      %add3A_350 = arith.constant 16 : i32
      %add3A_351 = vector.broadcast %add3A_350 : i32 to vector<16xi32>
      %add3A_352 = arith.addi %xor3A_346, %add3A_351 : vector<16xi32>
      %select_n3A_353 = arith.select %lt3A_349, %add3A_352, %xor3A_346 : vector<16xi1>, vector<16xi32>
      %broadcast_in_dim3A_354 = vector.shape_cast %select_n3A_353 : vector<16xi32> to vector<16x1xi32>
      %gather3A_355 = vector.shape_cast %broadcast_in_dim3A_354 : vector<16x1xi32> to vector<16xi32>
      %gather3A_356 = tpu.dynamic_gather %min3A[%gather3A_355] in [0] : vector<16xf32>, vector<16xi32> -> vector<16xf32>
      %min3A_357 = arith.minimumf %min3A, %gather3A_356 : vector<16xf32>
      %xor3A_358 = arith.constant 2 : i32
      %xor3A_359 = vector.broadcast %xor3A_358 : i32 to vector<16xi32>
      %xor3A_360 = arith.xori %iota3A_333, %xor3A_359 : vector<16xi32>
      %lt3A_361 = arith.constant 0 : i32
      %lt3A_362 = vector.broadcast %lt3A_361 : i32 to vector<16xi32>
      %lt3A_363 = arith.cmpi slt, %xor3A_360, %lt3A_362 : vector<16xi32>
      %add3A_364 = arith.constant 16 : i32
      %add3A_365 = vector.broadcast %add3A_364 : i32 to vector<16xi32>
      %add3A_366 = arith.addi %xor3A_360, %add3A_365 : vector<16xi32>
      %select_n3A_367 = arith.select %lt3A_363, %add3A_366, %xor3A_360 : vector<16xi1>, vector<16xi32>
      %broadcast_in_dim3A_368 = vector.shape_cast %select_n3A_367 : vector<16xi32> to vector<16x1xi32>
      %gather3A_369 = vector.shape_cast %broadcast_in_dim3A_368 : vector<16x1xi32> to vector<16xi32>
      %gather3A_370 = tpu.dynamic_gather %min3A_357[%gather3A_369] in [0] : vector<16xf32>, vector<16xi32> -> vector<16xf32>
      %min3A_371 = arith.minimumf %min3A_357, %gather3A_370 : vector<16xf32>
      %xor3A_372 = arith.constant 1 : i32
      %xor3A_373 = vector.broadcast %xor3A_372 : i32 to vector<16xi32>
      %xor3A_374 = arith.xori %iota3A_333, %xor3A_373 : vector<16xi32>
      %lt3A_375 = arith.constant 0 : i32
      %lt3A_376 = vector.broadcast %lt3A_375 : i32 to vector<16xi32>
      %lt3A_377 = arith.cmpi slt, %xor3A_374, %lt3A_376 : vector<16xi32>
      %add3A_378 = arith.constant 16 : i32
      %add3A_379 = vector.broadcast %add3A_378 : i32 to vector<16xi32>
      %add3A_380 = arith.addi %xor3A_374, %add3A_379 : vector<16xi32>
      %select_n3A_381 = arith.select %lt3A_377, %add3A_380, %xor3A_374 : vector<16xi1>, vector<16xi32>
      %broadcast_in_dim3A_382 = vector.shape_cast %select_n3A_381 : vector<16xi32> to vector<16x1xi32>
      %gather3A_383 = vector.shape_cast %broadcast_in_dim3A_382 : vector<16x1xi32> to vector<16xi32>
      %gather3A_384 = tpu.dynamic_gather %min3A_371[%gather3A_383] in [0] : vector<16xf32>, vector<16xi32> -> vector<16xf32>
      %min3A_385 = arith.minimumf %min3A_371, %gather3A_384 : vector<16xf32>
      %eq3A_386 = arith.cmpf oeq, %scan3A_146#0, %min3A_385 : vector<16xf32>
      %jit3A = arith.constant 1073741824 : i32
      %broadcast_in_dim3A_387 = vector.broadcast %jit3A : i32 to vector<16xi32>
      %select_n3A_388 = arith.select %eq3A_386, %scan3A_146#1, %broadcast_in_dim3A_387 : vector<16xi1>, vector<16xi32>
      %iota3A_389 = tpu.iota {dimensions = array<i32: 0>} : vector<16xi32>
      %xor3A_390 = arith.constant 8 : i32
      %xor3A_391 = vector.broadcast %xor3A_390 : i32 to vector<16xi32>
      %xor3A_392 = arith.xori %iota3A_389, %xor3A_391 : vector<16xi32>
      %lt3A_393 = arith.constant 0 : i32
      %lt3A_394 = vector.broadcast %lt3A_393 : i32 to vector<16xi32>
      %lt3A_395 = arith.cmpi slt, %xor3A_392, %lt3A_394 : vector<16xi32>
      %add3A_396 = arith.constant 16 : i32
      %add3A_397 = vector.broadcast %add3A_396 : i32 to vector<16xi32>
      %add3A_398 = arith.addi %xor3A_392, %add3A_397 : vector<16xi32>
      %select_n3A_399 = arith.select %lt3A_395, %add3A_398, %xor3A_392 : vector<16xi1>, vector<16xi32>
      %broadcast_in_dim3A_400 = vector.shape_cast %select_n3A_399 : vector<16xi32> to vector<16x1xi32>
      %gather3A_401 = vector.shape_cast %broadcast_in_dim3A_400 : vector<16x1xi32> to vector<16xi32>
      %gather3A_402 = tpu.dynamic_gather %select_n3A_388[%gather3A_401] in [0] : vector<16xi32>, vector<16xi32> -> vector<16xi32>
      %min3A_403 = arith.minsi %select_n3A_388, %gather3A_402 : vector<16xi32>
      %xor3A_404 = arith.constant 4 : i32
      %xor3A_405 = vector.broadcast %xor3A_404 : i32 to vector<16xi32>
      %xor3A_406 = arith.xori %iota3A_389, %xor3A_405 : vector<16xi32>
      %lt3A_407 = arith.constant 0 : i32
      %lt3A_408 = vector.broadcast %lt3A_407 : i32 to vector<16xi32>
      %lt3A_409 = arith.cmpi slt, %xor3A_406, %lt3A_408 : vector<16xi32>
      %add3A_410 = arith.constant 16 : i32
      %add3A_411 = vector.broadcast %add3A_410 : i32 to vector<16xi32>
      %add3A_412 = arith.addi %xor3A_406, %add3A_411 : vector<16xi32>
      %select_n3A_413 = arith.select %lt3A_409, %add3A_412, %xor3A_406 : vector<16xi1>, vector<16xi32>
      %broadcast_in_dim3A_414 = vector.shape_cast %select_n3A_413 : vector<16xi32> to vector<16x1xi32>
      %gather3A_415 = vector.shape_cast %broadcast_in_dim3A_414 : vector<16x1xi32> to vector<16xi32>
      %gather3A_416 = tpu.dynamic_gather %min3A_403[%gather3A_415] in [0] : vector<16xi32>, vector<16xi32> -> vector<16xi32>
      %min3A_417 = arith.minsi %min3A_403, %gather3A_416 : vector<16xi32>
      %xor3A_418 = arith.constant 2 : i32
      %xor3A_419 = vector.broadcast %xor3A_418 : i32 to vector<16xi32>
      %xor3A_420 = arith.xori %iota3A_389, %xor3A_419 : vector<16xi32>
      %lt3A_421 = arith.constant 0 : i32
      %lt3A_422 = vector.broadcast %lt3A_421 : i32 to vector<16xi32>
      %lt3A_423 = arith.cmpi slt, %xor3A_420, %lt3A_422 : vector<16xi32>
      %add3A_424 = arith.constant 16 : i32
      %add3A_425 = vector.broadcast %add3A_424 : i32 to vector<16xi32>
      %add3A_426 = arith.addi %xor3A_420, %add3A_425 : vector<16xi32>
      %select_n3A_427 = arith.select %lt3A_423, %add3A_426, %xor3A_420 : vector<16xi1>, vector<16xi32>
      %broadcast_in_dim3A_428 = vector.shape_cast %select_n3A_427 : vector<16xi32> to vector<16x1xi32>
      %gather3A_429 = vector.shape_cast %broadcast_in_dim3A_428 : vector<16x1xi32> to vector<16xi32>
      %gather3A_430 = tpu.dynamic_gather %min3A_417[%gather3A_429] in [0] : vector<16xi32>, vector<16xi32> -> vector<16xi32>
      %min3A_431 = arith.minsi %min3A_417, %gather3A_430 : vector<16xi32>
      %xor3A_432 = arith.constant 1 : i32
      %xor3A_433 = vector.broadcast %xor3A_432 : i32 to vector<16xi32>
      %xor3A_434 = arith.xori %iota3A_389, %xor3A_433 : vector<16xi32>
      %lt3A_435 = arith.constant 0 : i32
      %lt3A_436 = vector.broadcast %lt3A_435 : i32 to vector<16xi32>
      %lt3A_437 = arith.cmpi slt, %xor3A_434, %lt3A_436 : vector<16xi32>
      %add3A_438 = arith.constant 16 : i32
      %add3A_439 = vector.broadcast %add3A_438 : i32 to vector<16xi32>
      %add3A_440 = arith.addi %xor3A_434, %add3A_439 : vector<16xi32>
      %select_n3A_441 = arith.select %lt3A_437, %add3A_440, %xor3A_434 : vector<16xi1>, vector<16xi32>
      %broadcast_in_dim3A_442 = vector.shape_cast %select_n3A_441 : vector<16xi32> to vector<16x1xi32>
      %gather3A_443 = vector.shape_cast %broadcast_in_dim3A_442 : vector<16x1xi32> to vector<16xi32>
      %gather3A_444 = tpu.dynamic_gather %min3A_431[%gather3A_443] in [0] : vector<16xi32>, vector<16xi32> -> vector<16xi32>
      %min3A_445 = arith.minsi %min3A_431, %gather3A_444 : vector<16xi32>
      %swap3A_446 = arith.constant 0 : index
      %swap3A_447 = tpu.vector_load %arg12[%swap3A_446] {strides = array<i32>} : memref<16xf32, #tpu.memory_space<vmem>>, vector<16xf32>,
      %swap3A_448 = vector.shape_cast %swap3A_447 : vector<16xf32> to vector<16xf32>
      %swap3A_449 = vector.shape_cast %min3A_385 : vector<16xf32> to vector<16xf32>
      tpu.vector_store %arg12[%swap3A_446], %swap3A_449 {strides = array<i32>} : memref<16xf32, #tpu.memory_space<vmem>>, vector<16xf32>,
      %swap3A_450 = arith.constant 0 : index
      %swap3A_451 = tpu.vector_load %arg13[%swap3A_450] {strides = array<i32>} : memref<16xi32, #tpu.memory_space<vmem>>, vector<16xi32>,
      %swap3A_452 = vector.shape_cast %swap3A_451 : vector<16xi32> to vector<16xi32>
      %swap3A_453 = vector.shape_cast %min3A_445 : vector<16xi32> to vector<16xi32>
      tpu.vector_store %arg13[%swap3A_450], %swap3A_453 {strides = array<i32>} : memref<16xi32, #tpu.memory_space<vmem>>, vector<16xi32>,
      "tpu.region"() ({
        %run_scoped3A = tpu.sem_alloc : memref<!tpu.dma_semaphore, #tpu.memory_space<semaphore_mem>>
        %dma_start3A_480 = arith.constant 0 : i32
        %dma_start3A_481 = tpu.memref_slice %arg7[%add3A, %dma_start3A_480] : memref<32x16xf32, #tpu.memory_space<hbm>> -> memref<1x16xf32, #tpu.memory_space<hbm>>
        %dma_start3A_482 = tpu.memref_squeeze %dma_start3A_481 : memref<1x16xf32, #tpu.memory_space<hbm>> -> memref<16xf32, #tpu.memory_space<hbm>>
        %dma_start3A_483 = arith.constant 0 : i32
        %dma_start3A_484 = tpu.memref_slice %arg7[%add3A, %dma_start3A_483] : memref<32x16xf32, #tpu.memory_space<hbm>> -> memref<1x16xf32, #tpu.memory_space<hbm>>
        %dma_start3A_485 = tpu.memref_squeeze %dma_start3A_484 : memref<1x16xf32, #tpu.memory_space<hbm>> -> memref<16xf32, #tpu.memory_space<hbm>>
        tpu.enqueue_dma source(%arg12 : memref<16xf32, #tpu.memory_space<vmem>>) target(%dma_start3A_485 : memref<16xf32, #tpu.memory_space<hbm>>) target_semaphore(%run_scoped3A : memref<!tpu.dma_semaphore, #tpu.memory_space<semaphore_mem>>)
        %dma_wait3A_486 = arith.constant 0 : i32
        %dma_wait3A_487 = tpu.memref_slice %arg7[%add3A, %dma_wait3A_486] : memref<32x16xf32, #tpu.memory_space<hbm>> -> memref<1x16xf32, #tpu.memory_space<hbm>>
        %dma_wait3A_488 = tpu.memref_squeeze %dma_wait3A_487 : memref<1x16xf32, #tpu.memory_space<hbm>> -> memref<16xf32, #tpu.memory_space<hbm>>
        %dma_wait3A_489 = arith.constant 0 : i32
        %dma_wait3A_490 = tpu.memref_slice %arg7[%add3A, %dma_wait3A_489] : memref<32x16xf32, #tpu.memory_space<hbm>> -> memref<1x16xf32, #tpu.memory_space<hbm>>
        %dma_wait3A_491 = tpu.memref_squeeze %dma_wait3A_490 : memref<1x16xf32, #tpu.memory_space<hbm>> -> memref<16xf32, #tpu.memory_space<hbm>>
        tpu.wait_dma2 semaphore(%run_scoped3A : memref<!tpu.dma_semaphore, #tpu.memory_space<semaphore_mem>>) src(%arg12 : memref<16xf32, #tpu.memory_space<vmem>>) dst(%dma_wait3A_491 : memref<16xf32, #tpu.memory_space<hbm>>)
        tpu.yield
      }) : () -> ()
      "tpu.region"() ({
        %run_scoped3A = tpu.sem_alloc : memref<!tpu.dma_semaphore, #tpu.memory_space<semaphore_mem>>
        %dma_start3A_480 = arith.constant 0 : i32
        %dma_start3A_481 = tpu.memref_slice %arg8[%add3A, %dma_start3A_480] : memref<32x16xi32, #tpu.memory_space<hbm>> -> memref<1x16xi32, #tpu.memory_space<hbm>>
        %dma_start3A_482 = tpu.memref_squeeze %dma_start3A_481 : memref<1x16xi32, #tpu.memory_space<hbm>> -> memref<16xi32, #tpu.memory_space<hbm>>
        %dma_start3A_483 = arith.constant 0 : i32
        %dma_start3A_484 = tpu.memref_slice %arg8[%add3A, %dma_start3A_483] : memref<32x16xi32, #tpu.memory_space<hbm>> -> memref<1x16xi32, #tpu.memory_space<hbm>>
        %dma_start3A_485 = tpu.memref_squeeze %dma_start3A_484 : memref<1x16xi32, #tpu.memory_space<hbm>> -> memref<16xi32, #tpu.memory_space<hbm>>
        tpu.enqueue_dma source(%arg13 : memref<16xi32, #tpu.memory_space<vmem>>) target(%dma_start3A_485 : memref<16xi32, #tpu.memory_space<hbm>>) target_semaphore(%run_scoped3A : memref<!tpu.dma_semaphore, #tpu.memory_space<semaphore_mem>>)
        %dma_wait3A_486 = arith.constant 0 : i32
        %dma_wait3A_487 = tpu.memref_slice %arg8[%add3A, %dma_wait3A_486] : memref<32x16xi32, #tpu.memory_space<hbm>> -> memref<1x16xi32, #tpu.memory_space<hbm>>
        %dma_wait3A_488 = tpu.memref_squeeze %dma_wait3A_487 : memref<1x16xi32, #tpu.memory_space<hbm>> -> memref<16xi32, #tpu.memory_space<hbm>>
        %dma_wait3A_489 = arith.constant 0 : i32
        %dma_wait3A_490 = tpu.memref_slice %arg8[%add3A, %dma_wait3A_489] : memref<32x16xi32, #tpu.memory_space<hbm>> -> memref<1x16xi32, #tpu.memory_space<hbm>>
        %dma_wait3A_491 = tpu.memref_squeeze %dma_wait3A_490 : memref<1x16xi32, #tpu.memory_space<hbm>> -> memref<16xi32, #tpu.memory_space<hbm>>
        tpu.wait_dma2 semaphore(%run_scoped3A : memref<!tpu.dma_semaphore, #tpu.memory_space<semaphore_mem>>) src(%arg13 : memref<16xi32, #tpu.memory_space<vmem>>) dst(%dma_wait3A_491 : memref<16xi32, #tpu.memory_space<hbm>>)
        tpu.yield
      }) : () -> ()
      %dma_wait3A_454 = arith.constant 0 : i32
      %dma_wait3A_455 = tpu.memref_slice %arg21[%dma_wait3A_454] : memref<329728xi32, #tpu.memory_space<vmem_shared>> -> memref<329728xi32, #tpu.memory_space<vmem_shared>>
      tpu.wait_indirect_dma semaphore(%arg24 : memref<!tpu.dma_semaphore, #tpu.memory_space<semaphore_mem>>) src(%arg15 : memref<7808xi32, #tpu.memory_space<vmem>>) dst(%dma_wait3A_455 : memref<329728xi32, #tpu.memory_space<vmem_shared>>)
      %dma_wait3A_456 = arith.constant 0 : i32
      %dma_wait3A_457 = tpu.memref_slice %arg22[%dma_wait3A_456] : memref<329728xf32, #tpu.memory_space<vmem_shared>> -> memref<329728xf32, #tpu.memory_space<vmem_shared>>
      tpu.wait_indirect_dma semaphore(%arg24 : memref<!tpu.dma_semaphore, #tpu.memory_space<semaphore_mem>>) src(%arg17 : memref<7808xf32, #tpu.memory_space<vmem>>) dst(%dma_wait3A_457 : memref<329728xf32, #tpu.memory_space<vmem_shared>>)
      %dma_wait3A_458 = arith.constant 0 : i32
      %dma_wait3A_459 = tpu.memref_slice %arg21[%dma_wait3A_458] : memref<329728xi32, #tpu.memory_space<vmem_shared>> -> memref<329728xi32, #tpu.memory_space<vmem_shared>>
      tpu.wait_indirect_dma semaphore(%arg24 : memref<!tpu.dma_semaphore, #tpu.memory_space<semaphore_mem>>) src(%arg16 : memref<7824xi32, #tpu.memory_space<vmem>>) dst(%dma_wait3A_459 : memref<329728xi32, #tpu.memory_space<vmem_shared>>)
      %dma_wait3A_460 = arith.constant 0 : i32
      %dma_wait3A_461 = tpu.memref_slice %arg22[%dma_wait3A_460] : memref<329728xf32, #tpu.memory_space<vmem_shared>> -> memref<329728xf32, #tpu.memory_space<vmem_shared>>
      tpu.wait_indirect_dma semaphore(%arg24 : memref<!tpu.dma_semaphore, #tpu.memory_space<semaphore_mem>>) src(%arg18 : memref<7824xf32, #tpu.memory_space<vmem>>) dst(%dma_wait3A_461 : memref<329728xf32, #tpu.memory_space<vmem_shared>>)
      %barrier3A = arith.constant 0 : index
      tpu.barrier barrier_id(%barrier3A)
      %mul3A_462 = arith.constant 20480 : i32
      %mul3A_463 = arith.muli %arg1, %mul3A_462 : i32
      %add3A_464 = arith.constant 0 : i32
      %add3A_465 = arith.addi %mul3A_463, %add3A_464 : i32
      "tpu.region"() ({
        %run_scoped3A = tpu.sem_alloc : memref<!tpu.dma_semaphore, #tpu.memory_space<semaphore_mem>>
        %dma_start3A_480 = arith.constant 0 : i32
        %dma_start3A_481 = tpu.memref_slice %arg10[%dma_start3A_480] : memref<15632xi32, #tpu.memory_space<vmem>> -> memref<10240xi32, #tpu.memory_space<vmem>>
        %dma_start3A_482 = tpu.memref_slice %arg21[%add3A_465] : memref<329728xi32, #tpu.memory_space<vmem_shared>> -> memref<10240xi32, #tpu.memory_space<vmem_shared>>
        %dma_start3A_483 = arith.constant 0 : i32
        %dma_start3A_484 = tpu.memref_slice %arg10[%dma_start3A_483] : memref<15632xi32, #tpu.memory_space<vmem>> -> memref<10240xi32, #tpu.memory_space<vmem>>
        %dma_start3A_485 = tpu.memref_slice %arg21[%add3A_465] : memref<329728xi32, #tpu.memory_space<vmem_shared>> -> memref<10240xi32, #tpu.memory_space<vmem_shared>>
        tpu.enqueue_dma source(%dma_start3A_485 : memref<10240xi32, #tpu.memory_space<vmem_shared>>) target(%dma_start3A_484 : memref<10240xi32, #tpu.memory_space<vmem>>) target_semaphore(%run_scoped3A : memref<!tpu.dma_semaphore, #tpu.memory_space<semaphore_mem>>)
        %dma_wait3A_486 = arith.constant 0 : i32
        %dma_wait3A_487 = tpu.memref_slice %arg10[%dma_wait3A_486] : memref<15632xi32, #tpu.memory_space<vmem>> -> memref<10240xi32, #tpu.memory_space<vmem>>
        %dma_wait3A_488 = tpu.memref_slice %arg21[%add3A_465] : memref<329728xi32, #tpu.memory_space<vmem_shared>> -> memref<10240xi32, #tpu.memory_space<vmem_shared>>
        %dma_wait3A_489 = arith.constant 0 : i32
        %dma_wait3A_490 = tpu.memref_slice %arg10[%dma_wait3A_489] : memref<15632xi32, #tpu.memory_space<vmem>> -> memref<10240xi32, #tpu.memory_space<vmem>>
        %dma_wait3A_491 = tpu.memref_slice %arg21[%add3A_465] : memref<329728xi32, #tpu.memory_space<vmem_shared>> -> memref<10240xi32, #tpu.memory_space<vmem_shared>>
        tpu.wait_dma2 semaphore(%run_scoped3A : memref<!tpu.dma_semaphore, #tpu.memory_space<semaphore_mem>>) src(%dma_wait3A_491 : memref<10240xi32, #tpu.memory_space<vmem_shared>>) dst(%dma_wait3A_490 : memref<10240xi32, #tpu.memory_space<vmem>>)
        tpu.yield
      }) : () -> ()
      %mul3A_466 = arith.constant 327680 : i32
      %mul3A_467 = arith.muli %arg0, %mul3A_466 : i32
      %add3A_468 = arith.addi %mul3A_467, %add3A_465 : i32
      "tpu.region"() ({
        %run_scoped3A = tpu.sem_alloc : memref<!tpu.dma_semaphore, #tpu.memory_space<semaphore_mem>>
        %dma_start3A_480 = arith.constant 0 : i32
        %dma_start3A_481 = tpu.memref_slice %arg10[%dma_start3A_480] : memref<15632xi32, #tpu.memory_space<vmem>> -> memref<10240xi32, #tpu.memory_space<vmem>>
        %dma_start3A_482 = tpu.memref_slice %arg5[%add3A_468] : memref<655360xi32, #tpu.memory_space<hbm>> -> memref<10240xi32, #tpu.memory_space<hbm>>
        %dma_start3A_483 = tpu.memref_slice %arg5[%add3A_468] : memref<655360xi32, #tpu.memory_space<hbm>> -> memref<10240xi32, #tpu.memory_space<hbm>>
        %dma_start3A_484 = arith.constant 0 : i32
        %dma_start3A_485 = tpu.memref_slice %arg10[%dma_start3A_484] : memref<15632xi32, #tpu.memory_space<vmem>> -> memref<10240xi32, #tpu.memory_space<vmem>>
        tpu.enqueue_dma source(%dma_start3A_485 : memref<10240xi32, #tpu.memory_space<vmem>>) target(%dma_start3A_483 : memref<10240xi32, #tpu.memory_space<hbm>>) target_semaphore(%run_scoped3A : memref<!tpu.dma_semaphore, #tpu.memory_space<semaphore_mem>>)
        %dma_wait3A_486 = arith.constant 0 : i32
        %dma_wait3A_487 = tpu.memref_slice %arg10[%dma_wait3A_486] : memref<15632xi32, #tpu.memory_space<vmem>> -> memref<10240xi32, #tpu.memory_space<vmem>>
        %dma_wait3A_488 = tpu.memref_slice %arg5[%add3A_468] : memref<655360xi32, #tpu.memory_space<hbm>> -> memref<10240xi32, #tpu.memory_space<hbm>>
        %dma_wait3A_489 = tpu.memref_slice %arg5[%add3A_468] : memref<655360xi32, #tpu.memory_space<hbm>> -> memref<10240xi32, #tpu.memory_space<hbm>>
        %dma_wait3A_490 = arith.constant 0 : i32
        %dma_wait3A_491 = tpu.memref_slice %arg10[%dma_wait3A_490] : memref<15632xi32, #tpu.memory_space<vmem>> -> memref<10240xi32, #tpu.memory_space<vmem>>
        tpu.wait_dma2 semaphore(%run_scoped3A : memref<!tpu.dma_semaphore, #tpu.memory_space<semaphore_mem>>) src(%dma_wait3A_491 : memref<10240xi32, #tpu.memory_space<vmem>>) dst(%dma_wait3A_489 : memref<10240xi32, #tpu.memory_space<hbm>>)
        tpu.yield
      }) : () -> ()
      "tpu.region"() ({
        %run_scoped3A = tpu.sem_alloc : memref<!tpu.dma_semaphore, #tpu.memory_space<semaphore_mem>>
        %dma_start3A_480 = arith.constant 0 : i32
        %dma_start3A_481 = tpu.memref_slice %arg9[%dma_start3A_480] : memref<15632xf32, #tpu.memory_space<vmem>> -> memref<10240xf32, #tpu.memory_space<vmem>>
        %dma_start3A_482 = tpu.memref_slice %arg22[%add3A_465] : memref<329728xf32, #tpu.memory_space<vmem_shared>> -> memref<10240xf32, #tpu.memory_space<vmem_shared>>
        %dma_start3A_483 = arith.constant 0 : i32
        %dma_start3A_484 = tpu.memref_slice %arg9[%dma_start3A_483] : memref<15632xf32, #tpu.memory_space<vmem>> -> memref<10240xf32, #tpu.memory_space<vmem>>
        %dma_start3A_485 = tpu.memref_slice %arg22[%add3A_465] : memref<329728xf32, #tpu.memory_space<vmem_shared>> -> memref<10240xf32, #tpu.memory_space<vmem_shared>>
        tpu.enqueue_dma source(%dma_start3A_485 : memref<10240xf32, #tpu.memory_space<vmem_shared>>) target(%dma_start3A_484 : memref<10240xf32, #tpu.memory_space<vmem>>) target_semaphore(%run_scoped3A : memref<!tpu.dma_semaphore, #tpu.memory_space<semaphore_mem>>)
        %dma_wait3A_486 = arith.constant 0 : i32
        %dma_wait3A_487 = tpu.memref_slice %arg9[%dma_wait3A_486] : memref<15632xf32, #tpu.memory_space<vmem>> -> memref<10240xf32, #tpu.memory_space<vmem>>
        %dma_wait3A_488 = tpu.memref_slice %arg22[%add3A_465] : memref<329728xf32, #tpu.memory_space<vmem_shared>> -> memref<10240xf32, #tpu.memory_space<vmem_shared>>
        %dma_wait3A_489 = arith.constant 0 : i32
        %dma_wait3A_490 = tpu.memref_slice %arg9[%dma_wait3A_489] : memref<15632xf32, #tpu.memory_space<vmem>> -> memref<10240xf32, #tpu.memory_space<vmem>>
        %dma_wait3A_491 = tpu.memref_slice %arg22[%add3A_465] : memref<329728xf32, #tpu.memory_space<vmem_shared>> -> memref<10240xf32, #tpu.memory_space<vmem_shared>>
        tpu.wait_dma2 semaphore(%run_scoped3A : memref<!tpu.dma_semaphore, #tpu.memory_space<semaphore_mem>>) src(%dma_wait3A_491 : memref<10240xf32, #tpu.memory_space<vmem_shared>>) dst(%dma_wait3A_490 : memref<10240xf32, #tpu.memory_space<vmem>>)
        tpu.yield
      }) : () -> ()
      %mul3A_469 = arith.constant 327680 : i32
      %mul3A_470 = arith.muli %arg0, %mul3A_469 : i32
      %add3A_471 = arith.addi %mul3A_470, %add3A_465 : i32
      "tpu.region"() ({
        %run_scoped3A = tpu.sem_alloc : memref<!tpu.dma_semaphore, #tpu.memory_space<semaphore_mem>>
        %dma_start3A_480 = arith.constant 0 : i32
        %dma_start3A_481 = tpu.memref_slice %arg9[%dma_start3A_480] : memref<15632xf32, #tpu.memory_space<vmem>> -> memref<10240xf32, #tpu.memory_space<vmem>>
        %dma_start3A_482 = tpu.memref_slice %arg6[%add3A_471] : memref<655360xf32, #tpu.memory_space<hbm>> -> memref<10240xf32, #tpu.memory_space<hbm>>
        %dma_start3A_483 = tpu.memref_slice %arg6[%add3A_471] : memref<655360xf32, #tpu.memory_space<hbm>> -> memref<10240xf32, #tpu.memory_space<hbm>>
        %dma_start3A_484 = arith.constant 0 : i32
        %dma_start3A_485 = tpu.memref_slice %arg9[%dma_start3A_484] : memref<15632xf32, #tpu.memory_space<vmem>> -> memref<10240xf32, #tpu.memory_space<vmem>>
        tpu.enqueue_dma source(%dma_start3A_485 : memref<10240xf32, #tpu.memory_space<vmem>>) target(%dma_start3A_483 : memref<10240xf32, #tpu.memory_space<hbm>>) target_semaphore(%run_scoped3A : memref<!tpu.dma_semaphore, #tpu.memory_space<semaphore_mem>>)
        %dma_wait3A_486 = arith.constant 0 : i32
        %dma_wait3A_487 = tpu.memref_slice %arg9[%dma_wait3A_486] : memref<15632xf32, #tpu.memory_space<vmem>> -> memref<10240xf32, #tpu.memory_space<vmem>>
        %dma_wait3A_488 = tpu.memref_slice %arg6[%add3A_471] : memref<655360xf32, #tpu.memory_space<hbm>> -> memref<10240xf32, #tpu.memory_space<hbm>>
        %dma_wait3A_489 = tpu.memref_slice %arg6[%add3A_471] : memref<655360xf32, #tpu.memory_space<hbm>> -> memref<10240xf32, #tpu.memory_space<hbm>>
        %dma_wait3A_490 = arith.constant 0 : i32
        %dma_wait3A_491 = tpu.memref_slice %arg9[%dma_wait3A_490] : memref<15632xf32, #tpu.memory_space<vmem>> -> memref<10240xf32, #tpu.memory_space<vmem>>
        tpu.wait_dma2 semaphore(%run_scoped3A : memref<!tpu.dma_semaphore, #tpu.memory_space<semaphore_mem>>) src(%dma_wait3A_491 : memref<10240xf32, #tpu.memory_space<vmem>>) dst(%dma_wait3A_489 : memref<10240xf32, #tpu.memory_space<hbm>>)
        tpu.yield
      }) : () -> ()
      %add3A_472 = arith.constant 10240 : i32
      %add3A_473 = arith.addi %mul3A_463, %add3A_472 : i32
      "tpu.region"() ({
        %run_scoped3A = tpu.sem_alloc : memref<!tpu.dma_semaphore, #tpu.memory_space<semaphore_mem>>
        %dma_start3A_480 = arith.constant 0 : i32
        %dma_start3A_481 = tpu.memref_slice %arg10[%dma_start3A_480] : memref<15632xi32, #tpu.memory_space<vmem>> -> memref<10240xi32, #tpu.memory_space<vmem>>
        %dma_start3A_482 = tpu.memref_slice %arg21[%add3A_473] : memref<329728xi32, #tpu.memory_space<vmem_shared>> -> memref<10240xi32, #tpu.memory_space<vmem_shared>>
        %dma_start3A_483 = arith.constant 0 : i32
        %dma_start3A_484 = tpu.memref_slice %arg10[%dma_start3A_483] : memref<15632xi32, #tpu.memory_space<vmem>> -> memref<10240xi32, #tpu.memory_space<vmem>>
        %dma_start3A_485 = tpu.memref_slice %arg21[%add3A_473] : memref<329728xi32, #tpu.memory_space<vmem_shared>> -> memref<10240xi32, #tpu.memory_space<vmem_shared>>
        tpu.enqueue_dma source(%dma_start3A_485 : memref<10240xi32, #tpu.memory_space<vmem_shared>>) target(%dma_start3A_484 : memref<10240xi32, #tpu.memory_space<vmem>>) target_semaphore(%run_scoped3A : memref<!tpu.dma_semaphore, #tpu.memory_space<semaphore_mem>>)
        %dma_wait3A_486 = arith.constant 0 : i32
        %dma_wait3A_487 = tpu.memref_slice %arg10[%dma_wait3A_486] : memref<15632xi32, #tpu.memory_space<vmem>> -> memref<10240xi32, #tpu.memory_space<vmem>>
        %dma_wait3A_488 = tpu.memref_slice %arg21[%add3A_473] : memref<329728xi32, #tpu.memory_space<vmem_shared>> -> memref<10240xi32, #tpu.memory_space<vmem_shared>>
        %dma_wait3A_489 = arith.constant 0 : i32
        %dma_wait3A_490 = tpu.memref_slice %arg10[%dma_wait3A_489] : memref<15632xi32, #tpu.memory_space<vmem>> -> memref<10240xi32, #tpu.memory_space<vmem>>
        %dma_wait3A_491 = tpu.memref_slice %arg21[%add3A_473] : memref<329728xi32, #tpu.memory_space<vmem_shared>> -> memref<10240xi32, #tpu.memory_space<vmem_shared>>
        tpu.wait_dma2 semaphore(%run_scoped3A : memref<!tpu.dma_semaphore, #tpu.memory_space<semaphore_mem>>) src(%dma_wait3A_491 : memref<10240xi32, #tpu.memory_space<vmem_shared>>) dst(%dma_wait3A_490 : memref<10240xi32, #tpu.memory_space<vmem>>)
        tpu.yield
      }) : () -> ()
      %mul3A_474 = arith.constant 327680 : i32
      %mul3A_475 = arith.muli %arg0, %mul3A_474 : i32
      %add3A_476 = arith.addi %mul3A_475, %add3A_473 : i32
      "tpu.region"() ({
        %run_scoped3A = tpu.sem_alloc : memref<!tpu.dma_semaphore, #tpu.memory_space<semaphore_mem>>
        %dma_start3A_480 = arith.constant 0 : i32
        %dma_start3A_481 = tpu.memref_slice %arg10[%dma_start3A_480] : memref<15632xi32, #tpu.memory_space<vmem>> -> memref<10240xi32, #tpu.memory_space<vmem>>
        %dma_start3A_482 = tpu.memref_slice %arg5[%add3A_476] : memref<655360xi32, #tpu.memory_space<hbm>> -> memref<10240xi32, #tpu.memory_space<hbm>>
        %dma_start3A_483 = tpu.memref_slice %arg5[%add3A_476] : memref<655360xi32, #tpu.memory_space<hbm>> -> memref<10240xi32, #tpu.memory_space<hbm>>
        %dma_start3A_484 = arith.constant 0 : i32
        %dma_start3A_485 = tpu.memref_slice %arg10[%dma_start3A_484] : memref<15632xi32, #tpu.memory_space<vmem>> -> memref<10240xi32, #tpu.memory_space<vmem>>
        tpu.enqueue_dma source(%dma_start3A_485 : memref<10240xi32, #tpu.memory_space<vmem>>) target(%dma_start3A_483 : memref<10240xi32, #tpu.memory_space<hbm>>) target_semaphore(%run_scoped3A : memref<!tpu.dma_semaphore, #tpu.memory_space<semaphore_mem>>)
        %dma_wait3A_486 = arith.constant 0 : i32
        %dma_wait3A_487 = tpu.memref_slice %arg10[%dma_wait3A_486] : memref<15632xi32, #tpu.memory_space<vmem>> -> memref<10240xi32, #tpu.memory_space<vmem>>
        %dma_wait3A_488 = tpu.memref_slice %arg5[%add3A_476] : memref<655360xi32, #tpu.memory_space<hbm>> -> memref<10240xi32, #tpu.memory_space<hbm>>
        %dma_wait3A_489 = tpu.memref_slice %arg5[%add3A_476] : memref<655360xi32, #tpu.memory_space<hbm>> -> memref<10240xi32, #tpu.memory_space<hbm>>
        %dma_wait3A_490 = arith.constant 0 : i32
        %dma_wait3A_491 = tpu.memref_slice %arg10[%dma_wait3A_490] : memref<15632xi32, #tpu.memory_space<vmem>> -> memref<10240xi32, #tpu.memory_space<vmem>>
        tpu.wait_dma2 semaphore(%run_scoped3A : memref<!tpu.dma_semaphore, #tpu.memory_space<semaphore_mem>>) src(%dma_wait3A_491 : memref<10240xi32, #tpu.memory_space<vmem>>) dst(%dma_wait3A_489 : memref<10240xi32, #tpu.memory_space<hbm>>)
        tpu.yield
      }) : () -> ()
      "tpu.region"() ({
        %run_scoped3A = tpu.sem_alloc : memref<!tpu.dma_semaphore, #tpu.memory_space<semaphore_mem>>
        %dma_start3A_480 = arith.constant 0 : i32
        %dma_start3A_481 = tpu.memref_slice %arg9[%dma_start3A_480] : memref<15632xf32, #tpu.memory_space<vmem>> -> memref<10240xf32, #tpu.memory_space<vmem>>
        %dma_start3A_482 = tpu.memref_slice %arg22[%add3A_473] : memref<329728xf32, #tpu.memory_space<vmem_shared>> -> memref<10240xf32, #tpu.memory_space<vmem_shared>>
        %dma_start3A_483 = arith.constant 0 : i32
        %dma_start3A_484 = tpu.memref_slice %arg9[%dma_start3A_483] : memref<15632xf32, #tpu.memory_space<vmem>> -> memref<10240xf32, #tpu.memory_space<vmem>>
        %dma_start3A_485 = tpu.memref_slice %arg22[%add3A_473] : memref<329728xf32, #tpu.memory_space<vmem_shared>> -> memref<10240xf32, #tpu.memory_space<vmem_shared>>
        tpu.enqueue_dma source(%dma_start3A_485 : memref<10240xf32, #tpu.memory_space<vmem_shared>>) target(%dma_start3A_484 : memref<10240xf32, #tpu.memory_space<vmem>>) target_semaphore(%run_scoped3A : memref<!tpu.dma_semaphore, #tpu.memory_space<semaphore_mem>>)
        %dma_wait3A_486 = arith.constant 0 : i32
        %dma_wait3A_487 = tpu.memref_slice %arg9[%dma_wait3A_486] : memref<15632xf32, #tpu.memory_space<vmem>> -> memref<10240xf32, #tpu.memory_space<vmem>>
        %dma_wait3A_488 = tpu.memref_slice %arg22[%add3A_473] : memref<329728xf32, #tpu.memory_space<vmem_shared>> -> memref<10240xf32, #tpu.memory_space<vmem_shared>>
        %dma_wait3A_489 = arith.constant 0 : i32
        %dma_wait3A_490 = tpu.memref_slice %arg9[%dma_wait3A_489] : memref<15632xf32, #tpu.memory_space<vmem>> -> memref<10240xf32, #tpu.memory_space<vmem>>
        %dma_wait3A_491 = tpu.memref_slice %arg22[%add3A_473] : memref<329728xf32, #tpu.memory_space<vmem_shared>> -> memref<10240xf32, #tpu.memory_space<vmem_shared>>
        tpu.wait_dma2 semaphore(%run_scoped3A : memref<!tpu.dma_semaphore, #tpu.memory_space<semaphore_mem>>) src(%dma_wait3A_491 : memref<10240xf32, #tpu.memory_space<vmem_shared>>) dst(%dma_wait3A_490 : memref<10240xf32, #tpu.memory_space<vmem>>)
        tpu.yield
      }) : () -> ()
      %mul3A_477 = arith.constant 327680 : i32
      %mul3A_478 = arith.muli %arg0, %mul3A_477 : i32
      %add3A_479 = arith.addi %mul3A_478, %add3A_473 : i32
      "tpu.region"() ({
        %run_scoped3A = tpu.sem_alloc : memref<!tpu.dma_semaphore, #tpu.memory_space<semaphore_mem>>
        %dma_start3A_480 = arith.constant 0 : i32
        %dma_start3A_481 = tpu.memref_slice %arg9[%dma_start3A_480] : memref<15632xf32, #tpu.memory_space<vmem>> -> memref<10240xf32, #tpu.memory_space<vmem>>
        %dma_start3A_482 = tpu.memref_slice %arg6[%add3A_479] : memref<655360xf32, #tpu.memory_space<hbm>> -> memref<10240xf32, #tpu.memory_space<hbm>>
        %dma_start3A_483 = tpu.memref_slice %arg6[%add3A_479] : memref<655360xf32, #tpu.memory_space<hbm>> -> memref<10240xf32, #tpu.memory_space<hbm>>
        %dma_start3A_484 = arith.constant 0 : i32
        %dma_start3A_485 = tpu.memref_slice %arg9[%dma_start3A_484] : memref<15632xf32, #tpu.memory_space<vmem>> -> memref<10240xf32, #tpu.memory_space<vmem>>
        tpu.enqueue_dma source(%dma_start3A_485 : memref<10240xf32, #tpu.memory_space<vmem>>) target(%dma_start3A_483 : memref<10240xf32, #tpu.memory_space<hbm>>) target_semaphore(%run_scoped3A : memref<!tpu.dma_semaphore, #tpu.memory_space<semaphore_mem>>)
        %dma_wait3A_486 = arith.constant 0 : i32
        %dma_wait3A_487 = tpu.memref_slice %arg9[%dma_wait3A_486] : memref<15632xf32, #tpu.memory_space<vmem>> -> memref<10240xf32, #tpu.memory_space<vmem>>
        %dma_wait3A_488 = tpu.memref_slice %arg6[%add3A_479] : memref<655360xf32, #tpu.memory_space<hbm>> -> memref<10240xf32, #tpu.memory_space<hbm>>
        %dma_wait3A_489 = tpu.memref_slice %arg6[%add3A_479] : memref<655360xf32, #tpu.memory_space<hbm>> -> memref<10240xf32, #tpu.memory_space<hbm>>
        %dma_wait3A_490 = arith.constant 0 : i32
        %dma_wait3A_491 = tpu.memref_slice %arg9[%dma_wait3A_490] : memref<15632xf32, #tpu.memory_space<vmem>> -> memref<10240xf32, #tpu.memory_space<vmem>>
        tpu.wait_dma2 semaphore(%run_scoped3A : memref<!tpu.dma_semaphore, #tpu.memory_space<semaphore_mem>>) src(%dma_wait3A_491 : memref<10240xf32, #tpu.memory_space<vmem>>) dst(%dma_wait3A_489 : memref<10240xf32, #tpu.memory_space<hbm>>)
        tpu.yield
      }) : () -> ()
    } else {
    }
    return
  }
}

#map = affine_map<(d0, d1) -> (0)>
#map1 = affine_map<(d0, d1) -> (0, 0)>
module attributes {stable_mosaic.version = 14 : i64} {
  func.func @_stage2(%arg0: i32, %arg1: i32, %arg2: memref<655360xi32, #tpu.memory_space<hbm>>, %arg3: memref<655360xf32, #tpu.memory_space<hbm>>, %arg4: memref<32x16xf32, #tpu.memory_space<hbm>>, %arg5: memref<32x16xi32, #tpu.memory_space<hbm>>, %arg6: memref<500000xi32, #tpu.memory_space<hbm>>, %arg7: memref<1000000xf32, #tpu.memory_space<hbm>>, %arg8: memref<16xi32, #tpu.memory_space<hbm>>, %arg9: memref<526336xf32, #tpu.memory_space<vmem_shared>>, %arg10: memref<16384xf32, #tpu.memory_space<vmem>>, %arg11: memref<10240xi32, #tpu.memory_space<vmem>>, %arg12: memref<10240xi32, #tpu.memory_space<vmem>>, %arg13: memref<10240xf32, #tpu.memory_space<vmem>>, %arg14: memref<10240xf32, #tpu.memory_space<vmem>>, %arg15: memref<32x16xf32, #tpu.memory_space<vmem>>, %arg16: memref<32x16xi32, #tpu.memory_space<vmem>>, %arg17: memref<16xi32, #tpu.memory_space<vmem>>, %arg18: memref<16xi32, #tpu.memory_space<vmem>>, %arg19: memref<!tpu.dma_semaphore, #tpu.memory_space<semaphore_mem>>, %arg20: memref<!tpu.dma_semaphore, #tpu.memory_space<semaphore_mem>>, %arg21: memref<!tpu.dma_semaphore, #tpu.memory_space<semaphore_mem>>) attributes {dimension_semantics = [#tpu.dimension_semantics<core_parallel>, #tpu.dimension_semantics<subcore_parallel>], iteration_bounds = array<i64: 2, 16>, scalar_prefetch = 0 : i64, scratch_operands = 13 : i64, tpu.core_type = #tpu.core_type<sc_vector_subcore>, window_params = [{transform_indices = #map}, {transform_indices = #map}, {transform_indices = #map1}, {transform_indices = #map1}, {transform_indices = #map}, {transform_indices = #map}, {transform_indices = #map}]} {
    %mul3A = arith.constant 16 : i32
    %mul3A_0 = arith.muli %arg0, %mul3A : i32
    %add3A = arith.addi %mul3A_0, %arg1 : i32
    %scan3A = arith.constant 0 : i32
    %scan3A_1 = arith.constant 0 : i32
    %scan3A_2 = arith.constant 1024 : i32
    %scan3A_3 = arith.addi %scan3A_1, %scan3A_2 : i32
    %scan3A_4 = arith.constant 1 : i32
    scf.for %scan3A_40 = %scan3A_1 to %scan3A_3 step %scan3A_4  : i32 {
      %broadcast_in_dim3A = arith.constant 1.000000e+00 : f32
      %broadcast_in_dim3A_41 = vector.broadcast %broadcast_in_dim3A : f32 to vector<16xf32>
      %mul3A_42 = arith.constant 16 : i32
      %mul3A_43 = arith.muli %scan3A_40, %mul3A_42 : i32
      %swap3A = arith.index_cast %mul3A_43 : i32 to index
      %swap3A_44 = tpu.vector_load %arg10[%swap3A] {strides = array<i32>} : memref<16384xf32, #tpu.memory_space<vmem>>, vector<16xf32>,
      %swap3A_45 = vector.shape_cast %swap3A_44 : vector<16xf32> to vector<16xf32>
      %swap3A_46 = vector.shape_cast %broadcast_in_dim3A_41 : vector<16xf32> to vector<16xf32>
      tpu.vector_store %arg10[%swap3A], %swap3A_46 {strides = array<i32>} : memref<16384xf32, #tpu.memory_space<vmem>>, vector<16xf32>,
    }
    %scan3A_5 = arith.constant 1024 : i32
    %mul3A_6 = arith.constant 32896 : i32
    %mul3A_7 = arith.muli %arg1, %mul3A_6 : i32
    "tpu.region"() ({
      %run_scoped3A = tpu.sem_alloc : memref<!tpu.dma_semaphore, #tpu.memory_space<semaphore_mem>>
      %dma_start3A = tpu.memref_slice %arg9[%mul3A_7] : memref<526336xf32, #tpu.memory_space<vmem_shared>> -> memref<16384xf32, #tpu.memory_space<vmem_shared>>
      %dma_start3A_40 = tpu.memref_slice %arg9[%mul3A_7] : memref<526336xf32, #tpu.memory_space<vmem_shared>> -> memref<16384xf32, #tpu.memory_space<vmem_shared>>
      tpu.enqueue_dma source(%arg10 : memref<16384xf32, #tpu.memory_space<vmem>>) target(%dma_start3A_40 : memref<16384xf32, #tpu.memory_space<vmem_shared>>) target_semaphore(%run_scoped3A : memref<!tpu.dma_semaphore, #tpu.memory_space<semaphore_mem>>)
      %dma_wait3A = tpu.memref_slice %arg9[%mul3A_7] : memref<526336xf32, #tpu.memory_space<vmem_shared>> -> memref<16384xf32, #tpu.memory_space<vmem_shared>>
      %dma_wait3A_41 = tpu.memref_slice %arg9[%mul3A_7] : memref<526336xf32, #tpu.memory_space<vmem_shared>> -> memref<16384xf32, #tpu.memory_space<vmem_shared>>
      tpu.wait_dma2 semaphore(%run_scoped3A : memref<!tpu.dma_semaphore, #tpu.memory_space<semaphore_mem>>) src(%arg10 : memref<16384xf32, #tpu.memory_space<vmem>>) dst(%dma_wait3A_41 : memref<16384xf32, #tpu.memory_space<vmem_shared>>)
      tpu.yield
    }) : () -> ()
    %add3A_8 = arith.constant 16384 : i32
    %add3A_9 = arith.addi %mul3A_7, %add3A_8 : i32
    "tpu.region"() ({
      %run_scoped3A = tpu.sem_alloc : memref<!tpu.dma_semaphore, #tpu.memory_space<semaphore_mem>>
      %dma_start3A = tpu.memref_slice %arg9[%add3A_9] : memref<526336xf32, #tpu.memory_space<vmem_shared>> -> memref<16384xf32, #tpu.memory_space<vmem_shared>>
      %dma_start3A_40 = tpu.memref_slice %arg9[%add3A_9] : memref<526336xf32, #tpu.memory_space<vmem_shared>> -> memref<16384xf32, #tpu.memory_space<vmem_shared>>
      tpu.enqueue_dma source(%arg10 : memref<16384xf32, #tpu.memory_space<vmem>>) target(%dma_start3A_40 : memref<16384xf32, #tpu.memory_space<vmem_shared>>) target_semaphore(%run_scoped3A : memref<!tpu.dma_semaphore, #tpu.memory_space<semaphore_mem>>)
      %dma_wait3A = tpu.memref_slice %arg9[%add3A_9] : memref<526336xf32, #tpu.memory_space<vmem_shared>> -> memref<16384xf32, #tpu.memory_space<vmem_shared>>
      %dma_wait3A_41 = tpu.memref_slice %arg9[%add3A_9] : memref<526336xf32, #tpu.memory_space<vmem_shared>> -> memref<16384xf32, #tpu.memory_space<vmem_shared>>
      tpu.wait_dma2 semaphore(%run_scoped3A : memref<!tpu.dma_semaphore, #tpu.memory_space<semaphore_mem>>) src(%arg10 : memref<16384xf32, #tpu.memory_space<vmem>>) dst(%dma_wait3A_41 : memref<16384xf32, #tpu.memory_space<vmem_shared>>)
      tpu.yield
    }) : () -> ()
    %add3A_10 = arith.constant 32768 : i32
    %add3A_11 = arith.addi %mul3A_7, %add3A_10 : i32
    "tpu.region"() ({
      %run_scoped3A = tpu.sem_alloc : memref<!tpu.dma_semaphore, #tpu.memory_space<semaphore_mem>>
      %dma_start3A = arith.constant 0 : i32
      %dma_start3A_40 = tpu.memref_slice %arg10[%dma_start3A] : memref<16384xf32, #tpu.memory_space<vmem>> -> memref<128xf32, #tpu.memory_space<vmem>>
      %dma_start3A_41 = tpu.memref_slice %arg9[%add3A_11] : memref<526336xf32, #tpu.memory_space<vmem_shared>> -> memref<128xf32, #tpu.memory_space<vmem_shared>>
      %dma_start3A_42 = tpu.memref_slice %arg9[%add3A_11] : memref<526336xf32, #tpu.memory_space<vmem_shared>> -> memref<128xf32, #tpu.memory_space<vmem_shared>>
      %dma_start3A_43 = arith.constant 0 : i32
      %dma_start3A_44 = tpu.memref_slice %arg10[%dma_start3A_43] : memref<16384xf32, #tpu.memory_space<vmem>> -> memref<128xf32, #tpu.memory_space<vmem>>
      tpu.enqueue_dma source(%dma_start3A_44 : memref<128xf32, #tpu.memory_space<vmem>>) target(%dma_start3A_42 : memref<128xf32, #tpu.memory_space<vmem_shared>>) target_semaphore(%run_scoped3A : memref<!tpu.dma_semaphore, #tpu.memory_space<semaphore_mem>>)
      %dma_wait3A = arith.constant 0 : i32
      %dma_wait3A_45 = tpu.memref_slice %arg10[%dma_wait3A] : memref<16384xf32, #tpu.memory_space<vmem>> -> memref<128xf32, #tpu.memory_space<vmem>>
      %dma_wait3A_46 = tpu.memref_slice %arg9[%add3A_11] : memref<526336xf32, #tpu.memory_space<vmem_shared>> -> memref<128xf32, #tpu.memory_space<vmem_shared>>
      %dma_wait3A_47 = tpu.memref_slice %arg9[%add3A_11] : memref<526336xf32, #tpu.memory_space<vmem_shared>> -> memref<128xf32, #tpu.memory_space<vmem_shared>>
      %dma_wait3A_48 = arith.constant 0 : i32
      %dma_wait3A_49 = tpu.memref_slice %arg10[%dma_wait3A_48] : memref<16384xf32, #tpu.memory_space<vmem>> -> memref<128xf32, #tpu.memory_space<vmem>>
      tpu.wait_dma2 semaphore(%run_scoped3A : memref<!tpu.dma_semaphore, #tpu.memory_space<semaphore_mem>>) src(%dma_wait3A_49 : memref<128xf32, #tpu.memory_space<vmem>>) dst(%dma_wait3A_47 : memref<128xf32, #tpu.memory_space<vmem_shared>>)
      tpu.yield
    }) : () -> ()
    %barrier3A = arith.constant 0 : index
    tpu.barrier barrier_id(%barrier3A)
    %jit3A = arith.constant 4 : i32
    %eq3A = arith.constant 0 : i32
    %eq3A_12 = arith.cmpi eq, %jit3A, %eq3A : i32
    %jit3A_13 = arith.constant 1 : i32
    %select_n3A = arith.select %eq3A_12, %jit3A_13, %jit3A : i32
    %rem3A = arith.remsi %arg1, %select_n3A : i32
    %ne3A = arith.constant 0 : i32
    %ne3A_14 = arith.cmpi ne, %rem3A, %ne3A : i32
    %lt3A = arith.constant 0 : i32
    %lt3A_15 = arith.cmpi slt, %rem3A, %lt3A : i32
    %lt3A_16 = arith.constant 0 : i32
    %lt3A_17 = arith.cmpi slt, %select_n3A, %lt3A_16 : i32
    %ne3A_18 = arith.xori %lt3A_15, %lt3A_17 : i1
    %and3A = arith.andi %ne3A_18, %ne3A_14 : i1
    %add3A_19 = arith.addi %rem3A, %select_n3A : i32
    %select_n3A_20 = arith.select %and3A, %add3A_19, %rem3A : i32
    %eq3A_21 = arith.constant 0 : i32
    %eq3A_22 = arith.cmpi eq, %select_n3A_20, %eq3A_21 : i32
    %convert_element_type3A = arith.extui %eq3A_22 : i1 to i32
    %cond3A = arith.constant 0 : i32
    %cond3A_23 = arith.cmpi ne, %convert_element_type3A, %cond3A : i32
    scf.if %cond3A_23 {
      %mul3A_40 = arith.constant 4 : i32
      %mul3A_41 = arith.muli %arg0, %mul3A_40 : i32
      %jit3A_42 = arith.constant 4 : i32
      %div3A = arith.divsi %arg1, %jit3A_42 : i32
      %sign3A = arith.constant 0 : i32
      %sign3A_43 = arith.cmpi sgt, %arg1, %sign3A : i32
      %sign3A_44 = arith.extui %sign3A_43 : i1 to i32
      %sign3A_45 = arith.constant 0 : i32
      %sign3A_46 = arith.cmpi slt, %arg1, %sign3A_45 : i32
      %sign3A_47 = arith.extui %sign3A_46 : i1 to i32
      %sign3A_48 = arith.subi %sign3A_44, %sign3A_47 : i32
      %sign3A_49 = arith.constant 0 : i32
      %sign3A_50 = arith.cmpi sgt, %jit3A_42, %sign3A_49 : i32
      %sign3A_51 = arith.extui %sign3A_50 : i1 to i32
      %sign3A_52 = arith.constant 0 : i32
      %sign3A_53 = arith.cmpi slt, %jit3A_42, %sign3A_52 : i32
      %sign3A_54 = arith.extui %sign3A_53 : i1 to i32
      %sign3A_55 = arith.subi %sign3A_51, %sign3A_54 : i32
      %ne3A_56 = arith.cmpi ne, %sign3A_48, %sign3A_55 : i32
      %rem3A_57 = arith.remsi %arg1, %jit3A_42 : i32
      %ne3A_58 = arith.constant 0 : i32
      %ne3A_59 = arith.cmpi ne, %rem3A_57, %ne3A_58 : i32
      %and3A_60 = arith.andi %ne3A_56, %ne3A_59 : i1
      %sub3A = arith.constant 1 : i32
      %sub3A_61 = arith.subi %div3A, %sub3A : i32
      %select_n3A_62 = arith.select %and3A_60, %sub3A_61, %div3A : i32
      %add3A_63 = arith.addi %mul3A_41, %select_n3A_62 : i32
      %mul3A_64 = arith.constant 40960 : i32
      %mul3A_65 = arith.muli %add3A_63, %mul3A_64 : i32
      %add3A_66 = arith.constant 0 : i32
      %add3A_67 = arith.addi %add3A_66, %mul3A_65 : i32
      %add3A_68 = arith.constant 0 : i32
      %add3A_69 = arith.addi %add3A_67, %add3A_68 : i32
      %dma_start3A = tpu.memref_slice %arg2[%add3A_69] : memref<655360xi32, #tpu.memory_space<hbm>> -> memref<10240xi32, #tpu.memory_space<hbm>>
      %dma_start3A_70 = tpu.memref_slice %arg2[%add3A_69] : memref<655360xi32, #tpu.memory_space<hbm>> -> memref<10240xi32, #tpu.memory_space<hbm>>
      tpu.enqueue_dma source(%dma_start3A_70 : memref<10240xi32, #tpu.memory_space<hbm>>) target(%arg11 : memref<10240xi32, #tpu.memory_space<vmem>>) target_semaphore(%arg19 : memref<!tpu.dma_semaphore, #tpu.memory_space<semaphore_mem>>)
      %dma_start3A_71 = tpu.memref_slice %arg3[%add3A_69] : memref<655360xf32, #tpu.memory_space<hbm>> -> memref<10240xf32, #tpu.memory_space<hbm>>
      %dma_start3A_72 = tpu.memref_slice %arg3[%add3A_69] : memref<655360xf32, #tpu.memory_space<hbm>> -> memref<10240xf32, #tpu.memory_space<hbm>>
      tpu.enqueue_dma source(%dma_start3A_72 : memref<10240xf32, #tpu.memory_space<hbm>>) target(%arg13 : memref<10240xf32, #tpu.memory_space<vmem>>) target_semaphore(%arg19 : memref<!tpu.dma_semaphore, #tpu.memory_space<semaphore_mem>>)
      %dma_wait3A = tpu.memref_slice %arg2[%add3A_69] : memref<655360xi32, #tpu.memory_space<hbm>> -> memref<10240xi32, #tpu.memory_space<hbm>>
      %dma_wait3A_73 = tpu.memref_slice %arg2[%add3A_69] : memref<655360xi32, #tpu.memory_space<hbm>> -> memref<10240xi32, #tpu.memory_space<hbm>>
      tpu.wait_dma2 semaphore(%arg19 : memref<!tpu.dma_semaphore, #tpu.memory_space<semaphore_mem>>) src(%dma_wait3A_73 : memref<10240xi32, #tpu.memory_space<hbm>>) dst(%arg11 : memref<10240xi32, #tpu.memory_space<vmem>>)
      %dma_wait3A_74 = tpu.memref_slice %arg3[%add3A_69] : memref<655360xf32, #tpu.memory_space<hbm>> -> memref<10240xf32, #tpu.memory_space<hbm>>
      %dma_wait3A_75 = tpu.memref_slice %arg3[%add3A_69] : memref<655360xf32, #tpu.memory_space<hbm>> -> memref<10240xf32, #tpu.memory_space<hbm>>
      tpu.wait_dma2 semaphore(%arg19 : memref<!tpu.dma_semaphore, #tpu.memory_space<semaphore_mem>>) src(%dma_wait3A_75 : memref<10240xf32, #tpu.memory_space<hbm>>) dst(%arg13 : memref<10240xf32, #tpu.memory_space<vmem>>)
      %mul3A_76 = arith.constant 40960 : i32
      %mul3A_77 = arith.muli %add3A_63, %mul3A_76 : i32
      %add3A_78 = arith.constant 0 : i32
      %add3A_79 = arith.addi %add3A_78, %mul3A_77 : i32
      %add3A_80 = arith.constant 10240 : i32
      %add3A_81 = arith.addi %add3A_79, %add3A_80 : i32
      %dma_start3A_82 = tpu.memref_slice %arg2[%add3A_81] : memref<655360xi32, #tpu.memory_space<hbm>> -> memref<10240xi32, #tpu.memory_space<hbm>>
      %dma_start3A_83 = tpu.memref_slice %arg2[%add3A_81] : memref<655360xi32, #tpu.memory_space<hbm>> -> memref<10240xi32, #tpu.memory_space<hbm>>
      tpu.enqueue_dma source(%dma_start3A_83 : memref<10240xi32, #tpu.memory_space<hbm>>) target(%arg12 : memref<10240xi32, #tpu.memory_space<vmem>>) target_semaphore(%arg19 : memref<!tpu.dma_semaphore, #tpu.memory_space<semaphore_mem>>)
      %dma_start3A_84 = tpu.memref_slice %arg3[%add3A_81] : memref<655360xf32, #tpu.memory_space<hbm>> -> memref<10240xf32, #tpu.memory_space<hbm>>
      %dma_start3A_85 = tpu.memref_slice %arg3[%add3A_81] : memref<655360xf32, #tpu.memory_space<hbm>> -> memref<10240xf32, #tpu.memory_space<hbm>>
      tpu.enqueue_dma source(%dma_start3A_85 : memref<10240xf32, #tpu.memory_space<hbm>>) target(%arg14 : memref<10240xf32, #tpu.memory_space<vmem>>) target_semaphore(%arg19 : memref<!tpu.dma_semaphore, #tpu.memory_space<semaphore_mem>>)
      %dma_start3A_86 = arith.constant 0 : i32
      %dma_start3A_87 = tpu.memref_slice %arg9[%dma_start3A_86] : memref<526336xf32, #tpu.memory_space<vmem_shared>> -> memref<526336xf32, #tpu.memory_space<vmem_shared>>
      tpu.enqueue_indirect_dma source(%arg13 : memref<10240xf32, #tpu.memory_space<vmem>>) target(%dma_start3A_87 : memref<526336xf32, #tpu.memory_space<vmem_shared>>) offsets(%arg11 : memref<10240xi32, #tpu.memory_space<vmem>>) semaphore(%arg20 : memref<!tpu.dma_semaphore, #tpu.memory_space<semaphore_mem>>)
      %dma_wait3A_88 = arith.constant 0 : i32
      %dma_wait3A_89 = tpu.memref_slice %arg9[%dma_wait3A_88] : memref<526336xf32, #tpu.memory_space<vmem_shared>> -> memref<526336xf32, #tpu.memory_space<vmem_shared>>
      tpu.wait_indirect_dma semaphore(%arg20 : memref<!tpu.dma_semaphore, #tpu.memory_space<semaphore_mem>>) src(%arg13 : memref<10240xf32, #tpu.memory_space<vmem>>) dst(%dma_wait3A_89 : memref<526336xf32, #tpu.memory_space<vmem_shared>>)
      %dma_wait3A_90 = tpu.memref_slice %arg2[%add3A_81] : memref<655360xi32, #tpu.memory_space<hbm>> -> memref<10240xi32, #tpu.memory_space<hbm>>
      %dma_wait3A_91 = tpu.memref_slice %arg2[%add3A_81] : memref<655360xi32, #tpu.memory_space<hbm>> -> memref<10240xi32, #tpu.memory_space<hbm>>
      tpu.wait_dma2 semaphore(%arg19 : memref<!tpu.dma_semaphore, #tpu.memory_space<semaphore_mem>>) src(%dma_wait3A_91 : memref<10240xi32, #tpu.memory_space<hbm>>) dst(%arg12 : memref<10240xi32, #tpu.memory_space<vmem>>)
      %dma_wait3A_92 = tpu.memref_slice %arg3[%add3A_81] : memref<655360xf32, #tpu.memory_space<hbm>> -> memref<10240xf32, #tpu.memory_space<hbm>>
      %dma_wait3A_93 = tpu.memref_slice %arg3[%add3A_81] : memref<655360xf32, #tpu.memory_space<hbm>> -> memref<10240xf32, #tpu.memory_space<hbm>>
      tpu.wait_dma2 semaphore(%arg19 : memref<!tpu.dma_semaphore, #tpu.memory_space<semaphore_mem>>) src(%dma_wait3A_93 : memref<10240xf32, #tpu.memory_space<hbm>>) dst(%arg14 : memref<10240xf32, #tpu.memory_space<vmem>>)
      %mul3A_94 = arith.constant 40960 : i32
      %mul3A_95 = arith.muli %add3A_63, %mul3A_94 : i32
      %add3A_96 = arith.constant 0 : i32
      %add3A_97 = arith.addi %add3A_96, %mul3A_95 : i32
      %add3A_98 = arith.constant 20480 : i32
      %add3A_99 = arith.addi %add3A_97, %add3A_98 : i32
      %dma_start3A_100 = tpu.memref_slice %arg2[%add3A_99] : memref<655360xi32, #tpu.memory_space<hbm>> -> memref<10240xi32, #tpu.memory_space<hbm>>
      %dma_start3A_101 = tpu.memref_slice %arg2[%add3A_99] : memref<655360xi32, #tpu.memory_space<hbm>> -> memref<10240xi32, #tpu.memory_space<hbm>>
      tpu.enqueue_dma source(%dma_start3A_101 : memref<10240xi32, #tpu.memory_space<hbm>>) target(%arg11 : memref<10240xi32, #tpu.memory_space<vmem>>) target_semaphore(%arg19 : memref<!tpu.dma_semaphore, #tpu.memory_space<semaphore_mem>>)
      %dma_start3A_102 = tpu.memref_slice %arg3[%add3A_99] : memref<655360xf32, #tpu.memory_space<hbm>> -> memref<10240xf32, #tpu.memory_space<hbm>>
      %dma_start3A_103 = tpu.memref_slice %arg3[%add3A_99] : memref<655360xf32, #tpu.memory_space<hbm>> -> memref<10240xf32, #tpu.memory_space<hbm>>
      tpu.enqueue_dma source(%dma_start3A_103 : memref<10240xf32, #tpu.memory_space<hbm>>) target(%arg13 : memref<10240xf32, #tpu.memory_space<vmem>>) target_semaphore(%arg19 : memref<!tpu.dma_semaphore, #tpu.memory_space<semaphore_mem>>)
      %dma_start3A_104 = arith.constant 0 : i32
      %dma_start3A_105 = tpu.memref_slice %arg9[%dma_start3A_104] : memref<526336xf32, #tpu.memory_space<vmem_shared>> -> memref<526336xf32, #tpu.memory_space<vmem_shared>>
      tpu.enqueue_indirect_dma source(%arg14 : memref<10240xf32, #tpu.memory_space<vmem>>) target(%dma_start3A_105 : memref<526336xf32, #tpu.memory_space<vmem_shared>>) offsets(%arg12 : memref<10240xi32, #tpu.memory_space<vmem>>) semaphore(%arg20 : memref<!tpu.dma_semaphore, #tpu.memory_space<semaphore_mem>>)
      %dma_wait3A_106 = arith.constant 0 : i32
      %dma_wait3A_107 = tpu.memref_slice %arg9[%dma_wait3A_106] : memref<526336xf32, #tpu.memory_space<vmem_shared>> -> memref<526336xf32, #tpu.memory_space<vmem_shared>>
      tpu.wait_indirect_dma semaphore(%arg20 : memref<!tpu.dma_semaphore, #tpu.memory_space<semaphore_mem>>) src(%arg14 : memref<10240xf32, #tpu.memory_space<vmem>>) dst(%dma_wait3A_107 : memref<526336xf32, #tpu.memory_space<vmem_shared>>)
      %dma_wait3A_108 = tpu.memref_slice %arg2[%add3A_99] : memref<655360xi32, #tpu.memory_space<hbm>> -> memref<10240xi32, #tpu.memory_space<hbm>>
      %dma_wait3A_109 = tpu.memref_slice %arg2[%add3A_99] : memref<655360xi32, #tpu.memory_space<hbm>> -> memref<10240xi32, #tpu.memory_space<hbm>>
      tpu.wait_dma2 semaphore(%arg19 : memref<!tpu.dma_semaphore, #tpu.memory_space<semaphore_mem>>) src(%dma_wait3A_109 : memref<10240xi32, #tpu.memory_space<hbm>>) dst(%arg11 : memref<10240xi32, #tpu.memory_space<vmem>>)
      %dma_wait3A_110 = tpu.memref_slice %arg3[%add3A_99] : memref<655360xf32, #tpu.memory_space<hbm>> -> memref<10240xf32, #tpu.memory_space<hbm>>
      %dma_wait3A_111 = tpu.memref_slice %arg3[%add3A_99] : memref<655360xf32, #tpu.memory_space<hbm>> -> memref<10240xf32, #tpu.memory_space<hbm>>
      tpu.wait_dma2 semaphore(%arg19 : memref<!tpu.dma_semaphore, #tpu.memory_space<semaphore_mem>>) src(%dma_wait3A_111 : memref<10240xf32, #tpu.memory_space<hbm>>) dst(%arg13 : memref<10240xf32, #tpu.memory_space<vmem>>)
      %mul3A_112 = arith.constant 40960 : i32
      %mul3A_113 = arith.muli %add3A_63, %mul3A_112 : i32
      %add3A_114 = arith.constant 0 : i32
      %add3A_115 = arith.addi %add3A_114, %mul3A_113 : i32
      %add3A_116 = arith.constant 30720 : i32
      %add3A_117 = arith.addi %add3A_115, %add3A_116 : i32
      %dma_start3A_118 = tpu.memref_slice %arg2[%add3A_117] : memref<655360xi32, #tpu.memory_space<hbm>> -> memref<10240xi32, #tpu.memory_space<hbm>>
      %dma_start3A_119 = tpu.memref_slice %arg2[%add3A_117] : memref<655360xi32, #tpu.memory_space<hbm>> -> memref<10240xi32, #tpu.memory_space<hbm>>
      tpu.enqueue_dma source(%dma_start3A_119 : memref<10240xi32, #tpu.memory_space<hbm>>) target(%arg12 : memref<10240xi32, #tpu.memory_space<vmem>>) target_semaphore(%arg19 : memref<!tpu.dma_semaphore, #tpu.memory_space<semaphore_mem>>)
      %dma_start3A_120 = tpu.memref_slice %arg3[%add3A_117] : memref<655360xf32, #tpu.memory_space<hbm>> -> memref<10240xf32, #tpu.memory_space<hbm>>
      %dma_start3A_121 = tpu.memref_slice %arg3[%add3A_117] : memref<655360xf32, #tpu.memory_space<hbm>> -> memref<10240xf32, #tpu.memory_space<hbm>>
      tpu.enqueue_dma source(%dma_start3A_121 : memref<10240xf32, #tpu.memory_space<hbm>>) target(%arg14 : memref<10240xf32, #tpu.memory_space<vmem>>) target_semaphore(%arg19 : memref<!tpu.dma_semaphore, #tpu.memory_space<semaphore_mem>>)
      %dma_start3A_122 = arith.constant 0 : i32
      %dma_start3A_123 = tpu.memref_slice %arg9[%dma_start3A_122] : memref<526336xf32, #tpu.memory_space<vmem_shared>> -> memref<526336xf32, #tpu.memory_space<vmem_shared>>
      tpu.enqueue_indirect_dma source(%arg13 : memref<10240xf32, #tpu.memory_space<vmem>>) target(%dma_start3A_123 : memref<526336xf32, #tpu.memory_space<vmem_shared>>) offsets(%arg11 : memref<10240xi32, #tpu.memory_space<vmem>>) semaphore(%arg20 : memref<!tpu.dma_semaphore, #tpu.memory_space<semaphore_mem>>)
      %dma_wait3A_124 = arith.constant 0 : i32
      %dma_wait3A_125 = tpu.memref_slice %arg9[%dma_wait3A_124] : memref<526336xf32, #tpu.memory_space<vmem_shared>> -> memref<526336xf32, #tpu.memory_space<vmem_shared>>
      tpu.wait_indirect_dma semaphore(%arg20 : memref<!tpu.dma_semaphore, #tpu.memory_space<semaphore_mem>>) src(%arg13 : memref<10240xf32, #tpu.memory_space<vmem>>) dst(%dma_wait3A_125 : memref<526336xf32, #tpu.memory_space<vmem_shared>>)
      %dma_wait3A_126 = tpu.memref_slice %arg2[%add3A_117] : memref<655360xi32, #tpu.memory_space<hbm>> -> memref<10240xi32, #tpu.memory_space<hbm>>
      %dma_wait3A_127 = tpu.memref_slice %arg2[%add3A_117] : memref<655360xi32, #tpu.memory_space<hbm>> -> memref<10240xi32, #tpu.memory_space<hbm>>
      tpu.wait_dma2 semaphore(%arg19 : memref<!tpu.dma_semaphore, #tpu.memory_space<semaphore_mem>>) src(%dma_wait3A_127 : memref<10240xi32, #tpu.memory_space<hbm>>) dst(%arg12 : memref<10240xi32, #tpu.memory_space<vmem>>)
      %dma_wait3A_128 = tpu.memref_slice %arg3[%add3A_117] : memref<655360xf32, #tpu.memory_space<hbm>> -> memref<10240xf32, #tpu.memory_space<hbm>>
      %dma_wait3A_129 = tpu.memref_slice %arg3[%add3A_117] : memref<655360xf32, #tpu.memory_space<hbm>> -> memref<10240xf32, #tpu.memory_space<hbm>>
      tpu.wait_dma2 semaphore(%arg19 : memref<!tpu.dma_semaphore, #tpu.memory_space<semaphore_mem>>) src(%dma_wait3A_129 : memref<10240xf32, #tpu.memory_space<hbm>>) dst(%arg14 : memref<10240xf32, #tpu.memory_space<vmem>>)
      %mul3A_130 = arith.constant 40960 : i32
      %mul3A_131 = arith.muli %add3A_63, %mul3A_130 : i32
      %add3A_132 = arith.constant 327680 : i32
      %add3A_133 = arith.addi %add3A_132, %mul3A_131 : i32
      %add3A_134 = arith.constant 0 : i32
      %add3A_135 = arith.addi %add3A_133, %add3A_134 : i32
      %dma_start3A_136 = tpu.memref_slice %arg2[%add3A_135] : memref<655360xi32, #tpu.memory_space<hbm>> -> memref<10240xi32, #tpu.memory_space<hbm>>
      %dma_start3A_137 = tpu.memref_slice %arg2[%add3A_135] : memref<655360xi32, #tpu.memory_space<hbm>> -> memref<10240xi32, #tpu.memory_space<hbm>>
      tpu.enqueue_dma source(%dma_start3A_137 : memref<10240xi32, #tpu.memory_space<hbm>>) target(%arg11 : memref<10240xi32, #tpu.memory_space<vmem>>) target_semaphore(%arg19 : memref<!tpu.dma_semaphore, #tpu.memory_space<semaphore_mem>>)
      %dma_start3A_138 = tpu.memref_slice %arg3[%add3A_135] : memref<655360xf32, #tpu.memory_space<hbm>> -> memref<10240xf32, #tpu.memory_space<hbm>>
      %dma_start3A_139 = tpu.memref_slice %arg3[%add3A_135] : memref<655360xf32, #tpu.memory_space<hbm>> -> memref<10240xf32, #tpu.memory_space<hbm>>
      tpu.enqueue_dma source(%dma_start3A_139 : memref<10240xf32, #tpu.memory_space<hbm>>) target(%arg13 : memref<10240xf32, #tpu.memory_space<vmem>>) target_semaphore(%arg19 : memref<!tpu.dma_semaphore, #tpu.memory_space<semaphore_mem>>)
      %dma_start3A_140 = arith.constant 0 : i32
      %dma_start3A_141 = tpu.memref_slice %arg9[%dma_start3A_140] : memref<526336xf32, #tpu.memory_space<vmem_shared>> -> memref<526336xf32, #tpu.memory_space<vmem_shared>>
      tpu.enqueue_indirect_dma source(%arg14 : memref<10240xf32, #tpu.memory_space<vmem>>) target(%dma_start3A_141 : memref<526336xf32, #tpu.memory_space<vmem_shared>>) offsets(%arg12 : memref<10240xi32, #tpu.memory_space<vmem>>) semaphore(%arg20 : memref<!tpu.dma_semaphore, #tpu.memory_space<semaphore_mem>>)
      %dma_wait3A_142 = arith.constant 0 : i32
      %dma_wait3A_143 = tpu.memref_slice %arg9[%dma_wait3A_142] : memref<526336xf32, #tpu.memory_space<vmem_shared>> -> memref<526336xf32, #tpu.memory_space<vmem_shared>>
      tpu.wait_indirect_dma semaphore(%arg20 : memref<!tpu.dma_semaphore, #tpu.memory_space<semaphore_mem>>) src(%arg14 : memref<10240xf32, #tpu.memory_space<vmem>>) dst(%dma_wait3A_143 : memref<526336xf32, #tpu.memory_space<vmem_shared>>)
      %dma_wait3A_144 = tpu.memref_slice %arg2[%add3A_135] : memref<655360xi32, #tpu.memory_space<hbm>> -> memref<10240xi32, #tpu.memory_space<hbm>>
      %dma_wait3A_145 = tpu.memref_slice %arg2[%add3A_135] : memref<655360xi32, #tpu.memory_space<hbm>> -> memref<10240xi32, #tpu.memory_space<hbm>>
      tpu.wait_dma2 semaphore(%arg19 : memref<!tpu.dma_semaphore, #tpu.memory_space<semaphore_mem>>) src(%dma_wait3A_145 : memref<10240xi32, #tpu.memory_space<hbm>>) dst(%arg11 : memref<10240xi32, #tpu.memory_space<vmem>>)
      %dma_wait3A_146 = tpu.memref_slice %arg3[%add3A_135] : memref<655360xf32, #tpu.memory_space<hbm>> -> memref<10240xf32, #tpu.memory_space<hbm>>
      %dma_wait3A_147 = tpu.memref_slice %arg3[%add3A_135] : memref<655360xf32, #tpu.memory_space<hbm>> -> memref<10240xf32, #tpu.memory_space<hbm>>
      tpu.wait_dma2 semaphore(%arg19 : memref<!tpu.dma_semaphore, #tpu.memory_space<semaphore_mem>>) src(%dma_wait3A_147 : memref<10240xf32, #tpu.memory_space<hbm>>) dst(%arg13 : memref<10240xf32, #tpu.memory_space<vmem>>)
      %mul3A_148 = arith.constant 40960 : i32
      %mul3A_149 = arith.muli %add3A_63, %mul3A_148 : i32
      %add3A_150 = arith.constant 327680 : i32
      %add3A_151 = arith.addi %add3A_150, %mul3A_149 : i32
      %add3A_152 = arith.constant 10240 : i32
      %add3A_153 = arith.addi %add3A_151, %add3A_152 : i32
      %dma_start3A_154 = tpu.memref_slice %arg2[%add3A_153] : memref<655360xi32, #tpu.memory_space<hbm>> -> memref<10240xi32, #tpu.memory_space<hbm>>
      %dma_start3A_155 = tpu.memref_slice %arg2[%add3A_153] : memref<655360xi32, #tpu.memory_space<hbm>> -> memref<10240xi32, #tpu.memory_space<hbm>>
      tpu.enqueue_dma source(%dma_start3A_155 : memref<10240xi32, #tpu.memory_space<hbm>>) target(%arg12 : memref<10240xi32, #tpu.memory_space<vmem>>) target_semaphore(%arg19 : memref<!tpu.dma_semaphore, #tpu.memory_space<semaphore_mem>>)
      %dma_start3A_156 = tpu.memref_slice %arg3[%add3A_153] : memref<655360xf32, #tpu.memory_space<hbm>> -> memref<10240xf32, #tpu.memory_space<hbm>>
      %dma_start3A_157 = tpu.memref_slice %arg3[%add3A_153] : memref<655360xf32, #tpu.memory_space<hbm>> -> memref<10240xf32, #tpu.memory_space<hbm>>
      tpu.enqueue_dma source(%dma_start3A_157 : memref<10240xf32, #tpu.memory_space<hbm>>) target(%arg14 : memref<10240xf32, #tpu.memory_space<vmem>>) target_semaphore(%arg19 : memref<!tpu.dma_semaphore, #tpu.memory_space<semaphore_mem>>)
      %dma_start3A_158 = arith.constant 0 : i32
      %dma_start3A_159 = tpu.memref_slice %arg9[%dma_start3A_158] : memref<526336xf32, #tpu.memory_space<vmem_shared>> -> memref<526336xf32, #tpu.memory_space<vmem_shared>>
      tpu.enqueue_indirect_dma source(%arg13 : memref<10240xf32, #tpu.memory_space<vmem>>) target(%dma_start3A_159 : memref<526336xf32, #tpu.memory_space<vmem_shared>>) offsets(%arg11 : memref<10240xi32, #tpu.memory_space<vmem>>) semaphore(%arg20 : memref<!tpu.dma_semaphore, #tpu.memory_space<semaphore_mem>>)
      %dma_wait3A_160 = arith.constant 0 : i32
      %dma_wait3A_161 = tpu.memref_slice %arg9[%dma_wait3A_160] : memref<526336xf32, #tpu.memory_space<vmem_shared>> -> memref<526336xf32, #tpu.memory_space<vmem_shared>>
      tpu.wait_indirect_dma semaphore(%arg20 : memref<!tpu.dma_semaphore, #tpu.memory_space<semaphore_mem>>) src(%arg13 : memref<10240xf32, #tpu.memory_space<vmem>>) dst(%dma_wait3A_161 : memref<526336xf32, #tpu.memory_space<vmem_shared>>)
      %dma_wait3A_162 = tpu.memref_slice %arg2[%add3A_153] : memref<655360xi32, #tpu.memory_space<hbm>> -> memref<10240xi32, #tpu.memory_space<hbm>>
      %dma_wait3A_163 = tpu.memref_slice %arg2[%add3A_153] : memref<655360xi32, #tpu.memory_space<hbm>> -> memref<10240xi32, #tpu.memory_space<hbm>>
      tpu.wait_dma2 semaphore(%arg19 : memref<!tpu.dma_semaphore, #tpu.memory_space<semaphore_mem>>) src(%dma_wait3A_163 : memref<10240xi32, #tpu.memory_space<hbm>>) dst(%arg12 : memref<10240xi32, #tpu.memory_space<vmem>>)
      %dma_wait3A_164 = tpu.memref_slice %arg3[%add3A_153] : memref<655360xf32, #tpu.memory_space<hbm>> -> memref<10240xf32, #tpu.memory_space<hbm>>
      %dma_wait3A_165 = tpu.memref_slice %arg3[%add3A_153] : memref<655360xf32, #tpu.memory_space<hbm>> -> memref<10240xf32, #tpu.memory_space<hbm>>
      tpu.wait_dma2 semaphore(%arg19 : memref<!tpu.dma_semaphore, #tpu.memory_space<semaphore_mem>>) src(%dma_wait3A_165 : memref<10240xf32, #tpu.memory_space<hbm>>) dst(%arg14 : memref<10240xf32, #tpu.memory_space<vmem>>)
      %mul3A_166 = arith.constant 40960 : i32
      %mul3A_167 = arith.muli %add3A_63, %mul3A_166 : i32
      %add3A_168 = arith.constant 327680 : i32
      %add3A_169 = arith.addi %add3A_168, %mul3A_167 : i32
      %add3A_170 = arith.constant 20480 : i32
      %add3A_171 = arith.addi %add3A_169, %add3A_170 : i32
      %dma_start3A_172 = tpu.memref_slice %arg2[%add3A_171] : memref<655360xi32, #tpu.memory_space<hbm>> -> memref<10240xi32, #tpu.memory_space<hbm>>
      %dma_start3A_173 = tpu.memref_slice %arg2[%add3A_171] : memref<655360xi32, #tpu.memory_space<hbm>> -> memref<10240xi32, #tpu.memory_space<hbm>>
      tpu.enqueue_dma source(%dma_start3A_173 : memref<10240xi32, #tpu.memory_space<hbm>>) target(%arg11 : memref<10240xi32, #tpu.memory_space<vmem>>) target_semaphore(%arg19 : memref<!tpu.dma_semaphore, #tpu.memory_space<semaphore_mem>>)
      %dma_start3A_174 = tpu.memref_slice %arg3[%add3A_171] : memref<655360xf32, #tpu.memory_space<hbm>> -> memref<10240xf32, #tpu.memory_space<hbm>>
      %dma_start3A_175 = tpu.memref_slice %arg3[%add3A_171] : memref<655360xf32, #tpu.memory_space<hbm>> -> memref<10240xf32, #tpu.memory_space<hbm>>
      tpu.enqueue_dma source(%dma_start3A_175 : memref<10240xf32, #tpu.memory_space<hbm>>) target(%arg13 : memref<10240xf32, #tpu.memory_space<vmem>>) target_semaphore(%arg19 : memref<!tpu.dma_semaphore, #tpu.memory_space<semaphore_mem>>)
      %dma_start3A_176 = arith.constant 0 : i32
      %dma_start3A_177 = tpu.memref_slice %arg9[%dma_start3A_176] : memref<526336xf32, #tpu.memory_space<vmem_shared>> -> memref<526336xf32, #tpu.memory_space<vmem_shared>>
      tpu.enqueue_indirect_dma source(%arg14 : memref<10240xf32, #tpu.memory_space<vmem>>) target(%dma_start3A_177 : memref<526336xf32, #tpu.memory_space<vmem_shared>>) offsets(%arg12 : memref<10240xi32, #tpu.memory_space<vmem>>) semaphore(%arg20 : memref<!tpu.dma_semaphore, #tpu.memory_space<semaphore_mem>>)
      %dma_wait3A_178 = arith.constant 0 : i32
      %dma_wait3A_179 = tpu.memref_slice %arg9[%dma_wait3A_178] : memref<526336xf32, #tpu.memory_space<vmem_shared>> -> memref<526336xf32, #tpu.memory_space<vmem_shared>>
      tpu.wait_indirect_dma semaphore(%arg20 : memref<!tpu.dma_semaphore, #tpu.memory_space<semaphore_mem>>) src(%arg14 : memref<10240xf32, #tpu.memory_space<vmem>>) dst(%dma_wait3A_179 : memref<526336xf32, #tpu.memory_space<vmem_shared>>)
      %dma_wait3A_180 = tpu.memref_slice %arg2[%add3A_171] : memref<655360xi32, #tpu.memory_space<hbm>> -> memref<10240xi32, #tpu.memory_space<hbm>>
      %dma_wait3A_181 = tpu.memref_slice %arg2[%add3A_171] : memref<655360xi32, #tpu.memory_space<hbm>> -> memref<10240xi32, #tpu.memory_space<hbm>>
      tpu.wait_dma2 semaphore(%arg19 : memref<!tpu.dma_semaphore, #tpu.memory_space<semaphore_mem>>) src(%dma_wait3A_181 : memref<10240xi32, #tpu.memory_space<hbm>>) dst(%arg11 : memref<10240xi32, #tpu.memory_space<vmem>>)
      %dma_wait3A_182 = tpu.memref_slice %arg3[%add3A_171] : memref<655360xf32, #tpu.memory_space<hbm>> -> memref<10240xf32, #tpu.memory_space<hbm>>
      %dma_wait3A_183 = tpu.memref_slice %arg3[%add3A_171] : memref<655360xf32, #tpu.memory_space<hbm>> -> memref<10240xf32, #tpu.memory_space<hbm>>
      tpu.wait_dma2 semaphore(%arg19 : memref<!tpu.dma_semaphore, #tpu.memory_space<semaphore_mem>>) src(%dma_wait3A_183 : memref<10240xf32, #tpu.memory_space<hbm>>) dst(%arg13 : memref<10240xf32, #tpu.memory_space<vmem>>)
      %mul3A_184 = arith.constant 40960 : i32
      %mul3A_185 = arith.muli %add3A_63, %mul3A_184 : i32
      %add3A_186 = arith.constant 327680 : i32
      %add3A_187 = arith.addi %add3A_186, %mul3A_185 : i32
      %add3A_188 = arith.constant 30720 : i32
      %add3A_189 = arith.addi %add3A_187, %add3A_188 : i32
      %dma_start3A_190 = tpu.memref_slice %arg2[%add3A_189] : memref<655360xi32, #tpu.memory_space<hbm>> -> memref<10240xi32, #tpu.memory_space<hbm>>
      %dma_start3A_191 = tpu.memref_slice %arg2[%add3A_189] : memref<655360xi32, #tpu.memory_space<hbm>> -> memref<10240xi32, #tpu.memory_space<hbm>>
      tpu.enqueue_dma source(%dma_start3A_191 : memref<10240xi32, #tpu.memory_space<hbm>>) target(%arg12 : memref<10240xi32, #tpu.memory_space<vmem>>) target_semaphore(%arg19 : memref<!tpu.dma_semaphore, #tpu.memory_space<semaphore_mem>>)
      %dma_start3A_192 = tpu.memref_slice %arg3[%add3A_189] : memref<655360xf32, #tpu.memory_space<hbm>> -> memref<10240xf32, #tpu.memory_space<hbm>>
      %dma_start3A_193 = tpu.memref_slice %arg3[%add3A_189] : memref<655360xf32, #tpu.memory_space<hbm>> -> memref<10240xf32, #tpu.memory_space<hbm>>
      tpu.enqueue_dma source(%dma_start3A_193 : memref<10240xf32, #tpu.memory_space<hbm>>) target(%arg14 : memref<10240xf32, #tpu.memory_space<vmem>>) target_semaphore(%arg19 : memref<!tpu.dma_semaphore, #tpu.memory_space<semaphore_mem>>)
      %dma_start3A_194 = arith.constant 0 : i32
      %dma_start3A_195 = tpu.memref_slice %arg9[%dma_start3A_194] : memref<526336xf32, #tpu.memory_space<vmem_shared>> -> memref<526336xf32, #tpu.memory_space<vmem_shared>>
      tpu.enqueue_indirect_dma source(%arg13 : memref<10240xf32, #tpu.memory_space<vmem>>) target(%dma_start3A_195 : memref<526336xf32, #tpu.memory_space<vmem_shared>>) offsets(%arg11 : memref<10240xi32, #tpu.memory_space<vmem>>) semaphore(%arg20 : memref<!tpu.dma_semaphore, #tpu.memory_space<semaphore_mem>>)
      %dma_wait3A_196 = arith.constant 0 : i32
      %dma_wait3A_197 = tpu.memref_slice %arg9[%dma_wait3A_196] : memref<526336xf32, #tpu.memory_space<vmem_shared>> -> memref<526336xf32, #tpu.memory_space<vmem_shared>>
      tpu.wait_indirect_dma semaphore(%arg20 : memref<!tpu.dma_semaphore, #tpu.memory_space<semaphore_mem>>) src(%arg13 : memref<10240xf32, #tpu.memory_space<vmem>>) dst(%dma_wait3A_197 : memref<526336xf32, #tpu.memory_space<vmem_shared>>)
      %dma_wait3A_198 = tpu.memref_slice %arg2[%add3A_189] : memref<655360xi32, #tpu.memory_space<hbm>> -> memref<10240xi32, #tpu.memory_space<hbm>>
      %dma_wait3A_199 = tpu.memref_slice %arg2[%add3A_189] : memref<655360xi32, #tpu.memory_space<hbm>> -> memref<10240xi32, #tpu.memory_space<hbm>>
      tpu.wait_dma2 semaphore(%arg19 : memref<!tpu.dma_semaphore, #tpu.memory_space<semaphore_mem>>) src(%dma_wait3A_199 : memref<10240xi32, #tpu.memory_space<hbm>>) dst(%arg12 : memref<10240xi32, #tpu.memory_space<vmem>>)
      %dma_wait3A_200 = tpu.memref_slice %arg3[%add3A_189] : memref<655360xf32, #tpu.memory_space<hbm>> -> memref<10240xf32, #tpu.memory_space<hbm>>
      %dma_wait3A_201 = tpu.memref_slice %arg3[%add3A_189] : memref<655360xf32, #tpu.memory_space<hbm>> -> memref<10240xf32, #tpu.memory_space<hbm>>
      tpu.wait_dma2 semaphore(%arg19 : memref<!tpu.dma_semaphore, #tpu.memory_space<semaphore_mem>>) src(%dma_wait3A_201 : memref<10240xf32, #tpu.memory_space<hbm>>) dst(%arg14 : memref<10240xf32, #tpu.memory_space<vmem>>)
      %dma_start3A_202 = arith.constant 0 : i32
      %dma_start3A_203 = tpu.memref_slice %arg9[%dma_start3A_202] : memref<526336xf32, #tpu.memory_space<vmem_shared>> -> memref<526336xf32, #tpu.memory_space<vmem_shared>>
      tpu.enqueue_indirect_dma source(%arg14 : memref<10240xf32, #tpu.memory_space<vmem>>) target(%dma_start3A_203 : memref<526336xf32, #tpu.memory_space<vmem_shared>>) offsets(%arg12 : memref<10240xi32, #tpu.memory_space<vmem>>) semaphore(%arg20 : memref<!tpu.dma_semaphore, #tpu.memory_space<semaphore_mem>>)
      %dma_wait3A_204 = arith.constant 0 : i32
      %dma_wait3A_205 = tpu.memref_slice %arg9[%dma_wait3A_204] : memref<526336xf32, #tpu.memory_space<vmem_shared>> -> memref<526336xf32, #tpu.memory_space<vmem_shared>>
      tpu.wait_indirect_dma semaphore(%arg20 : memref<!tpu.dma_semaphore, #tpu.memory_space<semaphore_mem>>) src(%arg14 : memref<10240xf32, #tpu.memory_space<vmem>>) dst(%dma_wait3A_205 : memref<526336xf32, #tpu.memory_space<vmem_shared>>)
    } else {
    }
    %barrier3A_24 = arith.constant 0 : index
    tpu.barrier barrier_id(%barrier3A_24)
    %eq3A_25 = arith.constant 0 : i32
    %eq3A_26 = arith.cmpi eq, %arg0, %eq3A_25 : i32
    %convert_element_type3A_27 = arith.extui %eq3A_26 : i1 to i32
    %cond3A_28 = arith.constant 0 : i32
    %cond3A_29 = arith.cmpi ne, %convert_element_type3A_27, %cond3A_28 : i32
    scf.if %cond3A_29 {
      %mul3A_40 = arith.constant 32768 : i32
      %mul3A_41 = arith.muli %arg1, %mul3A_40 : i32
      "tpu.region"() ({
        %run_scoped3A = tpu.sem_alloc : memref<!tpu.dma_semaphore, #tpu.memory_space<semaphore_mem>>
        %dma_start3A = arith.constant 0 : i32
        %dma_start3A_46 = tpu.memref_slice %arg10[%dma_start3A] : memref<16384xf32, #tpu.memory_space<vmem>> -> memref<16384xf32, #tpu.memory_space<vmem>>
        %dma_start3A_47 = tpu.memref_slice %arg9[%mul3A_41] : memref<526336xf32, #tpu.memory_space<vmem_shared>> -> memref<16384xf32, #tpu.memory_space<vmem_shared>>
        %dma_start3A_48 = arith.constant 0 : i32
        %dma_start3A_49 = tpu.memref_slice %arg10[%dma_start3A_48] : memref<16384xf32, #tpu.memory_space<vmem>> -> memref<16384xf32, #tpu.memory_space<vmem>>
        %dma_start3A_50 = tpu.memref_slice %arg9[%mul3A_41] : memref<526336xf32, #tpu.memory_space<vmem_shared>> -> memref<16384xf32, #tpu.memory_space<vmem_shared>>
        tpu.enqueue_dma source(%dma_start3A_50 : memref<16384xf32, #tpu.memory_space<vmem_shared>>) target(%dma_start3A_49 : memref<16384xf32, #tpu.memory_space<vmem>>) target_semaphore(%run_scoped3A : memref<!tpu.dma_semaphore, #tpu.memory_space<semaphore_mem>>)
        %dma_wait3A = arith.constant 0 : i32
        %dma_wait3A_51 = tpu.memref_slice %arg10[%dma_wait3A] : memref<16384xf32, #tpu.memory_space<vmem>> -> memref<16384xf32, #tpu.memory_space<vmem>>
        %dma_wait3A_52 = tpu.memref_slice %arg9[%mul3A_41] : memref<526336xf32, #tpu.memory_space<vmem_shared>> -> memref<16384xf32, #tpu.memory_space<vmem_shared>>
        %dma_wait3A_53 = arith.constant 0 : i32
        %dma_wait3A_54 = tpu.memref_slice %arg10[%dma_wait3A_53] : memref<16384xf32, #tpu.memory_space<vmem>> -> memref<16384xf32, #tpu.memory_space<vmem>>
        %dma_wait3A_55 = tpu.memref_slice %arg9[%mul3A_41] : memref<526336xf32, #tpu.memory_space<vmem_shared>> -> memref<16384xf32, #tpu.memory_space<vmem_shared>>
        tpu.wait_dma2 semaphore(%run_scoped3A : memref<!tpu.dma_semaphore, #tpu.memory_space<semaphore_mem>>) src(%dma_wait3A_55 : memref<16384xf32, #tpu.memory_space<vmem_shared>>) dst(%dma_wait3A_54 : memref<16384xf32, #tpu.memory_space<vmem>>)
        tpu.yield
      }) : () -> ()
      "tpu.region"() ({
        %run_scoped3A = tpu.sem_alloc : memref<!tpu.dma_semaphore, #tpu.memory_space<semaphore_mem>>
        %dma_start3A = arith.constant 0 : i32
        %dma_start3A_46 = tpu.memref_slice %arg10[%dma_start3A] : memref<16384xf32, #tpu.memory_space<vmem>> -> memref<16384xf32, #tpu.memory_space<vmem>>
        %dma_start3A_47 = tpu.memref_slice %arg7[%mul3A_41] : memref<1000000xf32, #tpu.memory_space<hbm>> -> memref<16384xf32, #tpu.memory_space<hbm>>
        %dma_start3A_48 = tpu.memref_slice %arg7[%mul3A_41] : memref<1000000xf32, #tpu.memory_space<hbm>> -> memref<16384xf32, #tpu.memory_space<hbm>>
        %dma_start3A_49 = arith.constant 0 : i32
        %dma_start3A_50 = tpu.memref_slice %arg10[%dma_start3A_49] : memref<16384xf32, #tpu.memory_space<vmem>> -> memref<16384xf32, #tpu.memory_space<vmem>>
        tpu.enqueue_dma source(%dma_start3A_50 : memref<16384xf32, #tpu.memory_space<vmem>>) target(%dma_start3A_48 : memref<16384xf32, #tpu.memory_space<hbm>>) target_semaphore(%run_scoped3A : memref<!tpu.dma_semaphore, #tpu.memory_space<semaphore_mem>>)
        %dma_wait3A = arith.constant 0 : i32
        %dma_wait3A_51 = tpu.memref_slice %arg10[%dma_wait3A] : memref<16384xf32, #tpu.memory_space<vmem>> -> memref<16384xf32, #tpu.memory_space<vmem>>
        %dma_wait3A_52 = tpu.memref_slice %arg7[%mul3A_41] : memref<1000000xf32, #tpu.memory_space<hbm>> -> memref<16384xf32, #tpu.memory_space<hbm>>
        %dma_wait3A_53 = tpu.memref_slice %arg7[%mul3A_41] : memref<1000000xf32, #tpu.memory_space<hbm>> -> memref<16384xf32, #tpu.memory_space<hbm>>
        %dma_wait3A_54 = arith.constant 0 : i32
        %dma_wait3A_55 = tpu.memref_slice %arg10[%dma_wait3A_54] : memref<16384xf32, #tpu.memory_space<vmem>> -> memref<16384xf32, #tpu.memory_space<vmem>>
        tpu.wait_dma2 semaphore(%run_scoped3A : memref<!tpu.dma_semaphore, #tpu.memory_space<semaphore_mem>>) src(%dma_wait3A_55 : memref<16384xf32, #tpu.memory_space<vmem>>) dst(%dma_wait3A_53 : memref<16384xf32, #tpu.memory_space<hbm>>)
        tpu.yield
      }) : () -> ()
      %add3A_42 = arith.constant 16384 : i32
      %add3A_43 = arith.addi %mul3A_41, %add3A_42 : i32
      %add3A_44 = arith.constant 16384 : i32
      %add3A_45 = arith.addi %mul3A_41, %add3A_44 : i32
      "tpu.region"() ({
        %run_scoped3A = tpu.sem_alloc : memref<!tpu.dma_semaphore, #tpu.memory_space<semaphore_mem>>
        %dma_start3A = arith.constant 0 : i32
        %dma_start3A_46 = tpu.memref_slice %arg10[%dma_start3A] : memref<16384xf32, #tpu.memory_space<vmem>> -> memref<16384xf32, #tpu.memory_space<vmem>>
        %dma_start3A_47 = tpu.memref_slice %arg9[%add3A_43] : memref<526336xf32, #tpu.memory_space<vmem_shared>> -> memref<16384xf32, #tpu.memory_space<vmem_shared>>
        %dma_start3A_48 = arith.constant 0 : i32
        %dma_start3A_49 = tpu.memref_slice %arg10[%dma_start3A_48] : memref<16384xf32, #tpu.memory_space<vmem>> -> memref<16384xf32, #tpu.memory_space<vmem>>
        %dma_start3A_50 = tpu.memref_slice %arg9[%add3A_43] : memref<526336xf32, #tpu.memory_space<vmem_shared>> -> memref<16384xf32, #tpu.memory_space<vmem_shared>>
        tpu.enqueue_dma source(%dma_start3A_50 : memref<16384xf32, #tpu.memory_space<vmem_shared>>) target(%dma_start3A_49 : memref<16384xf32, #tpu.memory_space<vmem>>) target_semaphore(%run_scoped3A : memref<!tpu.dma_semaphore, #tpu.memory_space<semaphore_mem>>)
        %dma_wait3A = arith.constant 0 : i32
        %dma_wait3A_51 = tpu.memref_slice %arg10[%dma_wait3A] : memref<16384xf32, #tpu.memory_space<vmem>> -> memref<16384xf32, #tpu.memory_space<vmem>>
        %dma_wait3A_52 = tpu.memref_slice %arg9[%add3A_43] : memref<526336xf32, #tpu.memory_space<vmem_shared>> -> memref<16384xf32, #tpu.memory_space<vmem_shared>>
        %dma_wait3A_53 = arith.constant 0 : i32
        %dma_wait3A_54 = tpu.memref_slice %arg10[%dma_wait3A_53] : memref<16384xf32, #tpu.memory_space<vmem>> -> memref<16384xf32, #tpu.memory_space<vmem>>
        %dma_wait3A_55 = tpu.memref_slice %arg9[%add3A_43] : memref<526336xf32, #tpu.memory_space<vmem_shared>> -> memref<16384xf32, #tpu.memory_space<vmem_shared>>
        tpu.wait_dma2 semaphore(%run_scoped3A : memref<!tpu.dma_semaphore, #tpu.memory_space<semaphore_mem>>) src(%dma_wait3A_55 : memref<16384xf32, #tpu.memory_space<vmem_shared>>) dst(%dma_wait3A_54 : memref<16384xf32, #tpu.memory_space<vmem>>)
        tpu.yield
      }) : () -> ()
      "tpu.region"() ({
        %run_scoped3A = tpu.sem_alloc : memref<!tpu.dma_semaphore, #tpu.memory_space<semaphore_mem>>
        %dma_start3A = arith.constant 0 : i32
        %dma_start3A_46 = tpu.memref_slice %arg10[%dma_start3A] : memref<16384xf32, #tpu.memory_space<vmem>> -> memref<16384xf32, #tpu.memory_space<vmem>>
        %dma_start3A_47 = tpu.memref_slice %arg7[%add3A_45] : memref<1000000xf32, #tpu.memory_space<hbm>> -> memref<16384xf32, #tpu.memory_space<hbm>>
        %dma_start3A_48 = tpu.memref_slice %arg7[%add3A_45] : memref<1000000xf32, #tpu.memory_space<hbm>> -> memref<16384xf32, #tpu.memory_space<hbm>>
        %dma_start3A_49 = arith.constant 0 : i32
        %dma_start3A_50 = tpu.memref_slice %arg10[%dma_start3A_49] : memref<16384xf32, #tpu.memory_space<vmem>> -> memref<16384xf32, #tpu.memory_space<vmem>>
        tpu.enqueue_dma source(%dma_start3A_50 : memref<16384xf32, #tpu.memory_space<vmem>>) target(%dma_start3A_48 : memref<16384xf32, #tpu.memory_space<hbm>>) target_semaphore(%run_scoped3A : memref<!tpu.dma_semaphore, #tpu.memory_space<semaphore_mem>>)
        %dma_wait3A = arith.constant 0 : i32
        %dma_wait3A_51 = tpu.memref_slice %arg10[%dma_wait3A] : memref<16384xf32, #tpu.memory_space<vmem>> -> memref<16384xf32, #tpu.memory_space<vmem>>
        %dma_wait3A_52 = tpu.memref_slice %arg7[%add3A_45] : memref<1000000xf32, #tpu.memory_space<hbm>> -> memref<16384xf32, #tpu.memory_space<hbm>>
        %dma_wait3A_53 = tpu.memref_slice %arg7[%add3A_45] : memref<1000000xf32, #tpu.memory_space<hbm>> -> memref<16384xf32, #tpu.memory_space<hbm>>
        %dma_wait3A_54 = arith.constant 0 : i32
        %dma_wait3A_55 = tpu.memref_slice %arg10[%dma_wait3A_54] : memref<16384xf32, #tpu.memory_space<vmem>> -> memref<16384xf32, #tpu.memory_space<vmem>>
        tpu.wait_dma2 semaphore(%run_scoped3A : memref<!tpu.dma_semaphore, #tpu.memory_space<semaphore_mem>>) src(%dma_wait3A_55 : memref<16384xf32, #tpu.memory_space<vmem>>) dst(%dma_wait3A_53 : memref<16384xf32, #tpu.memory_space<hbm>>)
        tpu.yield
      }) : () -> ()
    } else {
    }
    %eq3A_30 = arith.constant 1 : i32
    %eq3A_31 = arith.cmpi eq, %arg0, %eq3A_30 : i32
    %convert_element_type3A_32 = arith.extui %eq3A_31 : i1 to i32
    %cond3A_33 = arith.constant 0 : i32
    %cond3A_34 = arith.cmpi ne, %convert_element_type3A_32, %cond3A_33 : i32
    scf.if %cond3A_34 {
      %lt3A_40 = arith.constant 15 : i32
      %lt3A_41 = arith.cmpi slt, %arg1, %lt3A_40 : i32
      %convert_element_type3A_42 = arith.extui %lt3A_41 : i1 to i32
      %cond3A_43 = arith.constant 0 : i32
      %cond3A_44 = arith.cmpi ne, %convert_element_type3A_42, %cond3A_43 : i32
      scf.if %cond3A_44 {
        %mul3A_50 = arith.constant 29728 : i32
        %mul3A_51 = arith.muli %arg1, %mul3A_50 : i32
        %add3A_52 = arith.constant 524288 : i32
        %add3A_53 = arith.addi %add3A_52, %mul3A_51 : i32
        "tpu.region"() ({
          %run_scoped3A = tpu.sem_alloc : memref<!tpu.dma_semaphore, #tpu.memory_space<semaphore_mem>>
          %dma_start3A = arith.constant 0 : i32
          %dma_start3A_60 = tpu.memref_slice %arg10[%dma_start3A] : memref<16384xf32, #tpu.memory_space<vmem>> -> memref<16384xf32, #tpu.memory_space<vmem>>
          %dma_start3A_61 = tpu.memref_slice %arg9[%mul3A_51] : memref<526336xf32, #tpu.memory_space<vmem_shared>> -> memref<16384xf32, #tpu.memory_space<vmem_shared>>
          %dma_start3A_62 = arith.constant 0 : i32
          %dma_start3A_63 = tpu.memref_slice %arg10[%dma_start3A_62] : memref<16384xf32, #tpu.memory_space<vmem>> -> memref<16384xf32, #tpu.memory_space<vmem>>
          %dma_start3A_64 = tpu.memref_slice %arg9[%mul3A_51] : memref<526336xf32, #tpu.memory_space<vmem_shared>> -> memref<16384xf32, #tpu.memory_space<vmem_shared>>
          tpu.enqueue_dma source(%dma_start3A_64 : memref<16384xf32, #tpu.memory_space<vmem_shared>>) target(%dma_start3A_63 : memref<16384xf32, #tpu.memory_space<vmem>>) target_semaphore(%run_scoped3A : memref<!tpu.dma_semaphore, #tpu.memory_space<semaphore_mem>>)
          %dma_wait3A = arith.constant 0 : i32
          %dma_wait3A_65 = tpu.memref_slice %arg10[%dma_wait3A] : memref<16384xf32, #tpu.memory_space<vmem>> -> memref<16384xf32, #tpu.memory_space<vmem>>
          %dma_wait3A_66 = tpu.memref_slice %arg9[%mul3A_51] : memref<526336xf32, #tpu.memory_space<vmem_shared>> -> memref<16384xf32, #tpu.memory_space<vmem_shared>>
          %dma_wait3A_67 = arith.constant 0 : i32
          %dma_wait3A_68 = tpu.memref_slice %arg10[%dma_wait3A_67] : memref<16384xf32, #tpu.memory_space<vmem>> -> memref<16384xf32, #tpu.memory_space<vmem>>
          %dma_wait3A_69 = tpu.memref_slice %arg9[%mul3A_51] : memref<526336xf32, #tpu.memory_space<vmem_shared>> -> memref<16384xf32, #tpu.memory_space<vmem_shared>>
          tpu.wait_dma2 semaphore(%run_scoped3A : memref<!tpu.dma_semaphore, #tpu.memory_space<semaphore_mem>>) src(%dma_wait3A_69 : memref<16384xf32, #tpu.memory_space<vmem_shared>>) dst(%dma_wait3A_68 : memref<16384xf32, #tpu.memory_space<vmem>>)
          tpu.yield
        }) : () -> ()
        "tpu.region"() ({
          %run_scoped3A = tpu.sem_alloc : memref<!tpu.dma_semaphore, #tpu.memory_space<semaphore_mem>>
          %dma_start3A = arith.constant 0 : i32
          %dma_start3A_60 = tpu.memref_slice %arg10[%dma_start3A] : memref<16384xf32, #tpu.memory_space<vmem>> -> memref<16384xf32, #tpu.memory_space<vmem>>
          %dma_start3A_61 = tpu.memref_slice %arg7[%add3A_53] : memref<1000000xf32, #tpu.memory_space<hbm>> -> memref<16384xf32, #tpu.memory_space<hbm>>
          %dma_start3A_62 = tpu.memref_slice %arg7[%add3A_53] : memref<1000000xf32, #tpu.memory_space<hbm>> -> memref<16384xf32, #tpu.memory_space<hbm>>
          %dma_start3A_63 = arith.constant 0 : i32
          %dma_start3A_64 = tpu.memref_slice %arg10[%dma_start3A_63] : memref<16384xf32, #tpu.memory_space<vmem>> -> memref<16384xf32, #tpu.memory_space<vmem>>
          tpu.enqueue_dma source(%dma_start3A_64 : memref<16384xf32, #tpu.memory_space<vmem>>) target(%dma_start3A_62 : memref<16384xf32, #tpu.memory_space<hbm>>) target_semaphore(%run_scoped3A : memref<!tpu.dma_semaphore, #tpu.memory_space<semaphore_mem>>)
          %dma_wait3A = arith.constant 0 : i32
          %dma_wait3A_65 = tpu.memref_slice %arg10[%dma_wait3A] : memref<16384xf32, #tpu.memory_space<vmem>> -> memref<16384xf32, #tpu.memory_space<vmem>>
          %dma_wait3A_66 = tpu.memref_slice %arg7[%add3A_53] : memref<1000000xf32, #tpu.memory_space<hbm>> -> memref<16384xf32, #tpu.memory_space<hbm>>
          %dma_wait3A_67 = tpu.memref_slice %arg7[%add3A_53] : memref<1000000xf32, #tpu.memory_space<hbm>> -> memref<16384xf32, #tpu.memory_space<hbm>>
          %dma_wait3A_68 = arith.constant 0 : i32
          %dma_wait3A_69 = tpu.memref_slice %arg10[%dma_wait3A_68] : memref<16384xf32, #tpu.memory_space<vmem>> -> memref<16384xf32, #tpu.memory_space<vmem>>
          tpu.wait_dma2 semaphore(%run_scoped3A : memref<!tpu.dma_semaphore, #tpu.memory_space<semaphore_mem>>) src(%dma_wait3A_69 : memref<16384xf32, #tpu.memory_space<vmem>>) dst(%dma_wait3A_67 : memref<16384xf32, #tpu.memory_space<hbm>>)
          tpu.yield
        }) : () -> ()
        %add3A_54 = arith.constant 16384 : i32
        %add3A_55 = arith.addi %mul3A_51, %add3A_54 : i32
        %add3A_56 = arith.constant 524288 : i32
        %add3A_57 = arith.addi %add3A_56, %mul3A_51 : i32
        %add3A_58 = arith.constant 16384 : i32
        %add3A_59 = arith.addi %add3A_57, %add3A_58 : i32
        "tpu.region"() ({
          %run_scoped3A = tpu.sem_alloc : memref<!tpu.dma_semaphore, #tpu.memory_space<semaphore_mem>>
          %dma_start3A = arith.constant 0 : i32
          %dma_start3A_60 = tpu.memref_slice %arg10[%dma_start3A] : memref<16384xf32, #tpu.memory_space<vmem>> -> memref<13344xf32, #tpu.memory_space<vmem>>
          %dma_start3A_61 = tpu.memref_slice %arg9[%add3A_55] : memref<526336xf32, #tpu.memory_space<vmem_shared>> -> memref<13344xf32, #tpu.memory_space<vmem_shared>>
          %dma_start3A_62 = arith.constant 0 : i32
          %dma_start3A_63 = tpu.memref_slice %arg10[%dma_start3A_62] : memref<16384xf32, #tpu.memory_space<vmem>> -> memref<13344xf32, #tpu.memory_space<vmem>>
          %dma_start3A_64 = tpu.memref_slice %arg9[%add3A_55] : memref<526336xf32, #tpu.memory_space<vmem_shared>> -> memref<13344xf32, #tpu.memory_space<vmem_shared>>
          tpu.enqueue_dma source(%dma_start3A_64 : memref<13344xf32, #tpu.memory_space<vmem_shared>>) target(%dma_start3A_63 : memref<13344xf32, #tpu.memory_space<vmem>>) target_semaphore(%run_scoped3A : memref<!tpu.dma_semaphore, #tpu.memory_space<semaphore_mem>>)
          %dma_wait3A = arith.constant 0 : i32
          %dma_wait3A_65 = tpu.memref_slice %arg10[%dma_wait3A] : memref<16384xf32, #tpu.memory_space<vmem>> -> memref<13344xf32, #tpu.memory_space<vmem>>
          %dma_wait3A_66 = tpu.memref_slice %arg9[%add3A_55] : memref<526336xf32, #tpu.memory_space<vmem_shared>> -> memref<13344xf32, #tpu.memory_space<vmem_shared>>
          %dma_wait3A_67 = arith.constant 0 : i32
          %dma_wait3A_68 = tpu.memref_slice %arg10[%dma_wait3A_67] : memref<16384xf32, #tpu.memory_space<vmem>> -> memref<13344xf32, #tpu.memory_space<vmem>>
          %dma_wait3A_69 = tpu.memref_slice %arg9[%add3A_55] : memref<526336xf32, #tpu.memory_space<vmem_shared>> -> memref<13344xf32, #tpu.memory_space<vmem_shared>>
          tpu.wait_dma2 semaphore(%run_scoped3A : memref<!tpu.dma_semaphore, #tpu.memory_space<semaphore_mem>>) src(%dma_wait3A_69 : memref<13344xf32, #tpu.memory_space<vmem_shared>>) dst(%dma_wait3A_68 : memref<13344xf32, #tpu.memory_space<vmem>>)
          tpu.yield
        }) : () -> ()
        "tpu.region"() ({
          %run_scoped3A = tpu.sem_alloc : memref<!tpu.dma_semaphore, #tpu.memory_space<semaphore_mem>>
          %dma_start3A = arith.constant 0 : i32
          %dma_start3A_60 = tpu.memref_slice %arg10[%dma_start3A] : memref<16384xf32, #tpu.memory_space<vmem>> -> memref<13344xf32, #tpu.memory_space<vmem>>
          %dma_start3A_61 = tpu.memref_slice %arg7[%add3A_59] : memref<1000000xf32, #tpu.memory_space<hbm>> -> memref<13344xf32, #tpu.memory_space<hbm>>
          %dma_start3A_62 = tpu.memref_slice %arg7[%add3A_59] : memref<1000000xf32, #tpu.memory_space<hbm>> -> memref<13344xf32, #tpu.memory_space<hbm>>
          %dma_start3A_63 = arith.constant 0 : i32
          %dma_start3A_64 = tpu.memref_slice %arg10[%dma_start3A_63] : memref<16384xf32, #tpu.memory_space<vmem>> -> memref<13344xf32, #tpu.memory_space<vmem>>
          tpu.enqueue_dma source(%dma_start3A_64 : memref<13344xf32, #tpu.memory_space<vmem>>) target(%dma_start3A_62 : memref<13344xf32, #tpu.memory_space<hbm>>) target_semaphore(%run_scoped3A : memref<!tpu.dma_semaphore, #tpu.memory_space<semaphore_mem>>)
          %dma_wait3A = arith.constant 0 : i32
          %dma_wait3A_65 = tpu.memref_slice %arg10[%dma_wait3A] : memref<16384xf32, #tpu.memory_space<vmem>> -> memref<13344xf32, #tpu.memory_space<vmem>>
          %dma_wait3A_66 = tpu.memref_slice %arg7[%add3A_59] : memref<1000000xf32, #tpu.memory_space<hbm>> -> memref<13344xf32, #tpu.memory_space<hbm>>
          %dma_wait3A_67 = tpu.memref_slice %arg7[%add3A_59] : memref<1000000xf32, #tpu.memory_space<hbm>> -> memref<13344xf32, #tpu.memory_space<hbm>>
          %dma_wait3A_68 = arith.constant 0 : i32
          %dma_wait3A_69 = tpu.memref_slice %arg10[%dma_wait3A_68] : memref<16384xf32, #tpu.memory_space<vmem>> -> memref<13344xf32, #tpu.memory_space<vmem>>
          tpu.wait_dma2 semaphore(%run_scoped3A : memref<!tpu.dma_semaphore, #tpu.memory_space<semaphore_mem>>) src(%dma_wait3A_69 : memref<13344xf32, #tpu.memory_space<vmem>>) dst(%dma_wait3A_67 : memref<13344xf32, #tpu.memory_space<hbm>>)
          tpu.yield
        }) : () -> ()
      } else {
      }
      %eq3A_45 = arith.constant 15 : i32
      %eq3A_46 = arith.cmpi eq, %arg1, %eq3A_45 : i32
      %convert_element_type3A_47 = arith.extui %eq3A_46 : i1 to i32
      %cond3A_48 = arith.constant 0 : i32
      %cond3A_49 = arith.cmpi ne, %convert_element_type3A_47, %cond3A_48 : i32
      scf.if %cond3A_49 {
        "tpu.region"() ({
          %run_scoped3A = tpu.sem_alloc : memref<!tpu.dma_semaphore, #tpu.memory_space<semaphore_mem>>
          %dma_start3A = arith.constant 0 : i32
          %dma_start3A_50 = tpu.memref_slice %arg10[%dma_start3A] : memref<16384xf32, #tpu.memory_space<vmem>> -> memref<16384xf32, #tpu.memory_space<vmem>>
          %dma_start3A_51 = arith.constant 445920 : i32
          %dma_start3A_52 = tpu.memref_slice %arg9[%dma_start3A_51] : memref<526336xf32, #tpu.memory_space<vmem_shared>> -> memref<16384xf32, #tpu.memory_space<vmem_shared>>
          %dma_start3A_53 = arith.constant 0 : i32
          %dma_start3A_54 = tpu.memref_slice %arg10[%dma_start3A_53] : memref<16384xf32, #tpu.memory_space<vmem>> -> memref<16384xf32, #tpu.memory_space<vmem>>
          %dma_start3A_55 = arith.constant 445920 : i32
          %dma_start3A_56 = tpu.memref_slice %arg9[%dma_start3A_55] : memref<526336xf32, #tpu.memory_space<vmem_shared>> -> memref<16384xf32, #tpu.memory_space<vmem_shared>>
          tpu.enqueue_dma source(%dma_start3A_56 : memref<16384xf32, #tpu.memory_space<vmem_shared>>) target(%dma_start3A_54 : memref<16384xf32, #tpu.memory_space<vmem>>) target_semaphore(%run_scoped3A : memref<!tpu.dma_semaphore, #tpu.memory_space<semaphore_mem>>)
          %dma_wait3A = arith.constant 0 : i32
          %dma_wait3A_57 = tpu.memref_slice %arg10[%dma_wait3A] : memref<16384xf32, #tpu.memory_space<vmem>> -> memref<16384xf32, #tpu.memory_space<vmem>>
          %dma_wait3A_58 = arith.constant 445920 : i32
          %dma_wait3A_59 = tpu.memref_slice %arg9[%dma_wait3A_58] : memref<526336xf32, #tpu.memory_space<vmem_shared>> -> memref<16384xf32, #tpu.memory_space<vmem_shared>>
          %dma_wait3A_60 = arith.constant 0 : i32
          %dma_wait3A_61 = tpu.memref_slice %arg10[%dma_wait3A_60] : memref<16384xf32, #tpu.memory_space<vmem>> -> memref<16384xf32, #tpu.memory_space<vmem>>
          %dma_wait3A_62 = arith.constant 445920 : i32
          %dma_wait3A_63 = tpu.memref_slice %arg9[%dma_wait3A_62] : memref<526336xf32, #tpu.memory_space<vmem_shared>> -> memref<16384xf32, #tpu.memory_space<vmem_shared>>
          tpu.wait_dma2 semaphore(%run_scoped3A : memref<!tpu.dma_semaphore, #tpu.memory_space<semaphore_mem>>) src(%dma_wait3A_63 : memref<16384xf32, #tpu.memory_space<vmem_shared>>) dst(%dma_wait3A_61 : memref<16384xf32, #tpu.memory_space<vmem>>)
          tpu.yield
        }) : () -> ()
        "tpu.region"() ({
          %run_scoped3A = tpu.sem_alloc : memref<!tpu.dma_semaphore, #tpu.memory_space<semaphore_mem>>
          %dma_start3A = arith.constant 0 : i32
          %dma_start3A_50 = tpu.memref_slice %arg10[%dma_start3A] : memref<16384xf32, #tpu.memory_space<vmem>> -> memref<16384xf32, #tpu.memory_space<vmem>>
          %dma_start3A_51 = arith.constant 970208 : i32
          %dma_start3A_52 = tpu.memref_slice %arg7[%dma_start3A_51] : memref<1000000xf32, #tpu.memory_space<hbm>> -> memref<16384xf32, #tpu.memory_space<hbm>>
          %dma_start3A_53 = arith.constant 970208 : i32
          %dma_start3A_54 = tpu.memref_slice %arg7[%dma_start3A_53] : memref<1000000xf32, #tpu.memory_space<hbm>> -> memref<16384xf32, #tpu.memory_space<hbm>>
          %dma_start3A_55 = arith.constant 0 : i32
          %dma_start3A_56 = tpu.memref_slice %arg10[%dma_start3A_55] : memref<16384xf32, #tpu.memory_space<vmem>> -> memref<16384xf32, #tpu.memory_space<vmem>>
          tpu.enqueue_dma source(%dma_start3A_56 : memref<16384xf32, #tpu.memory_space<vmem>>) target(%dma_start3A_54 : memref<16384xf32, #tpu.memory_space<hbm>>) target_semaphore(%run_scoped3A : memref<!tpu.dma_semaphore, #tpu.memory_space<semaphore_mem>>)
          %dma_wait3A = arith.constant 0 : i32
          %dma_wait3A_57 = tpu.memref_slice %arg10[%dma_wait3A] : memref<16384xf32, #tpu.memory_space<vmem>> -> memref<16384xf32, #tpu.memory_space<vmem>>
          %dma_wait3A_58 = arith.constant 970208 : i32
          %dma_wait3A_59 = tpu.memref_slice %arg7[%dma_wait3A_58] : memref<1000000xf32, #tpu.memory_space<hbm>> -> memref<16384xf32, #tpu.memory_space<hbm>>
          %dma_wait3A_60 = arith.constant 970208 : i32
          %dma_wait3A_61 = tpu.memref_slice %arg7[%dma_wait3A_60] : memref<1000000xf32, #tpu.memory_space<hbm>> -> memref<16384xf32, #tpu.memory_space<hbm>>
          %dma_wait3A_62 = arith.constant 0 : i32
          %dma_wait3A_63 = tpu.memref_slice %arg10[%dma_wait3A_62] : memref<16384xf32, #tpu.memory_space<vmem>> -> memref<16384xf32, #tpu.memory_space<vmem>>
          tpu.wait_dma2 semaphore(%run_scoped3A : memref<!tpu.dma_semaphore, #tpu.memory_space<semaphore_mem>>) src(%dma_wait3A_63 : memref<16384xf32, #tpu.memory_space<vmem>>) dst(%dma_wait3A_61 : memref<16384xf32, #tpu.memory_space<hbm>>)
          tpu.yield
        }) : () -> ()
        "tpu.region"() ({
          %run_scoped3A = tpu.sem_alloc : memref<!tpu.dma_semaphore, #tpu.memory_space<semaphore_mem>>
          %dma_start3A = arith.constant 0 : i32
          %dma_start3A_50 = tpu.memref_slice %arg10[%dma_start3A] : memref<16384xf32, #tpu.memory_space<vmem>> -> memref<13408xf32, #tpu.memory_space<vmem>>
          %dma_start3A_51 = arith.constant 462304 : i32
          %dma_start3A_52 = tpu.memref_slice %arg9[%dma_start3A_51] : memref<526336xf32, #tpu.memory_space<vmem_shared>> -> memref<13408xf32, #tpu.memory_space<vmem_shared>>
          %dma_start3A_53 = arith.constant 0 : i32
          %dma_start3A_54 = tpu.memref_slice %arg10[%dma_start3A_53] : memref<16384xf32, #tpu.memory_space<vmem>> -> memref<13408xf32, #tpu.memory_space<vmem>>
          %dma_start3A_55 = arith.constant 462304 : i32
          %dma_start3A_56 = tpu.memref_slice %arg9[%dma_start3A_55] : memref<526336xf32, #tpu.memory_space<vmem_shared>> -> memref<13408xf32, #tpu.memory_space<vmem_shared>>
          tpu.enqueue_dma source(%dma_start3A_56 : memref<13408xf32, #tpu.memory_space<vmem_shared>>) target(%dma_start3A_54 : memref<13408xf32, #tpu.memory_space<vmem>>) target_semaphore(%run_scoped3A : memref<!tpu.dma_semaphore, #tpu.memory_space<semaphore_mem>>)
          %dma_wait3A = arith.constant 0 : i32
          %dma_wait3A_57 = tpu.memref_slice %arg10[%dma_wait3A] : memref<16384xf32, #tpu.memory_space<vmem>> -> memref<13408xf32, #tpu.memory_space<vmem>>
          %dma_wait3A_58 = arith.constant 462304 : i32
          %dma_wait3A_59 = tpu.memref_slice %arg9[%dma_wait3A_58] : memref<526336xf32, #tpu.memory_space<vmem_shared>> -> memref<13408xf32, #tpu.memory_space<vmem_shared>>
          %dma_wait3A_60 = arith.constant 0 : i32
          %dma_wait3A_61 = tpu.memref_slice %arg10[%dma_wait3A_60] : memref<16384xf32, #tpu.memory_space<vmem>> -> memref<13408xf32, #tpu.memory_space<vmem>>
          %dma_wait3A_62 = arith.constant 462304 : i32
          %dma_wait3A_63 = tpu.memref_slice %arg9[%dma_wait3A_62] : memref<526336xf32, #tpu.memory_space<vmem_shared>> -> memref<13408xf32, #tpu.memory_space<vmem_shared>>
          tpu.wait_dma2 semaphore(%run_scoped3A : memref<!tpu.dma_semaphore, #tpu.memory_space<semaphore_mem>>) src(%dma_wait3A_63 : memref<13408xf32, #tpu.memory_space<vmem_shared>>) dst(%dma_wait3A_61 : memref<13408xf32, #tpu.memory_space<vmem>>)
          tpu.yield
        }) : () -> ()
        "tpu.region"() ({
          %run_scoped3A = tpu.sem_alloc : memref<!tpu.dma_semaphore, #tpu.memory_space<semaphore_mem>>
          %dma_start3A = arith.constant 0 : i32
          %dma_start3A_50 = tpu.memref_slice %arg10[%dma_start3A] : memref<16384xf32, #tpu.memory_space<vmem>> -> memref<13408xf32, #tpu.memory_space<vmem>>
          %dma_start3A_51 = arith.constant 986592 : i32
          %dma_start3A_52 = tpu.memref_slice %arg7[%dma_start3A_51] : memref<1000000xf32, #tpu.memory_space<hbm>> -> memref<13408xf32, #tpu.memory_space<hbm>>
          %dma_start3A_53 = arith.constant 986592 : i32
          %dma_start3A_54 = tpu.memref_slice %arg7[%dma_start3A_53] : memref<1000000xf32, #tpu.memory_space<hbm>> -> memref<13408xf32, #tpu.memory_space<hbm>>
          %dma_start3A_55 = arith.constant 0 : i32
          %dma_start3A_56 = tpu.memref_slice %arg10[%dma_start3A_55] : memref<16384xf32, #tpu.memory_space<vmem>> -> memref<13408xf32, #tpu.memory_space<vmem>>
          tpu.enqueue_dma source(%dma_start3A_56 : memref<13408xf32, #tpu.memory_space<vmem>>) target(%dma_start3A_54 : memref<13408xf32, #tpu.memory_space<hbm>>) target_semaphore(%run_scoped3A : memref<!tpu.dma_semaphore, #tpu.memory_space<semaphore_mem>>)
          %dma_wait3A = arith.constant 0 : i32
          %dma_wait3A_57 = tpu.memref_slice %arg10[%dma_wait3A] : memref<16384xf32, #tpu.memory_space<vmem>> -> memref<13408xf32, #tpu.memory_space<vmem>>
          %dma_wait3A_58 = arith.constant 986592 : i32
          %dma_wait3A_59 = tpu.memref_slice %arg7[%dma_wait3A_58] : memref<1000000xf32, #tpu.memory_space<hbm>> -> memref<13408xf32, #tpu.memory_space<hbm>>
          %dma_wait3A_60 = arith.constant 986592 : i32
          %dma_wait3A_61 = tpu.memref_slice %arg7[%dma_wait3A_60] : memref<1000000xf32, #tpu.memory_space<hbm>> -> memref<13408xf32, #tpu.memory_space<hbm>>
          %dma_wait3A_62 = arith.constant 0 : i32
          %dma_wait3A_63 = tpu.memref_slice %arg10[%dma_wait3A_62] : memref<16384xf32, #tpu.memory_space<vmem>> -> memref<13408xf32, #tpu.memory_space<vmem>>
          tpu.wait_dma2 semaphore(%run_scoped3A : memref<!tpu.dma_semaphore, #tpu.memory_space<semaphore_mem>>) src(%dma_wait3A_63 : memref<13408xf32, #tpu.memory_space<vmem>>) dst(%dma_wait3A_61 : memref<13408xf32, #tpu.memory_space<hbm>>)
          tpu.yield
        }) : () -> ()
      } else {
      }
    } else {
    }
    %eq3A_35 = arith.constant 0 : i32
    %eq3A_36 = arith.cmpi eq, %add3A, %eq3A_35 : i32
    %convert_element_type3A_37 = arith.extui %eq3A_36 : i1 to i32
    %cond3A_38 = arith.constant 0 : i32
    %cond3A_39 = arith.cmpi ne, %convert_element_type3A_37, %cond3A_38 : i32
    scf.if %cond3A_39 {
      "tpu.region"() ({
        %run_scoped3A = tpu.sem_alloc : memref<!tpu.dma_semaphore, #tpu.memory_space<semaphore_mem>>
        tpu.enqueue_dma source(%arg4 : memref<32x16xf32, #tpu.memory_space<hbm>>) target(%arg15 : memref<32x16xf32, #tpu.memory_space<vmem>>) target_semaphore(%run_scoped3A : memref<!tpu.dma_semaphore, #tpu.memory_space<semaphore_mem>>)
        tpu.wait_dma2 semaphore(%run_scoped3A : memref<!tpu.dma_semaphore, #tpu.memory_space<semaphore_mem>>) src(%arg4 : memref<32x16xf32, #tpu.memory_space<hbm>>) dst(%arg15 : memref<32x16xf32, #tpu.memory_space<vmem>>)
        tpu.yield
      }) : () -> ()
      "tpu.region"() ({
        %run_scoped3A = tpu.sem_alloc : memref<!tpu.dma_semaphore, #tpu.memory_space<semaphore_mem>>
        tpu.enqueue_dma source(%arg5 : memref<32x16xi32, #tpu.memory_space<hbm>>) target(%arg16 : memref<32x16xi32, #tpu.memory_space<vmem>>) target_semaphore(%run_scoped3A : memref<!tpu.dma_semaphore, #tpu.memory_space<semaphore_mem>>)
        tpu.wait_dma2 semaphore(%run_scoped3A : memref<!tpu.dma_semaphore, #tpu.memory_space<semaphore_mem>>) src(%arg5 : memref<32x16xi32, #tpu.memory_space<hbm>>) dst(%arg16 : memref<32x16xi32, #tpu.memory_space<vmem>>)
        tpu.yield
      }) : () -> ()
      %scan3A_40 = arith.constant 0x7F800000 : f32
      %scan3A_41 = arith.constant 1073741824 : i32
      %scan3A_42 = arith.constant 0 : i32
      %scan3A_43 = arith.constant 32 : i32
      %scan3A_44 = arith.addi %scan3A_42, %scan3A_43 : i32
      %scan3A_45 = arith.constant 1 : i32
      %scan3A_46:2 = scf.for %scan3A_53 = %scan3A_42 to %scan3A_44 step %scan3A_45 iter_args(%scan3A_54 = %scan3A_40, %scan3A_55 = %scan3A_41) -> (f32, i32)  : i32 {
        %get3A = arith.index_cast %scan3A_53 : i32 to index
        %get3A_56 = arith.constant 0 : index
        %get3A_57 = tpu.vector_load %arg15[%get3A, %get3A_56] {strides = array<i32>} : memref<32x16xf32, #tpu.memory_space<vmem>>, vector<1x16xf32>,
        %get3A_58 = vector.shape_cast %get3A_57 : vector<1x16xf32> to vector<16xf32>
        %slice3A = vector.extract_strided_slice %get3A_58 {offsets = [0], sizes = [1], strides = [1]} : vector<16xf32> to vector<1xf32>
        %squeeze3A = vector.extract %slice3A[0] : f32 from vector<1xf32>
        %get3A_59 = arith.index_cast %scan3A_53 : i32 to index
        %get3A_60 = arith.constant 0 : index
        %get3A_61 = tpu.vector_load %arg16[%get3A_59, %get3A_60] {strides = array<i32>} : memref<32x16xi32, #tpu.memory_space<vmem>>, vector<1x16xi32>,
        %get3A_62 = vector.shape_cast %get3A_61 : vector<1x16xi32> to vector<16xi32>
        %slice3A_63 = vector.extract_strided_slice %get3A_62 {offsets = [0], sizes = [1], strides = [1]} : vector<16xi32> to vector<1xi32>
        %squeeze3A_64 = vector.extract %slice3A_63[0] : i32 from vector<1xi32>
        %lt3A_65 = arith.cmpf olt, %squeeze3A, %scan3A_54 : f32
        %eq3A_66 = arith.cmpf oeq, %squeeze3A, %scan3A_54 : f32
        %lt3A_67 = arith.cmpi slt, %squeeze3A_64, %scan3A_55 : i32
        %and3A_68 = arith.andi %eq3A_66, %lt3A_67 : i1
        %or3A = arith.ori %lt3A_65, %and3A_68 : i1
        %select_n3A_69 = arith.select %or3A, %squeeze3A, %scan3A_54 : f32
        %select_n3A_70 = arith.select %or3A, %squeeze3A_64, %scan3A_55 : i32
        scf.yield %select_n3A_69, %select_n3A_70 : f32, i32
      }
      %scan3A_47 = arith.constant 32 : i32
      %broadcast_in_dim3A = vector.broadcast %scan3A_46#1 : i32 to vector<16xi32>
      %swap3A = arith.constant 0 : index
      %swap3A_48 = tpu.vector_load %arg17[%swap3A] {strides = array<i32>} : memref<16xi32, #tpu.memory_space<vmem>>, vector<16xi32>,
      %swap3A_49 = vector.shape_cast %swap3A_48 : vector<16xi32> to vector<16xi32>
      %swap3A_50 = vector.shape_cast %broadcast_in_dim3A : vector<16xi32> to vector<16xi32>
      tpu.vector_store %arg17[%swap3A], %swap3A_50 {strides = array<i32>} : memref<16xi32, #tpu.memory_space<vmem>>, vector<16xi32>,
      %dma_start3A = arith.constant 0 : i32
      %dma_start3A_51 = tpu.memref_slice %arg6[%dma_start3A] : memref<500000xi32, #tpu.memory_space<hbm>> -> memref<500000xi32, #tpu.memory_space<hbm>>
      tpu.enqueue_indirect_dma source(%dma_start3A_51 : memref<500000xi32, #tpu.memory_space<hbm>>) target(%arg18 : memref<16xi32, #tpu.memory_space<vmem>>) offsets(%arg17 : memref<16xi32, #tpu.memory_space<vmem>>) semaphore(%arg21 : memref<!tpu.dma_semaphore, #tpu.memory_space<semaphore_mem>>)
      %dma_wait3A = arith.constant 0 : i32
      %dma_wait3A_52 = tpu.memref_slice %arg6[%dma_wait3A] : memref<500000xi32, #tpu.memory_space<hbm>> -> memref<500000xi32, #tpu.memory_space<hbm>>
      tpu.wait_indirect_dma semaphore(%arg21 : memref<!tpu.dma_semaphore, #tpu.memory_space<semaphore_mem>>) src(%dma_wait3A_52 : memref<500000xi32, #tpu.memory_space<hbm>>) dst(%arg18 : memref<16xi32, #tpu.memory_space<vmem>>)
      "tpu.region"() ({
        %run_scoped3A = tpu.sem_alloc : memref<!tpu.dma_semaphore, #tpu.memory_space<semaphore_mem>>
        tpu.enqueue_dma source(%arg18 : memref<16xi32, #tpu.memory_space<vmem>>) target(%arg8 : memref<16xi32, #tpu.memory_space<hbm>>) target_semaphore(%run_scoped3A : memref<!tpu.dma_semaphore, #tpu.memory_space<semaphore_mem>>)
        tpu.wait_dma2 semaphore(%run_scoped3A : memref<!tpu.dma_semaphore, #tpu.memory_space<semaphore_mem>>) src(%arg18 : memref<16xi32, #tpu.memory_space<vmem>>) dst(%arg8 : memref<16xi32, #tpu.memory_space<hbm>>)
        tpu.yield
      }) : () -> ()
    } else {
    }
    return
  }
}

</mosaic_0001>

<sc_bundles>
// kernel: kernel.4.cloned.1.call-start
scs
__scs_entry_jumppad:
0x0: {  	(pc) =	sbr.rel $0x88, $3  }
0x1: {  	(tag) =	ssettag $0x0;
	lr =	simm.s32 $0x1  }
0x2: {  	[smem:$0x3F9D] =	sst lr;
	_ =	strace $0xD0000000  }
0x3: {  	_ = 	snop  }
0x4: {  	_ = 	snop  }
0x5: {  	_ = 	snop  }
0x6: {  	_ = 	snop  }
0x7: {  	_ = 	snop  }
__scs_overlays_trampoline_lowered:
0x8: {  	[smem:$0x3FAC] =	sst s0  }
0x9: {  	[smem:$0x3FAD] =	sst s1  }
0xa: {  	[smem:$0x3FAE] =	sst s2  }
0xb: {  	[smem:$0x3FAF] =	sst s3  }
0xc: {  	[smem:$0x3FB0] =	sst s4  }
0xd: {  	[smem:$0x3FB1] =	sst s5  }
0xe: {  	[smem:$0x3FB2] =	sst s6  }
0xf: {  	[smem:$0x3FB3] =	sst s7  }
0x10: {  	[smem:$0x3FB4] =	sst s8  }
0x11: {  	[smem:$0x3FB5] =	sst s9;
	s0 =	simm.s32 @!p0 $0x0  }
0x12: {  	s1 =	sld [smem:$0x3F9B];
	s0 =	simm.s32 @p0 $0x1  }
0x13: {  	[smem:$0x3FB6] =	sst s0;
	s0 =	simm.s32 @!p1 $0x0  }
0x14: {  	s2 =	sld [smem:$0x3F9A];
	s0 =	simm.s32 @p1 $0x1  }
0x15: {  	[smem:$0x3FB7] =	sst s0;
	s0 =	simm.s32 @!p2 $0x0  }
0x16: {  	s3 =	sld [smem:$0x3FDB];
	s0 =	simm.s32 @p2 $0x1  }
0x17: {  	s4 =	simm.s32 $0x1BF5;
	[smem:$0x3FB9] =	sst s0  }
0x18: {  	s0 =	sld [smem:$0x3F9C];
	_ =	swait.ge [sflag:s4], $0x0  }
0x19: {  	s7 =	sld [smem:$0x3F9D]  }
0x1a: {  	s8 =	sadd.s32 $0xFFFFE003, lr  }
0x1b: {  	s9 =	sadd.s32 $0xFFFFFEF7, lr;
	s5 =	simm.s32 $0xFFFFFFFF;
	p2 =	slt.u32 s8, $0xFFFFF086  }
0x1c: {  	p1 =	slt.u32 s9, $0xF7A;
	s5 =	simm.s32 @!p2 $0x0  }
0x1d: {  	s5 =	simm.s32 @p1 $0x1;
	p0 =	seq.s32 s7, s2  }
0x1e: {  	s7 =	smul.u32 @!p0 $0xF7A, s2;
	p2 =	seq.s32 @!p0 s5, $0x0  }
0x1f: {  	s9 =	smul.u32 $0xF7A, s1;
	s8 =	simm.s32 @!p0 $0x1BF5;
	p2 =	por !p2, p0  }
0x20: {  	[sflag:s8] =	ssyncset.s32 @!p0 $0xFFFFF086;
	s6 =	sadd.s32 @!p0 s3, s7;
	s7 =	simm.s32 @!p0 $0x108  }
0x21: {  	s3 =	sadd.s32 s3, s9;
	s6 =	sadd.s32 @!p0 $0x88, s6;
	s7 =	simm.s32 @p2 $0x1082  }
0x22: {  	[simem:s7], [sflag:s8] =	dma.local @!p0 [hbm:s6], $0xF7A  }
0x23: {  	s9 =	sor.u32 $0xD0000000, s2;
	s6 =	simm.s32 $0x108;
	_ =	swait.ge @!p0 [sflag:s8], $0x0  }
0x24: {  	s3 =	sadd.s32 $0x88, s3;
	s6 =	simm.s32 @!p1 $0x1082;
	[sflag:s4] =	ssyncset.s32 $0xFFFFF086  }
0x25: {  	[simem:s6], [sflag:s4] =	dma.local [hbm:s3], $0xF7A  }
0x26: {  	[smem:$0x3F9D] =	sst s1;
	(tag) =	ssettag s2;
	_ =	strace s9  }
0x27: {  	s1 =	sld [smem:$0x3FAD]  }
0x28: {  	s2 =	sld [smem:$0x3FAE]  }
0x29: {  	s4 =	sld [smem:$0x3FB0]  }
0x2a: {  	p0 =	seq.s32 s5, $0x0;
	s5 =	sld [smem:$0x3FB1]  }
0x2b: {  	s6 =	sld [smem:$0x3FB2]  }
0x2c: {  	s7 =	sld [smem:$0x3FB3]  }
0x2d: {  	s3 =	simm.s32 $0x108;
	s8 =	sld [smem:$0x3FB4]  }
0x2e: {  	s3 =	simm.s32 @!p0 $0x1082;
	s9 =	sld [smem:$0x3FB5]  }
0x2f: {  	lr =	sadd.s32 s0, s3;
	s0 =	sld [smem:$0x3FAC]  }
0x30: {  	s3 =	sld [smem:$0x3FAF]  }
0x31: {  	[smem:$0x3FB8] =	sst s10  }
0x32: {  	s10 =	sld [smem:$0x3FB6];
	_ =	sdelay $0x3  }
0x33: {  	p0 =	seq.s32 s10, $0x1;
	s10 =	sld [smem:$0x3FB8];
	_ =	sdelay $0x3  }
0x34: {  	[smem:$0x3FB8] =	sst s10  }
0x35: {  	s10 =	sld [smem:$0x3FB7];
	_ =	sdelay $0x3  }
0x36: {  	p1 =	seq.s32 s10, $0x1;
	s10 =	sld [smem:$0x3FB8];
	_ =	sdelay $0x3  }
0x37: {  	[smem:$0x3FB8] =	sst s10  }
0x38: {  	s10 =	sld [smem:$0x3FB9]  }
0x39: {  	_ = 	snop;
	(pc) =	sbr.ind lr, $3  }
0x3a: {  	_ = 	snop  }
0x3b: {  	_ = 	snop  }
0x3c: {  	p2 =	seq.s32 s10, $0x1;
	s10 =	sld [smem:$0x3FB8]  }
0x3d: {  	_ =	shalt  }
0x3e: {  	_ =	shalt  }
0x3f: {  	_ =	shalt  }
0x40: {  	_ =	shalt  }
0x41: {  	_ =	shalt  }
0x42: {  	_ =	shalt  }
0x43: {  	_ =	shalt  }
0x44: {  	_ =	shalt  }
0x45: {  	_ =	shalt  }
0x46: {  	_ =	shalt  }
0x47: {  	_ =	shalt  }
0x48: {  	_ =	shalt  }
0x49: {  	_ =	shalt  }
0x4a: {  	_ =	shalt  }
0x4b: {  	_ =	shalt  }
0x4c: {  	_ =	shalt  }
0x4d: {  	_ =	shalt  }
0x4e: {  	_ =	shalt  }
0x4f: {  	_ =	shalt  }
0x50: {  	_ =	shalt  }
0x51: {  	_ =	shalt  }
0x52: {  	_ =	shalt  }
0x53: {  	_ =	shalt  }
0x54: {  	_ =	shalt  }
0x55: {  	_ =	shalt  }
0x56: {  	_ =	shalt  }
0x57: {  	_ =	shalt  }
0x58: {  	_ =	shalt  }
0x59: {  	_ =	shalt  }
0x5a: {  	_ =	shalt  }
0x5b: {  	_ =	shalt  }
0x5c: {  	_ =	shalt  }
0x5d: {  	_ =	shalt  }
0x5e: {  	_ =	shalt  }
0x5f: {  	_ =	shalt  }
0x60: {  	_ =	shalt  }
0x61: {  	_ =	shalt  }
0x62: {  	_ =	shalt  }
0x63: {  	_ =	shalt  }
0x64: {  	_ =	shalt  }
0x65: {  	_ =	shalt  }
0x66: {  	_ =	shalt  }
0x67: {  	_ =	shalt  }
0x68: {  	_ =	shalt  }
0x69: {  	_ =	shalt  }
0x6a: {  	_ =	shalt  }
0x6b: {  	_ =	shalt  }
0x6c: {  	_ =	shalt  }
0x6d: {  	_ =	shalt  }
0x6e: {  	_ =	shalt  }
0x6f: {  	_ =	shalt  }
0x70: {  	_ =	shalt  }
0x71: {  	_ =	shalt  }
0x72: {  	_ =	shalt  }
0x73: {  	_ =	shalt  }
0x74: {  	_ =	shalt  }
0x75: {  	_ =	shalt  }
0x76: {  	_ =	shalt  }
0x77: {  	_ =	shalt  }
0x78: {  	_ =	shalt  }
0x79: {  	_ =	shalt  }
0x7a: {  	_ =	shalt  }
0x7b: {  	_ =	shalt  }
0x7c: {  	_ =	shalt  }
0x7d: {  	_ =	shalt  }
0x7e: {  	_ =	shalt  }
0x7f: {  	_ =	shalt  }
0x80: {  	_ =	shalt  }
0x81: {  	_ =	shalt  }
0x82: {  	_ =	shalt  }
0x83: {  	_ =	shalt  }
0x84: {  	_ =	shalt  }
0x85: {  	_ =	shalt  }
0x86: {  	_ =	shalt  }
0x87: {  	_ =	shalt  }
.Lfunc_end0:
.L_simem_size_0:
called_computation_lowered:
.L_overlay_start_0:
0x88: {  	s2 =	sld [smem:$0x3FD9]  }
0x89: {  	s3 =	sld [smem:$0x3FFE];
	_ =	sdelay $0x1  }
0x8a: {  	s1 =	srdreg.scid  }
0x8b: {  	s0 =	sand.u32 $0x1, s1  }
0x8c: {  	s14 =	sshll.u32 s0, $0xA;
	s2 =	sadd.s32 s3, s2  }
0x8d: {  	s2 =	sadd.s32 s2, s14  }
0x8e: {  	[smem:$0x3FC4] =	sst s2  }
0x8f: {  	_ = 	snop  }
0x90: {  	s2 =	sld [smem:$0x3FD0];
	_ =	sdelay $0x1  }
0x91: {  	s15 =	sld [smem:$0x3FC9]  }
0x92: {  	s5 =	simm.s32 $0xA;
	s6 =	simm.s32 $0x10;
	s4 =	sld [smem:$0x3FC8]  }
0x93: {  	[smem:s6], [sflag:s5] =	dma.local [hbm:s2], $0x1  }
0x94: {  	_ =	swait.eq [sflag:s5], $0x1  }
0x95: {  	[sflag:s5] =	ssyncset.done $0x0  }
0x96: {  	s16 =	sld [smem:$0x11];
	[sflag:s5] =	ssyncadd.s32 $0xFFFFFFFF  }
0x97: {  	s17 =	sld [smem:$0x13];
	(tm) =	ssettm $0x1  }
0x98: {  	s18 =	sld [smem:$0x3FFB];
	_ =	sdelay $0x3  }
0x99: {  	_ =	strace s18  }
0x9a: {  	s6 =	sld [smem:$0x3FFC];
	_ =	sdelay $0x3  }
0x9b: {  	_ =	strace s6  }
0x9c: {  	s6 =	sld [smem:$0x3FFD];
	_ =	sdelay $0x3  }
0x9d: {  	_ =	strace s6  }
0x9e: {  	_ =	strace $0x8FFFFFFF  }
0x9f: {  	s19 =	sld [smem:$0x3FDB];
	_ =	sdelay $0x1  }
0xa0: {  	s7 =	simm.s32 $_scs_section_size  }
0xa1: {  	s8 =	simm.s32 $_size__tile_overlayer_lowered;
	s9 =	simm.s32 $_tile_overlayer_lowered  }
0xa2: {  	s22 =	simm.s32 $0x1BFF;
	s21 =	sshll.u32 s9, $0x1;
	s6 =	sadd.s32 s7, s19  }
0xa3: {  	s10 =	simm.s32 $0x0;
	s20 =	sshll.u32 s8, $0x1;
	s8 =	sadd.s32 s21, s6  }
0xa4: {  	[timem:s10], [sflag:s22] =	dma.local [hbm:s8], s20  }
0xa5: {  	_ =	swait.ge [sflag:s22], s20  }
0xa6: {  	s7 =	ssub.s32 $0x0, s20;
	[sflag:s22] =	ssyncset.done $0x0  }
0xa7: {  	[sflag:s22] =	ssyncadd.s32 s7;
	_ =	sdelay $0x1  }
0xa8: {  	s23 =	simm.s32 $0x1B8B  }
0xa9: {  	_ =	swait.ge [sflag:s23], $0x1  }
0xaa: {  	[sflag:s23] =	ssyncset.done $0x0  }
0xab: {  	s25 =	simm.s32 $0x1B8E;
	s24 =	sld [smem:$0x3FFE];
	[sflag:s23] =	ssyncadd.s32 $0xFFFFFFFF  }
0xac: {  	s26 =	simm.s32 $execute0_lowered;
	[smem:$0x3FD2] =	sst s25  }
0xad: {  	s8 =	sshll.u32 s26, $0x1;
	_ =	strace $0x80000046;
	[dreg:$0x1] =	wrdreg $0xFFFFFFFF  }
0xae: {  	s28 =	simm.s32 $_size_execute0_lowered;
	s6 =	sadd.s32 s6, s8;
	[dreg:$0x0] =	wrdreg $0x0  }
0xaf: {  	s8 =	sshll.u32 s28, $0x1;
	[dreg:$0x2] =	wrdreg s6  }
0xb0: {  	[dreg:$0x3] =	wrdreg s8  }
0xb1: {  	[dreg:$0x4] =	wrdreg $0xC0  }
0xb2: {  	_ =	task [dreg:s10], $0x5FFFF  }
0xb3: {  	[dreg:$0x1] =	wrdreg $0xFFFFFFFF  }
0xb4: {  	[dreg:$0x0] =	wrdreg $0x60  }
0xb5: {  	[dreg:$0x2] =	wrdreg s4  }
0xb6: {  	[dreg:$0x3] =	wrdreg s15  }
0xb7: {  	[dreg:$0x4] =	wrdreg s17  }
0xb8: {  	[dreg:$0x5] =	wrdreg s16  }
0xb9: {  	[dreg:$0x6] =	wrdreg s24  }
0xba: {  	[dreg:$0x7] =	wrdreg $0x13F000  }
0xbb: {  	[dreg:$0x8] =	wrdreg $0x18F800  }
0xbc: {  	[dreg:$0x9] =	wrdreg $0x9  }
0xbd: {  	_ =	task.clear_ibuf [dreg:s10], $0xAFFFF;
	_ =	strace $0x90000046  }
0xbe: {  	s29 =	simm.s32 $0x9;
	_ =	strace $0x80000048  }
0xbf: {  	_ =	swait.ge [sflag:s29], $0x1  }
0xc0: {  	[sflag:s29] =	ssyncadd.s32 $0xFFFFFFFF  }
0xc1: {  	_ =	strace $0x90000048  }
0xc2: {  	_ =	sfence  }
0xc3: {  	s30 =	sld [smem:$0x0];
	_ =	sdelay $0x2  }
0xc4: {  	s31 =	sshll.u32 s1, $0xD;
	s1 =	sshrl.u32 s1, $0x2  }
0xc5: {  	s3 =	sand.u32 $0x4000, s31;
	s1 =	sadd.s32 s1, s30  }
0xc6: {  	s0 =	sor.u32 s3, s0;
	s1 =	sshll.u32 s1, $0x11  }
0xc7: {  	s0 =	sor.u32 s1, s0  }
0xc8: {  	s0 =	sadd.s32 $0x8F2B, s0  }
0xc9: {  	[sflag:s0] =	ssyncadd.remote.s32 $0x1  }
0xca: {  	_ =	sfence.sel $0xFFFF  }
0xcb: {  	[dreg:$0x0] =	wrdreg $0xFFFFFFFF;
	(pc) =	sbr.abs _section_cstart, $3  }
0xcc: {  	[dreg:$0x1] =	wrdreg $0xFFFFFFFF  }
0xcd: {  	_ =	task.clear_ibuf [dreg:s10], $0x2FFFF;
	_ =	strace $0x9FFFFFFF  }
0xce: {  	(tm) =	ssettm $0x7FFFFFFF  }
0xcf: {  	_ =	shalt  }
tec
execute0_lowered:
.L_overlay_start_1:
0x0: {  	(tag) =	ssettag $0x1  }
0x1: {  	s0 =	rddreg [dreg:$0x0]  }
0x2: {  	s1 =	rddreg [dreg:$0x1]  }
0x3: {  	s3 =	rddreg [dreg:$0x3]  }
0x4: {  	v0 =	vlaneseq.u32;
	v3 =	vimm.s32 $0x65432100;
	v4 =	vimm.s32 $0xEDCBA987;
	s2 =	rddreg [dreg:$0x4]  }
0x5: {  	s15 =	stileid.u32;
	v6 =	vimm.s32 $0xDCBA9876;
	s16 =	rddreg [dreg:$0x5];
	v7 =	vimm.s32 $0x54321000;
	v8 =	vimm.s32 $0xBA987654  }
0x6: {  	s17 =	rddreg [dreg:$0x6];
	s4 =	srdreg.scid;
	s5 =	simm.s32 $0x0;
	v9 =	vimm.s32 $0xE40000;
	v10 =	vimm.s32 $0x32100000;
	v20 =	vimm.s32 $0xFEDCBA98  }
0x7: {  	v2 =	vimm.s32 $0x0;
	v21 =	vimm.s32 $0x76543210;
	v24 =	vimm.s32 $0x32107654;
	s6 =	smul.u32 $0xA00, s15;
	s7 =	sand.u32 $0x1, s4;
	[smem:$0x7FF] =	sst s5  }
0x8: {  	vm0 =	vmmov $0x3;
	v25 =	vimm.s32 $0xDCFE98BA;
	v26 =	vimm.s32 $0x54761032;
	s8 =	sadd.s32 $0x1000, s2;
	s10 =	sshll.u32 s15, $0x4;
	s23 =	smul.u32 $0x5000, s15  }
0x9: {  	vm1 =	vmmov $0xf;
	vm2 =	vcmask $0x3F30;
	v27 =	vimm.s32 $0xEFCDAB89;
	s21 =	smul.u32 $0x3D10, s15;
	s4 =	sshll.u32 s7, $0x4;
	_ =	strace $0x80000047  }
0xa: {  	v28 =	vimm.s32 $0x67452301;
	v1 =	vmul.u32 $0xA000, v0;
	v5 =	vunpack.c.l.s4.s8 v3;
	s10 =	sand.u32 $0x70, s10;
	s11 =	ssub.s32 $0x2, s7;
	s13 =	smul.u32 $0x50000, s7  }
0xb: {  	v4 =	vunpack.c.l.s4.s8 v4;
	v3 =	vimm.s32 $0x1;
	v6 =	vunpack.c.l.s4.s8 v6;
	s7 =	smul.u32 $0x3D100, s7;
	s4 =	sor.u32 s15, s4;
	s22 =	sshrl.u32 s11, $0x1  }
0xc: {  	v7 =	vunpack.c.l.s4.s8 v7;
	v8 =	vunpack.c.l.s4.s8 v8;
	v1 =	vadd.s32 s6, v1;
	s6 =	sadd.s32 s6, s16;
	s9 =	sshll.u32 s4, $0x4;
	s12 =	smul.u32 $0x3D10, s4  }
0xd: {  	v9 =	vunpack.c.l.s2.s4 v9;
	v10 =	vunpack.c.l.s4.s8 v10;
	v11 =	vor.u32 $0x505C0, v0;
	s24 =	sadd.s32 $0xA000, s6;
	s26 =	sadd.s32 s23, s13;
	p0 =	seq.s32 s4, $0x1F  }
0xe: {  	v12 =	vor.u32 $0x505D0, v0;
	v13 =	vor.u32 $0x505E0, v0;
	v14 =	vor.u32 $0x505F0, v0;
	s28 =	sadd.s32 $0x1E000, s6;
	s29 =	sadd.s32 $0x28000, s6;
	s30 =	sadd.s32 $0x32000, s6  }
0xf: {  	v15 =	vor.u32 $0x50600, v0;
	v16 =	vor.u32 $0x50610, v0;
	v17 =	vor.u32 $0x50620, v0;
	s31 =	sadd.s32 $0x3C000, s6;
	s4 =	simm.s32 $0x0;
	s9 =	sand.u32 $0x180, s9  }
0x10: {  	v18 =	vor.u32 $0x50630, v0;
	v19 =	vor.u32 $0x50640, v0;
	v22 =	vunpack.c.l.s4.s8 v20;
	[dreg:$0xa] =	wrdreg s24;
	s18 =	sshrl.u32 s26, $0x3;
	s24 =	sadd.s32 $0xEC9E, s1  }
0x11: {  	v20 =	vor.u32 $0x50650, v0;
	v23 =	vunpack.c.l.s4.s8 v21;
	v21 =	vimm.s32 $0xBA98FEDC;
	s26 =	sadd.s32 $0x153F0, s2;
	s9 =	sor.u32 s10, s9;
	s10 =	ssub.s32 s11, s22  }
0x12: {  	v24 =	vunpack.c.l.s4.s8 v24;
	v25 =	vunpack.c.l.s4.s8 v25;
	v26 =	vunpack.c.l.s4.s8 v26;
	s12 =	sshrl.u32 s12, $0x3;
	s20 =	sadd.s32 s3, s18;
	[dreg:$0x14] =	wrdreg s24  }
0x13: {  	v27 =	vunpack.c.l.s4.s8 v27;
	v28 =	vunpack.c.l.s4.s8 v28;
	v21 =	vunpack.c.l.s4.s8 v21;
	s22 =	sadd.s32 s23, s16;
	[dreg:$0x16] =	wrdreg s26;
	s26 =	sadd.s32 $0x14000, s6  }
0x14: {  	v5 =	vunpack.c.0.s8.s32 v5;
	v4 =	vunpack.c.0.s8.s32 v4;
	v6 =	vunpack.c.0.s8.s32 v6;
	s11 =	simm.s32 $0x1;
	s9 =	sadd.s32 s9, s2;
	[dreg:$0xd] =	wrdreg s20  }
0x15: {  	v7 =	vunpack.c.0.s8.s32 v7;
	v8 =	vunpack.c.0.s8.s32 v8;
	v9 =	vunpack.c.l.s4.s8 v9;
	s14 =	sadd.s32 s0, s12;
	s12 =	sadd.s32 s1, s12;
	[dreg:$0x11] =	wrdreg s22  }
0x16: {  	v22 =	vunpack.c.0.s8.s32 v22;
	v24 =	vunpack.c.0.s8.s32 v24;
	v25 =	vunpack.c.0.s8.s32 v25;
	s0 =	sadd.s32 $0xEC9E, s0;
	s20 =	sadd.s32 s21, s7;
	s7 =	simm.s32 $0x3  }
0x17: {  	v26 =	vunpack.c.0.s8.s32 v26;
	v27 =	vunpack.c.0.s8.s32 v27;
	v28 =	vunpack.c.0.s8.s32 v28;
	s1 =	simm.s32 $0x1E80;
	s21 =	simm.s32 $0x12000;
	[dreg:$0x8] =	wrdreg s14  }
0x18: {  	v21 =	vunpack.c.0.s8.s32 v21;
	v4 =	vand.u32 $0xF, v4;
	v6 =	vand.u32 $0xF, v6;
	s22 =	simm.s32 $0x2;
	[dreg:$0x9] =	wrdreg s12;
	s25 =	sadd.s32 $0x15000, s9  }
0x19: {  	v9 =	vunpack.c.0.s8.s32 v9;
	v30 =	vand.u32 $0xF, v22;
	v26 =	vcombine.low v26, v25;
	s14 =	sadd.s32 $0x2800, s23;
	s9 =	sadd.s32 $0x15200, s9;
	[dreg:$0x13] =	wrdreg s0  }
0x1a: {  	v27 =	vcombine.low v28, v27;
	v22 =	vor.u32 $0x50670, v0;
	v4 =	vcombine.low v5, v4;
	s23 =	sadd.s32 s23, s17;
	s0 =	sadd.s32 $0x1E80, s20;
	[dreg:$0xb] =	wrdreg s25  }
0x1b: {  	v5 =	vcombine.low v7, v6;
	v6 =	vunpack.c.0.s8.s32 v10;
	v7 =	vand.u32 $0xF, v8;
	[dreg:$0xc] =	wrdreg s9;
	s19 =	sadd.s32 s13, s14;
	s9 =	sadd.s32 s8, s18  }
0x1c: {  	v8 =	vimm.s32 $0x7060504;
	v10 =	vor.u32 $0x505B0, v0;
	v29 =	vcombine.low v24, v21;
	[dreg:$0x12] =	wrdreg s23;
	s25 =	sadd.s32 $0x151F0, s2;
	s23 =	sadd.s32 s14, s16  }
.Ltmp0:
0x1d: {  	v21 =	vor.u32 $0x50660, v0;
	v24 =	vunpack.c.0.s8.s32 v23;
	v23 =	vor.u32 $0x50680, v0;
	s24 =	sadd.s32 s14, s17;
	[dreg:$0xe] =	wrdreg s9;
	(pc) =	sbr.rel .LBB2_1-.Ltmp0, $4  }
0x1e: {  	v26 =	vand.u32 $0xF, v26;
	v27 =	vand.u32 $0xF, v27;
	v6 =	vcombine.low v6, v7;
	s18 =	simm.s32 $0x10180;
	s12 =	sshrl.u32 s19, $0x3;
	[dreg:$0x15] =	wrdreg s25  }
0x1f: {  	v7 =	vunpack.c.0.s8.s32 v8;
	v8 =	vand.u32 $0x3, v9;
	v9 =	vand.u32 $0x3, v0;
	s25 =	smax.u32 s10, $0x1;
	s10 =	simm.s32 $0x7C80;
	s3 =	sadd.s32 s3, s12  }
0x20: {  	v24 =	vcombine.low v30, v24;
	v25 =	vand.u32 $0xF, v29;
	v9 =	vmul.u32 $0x8, v9;
	s19 =	simm.s32 $0x1E90;
	s8 =	sadd.s32 s8, s12;
	[dreg:$0xf] =	wrdreg s3  }
0x21: {  	v7 =	vsel vm2, v7, v8;
	vm2 =	vmmov $0xff;
	v8 =	vimm.s32 $0xF;
	[dreg:$0x10] =	wrdreg s8;
	s3 =	sadd.s32 $0x46000, s6;
	s8 =	simm.s32 $0x3D80  }
.LBB2_15:
0x22: {  	s14 =	sor.u32 s17, s16;
	[tilespmem:s9+$0x0] =	vst v33  }
0x23: {  	v33 =	vld [tilespmem:s14+$0x0];
	_ =	sdelay $0x3  }
0x24: {  	v34 =	vld [tilespmem:s14+$0x3D80]  }
0x25: {  	v28 =	vsub.f32 v33, v28;
	_ =	sdelay $0x1  }
0x26: {  	v33 =	vmul.f32 $1.000000000e+01, v28;
	_ =	sdelay $0x1  }
0x27: {  	v35 =	vshrl.u32 v34, $0xE;
	v33 =	vmul.f32 $1.442695020e+00, v33  }
0x28: {  	v35 =	vand.u32 $0x18, v35  }
0x29: {  	vm3 =	vgt.u32 v34, $0x7FFFF;
	v36 =	vshll.u32 v3, v35;
	(erf) = vpow2.f32 v33  }
0x2a: {  	v55 =	vsel vm3, $0x0, v36;
	v37 =	vnsel vm3, $0x0, v36  }
0x2b: {  	v38 =	vperm.xlane v55, v4;
	v39 =	vperm.xlane v37, v4  }
0x2c: {  	vm4 =	veq.s32 v0, $0x0  }
0x2d: {  	v38 =	vsel vm4, $0x0, v38;
	v39 =	vsel vm4, $0x0, v39  }
0x2e: {  	v33 =	vadd.s32 v38, v55;
	v37 =	vadd.s32 v37, v39  }
0x2f: {  	v38 =	vperm.xlane v33, v5;
	v39 =	vperm.xlane v37, v5;
	_ =	sdelay $0x1  }
0x30: {  	v38 =	vsel vm0, $0x0, v38;
	v39 =	vsel vm0, $0x0, v39  }
0x31: {  	v33 =	vadd.s32 v38, v33;
	v37 =	vadd.s32 v39, v37;
	v56 =	vpop (erf)  }
0x32: {  	v57 =	vperm.xlane v33, v6;
	v40 =	vperm.xlane v37, v6;
	v38 =	vadd.f32 $1.000000000e+00, v56;
	_ =	sdelay $0x1  }
0x33: {  	v58 =	vsel vm1, $0x0, v57;
	v59 =	vsel vm1, $0x0, v40;
	(erf) = vrcp.f32 v38  }
0x34: {  	v33 =	vadd.s32 v58, v33;
	v37 =	vadd.s32 v59, v37  }
0x35: {  	v39 =	vperm.xlane v37, v7;
	v38 =	vperm.xlane v33, v7;
	_ =	sdelay $0x1  }
0x36: {  	v39 =	vsel vm2, $0x0, v39;
	v38 =	vsel vm2, $0x0, v38  }
0x37: {  	v37 =	vadd.s32 v39, v37;
	v33 =	vadd.s32 v38, v33  }
0x38: {  	v31 =	vadd.s32 v31, v32;
	v60 =	vsel vm3, v37, v33  }
0x39: {  	v62 =	vshrl.u32 v34, $0x11;
	v61 =	vsel vm3, $0xFFF80000, v2;
	v32 =	vsub.s32 v60, v36  }
0x3a: {  	v31 =	vperm.xlane v31, v62;
	v33 =	vadd.s32 v34, v61;
	v32 =	vshrl.u32 v32, v35  }
0x3b: {  	[tilespmem:s12+$0x0] =	vst v33;
	v32 =	vand.u32 $0xFF, v32;
	v63 =	vpop (erf)  }
0x3c: {  	s17 =	sadd.s32 $0x10, s9;
	v31 =	vadd.s32 v31, v32;
	[tilespmem:s13+$0x0] =	vst v63  }
0x3d: {  	[tilespmem:s17+$0x0] =	vst v31  }
0x3e: {  	[tilespmem:$0x13DB0] =	vst v10  }
0x3f: {  	[tilespmem:$0x13DC0] =	vst v11  }
0x40: {  	[tilespmem:$0x13DD0] =	vst v12  }
0x41: {  	[tilespmem:$0x13DE0] =	vst v13  }
0x42: {  	[tilespmem:$0x13DF0] =	vst v14  }
0x43: {  	[tilespmem:$0x13E00] =	vst v15  }
0x44: {  	[tilespmem:$0x13E10] =	vst v16  }
0x45: {  	[tilespmem:$0x13E20] =	vst v17  }
0x46: {  	[tilespmem:$0x13E30] =	vst v18  }
0x47: {  	[tilespmem:$0x13E40] =	vst v19  }
0x48: {  	[tilespmem:$0x13E50] =	vst v20  }
0x49: {  	s2 =	sadd.s32 $0x78370, s2;
	v28 =	vand.u32 $0x7FFFFFFF, v28;
	[tilespmem:$0x13E60] =	vst v21  }
0x4a: {  	s9 =	rddreg [dreg:$0x15];
	vm3 =	vlt.f32 v28, v30;
	v31 =	vor.u32 s2, v0;
	[tilespmem:$0x13E70] =	vst v22  }
0x4b: {  	v28 =	vsel vm3, v28, v30;
	s2 =	rddreg [dreg:$0x16];
	v29 =	vsel vm3, v31, v29;
	[tilespmem:$0x13E80] =	vst v23  }
.LBB2_16:
0x4c: {  	v30 =	vperm.xlane v28, v24;
	_ =	sdelay $0x1  }
0x4d: {  	v30 =	vmin.f32 v28, v30  }
0x4e: {  	v31 =	vperm.xlane v30, v25;
	_ =	sdelay $0x1  }
0x4f: {  	v30 =	vmin.f32 v30, v31  }
0x50: {  	v31 =	vperm.xlane v30, v26;
	_ =	sdelay $0x1  }
0x51: {  	v30 =	vmin.f32 v30, v31  }
0x52: {  	v31 =	vperm.xlane v30, v27;
	_ =	sdelay $0x1  }
0x53: {  	v30 =	vmin.f32 v30, v31  }
0x54: {  	vm3 =	veq.f32 v28, v30  }
0x55: {  	v28 =	vnsel vm3, $0x40000000, v29  }
0x56: {  	v29 =	vperm.xlane v28, v24;
	_ =	sdelay $0x1  }
0x57: {  	vm3 =	vlt.s32 v28, v29  }
0x58: {  	v28 =	vsel vm3, v28, v29  }
0x59: {  	v29 =	vperm.xlane v28, v25;
	_ =	sdelay $0x1  }
0x5a: {  	vm3 =	vlt.s32 v28, v29  }
0x5b: {  	v28 =	vsel vm3, v28, v29  }
0x5c: {  	v29 =	vperm.xlane v28, v26;
	_ =	sdelay $0x1  }
0x5d: {  	vm3 =	vlt.s32 v28, v29  }
0x5e: {  	s12 =	rddreg [dreg:$0x5];
	s13 =	simm.s32 $0xA500;
	v28 =	vsel vm3, v28, v29  }
0x5f: {  	[spmem:s12] =	stream.indirect.scatter [tilespmem:s13], [sflag:$0x2], $0x1, s21, s19, $0xb8;
	v29 =	vperm.xlane v28, v27;
	[tilespmem:$0x1E000] =	vst v63  }
0x60: {  	s14 =	rddreg [dreg:$0x6];
	s15 =	simm.s32 $0xE280  }
0x61: {  	[spmem:s14] =	stream.indirect.scatter [tilespmem:s15], [sflag:$0x2], $0x1, s21, s19, $0xb8;
	vm3 =	vlt.s32 v28, v29;
	[tilespmem:$0x1E000] =	vst v63  }
0x62: {  	[tilespmem:$0x7B80] =	vst v30;
	v28 =	vsel vm3, v28, v29  }
0x63: {  	s16 =	simm.s32 $0x7B80;
	[tilespmem:$0x7C00] =	vst v28  }
0x64: {  	[hbm4b:s9+s5] =	stream.linear.scatter [tilespmem:s16], [sflag:$0x3], $0x80, $0x38;
	[tilespmem:$0x1E000] =	vst v63  }
0x65: {  	_ =	swait.ge [sflag:s7], $0x80  }
0x66: {  	[sflag:s7] =	ssyncset.done $0x0  }
0x67: {  	s17 =	simm.s32 $0x7C00;
	[sflag:s7] =	ssyncadd.s32 $0xFFFFFF80  }
0x68: {  	[hbm4b:s2+s5] =	stream.linear.scatter [tilespmem:s17], [sflag:$0x3], $0x80, $0x38;
	[tilespmem:$0x1E000] =	vst v63  }
0x69: {  	_ =	swait.ge [sflag:s7], $0x80  }
0x6a: {  	[sflag:s7] =	ssyncset.done $0x0  }
0x6b: {  	[sflag:s7] =	ssyncadd.s32 $0xFFFFFF80  }
0x6c: {  	_ =	swait.ge [sflag:s22], $0x1E80  }
0x6d: {  	[sflag:s22] =	ssyncset.done $0x0  }
0x6e: {  	[sflag:s22] =	ssyncadd.s32 $0xFFFFE180  }
0x6f: {  	_ =	swait.ge [sflag:s22], $0x1E80  }
0x70: {  	[sflag:s22] =	ssyncset.done $0x0  }
0x71: {  	[sflag:s22] =	ssyncadd.s32 $0xFFFFE180  }
0x72: {  	_ =	swait.ge [sflag:s22], $0x1E90  }
0x73: {  	[sflag:s22] =	ssyncset.done $0x0  }
0x74: {  	[sflag:s22] =	ssyncadd.s32 $0xFFFFE170  }
0x75: {  	_ =	swait.ge [sflag:s22], $0x1E90  }
0x76: {  	[sflag:s22] =	ssyncset.done $0x0  }
0x77: {  	[sflag:s22] =	ssyncadd.s32 $0xFFFFE170  }
0x78: {  	[bflag:$0x0] =	sbarrier.arrive $0xFFFF  }
0x79: {  	s12 =	rddreg [dreg:$0x11]  }
0x7a: {  	[tilespmem:s8], [sflag:$0x3] =	stream.linear.gather [spmem:s12], $0x2800, $0x38;
	[tilespmem:$0x1E000] =	vst v63  }
0x7b: {  	_ =	swait.ge [sflag:s7], $0x2800  }
0x7c: {  	[sflag:s7] =	ssyncset.done $0x0  }
0x7d: {  	s13 =	rddreg [dreg:$0xd];
	[sflag:s7] =	ssyncadd.s32 $0xFFFFD800  }
0x7e: {  	[hbm4b:s13+s5] =	stream.linear.scatter [tilespmem:s8], [sflag:$0x3], $0x2800, $0x38;
	[tilespmem:$0x1E000] =	vst v63  }
0x7f: {  	_ =	swait.ge [sflag:s7], $0x2800  }
0x80: {  	[sflag:s7] =	ssyncset.done $0x0  }
0x81: {  	s14 =	rddreg [dreg:$0x12];
	[sflag:s7] =	ssyncadd.s32 $0xFFFFD800  }
0x82: {  	[tilespmem:s5], [sflag:$0x3] =	stream.linear.gather [spmem:s14], $0x2800, $0x38;
	[tilespmem:$0x1E000] =	vst v63  }
0x83: {  	_ =	swait.ge [sflag:s7], $0x2800  }
0x84: {  	[sflag:s7] =	ssyncset.done $0x0  }
0x85: {  	s15 =	rddreg [dreg:$0xe];
	[sflag:s7] =	ssyncadd.s32 $0xFFFFD800  }
0x86: {  	[hbm4b:s15+s5] =	stream.linear.scatter [tilespmem:s5], [sflag:$0x3], $0x2800, $0x38;
	[tilespmem:$0x1E000] =	vst v63  }
0x87: {  	_ =	swait.ge [sflag:s7], $0x2800  }
0x88: {  	[sflag:s7] =	ssyncset.done $0x0  }
0x89: {  	[sflag:s7] =	ssyncadd.s32 $0xFFFFD800  }
0x8a: {  	[tilespmem:s8], [sflag:$0x3] =	stream.linear.gather [spmem:s23], $0x2800, $0x38;
	[tilespmem:$0x1E000] =	vst v63  }
0x8b: {  	_ =	swait.ge [sflag:s7], $0x2800  }
0x8c: {  	[sflag:s7] =	ssyncset.done $0x0  }
0x8d: {  	s16 =	rddreg [dreg:$0xf];
	[sflag:s7] =	ssyncadd.s32 $0xFFFFD800  }
0x8e: {  	[hbm4b:s16+s5] =	stream.linear.scatter [tilespmem:s8], [sflag:$0x3], $0x2800, $0x38;
	[tilespmem:$0x1E000] =	vst v63  }
0x8f: {  	_ =	swait.ge [sflag:s7], $0x2800  }
0x90: {  	[sflag:s7] =	ssyncset.done $0x0  }
0x91: {  	[sflag:s7] =	ssyncadd.s32 $0xFFFFD800  }
0x92: {  	[tilespmem:s5], [sflag:$0x3] =	stream.linear.gather [spmem:s24], $0x2800, $0x38;
	[tilespmem:$0x1E000] =	vst v63  }
0x93: {  	s4 =	sadd.s32 $0x1, s4;
	_ =	swait.ge [sflag:s7], $0x2800  }
0x94: {  	p1 =	sne.s32 s4, s25;
	[sflag:s7] =	ssyncset.done $0x0  }
.Ltmp1:
0x95: {  	s17 =	rddreg [dreg:$0x10];
	[sflag:s7] =	ssyncadd.s32 $0xFFFFD800;
	(pc) =	sbr.rel @!p1 .LBB2_17-.Ltmp1, $4  }
0x96: {  	[hbm4b:s17+s5] =	stream.linear.scatter [tilespmem:s5], [sflag:$0x3], $0x2800, $0x38;
	[tilespmem:$0x1E000] =	vst v63  }
0x97: {  	_ =	swait.ge [sflag:s7], $0x2800  }
0x98: {  	[sflag:s7] =	ssyncset.done $0x0  }
0x99: {  	[sflag:s7] =	ssyncadd.s32 $0xFFFFD800  }
.LBB2_1:
0x9a: {  	s2 =	rddreg [dreg:$0x2];
	s9 =	simm.s32 $0x7B00  }
0x9b: {  	[tilespmem:s9], [sflag:$0x3] =	stream.linear.gather [hbm4b:s2+s5], $0x80, $0x38;
	[tilespmem:$0x1E000] =	vst v63  }
.Ltmp2:
0x9c: {  	_ = 	snop;
	(pc) =	sbr.rel @!p0 .LBB2_2-.Ltmp2, $4  }
0x9d: {  	_ =	swait.ge [sflag:s7], $0x80  }
0x9e: {  	[sflag:s7] =	ssyncset.done $0x0  }
0x9f: {  	[sflag:s7] =	ssyncadd.s32 $0xFFFFFF80  }
0xa0: {  	s2 =	simm.s32 $0x0;
	v28 =	vld [tilespmem:$0x7B00]  }
0xa1: {  	s9 =	rddreg [dreg:$0x13]  }
0xa2: {  	[tilespmem:s2], [sflag:$0x3] =	stream.linear.gather [hbm4b:s9+s2], $0x3C30, $0x38;
	[tilespmem:$0x1E000] =	vst v63  }
0xa3: {  	_ =	swait.ge [sflag:s7], $0x3C30  }
0xa4: {  	[sflag:s7] =	ssyncset.done $0x0  }
0xa5: {  	s17 =	rddreg [dreg:$0x14];
	[sflag:s7] =	ssyncadd.s32 $0xFFFFC3D0  }
0xa6: {  	[tilespmem:s8], [sflag:$0x3] =	stream.linear.gather [hbm4b:s17+s2], $0x3C30, $0x38;
	[tilespmem:$0x1E000] =	vst v63  }
0xa7: {  	v29 =	vor.u32 s2, v0;
	_ =	swait.ge [sflag:s7], $0x3C30  }
0xa8: {  	v29 =	vand.u32 $0x7FF, v29;
	[sflag:s7] =	ssyncset.done $0x0  }
0xa9: {  	v29 =	vor.u32 $0x80000, v29;
	s2 =	simm.s32 $0x7C80;
	[sflag:s7] =	ssyncadd.s32 $0xFFFFC3D0  }
0xaa: {  	s9 =	simm.s32 $0x10;
	[tilespmem:s2+$0x0] =	vst v29  }
.LBB2_10:
0xab: {  	p1 =	sne.s32 s9, $0x9F0  }
.Ltmp3:
0xac: {  	_ = 	snop;
	(pc) =	sbr.rel @p1 .LBB2_10-.Ltmp3, $4  }
0xad: {  	v29 =	vor.u32 s9, v0  }
0xae: {  	v29 =	vand.u32 $0x7FF, v29  }
0xaf: {  	s2 =	sadd.s32 $0x10, s2;
	v29 =	vor.u32 $0x80000, v29  }
0xb0: {  	s9 =	sadd.s32 $0x10, s9;
	[tilespmem:s2+$0x0] =	vst v29  }
0xb1: {  	[spmem:s6] =	stream.linear.scatter [tilespmem:s10], [sflag:$0x1], $0xA00, $0x38;
	[tilespmem:$0x1E000] =	vst v63  }
0xb2: {  	s2 =	rddreg [dreg:$0xa]  }
0xb3: {  	[spmem:s2] =	stream.linear.scatter [tilespmem:s10], [sflag:$0x1], $0xA00, $0x38;
	[tilespmem:$0x1E000] =	vst v63  }
0xb4: {  	_ = 	snop  }
0xb5: {  	[spmem:s26] =	stream.linear.scatter [tilespmem:s10], [sflag:$0x1], $0xA00, $0x38;
	[tilespmem:$0x1E000] =	vst v63  }
0xb6: {  	_ = 	snop  }
0xb7: {  	[spmem:s28] =	stream.linear.scatter [tilespmem:s10], [sflag:$0x1], $0xA00, $0x38;
	[tilespmem:$0x1E000] =	vst v63  }
0xb8: {  	_ = 	snop  }
0xb9: {  	[spmem:s29] =	stream.linear.scatter [tilespmem:s10], [sflag:$0x1], $0xA00, $0x38;
	[tilespmem:$0x1E000] =	vst v63  }
0xba: {  	_ = 	snop  }
0xbb: {  	[spmem:s30] =	stream.linear.scatter [tilespmem:s10], [sflag:$0x1], $0xA00, $0x38;
	[tilespmem:$0x1E000] =	vst v63  }
0xbc: {  	_ = 	snop  }
0xbd: {  	[spmem:s31] =	stream.linear.scatter [tilespmem:s10], [sflag:$0x1], $0xA00, $0x38;
	[tilespmem:$0x1E000] =	vst v63  }
0xbe: {  	s2 =	simm.s32 $0x0  }
0xbf: {  	[spmem:s3] =	stream.linear.scatter [tilespmem:s10], [sflag:$0x1], $0xA00, $0x38;
	[tilespmem:$0x1E000] =	vst v63  }
0xc0: {  	v29 =	vld [tilespmem:s2+$0x0]  }
0xc1: {  	s9 =	simm.s32 $0x3D80  }
0xc2: {  	v30 =	vld [tilespmem:s9+$0x0];
	_ =	sdelay $0x2  }
0xc3: {  	v29 =	vsub.f32 v29, v28;
	_ =	sdelay $0x1  }
0xc4: {  	v32 =	vshrl.u32 v30, $0xE;
	v31 =	vmul.f32 $1.000000000e+01, v29  }
0xc5: {  	v32 =	vand.u32 $0x18, v32  }
0xc6: {  	vm4 =	vgt.u32 v30, $0x7FFFF;
	v33 =	vshll.u32 v3, v32;
	v31 =	vmul.f32 $1.442695020e+00, v31  }
0xc7: {  	v34 =	vnsel vm4, $0x0, v33  }
0xc8: {  	v36 =	vperm.xlane v34, v4;
	(erf) = vpow2.f32 v31;
	v31 =	vsel vm4, $0x0, v33  }
0xc9: {  	vm3 =	veq.s32 v0, $0x0;
	v35 =	vperm.xlane v31, v4  }
0xca: {  	v36 =	vsel vm3, $0x0, v36  }
0xcb: {  	v34 =	vadd.s32 v34, v36;
	v35 =	vsel vm3, $0x0, v35  }
0xcc: {  	v36 =	vperm.xlane v34, v5;
	v31 =	vadd.s32 v35, v31  }
0xcd: {  	v35 =	vperm.xlane v31, v5  }
0xce: {  	v36 =	vsel vm0, $0x0, v36  }
0xcf: {  	v34 =	vadd.s32 v36, v34;
	v35 =	vsel vm0, $0x0, v35  }
0xd0: {  	v37 =	vperm.xlane v34, v6;
	v31 =	vadd.s32 v35, v31  }
0xd1: {  	v54 =	vperm.xlane v31, v6  }
0xd2: {  	v37 =	vsel vm1, $0x0, v37;
	v53 =	vpop (erf)  }
0xd3: {  	v34 =	vadd.s32 v37, v34;
	v35 =	vadd.f32 $1.000000000e+00, v53;
	v36 =	vsel vm1, $0x0, v54  }
0xd4: {  	v56 =	vperm.xlane v34, v7;
	v31 =	vadd.s32 v36, v31  }
0xd5: {  	(erf) = vrcp.f32 v35;
	v55 =	vperm.xlane v31, v7;
	_ =	sdelay $0x1  }
0xd6: {  	v36 =	vsel vm2, $0x0, v56;
	v35 =	vsel vm2, $0x0, v55  }
0xd7: {  	v34 =	vadd.s32 v36, v34;
	v31 =	vadd.s32 v35, v31  }
0xd8: {  	s12 =	simm.s32 $0x764F0;
	v59 =	vsel vm4, v34, v31;
	v31 =	vperm.xlane v31, v8;
	v34 =	vperm.xlane v34, v8  }
0xd9: {  	v57 =	vimm.f32 $+Inf;
	v38 =	vor.u32 s12, v0;
	v60 =	vsel vm4, $0xFFF80000, v2  }
0xda: {  	v29 =	vand.u32 $0x7FFFFFFF, v29;
	v37 =	vadd.s32 v30, v60;
	v31 =	vsel vm1, v31, v34  }
0xdb: {  	v30 =	vshrl.u32 v30, $0x11;
	v33 =	vsub.s32 v59, v33;
	v31 =	vshrl.u32 v31, v9  }
0xdc: {  	s12 =	simm.s32 $0x8680;
	v61 =	vperm.xlane v1, v30;
	vm4 =	vlt.f32 v29, v57;
	v32 =	vshrl.u32 v33, v32  }
0xdd: {  	v58 =	vimm.s32 $0x0;
	s15 =	simm.s32 $0xC400;
	s14 =	simm.s32 $0x10180;
	[tilespmem:s12+$0x0] =	vst v37;
	v30 =	vsel vm4, v29, v57;
	v62 =	vand.u32 $0xFF, v32;
	v63 =	vpop (erf)  }
0xde: {  	s13 =	simm.s32 $0x76500;
	s16 =	simm.s32 $0x10190;
	v29 =	vsel vm4, v38, v58;
	v32 =	vand.u32 $0xFF, v31;
	v33 =	vadd.s32 v61, v62;
	[tilespmem:s15+$0x0] =	vst v63;
	s15 =	simm.s32 $0xC410;
	v31 =	vmovc v1  }
.LBB2_12:
0xdf: {  	[tilespmem:s14+$0x0] =	vst v33;
	v31 =	vadd.s32 v31, v32;
	s2 =	sadd.s32 $0x10, s2;
	s9 =	sadd.s32 $0x10, s9;
	s12 =	sadd.s32 $0x10, s12  }
0xe0: {  	p1 =	sne.s32 s13, $0x78360;
	s17 =	smov.u32 s13;
	s13 =	sadd.s32 $0x10, s13;
	v32 =	vld [tilespmem:s2+$0x0]  }
0xe1: {  	s14 =	smov.u32 s16;
	_ =	sdelay $0x2  }
0xe2: {  	v33 =	vld [tilespmem:s9+$0x0]  }
0xe3: {  	v32 =	vsub.f32 v32, v28;
	_ =	sdelay $0x1  }
0xe4: {  	v34 =	vmul.f32 $1.000000000e+01, v32;
	v32 =	vand.u32 $0x7FFFFFFF, v32  }
0xe5: {  	v35 =	vor.u32 s17, v0;
	vm4 =	vlt.f32 v32, v30  }
0xe6: {  	v34 =	vmul.f32 $1.442695020e+00, v34;
	v36 =	vshrl.u32 v33, $0x11;
	v37 =	vshrl.u32 v33, $0xE  }
0xe7: {  	v30 =	vsel vm4, v32, v30;
	v29 =	vsel vm4, v35, v29;
	v32 =	vand.u32 $0x18, v37  }
0xe8: {  	vm4 =	vgt.u32 v33, $0x7FFFF;
	v35 =	vshll.u32 v3, v32;
	(erf) = vpow2.f32 v34  }
0xe9: {  	v34 =	vsel vm4, $0xFFF80000, v2;
	v37 =	vsel vm4, $0x0, v35;
	v38 =	vnsel vm4, $0x0, v35  }
0xea: {  	v33 =	vadd.s32 v33, v34;
	v34 =	vperm.xlane v37, v4;
	v39 =	vperm.xlane v38, v4  }
0xeb: {  	[tilespmem:s12+$0x0] =	vst v33  }
0xec: {  	v33 =	vsel vm3, $0x0, v34;
	v34 =	vsel vm3, $0x0, v39  }
0xed: {  	v33 =	vadd.s32 v33, v37;
	v34 =	vadd.s32 v38, v34  }
0xee: {  	v40 =	vperm.xlane v33, v5;
	v38 =	vperm.xlane v34, v5;
	_ =	sdelay $0x1  }
0xef: {  	v39 =	vsel vm0, $0x0, v40;
	v38 =	vsel vm0, $0x0, v38  }
0xf0: {  	v33 =	vadd.s32 v39, v33;
	v34 =	vadd.s32 v38, v34;
	v37 =	vpop (erf)  }
0xf1: {  	v37 =	vadd.f32 $1.000000000e+00, v37;
	v38 =	vperm.xlane v33, v6;
	v39 =	vperm.xlane v34, v6;
	_ =	sdelay $0x1  }
0xf2: {  	v38 =	vsel vm1, $0x0, v38;
	v39 =	vsel vm1, $0x0, v39;
	(erf) = vrcp.f32 v37  }
0xf3: {  	v33 =	vadd.s32 v38, v33;
	v34 =	vadd.s32 v39, v34  }
0xf4: {  	v37 =	vperm.xlane v33, v7;
	v38 =	vperm.xlane v34, v7;
	_ =	sdelay $0x1  }
0xf5: {  	v37 =	vsel vm2, $0x0, v37;
	v38 =	vsel vm2, $0x0, v38  }
0xf6: {  	v33 =	vadd.s32 v37, v33;
	v34 =	vadd.s32 v38, v34  }
.Ltmp4:
0xf7: {  	v37 =	vsel vm4, v34, v33;
	v33 =	vperm.xlane v33, v8;
	v34 =	vperm.xlane v34, v8;
	(pc) =	sbr.rel @p1 .LBB2_12-.Ltmp4, $4  }
0xf8: {  	v35 =	vsub.s32 v37, v35  }
0xf9: {  	v32 =	vshrl.u32 v35, v32;
	v33 =	vsel vm1, v33, v34;
	v34 =	vperm.xlane v31, v36  }
0xfa: {  	v35 =	vand.u32 $0xFF, v32;
	v32 =	vshrl.u32 v33, v9;
	v36 =	vpop (erf)  }
0xfb: {  	s16 =	sadd.s32 $0x10, s16;
	v32 =	vand.u32 $0xFF, v32;
	v33 =	vadd.s32 v34, v35;
	[tilespmem:s15+$0x0] =	vst v36;
	s15 =	sadd.s32 $0x10, s15  }
0xfc: {  	[tilespmem:s14+$0x0] =	vst v33  }
0xfd: {  	_ =	swait.ge [sflag:s11], $0xA00  }
0xfe: {  	[sflag:s11] =	ssyncset.done $0x0  }
0xff: {  	[sflag:s11] =	ssyncadd.s32 $0xFFFFF600  }
0x100: {  	_ =	swait.ge [sflag:s11], $0xA00  }
0x101: {  	[sflag:s11] =	ssyncset.done $0x0  }
0x102: {  	[sflag:s11] =	ssyncadd.s32 $0xFFFFF600  }
0x103: {  	_ =	swait.ge [sflag:s11], $0xA00  }
0x104: {  	[sflag:s11] =	ssyncset.done $0x0  }
0x105: {  	[sflag:s11] =	ssyncadd.s32 $0xFFFFF600  }
0x106: {  	_ =	swait.ge [sflag:s11], $0xA00  }
0x107: {  	[sflag:s11] =	ssyncset.done $0x0  }
0x108: {  	[sflag:s11] =	ssyncadd.s32 $0xFFFFF600  }
0x109: {  	_ =	swait.ge [sflag:s11], $0xA00  }
0x10a: {  	[sflag:s11] =	ssyncset.done $0x0  }
0x10b: {  	[sflag:s11] =	ssyncadd.s32 $0xFFFFF600  }
0x10c: {  	_ =	swait.ge [sflag:s11], $0xA00  }
0x10d: {  	[sflag:s11] =	ssyncset.done $0x0  }
0x10e: {  	[sflag:s11] =	ssyncadd.s32 $0xFFFFF600  }
0x10f: {  	_ =	swait.ge [sflag:s11], $0xA00  }
0x110: {  	[sflag:s11] =	ssyncset.done $0x0  }
0x111: {  	[sflag:s11] =	ssyncadd.s32 $0xFFFFF600  }
0x112: {  	_ =	swait.ge [sflag:s11], $0xA00  }
0x113: {  	[sflag:s11] =	ssyncset.done $0x0  }
0x114: {  	s9 =	simm.s32 $0x8680;
	[sflag:s11] =	ssyncadd.s32 $0xFFFFF600  }
0x115: {  	s14 =	simm.s32 $0x0;
	s15 =	simm.s32 $0x1E80;
	s2 =	rddreg [dreg:$0x5]  }
0x116: {  	[spmem:s2] =	stream.indirect.scatter [tilespmem:s9], [sflag:$0x2], $0x1, s18, s1, $0xb8;
	[tilespmem:$0x1E000] =	vst v63  }
0x117: {  	s9 =	sand.u32 $0x3F80, s15;
	s2 =	sand.u32 $0x70, s14  }
0x118: {  	s13 =	simm.s32 $0xC400;
	s12 =	rddreg [dreg:$0x6];
	s2 =	sor.u32 s2, s9  }
0x119: {  	[spmem:s12] =	stream.indirect.scatter [tilespmem:s13], [sflag:$0x2], $0x1, s18, s1, $0xb8;
	[tilespmem:$0x1E000] =	vst v63  }
0x11a: {  	v51 =	vld [tilespmem:s2+$0x0];
	_ =	sdelay $0x3  }
0x11b: {  	v34 =	vld [tilespmem:s2+$0x3D80]  }
0x11c: {  	v33 =	vsub.f32 v51, v28;
	_ =	sdelay $0x1  }
0x11d: {  	v35 =	vmul.f32 $1.000000000e+01, v33;
	_ =	sdelay $0x1  }
0x11e: {  	v36 =	vshrl.u32 v34, $0xE;
	v35 =	vmul.f32 $1.442695020e+00, v35  }
0x11f: {  	v36 =	vand.u32 $0x18, v36  }
0x120: {  	vm4 =	vgt.u32 v34, $0x7FFFF;
	v37 =	vshll.u32 v3, v36;
	(erf) = vpow2.f32 v35  }
0x121: {  	v52 =	vsel vm4, $0x0, v37;
	v38 =	vnsel vm4, $0x0, v37  }
0x122: {  	v39 =	vperm.xlane v52, v4;
	v40 =	vperm.xlane v38, v4  }
0x123: {  	vm3 =	veq.s32 v0, $0x0  }
0x124: {  	v39 =	vsel vm3, $0x0, v39;
	v40 =	vsel vm3, $0x0, v40  }
0x125: {  	v35 =	vadd.s32 v39, v52;
	v38 =	vadd.s32 v38, v40  }
0x126: {  	v39 =	vperm.xlane v35, v5;
	v40 =	vperm.xlane v38, v5;
	_ =	sdelay $0x1  }
0x127: {  	v39 =	vsel vm0, $0x0, v39;
	v40 =	vsel vm0, $0x0, v40  }
0x128: {  	v35 =	vadd.s32 v39, v35;
	v38 =	vadd.s32 v40, v38;
	v53 =	vpop (erf)  }
0x129: {  	v54 =	vperm.xlane v35, v6;
	v41 =	vperm.xlane v38, v6;
	v39 =	vadd.f32 $1.000000000e+00, v53;
	_ =	sdelay $0x1  }
0x12a: {  	v40 =	vsel vm1, $0x0, v54;
	v41 =	vsel vm1, $0x0, v41;
	(erf) = vrcp.f32 v39  }
0x12b: {  	v35 =	vadd.s32 v40, v35;
	v38 =	vadd.s32 v41, v38  }
0x12c: {  	s16 =	simm.s32 $0x78370;
	v55 =	vperm.xlane v35, v7;
	v56 =	vperm.xlane v38, v7  }
0x12d: {  	v31 =	vadd.s32 v31, v32;
	v61 =	vor.u32 s16, v0;
	v60 =	vsel vm4, $0xFFF80000, v2  }
0x12e: {  	v33 =	vand.u32 $0x7FFFFFFF, v33;
	v57 =	vsel vm2, $0x0, v55;
	v58 =	vsel vm2, $0x0, v56  }
0x12f: {  	v32 =	vadd.s32 v57, v35;
	v59 =	vadd.s32 v58, v38;
	v38 =	vadd.s32 v34, v60  }
0x130: {  	v39 =	vsel vm4, v59, v32;
	v32 =	vperm.xlane v32, v8;
	v35 =	vperm.xlane v59, v8  }
0x131: {  	s17 =	simm.s32 $0x1E90;
	v34 =	vshrl.u32 v34, $0x11;
	vm4 =	vlt.f32 v33, v30;
	v37 =	vsub.s32 v39, v37  }
0x132: {  	s16 =	sand.u32 $0x3F80, s17;
	s15 =	simm.s32 $0x20;
	s12 =	simm.s32 $0xA500;
	v34 =	vperm.xlane v31, v34;
	v36 =	vshrl.u32 v37, v36;
	v32 =	vsel vm1, v32, v35  }
0x133: {  	s9 =	simm.s32 $0x12000;
	s13 =	simm.s32 $0xE280;
	s2 =	simm.s32 $0x10;
	[tilespmem:s12+$0x0] =	vst v38;
	v30 =	vsel vm4, v33, v30;
	v62 =	vand.u32 $0xFF, v36;
	v32 =	vshrl.u32 v32, v9;
	v63 =	vpop (erf)  }
0x134: {  	s17 =	sand.u32 $0x70, s2;
	s12 =	simm.s32 $0xA510;
	v29 =	vsel vm4, v61, v29;
	v32 =	vand.u32 $0xFF, v32;
	v33 =	vadd.s32 v34, v62;
	[tilespmem:s13+$0x0] =	vst v63;
	s13 =	simm.s32 $0xE290  }
.LBB2_14:
0x135: {  	s16 =	sor.u32 s17, s16  }
0x136: {  	[tilespmem:s9+$0x0] =	vst v33;
	v31 =	vadd.s32 v31, v32;
	s9 =	sadd.s32 $0x10, s9;
	s17 =	smov.u32 s15;
	s14 =	sadd.s32 $0x10, s15  }
0x137: {  	p1 =	sne.s32 s15, $0x1DA0;
	v32 =	vld [tilespmem:s16+$0x0];
	_ =	sdelay $0x3  }
0x138: {  	v33 =	vld [tilespmem:s16+$0x3D80]  }
0x139: {  	v32 =	vsub.f32 v32, v28;
	_ =	sdelay $0x1  }
0x13a: {  	v34 =	vmul.f32 $1.000000000e+01, v32;
	v32 =	vand.u32 $0x7FFFFFFF, v32  }
0x13b: {  	s15 =	sadd.s32 $0x78370, s2;
	s2 =	smov.u32 s17;
	vm4 =	vlt.f32 v32, v30  }
0x13c: {  	v35 =	vor.u32 s15, v0;
	v34 =	vmul.f32 $1.442695020e+00, v34;
	v36 =	vshrl.u32 v33, $0xE  }
0x13d: {  	v30 =	vsel vm4, v32, v30;
	v29 =	vsel vm4, v35, v29;
	v32 =	vand.u32 $0x18, v36  }
0x13e: {  	vm4 =	vgt.u32 v33, $0x7FFFF;
	v35 =	vshll.u32 v3, v32;
	(erf) = vpow2.f32 v34  }
0x13f: {  	v34 =	vsel vm4, $0xFFF80000, v2;
	v36 =	vsel vm4, $0x0, v35;
	v37 =	vnsel vm4, $0x0, v35  }
0x140: {  	v34 =	vadd.s32 v33, v34;
	v38 =	vperm.xlane v36, v4;
	v39 =	vperm.xlane v37, v4  }
0x141: {  	[tilespmem:s12+$0x0] =	vst v34  }
0x142: {  	v34 =	vsel vm3, $0x0, v38;
	v38 =	vsel vm3, $0x0, v39  }
0x143: {  	v34 =	vadd.s32 v34, v36;
	v36 =	vadd.s32 v37, v38  }
0x144: {  	v40 =	vperm.xlane v34, v5;
	v38 =	vperm.xlane v36, v5;
	_ =	sdelay $0x1  }
0x145: {  	v39 =	vsel vm0, $0x0, v40;
	v38 =	vsel vm0, $0x0, v38  }
0x146: {  	v34 =	vadd.s32 v39, v34;
	v36 =	vadd.s32 v38, v36;
	v37 =	vpop (erf)  }
0x147: {  	v37 =	vadd.f32 $1.000000000e+00, v37;
	v38 =	vperm.xlane v34, v6;
	v39 =	vperm.xlane v36, v6;
	_ =	sdelay $0x1  }
0x148: {  	v38 =	vsel vm1, $0x0, v38;
	v39 =	vsel vm1, $0x0, v39;
	(erf) = vrcp.f32 v37  }
0x149: {  	v34 =	vadd.s32 v38, v34;
	v36 =	vadd.s32 v39, v36  }
0x14a: {  	v37 =	vperm.xlane v34, v7;
	v38 =	vperm.xlane v36, v7;
	_ =	sdelay $0x1  }
0x14b: {  	v37 =	vsel vm2, $0x0, v37;
	v38 =	vsel vm2, $0x0, v38  }
0x14c: {  	v34 =	vadd.s32 v37, v34;
	v36 =	vadd.s32 v38, v36  }
.Ltmp5:
0x14d: {  	v37 =	vsel vm4, v36, v34;
	v38 =	vperm.xlane v34, v8;
	v36 =	vperm.xlane v36, v8;
	(pc) =	sbr.rel @p1 .LBB2_14-.Ltmp5, $4  }
0x14e: {  	v33 =	vshrl.u32 v33, $0x11;
	v35 =	vsub.s32 v37, v35  }
0x14f: {  	v33 =	vperm.xlane v31, v33;
	v32 =	vshrl.u32 v35, v32;
	v36 =	vsel vm1, v38, v36  }
0x150: {  	s15 =	sadd.s32 $0x1E80, s2;
	s17 =	sand.u32 $0x70, s2;
	s12 =	sadd.s32 $0x10, s12;
	v35 =	vand.u32 $0xFF, v32;
	v32 =	vshrl.u32 v36, v9;
	v34 =	vpop (erf)  }
0x151: {  	s16 =	sand.u32 $0x3F80, s15;
	s15 =	smov.u32 s14;
	v32 =	vand.u32 $0xFF, v32;
	v33 =	vadd.s32 v33, v35;
	[tilespmem:s13+$0x0] =	vst v34;
	s13 =	sadd.s32 $0x10, s13  }
.Ltmp6:
0x152: {  	_ = 	snop;
	(pc) =	sbr.rel .LBB2_15-.Ltmp6, $1  }
0x153: {  	_ =	sdelay $0x3  }
.LBB2_2:
0x154: {  	s9 =	rddreg [dreg:$0x8]  }
0x155: {  	[tilespmem:s2], [sflag:$0x3] =	stream.linear.gather [hbm4b:s9+s2], $0x3D10, $0x38;
	[tilespmem:$0x1E000] =	vst v63  }
0x156: {  	_ =	swait.ge [sflag:s7], $0x3D10  }
0x157: {  	[sflag:s7] =	ssyncset.done $0x0  }
0x158: {  	s17 =	rddreg [dreg:$0x9];
	[sflag:s7] =	ssyncadd.s32 $0xFFFFC2F0  }
0x159: {  	[tilespmem:s8], [sflag:$0x3] =	stream.linear.gather [hbm4b:s17+s2], $0x3D10, $0x38;
	[tilespmem:$0x1E000] =	vst v63  }
0x15a: {  	v29 =	vor.u32 s2, v0;
	_ =	swait.ge [sflag:s7], $0x3D10  }
0x15b: {  	v29 =	vand.u32 $0x7FF, v29;
	[sflag:s7] =	ssyncset.done $0x0  }
0x15c: {  	v29 =	vor.u32 $0x80000, v29;
	s2 =	simm.s32 $0x7C80;
	[sflag:s7] =	ssyncadd.s32 $0xFFFFC2F0  }
0x15d: {  	s9 =	simm.s32 $0x10;
	[tilespmem:s2+$0x0] =	vst v29  }
.LBB2_3:
0x15e: {  	p1 =	sne.s32 s9, $0x9F0  }
.Ltmp7:
0x15f: {  	_ = 	snop;
	(pc) =	sbr.rel @p1 .LBB2_3-.Ltmp7, $4  }
0x160: {  	v29 =	vor.u32 s9, v0  }
0x161: {  	v29 =	vand.u32 $0x7FF, v29  }
0x162: {  	s2 =	sadd.s32 $0x10, s2;
	v29 =	vor.u32 $0x80000, v29  }
0x163: {  	s9 =	sadd.s32 $0x10, s9;
	[tilespmem:s2+$0x0] =	vst v29  }
0x164: {  	[spmem:s6] =	stream.linear.scatter [tilespmem:s10], [sflag:$0x1], $0xA00, $0x38;
	[tilespmem:$0x1E000] =	vst v63  }
0x165: {  	s2 =	rddreg [dreg:$0xa]  }
0x166: {  	[spmem:s2] =	stream.linear.scatter [tilespmem:s10], [sflag:$0x1], $0xA00, $0x38;
	[tilespmem:$0x1E000] =	vst v63  }
0x167: {  	_ = 	snop  }
0x168: {  	[spmem:s26] =	stream.linear.scatter [tilespmem:s10], [sflag:$0x1], $0xA00, $0x38;
	[tilespmem:$0x1E000] =	vst v63  }
0x169: {  	_ = 	snop  }
0x16a: {  	[spmem:s28] =	stream.linear.scatter [tilespmem:s10], [sflag:$0x1], $0xA00, $0x38;
	[tilespmem:$0x1E000] =	vst v63  }
0x16b: {  	_ = 	snop  }
0x16c: {  	[spmem:s29] =	stream.linear.scatter [tilespmem:s10], [sflag:$0x1], $0xA00, $0x38;
	[tilespmem:$0x1E000] =	vst v63  }
0x16d: {  	_ = 	snop  }
0x16e: {  	[spmem:s30] =	stream.linear.scatter [tilespmem:s10], [sflag:$0x1], $0xA00, $0x38;
	[tilespmem:$0x1E000] =	vst v63  }
0x16f: {  	_ = 	snop  }
0x170: {  	[spmem:s31] =	stream.linear.scatter [tilespmem:s10], [sflag:$0x1], $0xA00, $0x38;
	[tilespmem:$0x1E000] =	vst v63  }
0x171: {  	s12 =	simm.s32 $0x0  }
0x172: {  	[spmem:s3] =	stream.linear.scatter [tilespmem:s10], [sflag:$0x1], $0xA00, $0x38;
	[tilespmem:$0x1E000] =	vst v63  }
0x173: {  	v29 =	vld [tilespmem:s12+$0x3D80];
	_ =	sdelay $0x2  }
0x174: {  	v30 =	vld [tilespmem:s12+$0x0];
	_ =	sdelay $0x1  }
0x175: {  	v31 =	vshrl.u32 v29, $0xE  }
0x176: {  	v32 =	vand.u32 $0x18, v31  }
0x177: {  	s9 =	simm.s32 $0x10;
	vm4 =	vgt.u32 v29, $0x7FFFF;
	v31 =	vshll.u32 v3, v32  }
0x178: {  	v41 =	vld [tilespmem:s9+$0x0];
	v30 =	vsub.f32 v30, v28;
	v34 =	vsel vm4, $0x0, v31  }
0x179: {  	vm3 =	veq.s32 v0, $0x0;
	v51 =	vimm.f32 $+Inf;
	v36 =	vperm.xlane v34, v4  }
0x17a: {  	v38 =	vimm.s32 $0x0;
	v33 =	vmul.f32 $1.000000000e+01, v30;
	v35 =	vnsel vm4, $0x0, v31  }
0x17b: {  	v39 =	vor.u32 s20, v0;
	v37 =	vperm.xlane v35, v4;
	v36 =	vsel vm3, $0x0, v36  }
0x17c: {  	v53 =	vshrl.u32 v29, $0x11;
	v33 =	vmul.f32 $1.442695020e+00, v33;
	v34 =	vadd.s32 v36, v34  }
0x17d: {  	v59 =	vsub.f32 v41, v28;
	v37 =	vsel vm3, $0x0, v37;
	v49 =	vperm.xlane v34, v5  }
0x17e: {  	v42 =	vsel vm4, $0xFFF80000, v2;
	(erf) = vpow2.f32 v33;
	v35 =	vadd.s32 v35, v37  }
0x17f: {  	vm6 =	vmmov vm4;
	v50 =	vperm.xlane v35, v5;
	v33 =	vsel vm0, $0x0, v49  }
0x180: {  	v30 =	vand.u32 $0x7FFFFFFF, v30;
	v42 =	vadd.s32 v29, v42;
	v33 =	vadd.s32 v33, v34  }
0x181: {  	v44 =	vand.u32 $0x7FFFFFFF, v59;
	v36 =	vsel vm0, $0x0, v50;
	v52 =	vperm.xlane v33, v6  }
0x182: {  	v45 =	vmul.f32 $1.000000000e+01, v59;
	vm5 =	vlt.f32 v30, v51;
	v35 =	vadd.s32 v36, v35;
	v34 =	vld [tilespmem:s9+$0x3D80]  }
0x183: {  	v30 =	vsel vm5, v30, v51;
	v40 =	vperm.xlane v35, v6;
	v29 =	vsel vm1, $0x0, v52  }
0x184: {  	v45 =	vmul.f32 $1.442695020e+00, v45;
	vm4 =	vlt.f32 v44, v30;
	v33 =	vadd.s32 v29, v33  }
0x185: {  	v30 =	vsel vm4, v44, v30;
	v54 =	vsel vm1, $0x0, v40;
	v55 =	vperm.xlane v33, v7  }
0x186: {  	v40 =	vadd.s32 v54, v35;
	v35 =	vperm.xlane v1, v53;
	v29 =	vsel vm5, v39, v38  }
0x187: {  	v57 =	vpop (erf);
	v56 =	vperm.xlane v40, v7;
	v60 =	vshrl.u32 v34, $0xE;
	v36 =	vsel vm2, $0x0, v55  }
0x188: {  	v58 =	vadd.f32 $1.000000000e+00, v57;
	v43 =	vadd.s32 v36, v33;
	v36 =	vand.u32 $0x18, v60  }
0x189: {  	vm5 =	vgt.u32 v34, $0x7FFFF;
	v37 =	vsel vm2, $0x0, v56;
	v33 =	vshll.u32 v3, v36  }
0x18a: {  	(erf) = vrcp.f32 v58;
	v61 =	vsel vm5, $0x0, v33;
	v62 =	vnsel vm5, $0x0, v33  }
0x18b: {  	v38 =	vadd.s32 v37, v40;
	v63 =	vperm.xlane v61, v4;
	v46 =	vperm.xlane v62, v4  }
0x18c: {  	(erf) = vpow2.f32 v45;
	v40 =	vsel vm6, v38, v43;
	v39 =	vperm.xlane v43, v8  }
0x18d: {  	s2 =	sadd.s32 $0x10, s20;
	v40 =	vsub.s32 v40, v31;
	v44 =	vsel vm3, $0x0, v63;
	v46 =	vsel vm3, $0x0, v46  }
0x18e: {  	s13 =	simm.s32 $0x80;
	s14 =	simm.s32 $0xC0;
	s15 =	simm.s32 $0x100;
	[tilespmem:s12+$0x8680] =	vst v42;
	v31 =	vor.u32 s2, v0;
	v37 =	vmovc v1;
	v42 =	vadd.s32 v44, v61;
	v41 =	vadd.s32 v62, v46  }
.LBB2_5:
0x18f: {  	p1 =	sne.s32 s15, $0x79C0;
	v43 =	vshrl.u32 v34, $0x11;
	v44 =	vperm.xlane v42, v5;
	v45 =	vperm.xlane v41, v5  }
0x190: {  	v46 =	vsel vm5, $0xFFF80000, v2;
	v40 =	vshrl.u32 v40, v32;
	v38 =	vperm.xlane v38, v8;
	v32 =	vmovc v36  }
0x191: {  	v40 =	vand.u32 $0xFF, v40;
	v36 =	vsel vm0, $0x0, v44;
	v44 =	vsel vm0, $0x0, v45  }
0x192: {  	v38 =	vsel vm1, v39, v38;
	v36 =	vadd.s32 v36, v42;
	v41 =	vadd.s32 v44, v41  }
0x193: {  	s16 =	sshra.s32 s13, $0x2;
	s13 =	smov.u32 s14;
	s14 =	smov.u32 s15;
	v47 =	vshrl.u32 v38, v9;
	v39 =	vperm.xlane v36, v6;
	v42 =	vperm.xlane v41, v6  }
0x194: {  	v45 =	vadd.s32 v34, v46;
	v35 =	vadd.s32 v35, v40;
	v46 =	vand.u32 $0xFF, v47;
	v44 =	vld [tilespmem:s16+$0x0]  }
0x195: {  	v37 =	vadd.s32 v37, v46;
	v34 =	vld [tilespmem:s16+$0x3D80];
	v39 =	vsel vm1, $0x0, v39;
	v40 =	vsel vm1, $0x0, v42;
	[tilespmem:s12+$0x10180] =	vst v35;
	v38 =	vpop (erf)  }
0x196: {  	v35 =	vperm.xlane v37, v43;
	v36 =	vadd.s32 v39, v36;
	v39 =	vadd.s32 v40, v41;
	[tilespmem:s12+$0xC400] =	vst v38;
	s12 =	smov.u32 s9;
	s9 =	smov.u32 s16  }
0x197: {  	v29 =	vsel vm4, v31, v29;
	s2 =	sadd.s32 $0x10, s2;
	v38 =	vperm.xlane v36, v7;
	v40 =	vperm.xlane v39, v7;
	[tilespmem:s12+$0x8680] =	vst v45;
	v41 =	vpop (erf)  }
0x198: {  	vm6 =	vmmov vm5;
	v31 =	vor.u32 s2, v0;
	v41 =	vadd.f32 $1.000000000e+00, v41  }
0x199: {  	v42 =	vsub.f32 v44, v28;
	v38 =	vsel vm2, $0x0, v38;
	v40 =	vsel vm2, $0x0, v40  }
0x19a: {  	vm5 =	vgt.u32 v34, $0x7FFFF;
	v43 =	vshrl.u32 v34, $0xE;
	v44 =	vadd.s32 v38, v36  }
0x19b: {  	v45 =	vmul.f32 $1.000000000e+01, v42;
	v42 =	vand.u32 $0x7FFFFFFF, v42;
	v36 =	vand.u32 $0x18, v43  }
0x19c: {  	v38 =	vadd.s32 v40, v39;
	vm4 =	vlt.f32 v42, v30;
	v43 =	vshll.u32 v3, v36  }
.Ltmp8:
0x19d: {  	v30 =	vsel vm4, v42, v30;
	v42 =	vsel vm5, $0x0, v43;
	v46 =	vnsel vm5, $0x0, v43;
	(pc) =	sbr.rel @p1 .LBB2_5-.Ltmp8, $4  }
0x19e: {  	v40 =	vsel vm6, v38, v44;
	v39 =	vperm.xlane v42, v4;
	v47 =	vperm.xlane v46, v4  }
0x19f: {  	v40 =	vsub.s32 v40, v33;
	v45 =	vmul.f32 $1.442695020e+00, v45;
	v33 =	vmovc v43;
	(erf) = vrcp.f32 v41  }
0x1a0: {  	v41 =	vsel vm3, $0x0, v39;
	v43 =	vsel vm3, $0x0, v47;
	v39 =	vperm.xlane v44, v8  }
0x1a1: {  	s15 =	sadd.s32 $0x40, s15;
	v42 =	vadd.s32 v41, v42;
	v41 =	vadd.s32 v46, v43;
	(erf) = vpow2.f32 v45  }
0x1a2: {  	v43 =	vperm.xlane v42, v5;
	v44 =	vshrl.u32 v34, $0x11  }
0x1a3: {  	v45 =	vperm.xlane v41, v5;
	v46 =	vsel vm5, $0xFFF80000, v2;
	v32 =	vshrl.u32 v40, v32  }
0x1a4: {  	s13 =	sshra.s32 s13, $0x2;
	v38 =	vperm.xlane v38, v8;
	vm5 =	vmmov vm5;
	vm3 =	veq.s32 v0, $0x0  }
0x1a5: {  	v49 =	vld [tilespmem:s13+$0x0];
	v32 =	vand.u32 $0xFF, v32;
	v48 =	vsel vm0, $0x0, v43;
	v45 =	vsel vm0, $0x0, v45  }
0x1a6: {  	v38 =	vsel vm1, v39, v38;
	v40 =	vadd.s32 v48, v42;
	v42 =	vld [tilespmem:s13+$0x3D80];
	v50 =	vadd.s32 v45, v41  }
0x1a7: {  	v38 =	vshrl.u32 v38, v9;
	v51 =	vperm.xlane v40, v6;
	v45 =	vperm.xlane v50, v6  }
0x1a8: {  	v52 =	vadd.s32 v34, v46;
	v35 =	vadd.s32 v35, v32;
	v38 =	vand.u32 $0xFF, v38  }
0x1a9: {  	v37 =	vadd.s32 v37, v38;
	v53 =	vsel vm1, $0x0, v51;
	v54 =	vsel vm1, $0x0, v45  }
0x1aa: {  	v32 =	vsub.f32 v49, v28;
	v44 =	vperm.xlane v37, v44;
	v55 =	vadd.s32 v53, v40  }
0x1ab: {  	[tilespmem:s12+$0x10180] =	vst v35;
	v57 =	vpop (erf);
	v39 =	vadd.s32 v54, v50;
	v56 =	vshrl.u32 v42, $0xE;
	v58 =	vperm.xlane v55, v7  }
0x1ac: {  	[tilespmem:s12+$0xC400] =	vst v57;
	v59 =	vperm.xlane v39, v7;
	v60 =	vpop (erf);
	v47 =	vmul.f32 $1.000000000e+01, v32;
	v40 =	vand.u32 $0x18, v56  }
0x1ad: {  	s17 =	sshra.s32 s14, $0x2;
	vm6 =	vgt.u32 v42, $0x7FFFF;
	[tilespmem:s9+$0x8680] =	vst v52;
	v46 =	vadd.f32 $1.000000000e+00, v60;
	v48 =	vshll.u32 v3, v40  }
0x1ae: {  	v43 =	vld [tilespmem:s17+$0x3D80];
	v47 =	vmul.f32 $1.442695020e+00, v47;
	v62 =	vsel vm2, $0x0, v58;
	v49 =	vsel vm6, $0x0, v48  }
0x1af: {  	v61 =	vnsel vm6, $0x0, v48;
	(erf) = vrcp.f32 v46;
	v46 =	vsel vm2, $0x0, v59  }
0x1b0: {  	v38 =	vadd.s32 v62, v55;
	v50 =	vperm.xlane v49, v4;
	v34 =	vadd.s32 v46, v39  }
0x1b1: {  	v63 =	vperm.xlane v61, v4;
	(erf) = vpow2.f32 v47;
	v53 =	vsel vm5, v34, v38  }
0x1b2: {  	v56 =	vld [tilespmem:s17+$0x0];
	v38 =	vperm.xlane v38, v8;
	v34 =	vperm.xlane v34, v8;
	v51 =	vsel vm3, $0x0, v50  }
0x1b3: {  	v52 =	vsel vm3, $0x0, v63;
	v33 =	vsub.s32 v53, v33;
	v60 =	vshrl.u32 v43, $0xE  }
0x1b4: {  	vm5 =	vgt.u32 v43, $0x7FFFF;
	v39 =	vadd.s32 v51, v49;
	v35 =	vadd.s32 v61, v52  }
0x1b5: {  	v33 =	vshrl.u32 v33, v36;
	v41 =	vand.u32 $0x18, v60;
	v54 =	vperm.xlane v39, v5  }
0x1b6: {  	v34 =	vsel vm1, v38, v34;
	v55 =	vperm.xlane v35, v5;
	v59 =	vand.u32 $0xFF, v33  }
0x1b7: {  	v33 =	vsub.f32 v56, v28;
	v46 =	vshll.u32 v3, v41;
	v57 =	vsel vm0, $0x0, v54  }
0x1b8: {  	v34 =	vshrl.u32 v34, v9;
	v63 =	vsel vm5, $0x0, v46;
	v36 =	vadd.s32 v57, v39  }
0x1b9: {  	v44 =	vadd.s32 v44, v59;
	v59 =	vnsel vm5, $0x0, v46;
	v39 =	vperm.xlane v36, v6;
	v47 =	vpop (erf)  }
0x1ba: {  	v34 =	vand.u32 $0xFF, v34;
	v58 =	vsel vm0, $0x0, v55;
	v54 =	vmul.f32 $1.000000000e+01, v33;
	v62 =	vpop (erf)  }
0x1bb: {  	v51 =	vperm.xlane v63, v4;
	v61 =	vsel vm1, $0x0, v39;
	v39 =	vadd.f32 $1.000000000e+00, v62  }
0x1bc: {  	v60 =	vperm.xlane v59, v4;
	v35 =	vadd.s32 v58, v35;
	v56 =	vmul.f32 $1.442695020e+00, v54  }
0x1bd: {  	v34 =	vadd.s32 v37, v34;
	v55 =	vperm.xlane v35, v6;
	(erf) = vrcp.f32 v39  }
0x1be: {  	v57 =	vsel vm3, $0x0, v51;
	v45 =	vsel vm3, $0x0, v60;
	(erf) = vpow2.f32 v56  }
0x1bf: {  	v45 =	vadd.s32 v59, v45;
	v38 =	vsel vm1, $0x0, v55;
	v36 =	vadd.s32 v61, v36  }
0x1c0: {  	v53 =	vperm.xlane v45, v5;
	v35 =	vadd.s32 v38, v35;
	v58 =	vperm.xlane v36, v7  }
0x1c1: {  	v39 =	vadd.s32 v57, v63;
	v63 =	vsel vm6, $0xFFF80000, v2;
	v52 =	vperm.xlane v35, v7  }
0x1c2: {  	vm6 =	vmmov vm6;
	v54 =	vsel vm0, $0x0, v53;
	v62 =	vperm.xlane v39, v5  }
0x1c3: {  	v45 =	vadd.s32 v54, v45;
	v61 =	vsel vm2, $0x0, v58;
	v49 =	vsel vm2, $0x0, v52  }
0x1c4: {  	v36 =	vadd.s32 v61, v36;
	v50 =	vsel vm0, $0x0, v62;
	v35 =	vadd.s32 v49, v35  }
0x1c5: {  	v57 =	vperm.xlane v45, v6;
	v39 =	vadd.s32 v50, v39;
	v56 =	vsel vm6, v35, v36  }
0x1c6: {  	v38 =	vadd.s32 v42, v63;
	v55 =	vperm.xlane v39, v6;
	v37 =	vsub.s32 v56, v48;
	v59 =	vpop (erf)  }
0x1c7: {  	v36 =	vperm.xlane v36, v8;
	v48 =	vsel vm1, $0x0, v57;
	v37 =	vshrl.u32 v37, v40;
	v60 =	vpop (erf)  }
0x1c8: {  	v45 =	vadd.s32 v48, v45;
	v58 =	vsel vm1, $0x0, v55;
	v40 =	vadd.f32 $1.000000000e+00, v60  }
0x1c9: {  	v35 =	vperm.xlane v35, v8;
	v62 =	vperm.xlane v45, v7;
	v39 =	vadd.s32 v58, v39  }
0x1ca: {  	v42 =	vshrl.u32 v42, $0x11;
	v61 =	vperm.xlane v39, v7;
	(erf) = vrcp.f32 v40  }
0x1cb: {  	vm15 =	vmmov vm5;
	v51 =	vshrl.u32 v43, $0x11;
	v63 =	vperm.xlane v34, v42  }
0x1cc: {  	v35 =	vsel vm1, v36, v35;
	v49 =	vsel vm2, $0x0, v61;
	v40 =	vsel vm2, $0x0, v62  }
0x1cd: {  	[tilespmem:s9+$0x10180] =	vst v44;
	v35 =	vshrl.u32 v35, v9;
	v39 =	vadd.s32 v49, v39;
	v40 =	vadd.s32 v40, v45  }
0x1ce: {  	[tilespmem:s9+$0xC400] =	vst v47;
	v37 =	vand.u32 $0xFF, v37;
	v35 =	vand.u32 $0xFF, v35;
	v52 =	vsel vm15, v40, v39  }
0x1cf: {  	[tilespmem:s13+$0x8680] =	vst v38;
	v36 =	vadd.s32 v63, v37;
	v34 =	vadd.s32 v34, v35;
	v53 =	vsub.s32 v52, v46  }
0x1d0: {  	v54 =	vsel vm5, $0xFFF80000, v2;
	[tilespmem:s13+$0x10180] =	vst v36;
	v55 =	vperm.xlane v34, v51;
	v35 =	vshrl.u32 v53, v41  }
0x1d1: {  	v37 =	vadd.s32 v43, v54;
	[tilespmem:s13+$0xC400] =	vst v59;
	v35 =	vand.u32 $0xFF, v35  }
0x1d2: {  	[tilespmem:s17+$0x8680] =	vst v37;
	v35 =	vadd.s32 v55, v35  }
0x1d3: {  	[tilespmem:s17+$0x10180] =	vst v35;
	v56 =	vpop (erf)  }
0x1d4: {  	[tilespmem:s17+$0xC400] =	vst v56  }
0x1d5: {  	_ =	swait.ge [sflag:s11], $0xA00  }
0x1d6: {  	[sflag:s11] =	ssyncset.done $0x0  }
0x1d7: {  	[sflag:s11] =	ssyncadd.s32 $0xFFFFF600  }
0x1d8: {  	_ =	swait.ge [sflag:s11], $0xA00  }
0x1d9: {  	[sflag:s11] =	ssyncset.done $0x0  }
0x1da: {  	[sflag:s11] =	ssyncadd.s32 $0xFFFFF600  }
0x1db: {  	_ =	swait.ge [sflag:s11], $0xA00  }
0x1dc: {  	[sflag:s11] =	ssyncset.done $0x0  }
0x1dd: {  	[sflag:s11] =	ssyncadd.s32 $0xFFFFF600  }
0x1de: {  	_ =	swait.ge [sflag:s11], $0xA00  }
0x1df: {  	[sflag:s11] =	ssyncset.done $0x0  }
0x1e0: {  	[sflag:s11] =	ssyncadd.s32 $0xFFFFF600  }
0x1e1: {  	_ =	swait.ge [sflag:s11], $0xA00  }
0x1e2: {  	[sflag:s11] =	ssyncset.done $0x0  }
0x1e3: {  	[sflag:s11] =	ssyncadd.s32 $0xFFFFF600  }
0x1e4: {  	_ =	swait.ge [sflag:s11], $0xA00  }
0x1e5: {  	[sflag:s11] =	ssyncset.done $0x0  }
0x1e6: {  	[sflag:s11] =	ssyncadd.s32 $0xFFFFF600  }
0x1e7: {  	_ =	swait.ge [sflag:s11], $0xA00  }
0x1e8: {  	[sflag:s11] =	ssyncset.done $0x0  }
0x1e9: {  	[sflag:s11] =	ssyncadd.s32 $0xFFFFF600  }
0x1ea: {  	_ =	swait.ge [sflag:s11], $0xA00  }
0x1eb: {  	[sflag:s11] =	ssyncset.done $0x0  }
0x1ec: {  	[sflag:s11] =	ssyncadd.s32 $0xFFFFF600  }
0x1ed: {  	s15 =	simm.s32 $0x8680;
	s13 =	simm.s32 $0x0;
	s14 =	rddreg [dreg:$0x5]  }
0x1ee: {  	[spmem:s14] =	stream.indirect.scatter [tilespmem:s15], [sflag:$0x2], $0x1, s18, s1, $0xb8;
	[tilespmem:$0x1E000] =	vst v63  }
0x1ef: {  	s9 =	sand.u32 $0x70, s13;
	s14 =	simm.s32 $0x1E80  }
0x1f0: {  	s17 =	simm.s32 $0xC400;
	s16 =	rddreg [dreg:$0x6];
	s12 =	sand.u32 $0x3F80, s14  }
0x1f1: {  	[spmem:s16] =	stream.indirect.scatter [tilespmem:s17], [sflag:$0x2], $0x1, s18, s1, $0xb8;
	[tilespmem:$0x1E000] =	vst v63  }
0x1f2: {  	s9 =	sor.u32 s9, s12  }
0x1f3: {  	v57 =	vld [tilespmem:s9+$0x0];
	_ =	sdelay $0x3  }
0x1f4: {  	v36 =	vld [tilespmem:s9+$0x3D80]  }
0x1f5: {  	v35 =	vsub.f32 v57, v28;
	_ =	sdelay $0x1  }
0x1f6: {  	v58 =	vmul.f32 $1.000000000e+01, v35;
	_ =	sdelay $0x1  }
0x1f7: {  	v59 =	vshrl.u32 v36, $0xE;
	v37 =	vmul.f32 $1.442695020e+00, v58  }
0x1f8: {  	v38 =	vand.u32 $0x18, v59  }
0x1f9: {  	vm5 =	vgt.u32 v36, $0x7FFFF;
	v41 =	vshll.u32 v3, v38;
	(erf) = vpow2.f32 v37  }
0x1fa: {  	v60 =	vsel vm5, $0x0, v41;
	v61 =	vnsel vm5, $0x0, v41  }
0x1fb: {  	s2 =	sadd.s32 $0x10, s2;
	v62 =	vperm.xlane v60, v4;
	v63 =	vperm.xlane v61, v4  }
0x1fc: {  	v29 =	vsel vm4, v31, v29;
	v31 =	vor.u32 s2, v0;
	v32 =	vand.u32 $0x7FFFFFFF, v32  }
0x1fd: {  	vm4 =	vlt.f32 v32, v30;
	v43 =	vsel vm3, $0x0, v62;
	v44 =	vsel vm3, $0x0, v63  }
0x1fe: {  	v30 =	vsel vm4, v32, v30;
	v46 =	vadd.s32 v43, v60;
	v47 =	vadd.s32 v61, v44  }
0x1ff: {  	v29 =	vsel vm4, v31, v29;
	v31 =	vperm.xlane v46, v5;
	v42 =	vperm.xlane v47, v5  }
0x200: {  	v33 =	vand.u32 $0x7FFFFFFF, v33;
	v39 =	vperm.xlane v39, v8;
	v40 =	vperm.xlane v40, v8  }
0x201: {  	vm4 =	vlt.f32 v33, v30;
	v31 =	vsel vm0, $0x0, v31;
	v42 =	vsel vm0, $0x0, v42  }
0x202: {  	v39 =	vsel vm1, v39, v40;
	v31 =	vadd.s32 v31, v46;
	v48 =	vadd.s32 v42, v47;
	v49 =	vpop (erf)  }
0x203: {  	s2 =	sadd.s32 $0x10, s2;
	v50 =	vperm.xlane v31, v6;
	v42 =	vperm.xlane v48, v6;
	v37 =	vadd.f32 $1.000000000e+00, v49  }
0x204: {  	v30 =	vsel vm4, v33, v30;
	v51 =	vor.u32 s2, v0;
	v52 =	vshrl.u32 v39, v9  }
0x205: {  	v53 =	vsel vm1, $0x0, v50;
	v54 =	vsel vm1, $0x0, v42;
	(erf) = vrcp.f32 v37  }
0x206: {  	v33 =	vand.u32 $0xFF, v52;
	v31 =	vadd.s32 v53, v31;
	v32 =	vadd.s32 v54, v48  }
0x207: {  	v35 =	vand.u32 $0x7FFFFFFF, v35;
	v55 =	vperm.xlane v31, v7;
	v56 =	vperm.xlane v32, v7  }
0x208: {  	s15 =	sadd.s32 $0x0, s0;
	v57 =	vsel vm4, v51, v29;
	v29 =	vadd.s32 v34, v33;
	vm4 =	vlt.f32 v35, v30  }
0x209: {  	v58 =	vor.u32 s15, v0;
	v59 =	vsel vm2, $0x0, v55;
	v60 =	vsel vm2, $0x0, v56  }
0x20a: {  	v61 =	vsel vm5, $0xFFF80000, v2;
	v31 =	vadd.s32 v59, v31;
	v32 =	vadd.s32 v60, v32  }
0x20b: {  	v34 =	vsel vm5, v32, v31;
	v31 =	vperm.xlane v31, v8;
	v32 =	vperm.xlane v32, v8  }
0x20c: {  	s2 =	simm.s32 $0x12000;
	v62 =	vadd.s32 v36, v61;
	v36 =	vshrl.u32 v36, $0x11;
	v34 =	vsub.s32 v34, v41  }
0x20d: {  	s13 =	simm.s32 $0xE280;
	s16 =	simm.s32 $0xA500;
	s17 =	simm.s32 $0x1E90;
	v36 =	vperm.xlane v29, v36;
	v34 =	vshrl.u32 v34, v38;
	v31 =	vsel vm1, v31, v32  }
0x20e: {  	s12 =	simm.s32 $0xA510;
	s9 =	simm.s32 $0x10;
	s15 =	simm.s32 $0x20;
	v30 =	vsel vm4, v35, v30;
	[tilespmem:s16+$0x0] =	vst v62;
	v34 =	vand.u32 $0xFF, v34;
	v32 =	vshrl.u32 v31, v9;
	v63 =	vpop (erf)  }
0x20f: {  	s16 =	sand.u32 $0x3F80, s17;
	s17 =	sand.u32 $0x70, s9;
	v31 =	vsel vm4, v58, v57;
	v32 =	vand.u32 $0xFF, v32;
	v33 =	vadd.s32 v36, v34;
	[tilespmem:s13+$0x0] =	vst v63;
	s13 =	simm.s32 $0xE290  }
.LBB2_7:
0x210: {  	s16 =	sor.u32 s17, s16  }
0x211: {  	[tilespmem:s2+$0x0] =	vst v33;
	v29 =	vadd.s32 v29, v32;
	s2 =	sadd.s32 $0x10, s2;
	s17 =	smov.u32 s15;
	s14 =	sadd.s32 $0x10, s15  }
0x212: {  	p1 =	seq.s32 s15, $0x1E80;
	v32 =	vld [tilespmem:s16+$0x0];
	_ =	sdelay $0x3  }
0x213: {  	v33 =	vld [tilespmem:s16+$0x3D80]  }
0x214: {  	v32 =	vsub.f32 v32, v28;
	_ =	sdelay $0x1  }
0x215: {  	v34 =	vmul.f32 $1.000000000e+01, v32;
	v32 =	vand.u32 $0x7FFFFFFF, v32  }
0x216: {  	s15 =	sadd.s32 s9, s0;
	s9 =	smov.u32 s17;
	vm4 =	vlt.f32 v32, v30  }
0x217: {  	v35 =	vor.u32 s15, v0;
	v34 =	vmul.f32 $1.442695020e+00, v34;
	v36 =	vshrl.u32 v33, $0xE  }
0x218: {  	v30 =	vsel vm4, v32, v30;
	v31 =	vsel vm4, v35, v31;
	v32 =	vand.u32 $0x18, v36  }
0x219: {  	vm4 =	vgt.u32 v33, $0x7FFFF;
	v35 =	vshll.u32 v3, v32;
	(erf) = vpow2.f32 v34  }
0x21a: {  	v34 =	vsel vm4, $0xFFF80000, v2;
	v36 =	vsel vm4, $0x0, v35;
	v37 =	vnsel vm4, $0x0, v35  }
0x21b: {  	v34 =	vadd.s32 v33, v34;
	v38 =	vperm.xlane v36, v4;
	v39 =	vperm.xlane v37, v4  }
0x21c: {  	[tilespmem:s12+$0x0] =	vst v34  }
0x21d: {  	v34 =	vsel vm3, $0x0, v38;
	v38 =	vsel vm3, $0x0, v39  }
0x21e: {  	v34 =	vadd.s32 v34, v36;
	v36 =	vadd.s32 v37, v38  }
0x21f: {  	v40 =	vperm.xlane v34, v5;
	v38 =	vperm.xlane v36, v5;
	_ =	sdelay $0x1  }
0x220: {  	v39 =	vsel vm0, $0x0, v40;
	v38 =	vsel vm0, $0x0, v38  }
0x221: {  	v34 =	vadd.s32 v39, v34;
	v36 =	vadd.s32 v38, v36;
	v37 =	vpop (erf)  }
0x222: {  	v37 =	vadd.f32 $1.000000000e+00, v37;
	v38 =	vperm.xlane v34, v6;
	v39 =	vperm.xlane v36, v6;
	_ =	sdelay $0x1  }
0x223: {  	v38 =	vsel vm1, $0x0, v38;
	v39 =	vsel vm1, $0x0, v39;
	(erf) = vrcp.f32 v37  }
0x224: {  	v34 =	vadd.s32 v38, v34;
	v36 =	vadd.s32 v39, v36  }
0x225: {  	v37 =	vperm.xlane v34, v7;
	v38 =	vperm.xlane v36, v7;
	_ =	sdelay $0x1  }
0x226: {  	v37 =	vsel vm2, $0x0, v37;
	v38 =	vsel vm2, $0x0, v38  }
0x227: {  	v34 =	vadd.s32 v37, v34;
	v36 =	vadd.s32 v38, v36  }
.Ltmp9:
0x228: {  	v37 =	vsel vm4, v36, v34;
	v38 =	vperm.xlane v34, v8;
	v36 =	vperm.xlane v36, v8;
	(pc) =	sbr.rel @!p1 .LBB2_7-.Ltmp9, $4  }
0x229: {  	v33 =	vshrl.u32 v33, $0x11;
	v35 =	vsub.s32 v37, v35  }
0x22a: {  	v33 =	vperm.xlane v29, v33;
	v32 =	vshrl.u32 v35, v32;
	v36 =	vsel vm1, v38, v36  }
0x22b: {  	s15 =	sadd.s32 $0x1E80, s9;
	s17 =	sand.u32 $0x70, s9;
	s12 =	sadd.s32 $0x10, s12;
	v35 =	vand.u32 $0xFF, v32;
	v32 =	vshrl.u32 v36, v9;
	v34 =	vpop (erf)  }
0x22c: {  	s16 =	sand.u32 $0x3F80, s15;
	s15 =	smov.u32 s14;
	v32 =	vand.u32 $0xFF, v32;
	v33 =	vadd.s32 v33, v35;
	[tilespmem:s13+$0x0] =	vst v34;
	s13 =	sadd.s32 $0x10, s13  }
0x22d: {  	s14 =	sor.u32 s17, s16;
	[tilespmem:s2+$0x0] =	vst v33  }
0x22e: {  	v33 =	vld [tilespmem:s14+$0x0];
	_ =	sdelay $0x3  }
0x22f: {  	v34 =	vld [tilespmem:s14+$0x3D80]  }
0x230: {  	v28 =	vsub.f32 v33, v28;
	_ =	sdelay $0x1  }
0x231: {  	v33 =	vmul.f32 $1.000000000e+01, v28;
	_ =	sdelay $0x1  }
0x232: {  	v35 =	vshrl.u32 v34, $0xE;
	v33 =	vmul.f32 $1.442695020e+00, v33  }
0x233: {  	v35 =	vand.u32 $0x18, v35  }
0x234: {  	vm3 =	vgt.u32 v34, $0x7FFFF;
	v36 =	vshll.u32 v3, v35;
	(erf) = vpow2.f32 v33  }
0x235: {  	v54 =	vsel vm3, $0x0, v36;
	v37 =	vnsel vm3, $0x0, v36  }
0x236: {  	v38 =	vperm.xlane v54, v4;
	v39 =	vperm.xlane v37, v4  }
0x237: {  	vm4 =	veq.s32 v0, $0x0  }
0x238: {  	v38 =	vsel vm4, $0x0, v38;
	v39 =	vsel vm4, $0x0, v39  }
0x239: {  	v33 =	vadd.s32 v38, v54;
	v37 =	vadd.s32 v37, v39  }
0x23a: {  	v38 =	vperm.xlane v33, v5;
	v39 =	vperm.xlane v37, v5;
	_ =	sdelay $0x1  }
0x23b: {  	v38 =	vsel vm0, $0x0, v38;
	v39 =	vsel vm0, $0x0, v39  }
0x23c: {  	v33 =	vadd.s32 v38, v33;
	v37 =	vadd.s32 v39, v37;
	v55 =	vpop (erf)  }
0x23d: {  	v56 =	vperm.xlane v33, v6;
	v40 =	vperm.xlane v37, v6;
	v38 =	vadd.f32 $1.000000000e+00, v55;
	_ =	sdelay $0x1  }
0x23e: {  	v57 =	vsel vm1, $0x0, v56;
	v58 =	vsel vm1, $0x0, v40;
	(erf) = vrcp.f32 v38  }
0x23f: {  	v33 =	vadd.s32 v57, v33;
	v37 =	vadd.s32 v58, v37  }
0x240: {  	v39 =	vperm.xlane v37, v7;
	v38 =	vperm.xlane v33, v7;
	_ =	sdelay $0x1  }
0x241: {  	v39 =	vsel vm2, $0x0, v39;
	v38 =	vsel vm2, $0x0, v38  }
0x242: {  	v37 =	vadd.s32 v39, v37;
	v33 =	vadd.s32 v38, v33  }
0x243: {  	v29 =	vadd.s32 v29, v32;
	v59 =	vsel vm3, v37, v33  }
.Ltmp10:
0x244: {  	v61 =	vshrl.u32 v34, $0x11;
	v60 =	vsel vm3, $0xFFF80000, v2;
	v32 =	vsub.s32 v59, v36;
	(pc) =	sbr.rel .LBB2_16-.Ltmp10, $4  }
0x245: {  	v29 =	vperm.xlane v29, v61;
	v33 =	vadd.s32 v34, v60;
	v32 =	vshrl.u32 v32, v35  }
0x246: {  	s9 =	sadd.s32 s9, s0;
	v28 =	vand.u32 $0x7FFFFFFF, v28;
	[tilespmem:s12+$0x0] =	vst v33;
	v32 =	vand.u32 $0xFF, v32;
	v62 =	vpop (erf)  }
0x247: {  	s17 =	sadd.s32 $0x10, s2;
	s2 =	rddreg [dreg:$0xc];
	v63 =	vor.u32 s9, v0;
	vm3 =	vlt.f32 v28, v30;
	v32 =	vadd.s32 v29, v32;
	[tilespmem:s13+$0x0] =	vst v62  }
0x248: {  	s9 =	rddreg [dreg:$0xb];
	v28 =	vsel vm3, v28, v30;
	v29 =	vsel vm3, v63, v31;
	[tilespmem:s17+$0x0] =	vst v32  }
.LBB2_17:
0x249: {  	_ =	sfence.sel $0x180000  }
0x24a: {  	[bflag:$0x0] =	sbarrier.arrive $0xFFFF  }
0x24b: {  	_ =	strace $0x90000047  }
0x24c: {  	s0 =	stileid.u32;
	[bflag:$0x2] =	sbarrier.arrive $0xFFFF  }
0x24d: {  	p0 =	sne.s32 s0, $0x0;
	s0 =	rddreg [dreg:$0x7]  }
0x24e: {  	s0 =	sadd.s32 @!p0 $0x100000, s0  }
0x24f: {  	[sflag:s0] =	ssyncadd.tile.s32 @!p0 $0x1;
	_ =	shalt  }
.Lfunc_end2:
_tile_overlayer_lowered:
.L_overlay_start_2:
0x250: {  	(tag) =	ssettag $0x2  }
0x251: {  	s0 =	rddreg [dreg:$0x0];
	s2 =	stileid.u32  }
0x252: {  	s1 =	rddreg [dreg:$0x1];
	p0 =	sne.s32 s2, $0x0  }
0x253: {  	s3 =	rddreg [dreg:$0x2];
	[bflag:$0x3] =	sbarrier.arrive $0xFFFF;
	s2 =	simm.s32 @!p0 $0x1C03  }
0x254: {  	[timem:s3], [sflag:s2] =	dma.local @!p0 [hbm:s0], s1  }
0x255: {  	s0 =	simm.s32 @!p0 $0x3  }
0x256: {  	_ =	swait.ge @!p0 [sflag:s0], s1  }
0x257: {  	s1 =	ssub.s32 @!p0 $0x0, s1;
	[sflag:s0] =	ssyncset.done @!p0 $0x0  }
0x258: {  	[sflag:s0] =	ssyncadd.s32 @!p0 s1  }
0x259: {  	[bflag:$0x3] =	sbarrier.arrive $0xFFFF  }
0x25a: {  	_ =	shalt  }

// kernel: kernel.7.cloned.1.call-start
scs
__scs_entry_jumppad:
0x0: {  	(pc) =	sbr.rel $0x88, $3  }
0x1: {  	(tag) =	ssettag $0x0;
	lr =	simm.s32 $0x1  }
0x2: {  	[smem:$0x3F9D] =	sst lr;
	_ =	strace $0xD0000000  }
0x3: {  	_ = 	snop  }
0x4: {  	_ = 	snop  }
0x5: {  	_ = 	snop  }
0x6: {  	_ = 	snop  }
0x7: {  	_ = 	snop  }
__scs_overlays_trampoline_lowered:
0x8: {  	[smem:$0x3FAC] =	sst s0  }
0x9: {  	[smem:$0x3FAD] =	sst s1  }
0xa: {  	[smem:$0x3FAE] =	sst s2  }
0xb: {  	[smem:$0x3FAF] =	sst s3  }
0xc: {  	[smem:$0x3FB0] =	sst s4  }
0xd: {  	[smem:$0x3FB1] =	sst s5  }
0xe: {  	[smem:$0x3FB2] =	sst s6  }
0xf: {  	[smem:$0x3FB3] =	sst s7  }
0x10: {  	[smem:$0x3FB4] =	sst s8  }
0x11: {  	[smem:$0x3FB5] =	sst s9;
	s0 =	simm.s32 @!p0 $0x0  }
0x12: {  	s1 =	sld [smem:$0x3F9B];
	s0 =	simm.s32 @p0 $0x1  }
0x13: {  	[smem:$0x3FB6] =	sst s0;
	s0 =	simm.s32 @!p1 $0x0  }
0x14: {  	s2 =	sld [smem:$0x3F9A];
	s0 =	simm.s32 @p1 $0x1  }
0x15: {  	[smem:$0x3FB7] =	sst s0;
	s0 =	simm.s32 @!p2 $0x0  }
0x16: {  	s3 =	sld [smem:$0x3FDB];
	s0 =	simm.s32 @p2 $0x1  }
0x17: {  	s4 =	simm.s32 $0x1BF5;
	[smem:$0x3FB9] =	sst s0  }
0x18: {  	s0 =	sld [smem:$0x3F9C];
	_ =	swait.ge [sflag:s4], $0x0  }
0x19: {  	s7 =	sld [smem:$0x3F9D]  }
0x1a: {  	s8 =	sadd.s32 $0xFFFFE003, lr  }
0x1b: {  	s9 =	sadd.s32 $0xFFFFFEF7, lr;
	s5 =	simm.s32 $0xFFFFFFFF;
	p2 =	slt.u32 s8, $0xFFFFF086  }
0x1c: {  	p1 =	slt.u32 s9, $0xF7A;
	s5 =	simm.s32 @!p2 $0x0  }
0x1d: {  	s5 =	simm.s32 @p1 $0x1;
	p0 =	seq.s32 s7, s2  }
0x1e: {  	s7 =	smul.u32 @!p0 $0xF7A, s2;
	p2 =	seq.s32 @!p0 s5, $0x0  }
0x1f: {  	s9 =	smul.u32 $0xF7A, s1;
	s8 =	simm.s32 @!p0 $0x1BF5;
	p2 =	por !p2, p0  }
0x20: {  	[sflag:s8] =	ssyncset.s32 @!p0 $0xFFFFF086;
	s6 =	sadd.s32 @!p0 s3, s7;
	s7 =	simm.s32 @!p0 $0x108  }
0x21: {  	s3 =	sadd.s32 s3, s9;
	s6 =	sadd.s32 @!p0 $0x88, s6;
	s7 =	simm.s32 @p2 $0x1082  }
0x22: {  	[simem:s7], [sflag:s8] =	dma.local @!p0 [hbm:s6], $0xF7A  }
0x23: {  	s9 =	sor.u32 $0xD0000000, s2;
	s6 =	simm.s32 $0x108;
	_ =	swait.ge @!p0 [sflag:s8], $0x0  }
0x24: {  	s3 =	sadd.s32 $0x88, s3;
	s6 =	simm.s32 @!p1 $0x1082;
	[sflag:s4] =	ssyncset.s32 $0xFFFFF086  }
0x25: {  	[simem:s6], [sflag:s4] =	dma.local [hbm:s3], $0xF7A  }
0x26: {  	[smem:$0x3F9D] =	sst s1;
	(tag) =	ssettag s2;
	_ =	strace s9  }
0x27: {  	s1 =	sld [smem:$0x3FAD]  }
0x28: {  	s2 =	sld [smem:$0x3FAE]  }
0x29: {  	s4 =	sld [smem:$0x3FB0]  }
0x2a: {  	p0 =	seq.s32 s5, $0x0;
	s5 =	sld [smem:$0x3FB1]  }
0x2b: {  	s6 =	sld [smem:$0x3FB2]  }
0x2c: {  	s7 =	sld [smem:$0x3FB3]  }
0x2d: {  	s3 =	simm.s32 $0x108;
	s8 =	sld [smem:$0x3FB4]  }
0x2e: {  	s3 =	simm.s32 @!p0 $0x1082;
	s9 =	sld [smem:$0x3FB5]  }
0x2f: {  	lr =	sadd.s32 s0, s3;
	s0 =	sld [smem:$0x3FAC]  }
0x30: {  	s3 =	sld [smem:$0x3FAF]  }
0x31: {  	[smem:$0x3FB8] =	sst s10  }
0x32: {  	s10 =	sld [smem:$0x3FB6];
	_ =	sdelay $0x3  }
0x33: {  	p0 =	seq.s32 s10, $0x1;
	s10 =	sld [smem:$0x3FB8];
	_ =	sdelay $0x3  }
0x34: {  	[smem:$0x3FB8] =	sst s10  }
0x35: {  	s10 =	sld [smem:$0x3FB7];
	_ =	sdelay $0x3  }
0x36: {  	p1 =	seq.s32 s10, $0x1;
	s10 =	sld [smem:$0x3FB8];
	_ =	sdelay $0x3  }
0x37: {  	[smem:$0x3FB8] =	sst s10  }
0x38: {  	s10 =	sld [smem:$0x3FB9]  }
0x39: {  	_ = 	snop;
	(pc) =	sbr.ind lr, $3  }
0x3a: {  	_ = 	snop  }
0x3b: {  	_ = 	snop  }
0x3c: {  	p2 =	seq.s32 s10, $0x1;
	s10 =	sld [smem:$0x3FB8]  }
0x3d: {  	_ =	shalt  }
0x3e: {  	_ =	shalt  }
0x3f: {  	_ =	shalt  }
0x40: {  	_ =	shalt  }
0x41: {  	_ =	shalt  }
0x42: {  	_ =	shalt  }
0x43: {  	_ =	shalt  }
0x44: {  	_ =	shalt  }
0x45: {  	_ =	shalt  }
0x46: {  	_ =	shalt  }
0x47: {  	_ =	shalt  }
0x48: {  	_ =	shalt  }
0x49: {  	_ =	shalt  }
0x4a: {  	_ =	shalt  }
0x4b: {  	_ =	shalt  }
0x4c: {  	_ =	shalt  }
0x4d: {  	_ =	shalt  }
0x4e: {  	_ =	shalt  }
0x4f: {  	_ =	shalt  }
0x50: {  	_ =	shalt  }
0x51: {  	_ =	shalt  }
0x52: {  	_ =	shalt  }
0x53: {  	_ =	shalt  }
0x54: {  	_ =	shalt  }
0x55: {  	_ =	shalt  }
0x56: {  	_ =	shalt  }
0x57: {  	_ =	shalt  }
0x58: {  	_ =	shalt  }
0x59: {  	_ =	shalt  }
0x5a: {  	_ =	shalt  }
0x5b: {  	_ =	shalt  }
0x5c: {  	_ =	shalt  }
0x5d: {  	_ =	shalt  }
0x5e: {  	_ =	shalt  }
0x5f: {  	_ =	shalt  }
0x60: {  	_ =	shalt  }
0x61: {  	_ =	shalt  }
0x62: {  	_ =	shalt  }
0x63: {  	_ =	shalt  }
0x64: {  	_ =	shalt  }
0x65: {  	_ =	shalt  }
0x66: {  	_ =	shalt  }
0x67: {  	_ =	shalt  }
0x68: {  	_ =	shalt  }
0x69: {  	_ =	shalt  }
0x6a: {  	_ =	shalt  }
0x6b: {  	_ =	shalt  }
0x6c: {  	_ =	shalt  }
0x6d: {  	_ =	shalt  }
0x6e: {  	_ =	shalt  }
0x6f: {  	_ =	shalt  }
0x70: {  	_ =	shalt  }
0x71: {  	_ =	shalt  }
0x72: {  	_ =	shalt  }
0x73: {  	_ =	shalt  }
0x74: {  	_ =	shalt  }
0x75: {  	_ =	shalt  }
0x76: {  	_ =	shalt  }
0x77: {  	_ =	shalt  }
0x78: {  	_ =	shalt  }
0x79: {  	_ =	shalt  }
0x7a: {  	_ =	shalt  }
0x7b: {  	_ =	shalt  }
0x7c: {  	_ =	shalt  }
0x7d: {  	_ =	shalt  }
0x7e: {  	_ =	shalt  }
0x7f: {  	_ =	shalt  }
0x80: {  	_ =	shalt  }
0x81: {  	_ =	shalt  }
0x82: {  	_ =	shalt  }
0x83: {  	_ =	shalt  }
0x84: {  	_ =	shalt  }
0x85: {  	_ =	shalt  }
0x86: {  	_ =	shalt  }
0x87: {  	_ =	shalt  }
.Lfunc_end0:
.L_simem_size_0:
called_computation.1_lowered:
.L_overlay_start_0:
0x88: {  	s2 =	sld [smem:$0x3FD9]  }
0x89: {  	s3 =	sld [smem:$0x3FFE];
	_ =	sdelay $0x1  }
0x8a: {  	s1 =	srdreg.scid  }
0x8b: {  	s0 =	sand.u32 $0x1, s1  }
0x8c: {  	s14 =	sshll.u32 s0, $0xA;
	s2 =	sadd.s32 s3, s2  }
0x8d: {  	s2 =	sadd.s32 s2, s14  }
0x8e: {  	[smem:$0x3FC4] =	sst s2  }
0x8f: {  	_ = 	snop  }
0x90: {  	s2 =	sld [smem:$0x3FD0];
	_ =	sdelay $0x2  }
0x91: {  	s4 =	simm.s32 $0xA;
	s5 =	simm.s32 $0x10;
	s15 =	sld [smem:$0x3FC7]  }
0x92: {  	[smem:s5], [sflag:s4] =	dma.local [hbm:s2], $0x1  }
0x93: {  	_ =	swait.eq [sflag:s4], $0x1  }
0x94: {  	s16 =	sld [smem:$0x10];
	[sflag:s4] =	ssyncset.done $0x0  }
0x95: {  	s17 =	sld [smem:$0x11];
	[sflag:s4] =	ssyncadd.s32 $0xFFFFFFFF  }
0x96: {  	s18 =	sld [smem:$0x13];
	(tm) =	ssettm $0x1  }
0x97: {  	s6 =	sld [smem:$0x3FFB];
	_ =	sdelay $0x3  }
0x98: {  	_ =	strace s6  }
0x99: {  	s6 =	sld [smem:$0x3FFC];
	_ =	sdelay $0x3  }
0x9a: {  	_ =	strace s6  }
0x9b: {  	s6 =	sld [smem:$0x3FFD];
	_ =	sdelay $0x3  }
0x9c: {  	_ =	strace s6  }
0x9d: {  	_ =	strace $0x8FFFFFFF  }
0x9e: {  	s19 =	sld [smem:$0x3FDB];
	_ =	sdelay $0x1  }
0x9f: {  	s7 =	simm.s32 $_scs_section_size  }
0xa0: {  	s8 =	simm.s32 $_size__tile_overlayer_lowered;
	s9 =	simm.s32 $_tile_overlayer_lowered  }
0xa1: {  	s22 =	simm.s32 $0x1BFF;
	s21 =	sshll.u32 s9, $0x1;
	s6 =	sadd.s32 s7, s19  }
0xa2: {  	s10 =	simm.s32 $0x0;
	s20 =	sshll.u32 s8, $0x1;
	s8 =	sadd.s32 s21, s6  }
0xa3: {  	[timem:s10], [sflag:s22] =	dma.local [hbm:s8], s20  }
0xa4: {  	_ =	swait.ge [sflag:s22], s20  }
0xa5: {  	s7 =	ssub.s32 $0x0, s20;
	[sflag:s22] =	ssyncset.done $0x0  }
0xa6: {  	[sflag:s22] =	ssyncadd.s32 s7;
	_ =	sdelay $0x1  }
0xa7: {  	s23 =	simm.s32 $0x1B8B  }
0xa8: {  	_ =	swait.ge [sflag:s23], $0x1  }
0xa9: {  	[sflag:s23] =	ssyncset.done $0x0  }
0xaa: {  	s25 =	simm.s32 $0x1B8E;
	s24 =	sld [smem:$0x3FFE];
	[sflag:s23] =	ssyncadd.s32 $0xFFFFFFFF  }
0xab: {  	s26 =	simm.s32 $execute0_lowered;
	[smem:$0x3FD2] =	sst s25  }
0xac: {  	s8 =	sshll.u32 s26, $0x1;
	_ =	strace $0x80000049;
	[dreg:$0x1] =	wrdreg $0xFFFFFFFF  }
0xad: {  	s28 =	simm.s32 $_size_execute0_lowered;
	s6 =	sadd.s32 s6, s8;
	[dreg:$0x0] =	wrdreg $0x0  }
0xae: {  	s8 =	sshll.u32 s28, $0x1;
	[dreg:$0x2] =	wrdreg s6  }
0xaf: {  	[dreg:$0x3] =	wrdreg s8  }
0xb0: {  	[dreg:$0x4] =	wrdreg $0xC0  }
0xb1: {  	_ =	task [dreg:s10], $0x5FFFF  }
0xb2: {  	[dreg:$0x1] =	wrdreg $0xFFFFFFFF  }
0xb3: {  	[dreg:$0x0] =	wrdreg $0x60  }
0xb4: {  	[dreg:$0x2] =	wrdreg s17  }
0xb5: {  	[dreg:$0x3] =	wrdreg s24  }
0xb6: {  	[dreg:$0x4] =	wrdreg s15  }
0xb7: {  	[dreg:$0x5] =	wrdreg s16  }
0xb8: {  	[dreg:$0x6] =	wrdreg s18  }
0xb9: {  	[dreg:$0x7] =	wrdreg $0x0  }
0xba: {  	[dreg:$0x8] =	wrdreg $0x9  }
0xbb: {  	_ =	task.clear_ibuf [dreg:s10], $0x9FFFF;
	_ =	strace $0x90000049  }
0xbc: {  	s29 =	simm.s32 $0x9;
	_ =	strace $0x8000004B  }
0xbd: {  	_ =	swait.ge [sflag:s29], $0x1  }
0xbe: {  	[sflag:s29] =	ssyncadd.s32 $0xFFFFFFFF  }
0xbf: {  	_ =	strace $0x9000004B  }
0xc0: {  	_ =	sfence  }
0xc1: {  	s30 =	sld [smem:$0x0];
	_ =	sdelay $0x2  }
0xc2: {  	s31 =	sshll.u32 s1, $0xD;
	s1 =	sshrl.u32 s1, $0x2  }
0xc3: {  	s3 =	sand.u32 $0x4000, s31;
	s1 =	sadd.s32 s1, s30  }
0xc4: {  	s0 =	sor.u32 s3, s0;
	s1 =	sshll.u32 s1, $0x11  }
0xc5: {  	s0 =	sor.u32 s1, s0  }
0xc6: {  	s0 =	sadd.s32 $0x8F2B, s0  }
0xc7: {  	[sflag:s0] =	ssyncadd.remote.s32 $0x1  }
0xc8: {  	_ =	sfence.sel $0xFFFF  }
0xc9: {  	[dreg:$0x0] =	wrdreg $0xFFFFFFFF;
	(pc) =	sbr.abs _section_cstart, $3  }
0xca: {  	[dreg:$0x1] =	wrdreg $0xFFFFFFFF  }
0xcb: {  	_ =	task.clear_ibuf [dreg:s10], $0x2FFFF;
	_ =	strace $0x9FFFFFFF  }
0xcc: {  	(tm) =	ssettm $0x7FFFFFFF  }
0xcd: {  	_ =	shalt  }
tec
execute0_lowered:
.L_overlay_start_1:
0x0: {  	(tag) =	ssettag $0x1  }
0x1: {  	s0 =	rddreg [dreg:$0x0]  }
0x2: {  	s2 =	rddreg [dreg:$0x1]  }
0x3: {  	s1 =	srdreg.scid;
	s11 =	stileid.u32  }
0x4: {  	s3 =	sand.u32 $0x1, s1;
	s1 =	rddreg [dreg:$0x3];
	s5 =	sshrl.u32 s11, $0x2  }
0x5: {  	s8 =	sadd.s32 $0x1000, s2;
	s26 =	ssub.s32 $0x0, s11;
	s4 =	sshll.u32 s3, $0x2  }
0x6: {  	s6 =	ssub.s32 $0x2, s3;
	s15 =	sshll.u32 s3, $0x4;
	s5 =	sor.u32 s5, s4  }
0x7: {  	p1 =	seq.s32 s3, $0x1;
	s3 =	sadd.s32 $0x1D9BC, s1;
	s5 =	smul.u32 $0xA000, s5  }
0x8: {  	s4 =	rddreg [dreg:$0x5];
	s7 =	sshrl.u32 s6, $0x1;
	p2 =	sne.s32 s15, s26  }
0x9: {  	s15 =	smul.u32 $0x20200, s11;
	p4 =	seq.s32 @p1 s11, $0xF;
	s5 =	sshrl.u32 s5, $0x3  }
0xa: {  	s6 =	ssub.s32 s6, s7;
	p3 =	por !p4, !p1;
	s9 =	sadd.s32 s0, s5  }
0xb: {  	s16 =	sadd.s32 $0x500, s5;
	s10 =	sadd.s32 s8, s5;
	[dreg:$0x7] =	wrdreg s9  }
0xc: {  	p4 =	por p4, !p1;
	[dreg:$0x8] =	wrdreg s10;
	s17 =	sadd.s32 s0, s16  }
0xd: {  	s18 =	sadd.s32 $0xA00, s5;
	s9 =	sadd.s32 s8, s16;
	[dreg:$0x9] =	wrdreg s17  }
0xe: {  	s20 =	sadd.s32 $0xF00, s5;
	s19 =	sadd.s32 s0, s18;
	[dreg:$0xa] =	wrdreg s9  }
0xf: {  	s22 =	sadd.s32 $0xA000, s5;
	s10 =	sadd.s32 s8, s18;
	[dreg:$0xb] =	wrdreg s19  }
0x10: {  	s24 =	sadd.s32 $0xA500, s5;
	s21 =	sadd.s32 s0, s20;
	[dreg:$0xc] =	wrdreg s10  }
0x11: {  	s12 =	sadd.s32 $0xAA00, s5;
	s23 =	sadd.s32 s0, s22;
	[dreg:$0xd] =	wrdreg s21  }
0x12: {  	s5 =	sadd.s32 $0xAF00, s5;
	s25 =	sadd.s32 s0, s24;
	[dreg:$0xf] =	wrdreg s23  }
0x13: {  	s13 =	sadd.s32 s0, s12;
	s7 =	sadd.s32 s8, s12;
	[dreg:$0x11] =	wrdreg s25  }
0x14: {  	s0 =	sadd.s32 s0, s5;
	s14 =	sadd.s32 s8, s5;
	[dreg:$0x13] =	wrdreg s13  }
0x15: {  	s16 =	sand.u32 $0x3, s11;
	s18 =	sshll.u32 s11, $0xF;
	[dreg:$0x14] =	wrdreg s7  }
0x16: {  	s5 =	smax.u32 s6, $0x1;
	s12 =	simm.s32 $0x8080;
	[dreg:$0x15] =	wrdreg s0  }
0x17: {  	s9 =	sadd.s32 s8, s20;
	s10 =	sadd.s32 s8, s22;
	[dreg:$0x16] =	wrdreg s14  }
0x18: {  	s21 =	simm.s32 $0x0;
	p6 =	sne.s32 s16, $0x0;
	s17 =	sadd.s32 $0x15000, s2  }
0x19: {  	s2 =	sadd.s32 $0x15200, s2;
	s0 =	sshrl.u32 s15, $0x2;
	s19 =	smul.u32 $0x7420, s11  }
0x1a: {  	s25 =	sadd.s32 s18, s4;
	s20 =	sshll.u32 s11, $0xC;
	s11 =	simm.s32 $0x4  }
0x1b: {  	s13 =	simm.s32 $0x11080;
	s14 =	simm.s32 $0x1;
	[dreg:$0xe] =	wrdreg s9  }
0x1c: {  	s15 =	simm.s32 $0xE880;
	s16 =	simm.s32 $0x13880;
	[dreg:$0x10] =	wrdreg s10  }
0x1d: {  	s9 =	sadd.s32 s8, s24;
	[smem:$0x7FF] =	sst s21;
	s24 =	sadd.s32 s0, s4  }
0x1e: {  	s0 =	sor.u32 $0x4000, s18;
	s31 =	sadd.s32 s1, s20;
	s10 =	sadd.s32 $0x70DE0, s4  }
0x1f: {  	s18 =	simm.s32 $0x2;
	[dreg:$0x12] =	wrdreg s9;
	s22 =	sshrl.u32 s0, $0x3  }
0x20: {  	s23 =	sshrl.u32 s19, $0x3;
	s28 =	sadd.s32 s0, s4;
	s30 =	sadd.s32 s19, s4  }
0x21: {  	s6 =	sadd.s32 $0x4000, s24;
	s7 =	sadd.s32 $0x8000, s24;
	s9 =	sadd.s32 $0x6CDE0, s4  }
0x22: {  	s4 =	simm.s32 @!p2 $0x0;
	_ =	strace $0x8000004A;
	[dreg:$0x17] =	wrdreg s17  }
.Ltmp0:
0x23: {  	[dreg:$0x18] =	wrdreg s2;
	s29 =	sadd.s32 s1, s22;
	(pc) =	sbr.rel .LBB2_1-.Ltmp0, $4  }
0x24: {  	s26 =	sadd.s32 s1, s23;
	s1 =	sadd.s32 $0x1E1BC, s1;
	s4 =	simm.s32 @p2 $0x1  }
0x25: {  	s8 =	sadd.s32 $0x4000, s30;
	[smem:$0x7FC] =	sst s4;
	s4 =	simm.s32 @!p6 $0x0  }
0x26: {  	s17 =	simm.s32 $0x2800;
	s22 =	simm.s32 $0x0;
	s4 =	simm.s32 @p6 $0x1  }
0x27: {  	v0 =	vimm.f32 $1.000000000e+00;
	s2 =	sadd.s32 $0x10000, s26;
	s0 =	sadd.s32 $0x10800, s26;
	[smem:$0x7FD] =	sst s4  }
.LBB2_8:
0x28: {  	p0 =	slt.s32 s25, s23  }
0x29: {  	(v2sf) =	vpush v2, $0x0;
	p2 =	slt.f32 s20, s19;
	p0 =	por !p5, !p0  }
0x2a: {  	(v2sf) =	vpush v1, $0x0;
	p0 =	por !p0, !p0  }
0x2b: {  	p0 =	por p2, p0  }
0x2c: {  	s26 =	spop (v2sf);
	s19 =	smov.u32 @p0 s20  }
0x2d: {  	s23 =	smov.u32 @p0 s25;
	s20 =	spop (v2sf);
	p2 =	seq.f32 s26, s19  }
0x2e: {  	p5 =	slt.s32 s20, s23  }
0x2f: {  	p6 =	slt.f32 s26, s19;
	p0 =	por !p2, !p5  }
0x30: {  	p0 =	por !p0, !p0  }
0x31: {  	p0 =	por p6, p0  }
0x32: {  	s25 =	spop (v2sf);
	s19 =	smov.u32 @p0 s26  }
0x33: {  	s23 =	smov.u32 @p0 s20;
	s20 =	spop (v2sf);
	p2 =	seq.f32 s25, s19  }
0x34: {  	p5 =	slt.s32 s20, s23  }
0x35: {  	p6 =	slt.f32 s25, s19;
	p0 =	por !p2, !p5  }
0x36: {  	p0 =	por !p0, !p0  }
0x37: {  	p0 =	por p6, p0  }
0x38: {  	s26 =	spop (v2sf);
	s19 =	smov.u32 @p0 s25  }
0x39: {  	s23 =	smov.u32 @p0 s20;
	s20 =	spop (v2sf);
	p2 =	seq.f32 s26, s19  }
0x3a: {  	p5 =	slt.s32 s20, s23  }
0x3b: {  	p6 =	slt.f32 s26, s19;
	p0 =	por !p2, !p5  }
0x3c: {  	p0 =	por !p0, !p0  }
0x3d: {  	p0 =	por p6, p0  }
0x3e: {  	s23 =	smov.u32 @p0 s20  }
0x3f: {  	s25 =	simm.s32 $0x18080;
	v1 =	vmov s23  }
0x40: {  	s26 =	simm.s32 $0x18100;
	s20 =	rddreg [dreg:$0x2];
	s23 =	simm.s32 $0x10;
	[tilespmem:$0x18080] =	vst v1  }
0x41: {  	[tilespmem:s26], [sflag:$0x3] =	stream.indirect.gather [hbm4b:s20+s23], $0x1, s25, s23, $0xb8;
	[tilespmem:$0x18180] =	vst v63  }
0x42: {  	s23 =	simm.s32 $0x3  }
0x43: {  	_ =	swait.ge [sflag:s23], $0x10  }
0x44: {  	[sflag:s23] =	ssyncset.done $0x0  }
0x45: {  	[sflag:s23] =	ssyncadd.s32 $0xFFFFFFF0  }
0x46: {  	s19 =	rddreg [dreg:$0x4]  }
0x47: {  	[hbm4b:s19+s21] =	stream.linear.scatter [tilespmem:s26], [sflag:$0x4], $0x80, $0x38;
	[tilespmem:$0x18180] =	vst v63  }
0x48: {  	_ =	swait.ge [sflag:s11], $0x80  }
0x49: {  	s25 =	sld [smem:$0x7FC]  }
0x4a: {  	s28 =	smov.u32 s2;
	s2 =	smov.u32 s1;
	s26 =	sld [smem:$0x7FD]  }
0x4b: {  	s1 =	smov.u32 s24;
	s24 =	smov.u32 s6;
	[sflag:s11] =	ssyncset.done $0x0  }
0x4c: {  	s6 =	smov.u32 s8;
	s8 =	smov.u32 s4;
	[sflag:s11] =	ssyncadd.s32 $0xFFFFFF80  }
0x4d: {  	p2 =	seq.s32 s25, $0x1;
	p6 =	seq.s32 s26, $0x1;
	s25 =	smov.u32 s29  }
0x4e: {  	s29 =	smov.u32 s0;
	s0 =	smov.u32 s3;
	s3 =	smov.u32 s5  }
0x4f: {  	s5 =	smov.u32 s30;
	s30 =	smov.u32 s7;
	s7 =	smov.u32 s9  }
0x50: {  	s9 =	smov.u32 s10;
	s10 =	smov.u32 s12;
	s12 =	simm.s32 $0x8080  }
.LBB2_9:
0x51: {  	s22 =	sadd.s32 $0x1, s22  }
0x52: {  	p0 =	sne.s32 s22, s5  }
.Ltmp1:
0x53: {  	_ = 	snop;
	(pc) =	sbr.rel @!p0 .LBB2_10-.Ltmp1, $1  }
0x54: {  	_ =	sdelay $0x3  }
.LBB2_1:
0x55: {  	s19 =	simm.s32 $0x40;
	s20 =	simm.s32 $0x0  }
.LBB2_2:
0x56: {  	p5 =	sne.s32 s19, $0xFFC0;
	[tilespmem:s20+$0x8080] =	vst v0;
	s20 =	smov.u32 s19;
	s19 =	sadd.s32 $0x40, s19  }
.Ltmp2:
0x57: {  	(pc) =	sbr.rel @p5 .LBB2_2-.Ltmp2, $2  }
0x58: {  	_ =	sdelay $0x2  }
0x59: {  	s20 =	sshra.s32 s20, $0x2  }
0x5a: {  	[tilespmem:s20+$0x8080] =	vst v0  }
0x5b: {  	[spmem:s24] =	stream.linear.scatter [tilespmem:s12], [sflag:$0x4], $0x4000, $0x38;
	[tilespmem:$0x18180] =	vst v63  }
0x5c: {  	_ =	swait.ge [sflag:s11], $0x4000  }
0x5d: {  	[sflag:s11] =	ssyncset.done $0x0  }
0x5e: {  	[sflag:s11] =	ssyncadd.s32 $0xFFFFC000  }
0x5f: {  	[spmem:s6] =	stream.linear.scatter [tilespmem:s12], [sflag:$0x4], $0x4000, $0x38;
	[tilespmem:$0x18180] =	vst v63  }
0x60: {  	_ =	swait.ge [sflag:s11], $0x4000  }
0x61: {  	[sflag:s11] =	ssyncset.done $0x0  }
0x62: {  	[sflag:s11] =	ssyncadd.s32 $0xFFFFC000  }
0x63: {  	[spmem:s7] =	stream.linear.scatter [tilespmem:s12], [sflag:$0x4], $0x80, $0x38;
	[tilespmem:$0x18180] =	vst v63  }
.Ltmp3:
0x64: {  	_ =	swait.ge [sflag:s11], $0x80;
	(pc) =	sbr.rel @p6 .LBB2_5-.Ltmp3, $3  }
0x65: {  	[sflag:s11] =	ssyncset.done $0x0  }
0x66: {  	[sflag:s11] =	ssyncadd.s32 $0xFFFFFF80  }
0x67: {  	[bflag:$0x0] =	sbarrier.arrive $0xFFFF;
	_ =	sdelay $0x1  }
0x68: {  	s19 =	rddreg [dreg:$0x7];
	s20 =	simm.s32 $0xC080  }
0x69: {  	[tilespmem:s20], [sflag:$0x1] =	stream.linear.gather [hbm4b:s19+s21], $0x2800, $0x38;
	[tilespmem:$0x18180] =	vst v63  }
0x6a: {  	s23 =	rddreg [dreg:$0x8]  }
0x6b: {  	[tilespmem:s13], [sflag:$0x1] =	stream.linear.gather [hbm4b:s23+s21], $0x2800, $0x38;
	[tilespmem:$0x18180] =	vst v63  }
0x6c: {  	_ =	swait.ge [sflag:s14], $0x2800  }
0x6d: {  	[sflag:s14] =	ssyncset.done $0x0  }
0x6e: {  	[sflag:s14] =	ssyncadd.s32 $0xFFFFD800  }
0x6f: {  	_ =	swait.ge [sflag:s14], $0x2800  }
0x70: {  	[sflag:s14] =	ssyncset.done $0x0  }
0x71: {  	s26 =	rddreg [dreg:$0x9];
	[sflag:s14] =	ssyncadd.s32 $0xFFFFD800  }
0x72: {  	[tilespmem:s15], [sflag:$0x1] =	stream.linear.gather [hbm4b:s26+s21], $0x2800, $0x38;
	[tilespmem:$0x18180] =	vst v63  }
0x73: {  	s4 =	rddreg [dreg:$0xa]  }
0x74: {  	[tilespmem:s16], [sflag:$0x1] =	stream.linear.gather [hbm4b:s4+s21], $0x2800, $0x38;
	[tilespmem:$0x18180] =	vst v63  }
0x75: {  	s4 =	rddreg [dreg:$0x5]  }
0x76: {  	[spmem:s4] =	stream.indirect.scatter [tilespmem:s13], [sflag:$0x2], $0x1, s20, s17, $0xb8;
	[tilespmem:$0x18180] =	vst v63  }
0x77: {  	_ =	swait.ge [sflag:s18], $0x2800  }
0x78: {  	[sflag:s18] =	ssyncset.done $0x0  }
0x79: {  	[sflag:s18] =	ssyncadd.s32 $0xFFFFD800  }
0x7a: {  	_ =	swait.ge [sflag:s14], $0x2800  }
0x7b: {  	[sflag:s14] =	ssyncset.done $0x0  }
0x7c: {  	[sflag:s14] =	ssyncadd.s32 $0xFFFFD800  }
0x7d: {  	_ =	swait.ge [sflag:s14], $0x2800  }
0x7e: {  	[sflag:s14] =	ssyncset.done $0x0  }
0x7f: {  	s23 =	rddreg [dreg:$0xb];
	[sflag:s14] =	ssyncadd.s32 $0xFFFFD800  }
0x80: {  	[tilespmem:s20], [sflag:$0x1] =	stream.linear.gather [hbm4b:s23+s21], $0x2800, $0x38;
	[tilespmem:$0x18180] =	vst v63  }
0x81: {  	s26 =	rddreg [dreg:$0xc]  }
0x82: {  	[tilespmem:s13], [sflag:$0x1] =	stream.linear.gather [hbm4b:s26+s21], $0x2800, $0x38;
	[tilespmem:$0x18180] =	vst v63  }
0x83: {  	_ = 	snop  }
0x84: {  	[spmem:s4] =	stream.indirect.scatter [tilespmem:s16], [sflag:$0x2], $0x1, s15, s17, $0xb8;
	[tilespmem:$0x18180] =	vst v63  }
0x85: {  	_ =	swait.ge [sflag:s18], $0x2800  }
0x86: {  	[sflag:s18] =	ssyncset.done $0x0  }
0x87: {  	[sflag:s18] =	ssyncadd.s32 $0xFFFFD800  }
0x88: {  	_ =	swait.ge [sflag:s14], $0x2800  }
0x89: {  	[sflag:s14] =	ssyncset.done $0x0  }
0x8a: {  	[sflag:s14] =	ssyncadd.s32 $0xFFFFD800  }
0x8b: {  	_ =	swait.ge [sflag:s14], $0x2800  }
0x8c: {  	[sflag:s14] =	ssyncset.done $0x0  }
0x8d: {  	s23 =	rddreg [dreg:$0xd];
	[sflag:s14] =	ssyncadd.s32 $0xFFFFD800  }
0x8e: {  	[tilespmem:s15], [sflag:$0x1] =	stream.linear.gather [hbm4b:s23+s21], $0x2800, $0x38;
	[tilespmem:$0x18180] =	vst v63  }
0x8f: {  	s26 =	rddreg [dreg:$0xe]  }
0x90: {  	[tilespmem:s16], [sflag:$0x1] =	stream.linear.gather [hbm4b:s26+s21], $0x2800, $0x38;
	[tilespmem:$0x18180] =	vst v63  }
0x91: {  	_ = 	snop  }
0x92: {  	[spmem:s4] =	stream.indirect.scatter [tilespmem:s13], [sflag:$0x2], $0x1, s20, s17, $0xb8;
	[tilespmem:$0x18180] =	vst v63  }
0x93: {  	_ =	swait.ge [sflag:s18], $0x2800  }
0x94: {  	[sflag:s18] =	ssyncset.done $0x0  }
0x95: {  	[sflag:s18] =	ssyncadd.s32 $0xFFFFD800  }
0x96: {  	_ =	swait.ge [sflag:s14], $0x2800  }
0x97: {  	[sflag:s14] =	ssyncset.done $0x0  }
0x98: {  	[sflag:s14] =	ssyncadd.s32 $0xFFFFD800  }
0x99: {  	_ =	swait.ge [sflag:s14], $0x2800  }
0x9a: {  	[sflag:s14] =	ssyncset.done $0x0  }
0x9b: {  	s23 =	rddreg [dreg:$0xf];
	[sflag:s14] =	ssyncadd.s32 $0xFFFFD800  }
0x9c: {  	[tilespmem:s20], [sflag:$0x1] =	stream.linear.gather [hbm4b:s23+s21], $0x2800, $0x38;
	[tilespmem:$0x18180] =	vst v63  }
0x9d: {  	s26 =	rddreg [dreg:$0x10]  }
0x9e: {  	[tilespmem:s13], [sflag:$0x1] =	stream.linear.gather [hbm4b:s26+s21], $0x2800, $0x38;
	[tilespmem:$0x18180] =	vst v63  }
0x9f: {  	_ = 	snop  }
0xa0: {  	[spmem:s4] =	stream.indirect.scatter [tilespmem:s16], [sflag:$0x2], $0x1, s15, s17, $0xb8;
	[tilespmem:$0x18180] =	vst v63  }
0xa1: {  	_ =	swait.ge [sflag:s18], $0x2800  }
0xa2: {  	[sflag:s18] =	ssyncset.done $0x0  }
0xa3: {  	[sflag:s18] =	ssyncadd.s32 $0xFFFFD800  }
0xa4: {  	_ =	swait.ge [sflag:s14], $0x2800  }
0xa5: {  	[sflag:s14] =	ssyncset.done $0x0  }
0xa6: {  	[sflag:s14] =	ssyncadd.s32 $0xFFFFD800  }
0xa7: {  	_ =	swait.ge [sflag:s14], $0x2800  }
0xa8: {  	[sflag:s14] =	ssyncset.done $0x0  }
0xa9: {  	s23 =	rddreg [dreg:$0x11];
	[sflag:s14] =	ssyncadd.s32 $0xFFFFD800  }
0xaa: {  	[tilespmem:s15], [sflag:$0x1] =	stream.linear.gather [hbm4b:s23+s21], $0x2800, $0x38;
	[tilespmem:$0x18180] =	vst v63  }
0xab: {  	s26 =	rddreg [dreg:$0x12]  }
0xac: {  	[tilespmem:s16], [sflag:$0x1] =	stream.linear.gather [hbm4b:s26+s21], $0x2800, $0x38;
	[tilespmem:$0x18180] =	vst v63  }
0xad: {  	_ = 	snop  }
0xae: {  	[spmem:s4] =	stream.indirect.scatter [tilespmem:s13], [sflag:$0x2], $0x1, s20, s17, $0xb8;
	[tilespmem:$0x18180] =	vst v63  }
0xaf: {  	_ =	swait.ge [sflag:s18], $0x2800  }
0xb0: {  	[sflag:s18] =	ssyncset.done $0x0  }
0xb1: {  	[sflag:s18] =	ssyncadd.s32 $0xFFFFD800  }
0xb2: {  	_ =	swait.ge [sflag:s14], $0x2800  }
0xb3: {  	[sflag:s14] =	ssyncset.done $0x0  }
0xb4: {  	[sflag:s14] =	ssyncadd.s32 $0xFFFFD800  }
0xb5: {  	_ =	swait.ge [sflag:s14], $0x2800  }
0xb6: {  	[sflag:s14] =	ssyncset.done $0x0  }
0xb7: {  	s23 =	rddreg [dreg:$0x13];
	[sflag:s14] =	ssyncadd.s32 $0xFFFFD800  }
0xb8: {  	[tilespmem:s20], [sflag:$0x1] =	stream.linear.gather [hbm4b:s23+s21], $0x2800, $0x38;
	[tilespmem:$0x18180] =	vst v63  }
0xb9: {  	s26 =	rddreg [dreg:$0x14]  }
0xba: {  	[tilespmem:s13], [sflag:$0x1] =	stream.linear.gather [hbm4b:s26+s21], $0x2800, $0x38;
	[tilespmem:$0x18180] =	vst v63  }
0xbb: {  	_ = 	snop  }
0xbc: {  	[spmem:s4] =	stream.indirect.scatter [tilespmem:s16], [sflag:$0x2], $0x1, s15, s17, $0xb8;
	[tilespmem:$0x18180] =	vst v63  }
0xbd: {  	_ =	swait.ge [sflag:s18], $0x2800  }
0xbe: {  	[sflag:s18] =	ssyncset.done $0x0  }
0xbf: {  	[sflag:s18] =	ssyncadd.s32 $0xFFFFD800  }
0xc0: {  	_ =	swait.ge [sflag:s14], $0x2800  }
0xc1: {  	[sflag:s14] =	ssyncset.done $0x0  }
0xc2: {  	[sflag:s14] =	ssyncadd.s32 $0xFFFFD800  }
0xc3: {  	_ =	swait.ge [sflag:s14], $0x2800  }
0xc4: {  	[sflag:s14] =	ssyncset.done $0x0  }
0xc5: {  	s23 =	rddreg [dreg:$0x15];
	[sflag:s14] =	ssyncadd.s32 $0xFFFFD800  }
0xc6: {  	[tilespmem:s15], [sflag:$0x1] =	stream.linear.gather [hbm4b:s23+s21], $0x2800, $0x38;
	[tilespmem:$0x18180] =	vst v63  }
0xc7: {  	s26 =	rddreg [dreg:$0x16]  }
0xc8: {  	[tilespmem:s16], [sflag:$0x1] =	stream.linear.gather [hbm4b:s26+s21], $0x2800, $0x38;
	[tilespmem:$0x18180] =	vst v63  }
0xc9: {  	_ = 	snop  }
0xca: {  	[spmem:s4] =	stream.indirect.scatter [tilespmem:s13], [sflag:$0x2], $0x1, s20, s17, $0xb8;
	[tilespmem:$0x18180] =	vst v63  }
0xcb: {  	_ =	swait.ge [sflag:s18], $0x2800  }
0xcc: {  	[sflag:s18] =	ssyncset.done $0x0  }
0xcd: {  	[sflag:s18] =	ssyncadd.s32 $0xFFFFD800  }
0xce: {  	_ =	swait.ge [sflag:s14], $0x2800  }
0xcf: {  	[sflag:s14] =	ssyncset.done $0x0  }
0xd0: {  	[sflag:s14] =	ssyncadd.s32 $0xFFFFD800  }
0xd1: {  	_ =	swait.ge [sflag:s14], $0x2800  }
0xd2: {  	[sflag:s14] =	ssyncset.done $0x0  }
0xd3: {  	[sflag:s14] =	ssyncadd.s32 $0xFFFFD800  }
0xd4: {  	[spmem:s4] =	stream.indirect.scatter [tilespmem:s16], [sflag:$0x2], $0x1, s15, s17, $0xb8;
	[tilespmem:$0x18180] =	vst v63  }
0xd5: {  	_ =	swait.ge [sflag:s18], $0x2800  }
0xd6: {  	[sflag:s18] =	ssyncset.done $0x0  }
0xd7: {  	[sflag:s18] =	ssyncadd.s32 $0xFFFFD800  }
.LBB2_5:
0xd8: {  	[bflag:$0x0] =	sbarrier.arrive $0xFFFF;
	s19 =	simm.s32 @!p3 $0x8080;
	s20 =	simm.s32 @!p3 $0x4  }
0xd9: {  	[tilespmem:s19], [sflag:$0x4] =	stream.linear.gather @!p3 [spmem:s9], $0x4000, $0x38;
	[tilespmem:$0x18180] =	vst v63  }
0xda: {  	_ =	swait.ge @!p3 [sflag:s20], $0x4000  }
0xdb: {  	[sflag:s20] =	ssyncset.done @!p3 $0x0  }
0xdc: {  	s23 =	simm.s32 @!p3 $0x0;
	[sflag:s20] =	ssyncadd.s32 @!p3 $0xFFFFC000  }
0xdd: {  	[hbm4b:s3+s23] =	stream.linear.scatter @!p3 [tilespmem:s19], [sflag:$0x4], $0x4000, $0x38;
	[tilespmem:$0x18180] =	vst v63  }
0xde: {  	_ =	swait.ge @!p3 [sflag:s20], $0x4000  }
0xdf: {  	[sflag:s20] =	ssyncset.done @!p3 $0x0  }
0xe0: {  	[sflag:s20] =	ssyncadd.s32 @!p3 $0xFFFFC000  }
0xe1: {  	[tilespmem:s19], [sflag:$0x4] =	stream.linear.gather @!p3 [spmem:s10], $0x3460, $0x38;
	[tilespmem:$0x18180] =	vst v63  }
0xe2: {  	_ =	swait.ge @!p3 [sflag:s20], $0x3460  }
0xe3: {  	[sflag:s20] =	ssyncset.done @!p3 $0x0  }
0xe4: {  	[sflag:s20] =	ssyncadd.s32 @!p3 $0xFFFFCBA0  }
0xe5: {  	[hbm4b:s1+s23] =	stream.linear.scatter @!p3 [tilespmem:s19], [sflag:$0x4], $0x3460, $0x38;
	[tilespmem:$0x18180] =	vst v63  }
0xe6: {  	_ =	swait.ge @!p3 [sflag:s20], $0x3460  }
0xe7: {  	[sflag:s20] =	ssyncset.done @!p3 $0x0  }
0xe8: {  	s19 =	simm.s32 @!p4 $0x8080;
	[sflag:s20] =	ssyncadd.s32 @!p3 $0xFFFFCBA0;
	s20 =	simm.s32 @!p4 $0x4  }
0xe9: {  	[tilespmem:s19], [sflag:$0x4] =	stream.linear.gather @!p4 [spmem:s30], $0x4000, $0x38;
	[tilespmem:$0x18180] =	vst v63  }
0xea: {  	_ =	swait.ge @!p4 [sflag:s20], $0x4000  }
0xeb: {  	[sflag:s20] =	ssyncset.done @!p4 $0x0  }
0xec: {  	s23 =	simm.s32 @!p4 $0x0;
	[sflag:s20] =	ssyncadd.s32 @!p4 $0xFFFFC000  }
0xed: {  	[hbm4b:s2+s23] =	stream.linear.scatter @!p4 [tilespmem:s19], [sflag:$0x4], $0x4000, $0x38;
	[tilespmem:$0x18180] =	vst v63  }
0xee: {  	_ =	swait.ge @!p4 [sflag:s20], $0x4000  }
0xef: {  	[sflag:s20] =	ssyncset.done @!p4 $0x0  }
0xf0: {  	[sflag:s20] =	ssyncadd.s32 @!p4 $0xFFFFC000  }
0xf1: {  	[tilespmem:s19], [sflag:$0x4] =	stream.linear.gather @!p4 [spmem:s8], $0x3420, $0x38;
	[tilespmem:$0x18180] =	vst v63  }
0xf2: {  	_ =	swait.ge @!p4 [sflag:s20], $0x3420  }
0xf3: {  	[sflag:s20] =	ssyncset.done @!p4 $0x0  }
0xf4: {  	[sflag:s20] =	ssyncadd.s32 @!p4 $0xFFFFCBE0  }
0xf5: {  	[hbm4b:s0+s23] =	stream.linear.scatter @!p4 [tilespmem:s19], [sflag:$0x4], $0x3420, $0x38;
	[tilespmem:$0x18180] =	vst v63  }
0xf6: {  	_ =	swait.ge @!p4 [sflag:s20], $0x3420  }
0xf7: {  	[sflag:s20] =	ssyncset.done @!p4 $0x0  }
0xf8: {  	s19 =	simm.s32 @!p1 $0x8080;
	[sflag:s20] =	ssyncadd.s32 @!p4 $0xFFFFCBE0;
	s20 =	simm.s32 @!p1 $0x4  }
0xf9: {  	[tilespmem:s19], [sflag:$0x4] =	stream.linear.gather @!p1 [spmem:s25], $0x4000, $0x38;
	[tilespmem:$0x18180] =	vst v63  }
0xfa: {  	_ =	swait.ge @!p1 [sflag:s20], $0x4000  }
0xfb: {  	[sflag:s20] =	ssyncset.done @!p1 $0x0  }
0xfc: {  	s23 =	simm.s32 @!p1 $0x0;
	[sflag:s20] =	ssyncadd.s32 @!p1 $0xFFFFC000  }
0xfd: {  	[hbm4b:s31+s23] =	stream.linear.scatter @!p1 [tilespmem:s19], [sflag:$0x4], $0x4000, $0x38;
	[tilespmem:$0x18180] =	vst v63  }
0xfe: {  	_ =	swait.ge @!p1 [sflag:s20], $0x4000  }
0xff: {  	[sflag:s20] =	ssyncset.done @!p1 $0x0  }
0x100: {  	[sflag:s20] =	ssyncadd.s32 @!p1 $0xFFFFC000  }
0x101: {  	[tilespmem:s19], [sflag:$0x4] =	stream.linear.gather @!p1 [spmem:s28], $0x4000, $0x38;
	[tilespmem:$0x18180] =	vst v63  }
0x102: {  	_ =	swait.ge @!p1 [sflag:s20], $0x4000  }
0x103: {  	[sflag:s20] =	ssyncset.done @!p1 $0x0  }
.Ltmp4:
0x104: {  	[sflag:s20] =	ssyncadd.s32 @!p1 $0xFFFFC000;
	(pc) =	sbr.rel @p2 .LBB2_9-.Ltmp4, $4  }
0x105: {  	[hbm4b:s29+s23] =	stream.linear.scatter @!p1 [tilespmem:s19], [sflag:$0x4], $0x4000, $0x38;
	[tilespmem:$0x18180] =	vst v63  }
0x106: {  	_ =	swait.ge @!p1 [sflag:s20], $0x4000  }
0x107: {  	[sflag:s20] =	ssyncset.done @!p1 $0x0  }
0x108: {  	[sflag:s20] =	ssyncadd.s32 @!p1 $0xFFFFC000  }
0x109: {  	s4 =	smov.u32 s8;
	s8 =	smov.u32 s6  }
0x10a: {  	s19 =	simm.s32 $0x0;
	s20 =	rddreg [dreg:$0x17];
	s23 =	simm.s32 $0x16080  }
0x10b: {  	[tilespmem:s23], [sflag:$0x4] =	stream.linear.gather [hbm4b:s20+s19], $0x1000, $0x38;
	[tilespmem:$0x18180] =	vst v63  }
0x10c: {  	s6 =	smov.u32 s24;
	s24 =	smov.u32 s1;
	_ =	swait.ge [sflag:s11], $0x1000  }
0x10d: {  	s1 =	smov.u32 s2;
	s2 =	smov.u32 s28;
	[sflag:s11] =	ssyncset.done $0x0  }
0x10e: {  	s28 =	simm.s32 $0x17080;
	s26 =	rddreg [dreg:$0x18];
	[sflag:s11] =	ssyncadd.s32 $0xFFFFF000  }
0x10f: {  	[tilespmem:s28], [sflag:$0x4] =	stream.linear.gather [hbm4b:s26+s19], $0x1000, $0x38;
	[tilespmem:$0x18180] =	vst v63  }
0x110: {  	_ =	swait.ge [sflag:s11], $0x1000  }
0x111: {  	[sflag:s11] =	ssyncset.done $0x0  }
0x112: {  	s23 =	simm.s32 $0x0;
	[sflag:s11] =	ssyncadd.s32 $0xFFFFF000  }
0x113: {  	v1 =	vld [tilespmem:s23+$0x16080];
	_ =	sdelay $0x2  }
0x114: {  	v2 =	vld [tilespmem:s23+$0x17080]  }
0x115: {  	s12 =	smov.u32 s10  }
0x116: {  	s10 =	smov.u32 s9;
	s9 =	smov.u32 s7;
	s7 =	smov.u32 s30;
	(v2sf) =	vpush v1, $0x0  }
0x117: {  	s30 =	smov.u32 s5;
	s5 =	smov.u32 s3;
	s3 =	smov.u32 s0  }
0x118: {  	s0 =	smov.u32 s29;
	s29 =	smov.u32 s25;
	s25 =	simm.s32 $0x80  }
0x119: {  	v1 =	vld [tilespmem:s25+$0x16080];
	(v2sf) =	vpush v2, $0x0;
	_ =	sdelay $0x1  }
0x11a: {  	v2 =	vld [tilespmem:s25+$0x17080];
	_ =	sdelay $0x2  }
0x11b: {  	s26 =	simm.s32 $0x100;
	(v2sf) =	vpush v1, $0x0  }
0x11c: {  	v3 =	vld [tilespmem:s26+$0x16080]  }
0x11d: {  	v4 =	vld [tilespmem:s26+$0x17080];
	(v2sf) =	vpush v2, $0x0;
	_ =	sdelay $0x3  }
0x11e: {  	s28 =	simm.s32 $0x180;
	(v2sf) =	vpush v3, $0x0  }
0x11f: {  	v2 =	vld [tilespmem:s28+$0x16080];
	s20 =	spop (v2sf);
	(v2sf) =	vpush v4, $0x0;
	_ =	sdelay $0x1  }
0x120: {  	s19 =	simm.f32 $+Inf;
	s23 =	simm.s32 $0x40000000;
	v1 =	vld [tilespmem:s28+$0x17080]  }
0x121: {  	s26 =	simm.s32 $0x800;
	p5 =	seq.f32 s20, s19;
	s25 =	spop (v2sf)  }
.LBB2_7:
0x122: {  	s28 =	sshra.s32 s26, $0x2  }
0x123: {  	(v2sf) =	vpush v2, $0x0;
	p0 =	slt.f32 s20, s19;
	p2 =	slt.s32 s25, s23;
	p6 =	sne.s32 s26, $0x3E00  }
.Ltmp5:
0x124: {  	s26 =	sadd.s32 $0x200, s26;
	v2 =	vld [tilespmem:s28+$0x16080];
	p2 =	por !p5, !p2;
	(pc) =	sbr.rel @p6 .LBB2_7-.Ltmp5, $4  }
0x125: {  	(v2sf) =	vpush v1, $0x0;
	p2 =	por !p2, !p2  }
0x126: {  	v1 =	vld [tilespmem:s28+$0x17080];
	s28 =	spop (v2sf);
	p0 =	por p0, p2  }
0x127: {  	s19 =	smov.u32 @p0 s20;
	s23 =	smov.u32 @p0 s25;
	s20 =	smov.u32 s28  }
0x128: {  	p5 =	seq.f32 s20, s19;
	s25 =	spop (v2sf)  }
.Ltmp6:
0x129: {  	_ = 	snop;
	(pc) =	sbr.rel .LBB2_8-.Ltmp6, $1  }
0x12a: {  	_ =	sdelay $0x3  }
.LBB2_10:
0x12b: {  	_ =	sfence.sel $0x180000  }
0x12c: {  	[bflag:$0x0] =	sbarrier.arrive $0xFFFF  }
0x12d: {  	_ =	strace $0x9000004A  }
0x12e: {  	s0 =	stileid.u32;
	[bflag:$0x2] =	sbarrier.arrive $0xFFFF  }
0x12f: {  	p0 =	sne.s32 s0, $0x0;
	s0 =	rddreg [dreg:$0x6]  }
0x130: {  	s0 =	sadd.s32 @!p0 $0x100000, s0  }
0x131: {  	[sflag:s0] =	ssyncadd.tile.s32 @!p0 $0x1;
	_ =	shalt  }
.Lfunc_end2:
_tile_overlayer_lowered:
.L_overlay_start_2:
0x132: {  	(tag) =	ssettag $0x2  }
0x133: {  	s0 =	rddreg [dreg:$0x0];
	s2 =	stileid.u32  }
0x134: {  	s1 =	rddreg [dreg:$0x1];
	p0 =	sne.s32 s2, $0x0  }
0x135: {  	s3 =	rddreg [dreg:$0x2];
	[bflag:$0x3] =	sbarrier.arrive $0xFFFF;
	s2 =	simm.s32 @!p0 $0x1C04  }
0x136: {  	[timem:s3], [sflag:s2] =	dma.local @!p0 [hbm:s0], s1  }
0x137: {  	s0 =	simm.s32 @!p0 $0x4  }
0x138: {  	_ =	swait.ge @!p0 [sflag:s0], s1  }
0x139: {  	s1 =	ssub.s32 @!p0 $0x0, s1;
	[sflag:s0] =	ssyncset.done @!p0 $0x0  }
0x13a: {  	[sflag:s0] =	ssyncadd.s32 @!p0 s1  }
0x13b: {  	[bflag:$0x3] =	sbarrier.arrive $0xFFFF  }
0x13c: {  	_ =	shalt  }

</sc_bundles>
